<compile_context>
chip_gen: v7x
topology: tpu7x:2x2x1
jax: 0.10.2.dev20260603
libtpu: 0.0.44.dev20260713+nightly
codegen_flags: <defaults>
</compile_context>

<pallas_src>
import functools

import jax
import jax.numpy as jnp
from jax import lax
from jax.experimental import pallas as pl
from jax.experimental.pallas import tpu as pltpu
from jax.experimental.pallas import tpu_sc as plsc

N = 10000
E = 320000
F_IN = 128
H = 256
DEPTH = 4
G = 64
C = 10
EPS = 1e-5

NC = 2
NS = 16
HALF = N // NC
ACC_ROWS = 5008
IGN = -1
B = 80
CH = 32
NCH = 8
NB = CH * NCH
EP = NS * NB * B
ROWS_PT = 312

HBINS = 10240
DEG_PAD_BIN = 10200
NBD = EP // (NC * NS * B)
DW = 16

_MESH = plsc.VectorSubcoreMesh(
    core_axis_name="c", subcore_axis_name="s", num_cores=NC, num_subcores=NS)


@functools.partial(
    pl.kernel,
    out_type=jax.ShapeDtypeStruct((NC, HBINS, DW), jnp.float32),
    mesh=_MESH,
    scratch_types=[
        pltpu.VMEM((NBD, B), jnp.int32),
        pltpu.VMEM((B,), jnp.int32),
        pltpu.VMEM((B, DW), jnp.float32),
        pltpu.VMEM_SHARED((HBINS, DW), jnp.float32),
    ],
    compiler_params=pltpu.CompilerParams(use_tc_tiling_on_sc=False),
)
def _sc_degree(dst_hbm, zeros_hbm, ones_hbm, out_hbm, didx, dzb, ones_v, table):
    c = lax.axis_index("c")
    s = lax.axis_index("s")
    rows_pt = HBINS // NS
    pltpu.sync_copy(zeros_hbm, table.at[pl.ds(s * rows_pt, rows_pt)])
    pltpu.sync_copy(dst_hbm.at[c, s], didx)
    pltpu.sync_copy(ones_hbm, ones_v)
    plsc.subcore_barrier()

    def body(b, _):
        for j in range(B // 16):
            dzb[pl.ds(j * 16, 16)] = didx[b, pl.ds(j * 16, 16)]
        pltpu.sync_copy(ones_v, table.at[dzb], add=True)
        return 0
    lax.fori_loop(0, NBD, body, 0)
    plsc.subcore_barrier()
    pltpu.sync_copy(table.at[pl.ds(s * rows_pt, rows_pt)],
                    out_hbm.at[c, pl.ds(s * rows_pt, rows_pt)])


@functools.partial(
    pl.kernel,
    out_type=jax.ShapeDtypeStruct((N, H), jnp.float32),
    mesh=_MESH,
    scratch_types=[
        pltpu.VMEM((CH, B), jnp.int32),
        pltpu.VMEM((CH, B), jnp.int32),
        pltpu.VMEM((B,), jnp.int32),
        pltpu.VMEM((B,), jnp.int32),
        pltpu.VMEM((B,), jnp.int32),
        pltpu.VMEM((B,), jnp.int32),
        pltpu.VMEM((B, H), jnp.float32),
        pltpu.VMEM((B, H), jnp.float32),
        pltpu.SemaphoreType.DMA,
        pltpu.SemaphoreType.DMA,
        pltpu.SemaphoreType.DMA,
        pltpu.SemaphoreType.DMA,
        pltpu.VMEM_SHARED((ACC_ROWS, H), jnp.float32),
    ],
    compiler_params=pltpu.CompilerParams(use_tc_tiling_on_sc=False),
)
def _sc_msgpass(g_hbm, src_hbm, dst_hbm, out_hbm,
                src_v, dst_v, srcb0, srcb1, dstb0, dstb1,
                rows0, rows1, semg0, semg1, sems0, sems1, acc):
    c = lax.axis_index("c")
    s = lax.axis_index("s")
    base = c * HALF
    r0 = s * ROWS_PT
    pltpu.sync_copy(g_hbm.at[pl.ds(base + r0, ROWS_PT)],
                    acc.at[pl.ds(r0, ROWS_PT)])

    @pl.when(s == NS - 1)
    def _():
        pltpu.sync_copy(g_hbm.at[pl.ds(base + NS * ROWS_PT, HALF - NS * ROWS_PT)],
                        acc.at[pl.ds(NS * ROWS_PT, HALF - NS * ROWS_PT)])
    plsc.subcore_barrier()

    def copy_idx(chunk_ref, i, dest):
        for j in range(B // 16):
            dest[pl.ds(j * 16, 16)] = chunk_ref[i, pl.ds(j * 16, 16)]

    def gather(idx_ref, rbuf, sem):
        return pltpu.make_async_copy(
            g_hbm.at[plsc.Indices(idx_ref, ignored_value=IGN)], rbuf, sem)

    def scatter(rbuf, idx_ref, sem):
        return pltpu.make_async_copy(
            rbuf, acc.at[plsc.Indices(idx_ref, ignored_value=IGN)], sem)

    def chunk(ci, _):
        pltpu.sync_copy(src_hbm.at[c, s, ci], src_v)
        pltpu.sync_copy(dst_hbm.at[c, s, ci], dst_v)
        copy_idx(src_v, 0, srcb0)
        gather(srcb0, rows0, semg0).start()

        def body(k, _):
            i = 2 * k

            @pl.when(k > 0)
            def _():
                scatter(rows1, dstb1, sems1).wait()
            copy_idx(src_v, i + 1, srcb1)
            gather(srcb1, rows1, semg1).start()
            gather(srcb0, rows0, semg0).wait()
            copy_idx(dst_v, i, dstb0)
            pltpu.async_copy(rows0,
                             acc.at[plsc.Indices(dstb0, ignored_value=IGN)],
                             sems0, add=True)

            @pl.when(i + 2 < CH)
            def _():
                scatter(rows0, dstb0, sems0).wait()
                copy_idx(src_v, i + 2, srcb0)
                gather(srcb0, rows0, semg0).start()
            gather(srcb1, rows1, semg1).wait()
            copy_idx(dst_v, i + 1, dstb1)
            pltpu.async_copy(rows1,
                             acc.at[plsc.Indices(dstb1, ignored_value=IGN)],
                             sems1, add=True)
            return 0
        lax.fori_loop(0, CH // 2, body, 0)
        scatter(rows0, dstb0, sems0).wait()
        scatter(rows1, dstb1, sems1).wait()
        return 0
    lax.fori_loop(0, NCH, chunk, 0)

    plsc.subcore_barrier()
    pltpu.sync_copy(acc.at[pl.ds(r0, ROWS_PT)],
                    out_hbm.at[pl.ds(base + r0, ROWS_PT)])

    @pl.when(s == NS - 1)
    def _():
        pltpu.sync_copy(acc.at[pl.ds(NS * ROWS_PT, HALF - NS * ROWS_PT)],
                        out_hbm.at[pl.ds(base + NS * ROWS_PT, HALF - NS * ROWS_PT)])


_BLK = 2000


def _dis_body(parts_ref, out_ref):
    out_ref[...] = lax.rsqrt(1.0 + jnp.sum(parts_ref[...], axis=0,
                                           keepdims=True))


def _tc_dis(parts):
    return pl.pallas_call(
        _dis_body,
        out_shape=jax.ShapeDtypeStruct((1, HBINS), jnp.float32),
    )(parts)


def _embmm_body(x_ref, d_ref, we_ref, be_ref, w_ref, o_ref):
    h = jnp.dot(x_ref[...], we_ref[...],
                preferred_element_type=jnp.float32) + be_ref[...]
    o_ref[...] = jnp.dot(h * d_ref[...], w_ref[...],
                         preferred_element_type=jnp.float32)


def _tc_embed_matmul(x, dis_col, Wemb, bemb, W):
    return pl.pallas_call(
        _embmm_body,
        grid=(N // _BLK,),
        in_specs=[
            pl.BlockSpec((_BLK, F_IN), lambda i: (i, 0)),
            pl.BlockSpec((_BLK, 1), lambda i: (i, 0)),
            pl.BlockSpec((F_IN, H), lambda i: (0, 0)),
            pl.BlockSpec((1, H), lambda i: (0, 0)),
            pl.BlockSpec((H, H), lambda i: (0, 0)),
        ],
        out_specs=pl.BlockSpec((_BLK, H), lambda i: (i, 0)),
        out_shape=jax.ShapeDtypeStruct((N, H), jnp.float32),
    )(x, dis_col, Wemb, bemb.reshape(1, H), W)


def _sam_body(a_ref, d_ref, b_ref, g_ref, be_ref, w_ref, o_ref, st_ref, *,
              relu, matmul):
    p = pl.program_id(0)
    i = pl.program_id(1)
    y = a_ref[...] * d_ref[...] + b_ref[...]

    @pl.when(p == 0)
    def _():
        s = jnp.sum(y, axis=0, keepdims=True)
        q = jnp.sum(y * y, axis=0, keepdims=True)
        blk = jnp.concatenate([s, q], axis=0)

        @pl.when(i == 0)
        def _():
            st_ref[...] = blk

        @pl.when(i != 0)
        def _():
            st_ref[...] += blk

    @pl.when(p == 1)
    def _():
        mu = st_ref[0:1, :] * (1.0 / N)
        var = st_ref[1:2, :] * (1.0 / N) - mu * mu
        z = (y - mu) * lax.rsqrt(var + EPS) * g_ref[...] + be_ref[...]
        if relu:
            z = jnp.maximum(z, 0.0)
        if matmul:
            o_ref[...] = jnp.dot(z * d_ref[...], w_ref[...],
                                 preferred_element_type=jnp.float32)
        else:
            o_ref[...] = z


def _tc_stats_apply(acc, dis_col, b, gamma, beta, W, relu, matmul):
    return pl.pallas_call(
        functools.partial(_sam_body, relu=relu, matmul=matmul),
        grid=(2, N // _BLK),
        in_specs=[
            pl.BlockSpec((_BLK, H), lambda p, i: (i, 0)),
            pl.BlockSpec((_BLK, 1), lambda p, i: (i, 0)),
            pl.BlockSpec((1, H), lambda p, i: (0, 0)),
            pl.BlockSpec((1, H), lambda p, i: (0, 0)),
            pl.BlockSpec((1, H), lambda p, i: (0, 0)),
            pl.BlockSpec((H, H), lambda p, i: (0, 0)),
        ],
        out_specs=pl.BlockSpec((_BLK, H), lambda p, i: (i, 0)),
        out_shape=jax.ShapeDtypeStruct((N, H), jnp.float32),
        scratch_shapes=[pltpu.VMEM((2, H), jnp.float32)],
    )(acc, dis_col, b.reshape(1, H), gamma.reshape(1, H), beta.reshape(1, H),
      W)


def _pool_body(t_ref, bat_ref, w1_ref, b1_ref, w2_ref, b2_ref, w3_ref, b3_ref,
               o_ref, pooled, counts):
    i = pl.program_id(0)

    @pl.when(i == 0)
    def _():
        pooled[...] = jnp.zeros_like(pooled)
        counts[...] = jnp.zeros_like(counts)

    gid = lax.broadcasted_iota(jnp.int32, (1, G), 1)
    onehot = (bat_ref[...] == gid).astype(jnp.float32)
    pooled[...] += lax.dot_general(onehot, t_ref[...],
                                   (((0,), (0,)), ((), ())),
                                   preferred_element_type=jnp.float32)
    counts[...] += jnp.sum(onehot, axis=0, keepdims=True)

    @pl.when(i == N // _BLK - 1)
    def _():
        p = pooled[...] / jnp.maximum(counts[...], 1.0).reshape(G, 1)
        z = jnp.maximum(jnp.dot(p, w1_ref[...],
                                preferred_element_type=jnp.float32)
                        + b1_ref[...], 0.0)
        z = jnp.maximum(jnp.dot(z, w2_ref[...],
                                preferred_element_type=jnp.float32)
                        + b2_ref[...], 0.0)
        o_ref[...] = jnp.dot(z, w3_ref[...],
                             preferred_element_type=jnp.float32) + b3_ref[...]


def _tc_pool_mlp(t, batch_col, Wc1, bc1, Wc2, bc2, Wc3, bc3):
    return pl.pallas_call(
        _pool_body,
        grid=(N // _BLK,),
        in_specs=[
            pl.BlockSpec((_BLK, H), lambda i: (i, 0)),
            pl.BlockSpec((_BLK, 1), lambda i: (i, 0)),
            pl.BlockSpec((H, H // 2), lambda i: (0, 0)),
            pl.BlockSpec((1, H // 2), lambda i: (0, 0)),
            pl.BlockSpec((H // 2, H // 4), lambda i: (0, 0)),
            pl.BlockSpec((1, H // 4), lambda i: (0, 0)),
            pl.BlockSpec((H // 4, C), lambda i: (0, 0)),
            pl.BlockSpec((1, C), lambda i: (0, 0)),
        ],
        out_specs=pl.BlockSpec((G, C), lambda i: (0, 0)),
        out_shape=jax.ShapeDtypeStruct((G, C), jnp.float32),
        scratch_shapes=[
            pltpu.VMEM((G, H), jnp.float32),
            pltpu.VMEM((1, G), jnp.float32),
        ],
    )(t, batch_col, Wc1, bc1.reshape(1, H // 2), Wc2, bc2.reshape(1, H // 4),
      Wc3, bc3.reshape(1, C))


def kernel(x, edge_index, batch, Wemb, bemb, Ws, bs, gammas, betas,
           Wc1, bc1, Wc2, bc2, Wc3, bc3):
    src = edge_index[0].astype(jnp.int32)
    dst = edge_index[1].astype(jnp.int32)
    pad = EP - E

    srcs, dsts = [], []
    for c in range(NC):
        lo = c * HALF
        inr = (dst >= lo) & (dst < lo + HALF)
        sl = jnp.where(inr, src, IGN)
        dl = jnp.where(inr, dst - lo, IGN)
        srcs.append(jnp.concatenate([sl, jnp.full((pad,), IGN, jnp.int32)]))
        dsts.append(jnp.concatenate([dl, jnp.full((pad,), IGN, jnp.int32)]))
    src_t = jnp.stack(srcs).reshape(NC, NS, NCH, CH, B)
    dst_t = jnp.stack(dsts).reshape(NC, NS, NCH, CH, B)

    dst_deg = jnp.concatenate(
        [dst, jnp.full((pad,), DEG_PAD_BIN, jnp.int32)]).reshape(NC, NS, NBD, B)

    deg_parts = _sc_degree(dst_deg,
                           jnp.zeros((HBINS // NS, DW), jnp.float32),
                           jnp.ones((B, DW), jnp.float32))
    dis_row = _tc_dis(deg_parts[:, :, 0])
    dis_col = dis_row.reshape(HBINS, 1)[:N]

    g = _tc_embed_matmul(x, dis_col, Wemb, bemb, Ws[0])
    for i in range(DEPTH):
        acc = _sc_msgpass(g, src_t, dst_t)
        last = i == DEPTH - 1
        g = _tc_stats_apply(acc, dis_col, bs[i], gammas[i], betas[i],
                            Ws[i + 1] if not last else Ws[0],
                            relu=not last, matmul=not last)

    return _tc_pool_mlp(g, batch.astype(jnp.int32).reshape(N, 1),
                        Wc1, bc1, Wc2, bc2, Wc3, bc3)

# --- scband reference (transcript-rebuilt; emitter-appended) ---
"""Pipeline reference for scband-gnn-8589934619 (READ-ONLY COPY).

The authoritative reference and input builder live on the scoring server;
editing this copy changes nothing except your own understanding.
"""

import jax, jax.numpy as jnp
import numpy as np

N = 10000
E = 320000
F_IN = 128
H = 256
DEPTH = 4
G = 64
C = 10
EPS = 1e-5


def setup_inputs(seed: int = 0) -> dict:
    key = jax.random.key(seed)
    ks = jax.random.split(key, 20)
    x = jax.random.normal(ks[0], (N, F_IN), dtype=jnp.float32)
    edge_index = jax.random.randint(ks[1], (2, E), 0, N, dtype=jnp.int32)
    batch = jnp.sort(jax.random.randint(ks[2], (N,), 0, G, dtype=jnp.int32))
    # embedding linear
    Wemb = jax.random.normal(ks[3], (F_IN, H), dtype=jnp.float32) * (1.0 / np.sqrt(F_IN))
    bemb = jnp.zeros((H,), dtype=jnp.float32)
    # GCN layers (stacked)
    Ws = jax.random.normal(ks[4], (DEPTH, H, H), dtype=jnp.float32) * (1.0 / np.sqrt(H))
    bs = jnp.zeros((DEPTH, H), dtype=jnp.float32)
    gammas = jnp.ones((DEPTH, H), dtype=jnp.float32)
    betas = jnp.zeros((DEPTH, H), dtype=jnp.float32)
    # classifier MLP: H -> H//2 -> H//4 -> C
    Wc1 = jax.random.normal(ks[5], (H, H // 2), dtype=jnp.float32) * (1.0 / np.sqrt(H))
    bc1 = jnp.zeros((H // 2,), dtype=jnp.float32)
    Wc2 = jax.random.normal(ks[6], (H // 2, H // 4), dtype=jnp.float32) * (1.0 / np.sqrt(H // 2))
    bc2 = jnp.zeros((H // 4,), dtype=jnp.float32)
    Wc3 = jax.random.normal(ks[7], (H // 4, C), dtype=jnp.float32) * (1.0 / np.sqrt(H // 4))
    bc3 = jnp.zeros((C,), dtype=jnp.float32)
    return {
        "x": x, "edge_index": edge_index, "batch": batch,
        "Wemb": Wemb, "bemb": bemb,
        "Ws": Ws, "bs": bs, "gammas": gammas, "betas": betas,
        "Wc1": Wc1, "bc1": bc1, "Wc2": Wc2, "bc2": bc2, "Wc3": Wc3, "bc3": bc3,
    }


def _gcn_conv(x, src, dst, W, b):
    n = x.shape[0]
    # add self loops
    loop = jnp.arange(n, dtype=src.dtype)
    s = jnp.concatenate([src, loop])
    d = jnp.concatenate([dst, loop])
    deg = jnp.zeros((n,), dtype=x.dtype).at[d].add(1.0)
    dis = jax.lax.rsqrt(deg)  # deg >= 1 because of self loops
    norm = dis[s] * dis[d]
    h = x @ W
    msgs = h[s] * norm[:, None]
    out = jax.ops.segment_sum(msgs, d, num_segments=n)
    return out + b


def _batch_norm(x, gamma, beta):
    mu = jnp.mean(x, axis=0, keepdims=True)
    var = jnp.var(x, axis=0, keepdims=True)
    return (x - mu) * jax.lax.rsqrt(var + EPS) * gamma + beta


def reference(x, edge_index, batch, Wemb, bemb, Ws, bs, gammas, betas, Wc1, bc1, Wc2, bc2, Wc3, bc3):
    src = edge_index[0]
    dst = edge_index[1]
    h = x @ Wemb + bemb
    for i in range(DEPTH):
        h = _gcn_conv(h, src, dst, Ws[i], bs[i])
        h = _batch_norm(h, gammas[i], betas[i])
        if i < DEPTH - 1:
            h = jax.nn.relu(h)
    # global mean pool per graph
    sums = jax.ops.segment_sum(h, batch, num_segments=G)
    counts = jax.ops.segment_sum(jnp.ones((h.shape[0],), dtype=h.dtype), batch, num_segments=G)
    pooled = sums / jnp.maximum(counts, 1.0)[:, None]
    # classifier
    z = jax.nn.relu(pooled @ Wc1 + bc1)
    z = jax.nn.relu(z @ Wc2 + bc2)
    z = z @ Wc3 + bc3
    return z

if __name__ == "__main__":
    import jax
    _d = setup_inputs()
    print(jax.jit(kernel)(*tuple(_d.values())))

</pallas_src>

<mosaic_0001>
#map = affine_map<(d0, d1) -> (0, 0, 0, 0)>
#map1 = affine_map<(d0, d1) -> (0, 0)>
#map2 = affine_map<(d0, d1) -> (0, 0, 0)>
module attributes {stable_mosaic.version = 14 : i64} {
  func.func @_sc_degree(%arg0: i32, %arg1: i32, %arg2: memref<2x16x128x80xi32, #tpu.memory_space<hbm>>, %arg3: memref<640x16xf32, #tpu.memory_space<hbm>>, %arg4: memref<80x16xf32, #tpu.memory_space<hbm>>, %arg5: memref<2x10240x16xf32, #tpu.memory_space<hbm>>, %arg6: memref<128x80xi32, #tpu.memory_space<vmem>>, %arg7: memref<80xi32, #tpu.memory_space<vmem>>, %arg8: memref<80x16xf32, #tpu.memory_space<vmem>>, %arg9: memref<10240x16xf32, #tpu.memory_space<vmem_shared>>) attributes {dimension_semantics = [#tpu.dimension_semantics<core_parallel>, #tpu.dimension_semantics<subcore_parallel>], iteration_bounds = array<i64: 2, 16>, scalar_prefetch = 0 : i64, scratch_operands = 4 : i64, tpu.core_type = #tpu.core_type<sc_vector_subcore>, window_params = [{transform_indices = #map}, {transform_indices = #map1}, {transform_indices = #map1}, {transform_indices = #map2}]} {
    %mul3A = arith.constant 640 : i32
    %mul3A_0 = arith.muli %arg1, %mul3A : i32
    "tpu.region"() ({
      %run_scoped3A = tpu.sem_alloc : memref<!tpu.dma_semaphore, #tpu.memory_space<semaphore_mem>>
      %dma_start3A = arith.constant 0 : i32
      %dma_start3A_12 = tpu.memref_slice %arg9[%mul3A_0, %dma_start3A] : memref<10240x16xf32, #tpu.memory_space<vmem_shared>> -> memref<640x16xf32, #tpu.memory_space<vmem_shared>>
      tpu.enqueue_dma source(%arg3 : memref<640x16xf32, #tpu.memory_space<hbm>>) target(%dma_start3A_12 : memref<640x16xf32, #tpu.memory_space<vmem_shared>>) target_semaphore(%run_scoped3A : memref<!tpu.dma_semaphore, #tpu.memory_space<semaphore_mem>>)
      %dma_wait3A = arith.constant 0 : i32
      %dma_wait3A_13 = tpu.memref_slice %arg9[%mul3A_0, %dma_wait3A] : memref<10240x16xf32, #tpu.memory_space<vmem_shared>> -> memref<640x16xf32, #tpu.memory_space<vmem_shared>>
      tpu.wait_dma2 semaphore(%run_scoped3A : memref<!tpu.dma_semaphore, #tpu.memory_space<semaphore_mem>>) src(%arg3 : memref<640x16xf32, #tpu.memory_space<hbm>>) dst(%dma_wait3A_13 : memref<640x16xf32, #tpu.memory_space<vmem_shared>>)
      tpu.yield
    }) : () -> ()
    "tpu.region"() ({
      %run_scoped3A = tpu.sem_alloc : memref<!tpu.dma_semaphore, #tpu.memory_space<semaphore_mem>>
      %dma_start3A = arith.constant 0 : i32
      %dma_start3A_12 = arith.constant 0 : i32
      %dma_start3A_13 = tpu.memref_slice %arg2[%arg0, %arg1, %dma_start3A, %dma_start3A_12] : memref<2x16x128x80xi32, #tpu.memory_space<hbm>> -> memref<1x1x128x80xi32, #tpu.memory_space<hbm>>
      %dma_start3A_14 = tpu.memref_squeeze %dma_start3A_13 : memref<1x1x128x80xi32, #tpu.memory_space<hbm>> -> memref<128x80xi32, #tpu.memory_space<hbm>>
      %dma_start3A_15 = arith.constant 0 : i32
      %dma_start3A_16 = arith.constant 0 : i32
      %dma_start3A_17 = tpu.memref_slice %arg2[%arg0, %arg1, %dma_start3A_15, %dma_start3A_16] : memref<2x16x128x80xi32, #tpu.memory_space<hbm>> -> memref<1x1x128x80xi32, #tpu.memory_space<hbm>>
      %dma_start3A_18 = tpu.memref_squeeze %dma_start3A_17 : memref<1x1x128x80xi32, #tpu.memory_space<hbm>> -> memref<128x80xi32, #tpu.memory_space<hbm>>
      tpu.enqueue_dma source(%dma_start3A_18 : memref<128x80xi32, #tpu.memory_space<hbm>>) target(%arg6 : memref<128x80xi32, #tpu.memory_space<vmem>>) target_semaphore(%run_scoped3A : memref<!tpu.dma_semaphore, #tpu.memory_space<semaphore_mem>>)
      %dma_wait3A = arith.constant 0 : i32
      %dma_wait3A_19 = arith.constant 0 : i32
      %dma_wait3A_20 = tpu.memref_slice %arg2[%arg0, %arg1, %dma_wait3A, %dma_wait3A_19] : memref<2x16x128x80xi32, #tpu.memory_space<hbm>> -> memref<1x1x128x80xi32, #tpu.memory_space<hbm>>
      %dma_wait3A_21 = tpu.memref_squeeze %dma_wait3A_20 : memref<1x1x128x80xi32, #tpu.memory_space<hbm>> -> memref<128x80xi32, #tpu.memory_space<hbm>>
      %dma_wait3A_22 = arith.constant 0 : i32
      %dma_wait3A_23 = arith.constant 0 : i32
      %dma_wait3A_24 = tpu.memref_slice %arg2[%arg0, %arg1, %dma_wait3A_22, %dma_wait3A_23] : memref<2x16x128x80xi32, #tpu.memory_space<hbm>> -> memref<1x1x128x80xi32, #tpu.memory_space<hbm>>
      %dma_wait3A_25 = tpu.memref_squeeze %dma_wait3A_24 : memref<1x1x128x80xi32, #tpu.memory_space<hbm>> -> memref<128x80xi32, #tpu.memory_space<hbm>>
      tpu.wait_dma2 semaphore(%run_scoped3A : memref<!tpu.dma_semaphore, #tpu.memory_space<semaphore_mem>>) src(%dma_wait3A_25 : memref<128x80xi32, #tpu.memory_space<hbm>>) dst(%arg6 : memref<128x80xi32, #tpu.memory_space<vmem>>)
      tpu.yield
    }) : () -> ()
    "tpu.region"() ({
      %run_scoped3A = tpu.sem_alloc : memref<!tpu.dma_semaphore, #tpu.memory_space<semaphore_mem>>
      tpu.enqueue_dma source(%arg4 : memref<80x16xf32, #tpu.memory_space<hbm>>) target(%arg8 : memref<80x16xf32, #tpu.memory_space<vmem>>) target_semaphore(%run_scoped3A : memref<!tpu.dma_semaphore, #tpu.memory_space<semaphore_mem>>)
      tpu.wait_dma2 semaphore(%run_scoped3A : memref<!tpu.dma_semaphore, #tpu.memory_space<semaphore_mem>>) src(%arg4 : memref<80x16xf32, #tpu.memory_space<hbm>>) dst(%arg8 : memref<80x16xf32, #tpu.memory_space<vmem>>)
      tpu.yield
    }) : () -> ()
    %barrier3A = arith.constant 0 : index
    tpu.barrier barrier_id(%barrier3A)
    %scan3A = arith.constant 0 : i32
    %scan3A_1 = arith.constant 0 : i32
    %scan3A_2 = arith.constant 128 : i32
    %scan3A_3 = arith.addi %scan3A_1, %scan3A_2 : i32
    %scan3A_4 = arith.constant 1 : i32
    %scan3A_5 = scf.for %scan3A_12 = %scan3A_1 to %scan3A_3 step %scan3A_4 iter_args(%scan3A_13 = %scan3A) -> (i32)  : i32 {
      %get3A = arith.index_cast %scan3A_12 : i32 to index
      %get3A_14 = arith.constant 0 : index
      %get3A_15 = tpu.vector_load %arg6[%get3A, %get3A_14] {strides = array<i32>} : memref<128x80xi32, #tpu.memory_space<vmem>>, vector<1x16xi32>,
      %get3A_16 = vector.shape_cast %get3A_15 : vector<1x16xi32> to vector<16xi32>
      %swap3A = arith.constant 0 : index
      %swap3A_17 = tpu.vector_load %arg7[%swap3A] {strides = array<i32>} : memref<80xi32, #tpu.memory_space<vmem>>, vector<16xi32>,
      %swap3A_18 = vector.shape_cast %swap3A_17 : vector<16xi32> to vector<16xi32>
      %swap3A_19 = vector.shape_cast %get3A_16 : vector<16xi32> to vector<16xi32>
      tpu.vector_store %arg7[%swap3A], %swap3A_19 {strides = array<i32>} : memref<80xi32, #tpu.memory_space<vmem>>, vector<16xi32>,
      %get3A_20 = arith.index_cast %scan3A_12 : i32 to index
      %get3A_21 = arith.constant 16 : index
      %get3A_22 = tpu.vector_load %arg6[%get3A_20, %get3A_21] {strides = array<i32>} : memref<128x80xi32, #tpu.memory_space<vmem>>, vector<1x16xi32>,
      %get3A_23 = vector.shape_cast %get3A_22 : vector<1x16xi32> to vector<16xi32>
      %swap3A_24 = arith.constant 16 : index
      %swap3A_25 = tpu.vector_load %arg7[%swap3A_24] {strides = array<i32>} : memref<80xi32, #tpu.memory_space<vmem>>, vector<16xi32>,
      %swap3A_26 = vector.shape_cast %swap3A_25 : vector<16xi32> to vector<16xi32>
      %swap3A_27 = vector.shape_cast %get3A_23 : vector<16xi32> to vector<16xi32>
      tpu.vector_store %arg7[%swap3A_24], %swap3A_27 {strides = array<i32>} : memref<80xi32, #tpu.memory_space<vmem>>, vector<16xi32>,
      %get3A_28 = arith.index_cast %scan3A_12 : i32 to index
      %get3A_29 = arith.constant 32 : index
      %get3A_30 = tpu.vector_load %arg6[%get3A_28, %get3A_29] {strides = array<i32>} : memref<128x80xi32, #tpu.memory_space<vmem>>, vector<1x16xi32>,
      %get3A_31 = vector.shape_cast %get3A_30 : vector<1x16xi32> to vector<16xi32>
      %swap3A_32 = arith.constant 32 : index
      %swap3A_33 = tpu.vector_load %arg7[%swap3A_32] {strides = array<i32>} : memref<80xi32, #tpu.memory_space<vmem>>, vector<16xi32>,
      %swap3A_34 = vector.shape_cast %swap3A_33 : vector<16xi32> to vector<16xi32>
      %swap3A_35 = vector.shape_cast %get3A_31 : vector<16xi32> to vector<16xi32>
      tpu.vector_store %arg7[%swap3A_32], %swap3A_35 {strides = array<i32>} : memref<80xi32, #tpu.memory_space<vmem>>, vector<16xi32>,
      %get3A_36 = arith.index_cast %scan3A_12 : i32 to index
      %get3A_37 = arith.constant 48 : index
      %get3A_38 = tpu.vector_load %arg6[%get3A_36, %get3A_37] {strides = array<i32>} : memref<128x80xi32, #tpu.memory_space<vmem>>, vector<1x16xi32>,
      %get3A_39 = vector.shape_cast %get3A_38 : vector<1x16xi32> to vector<16xi32>
      %swap3A_40 = arith.constant 48 : index
      %swap3A_41 = tpu.vector_load %arg7[%swap3A_40] {strides = array<i32>} : memref<80xi32, #tpu.memory_space<vmem>>, vector<16xi32>,
      %swap3A_42 = vector.shape_cast %swap3A_41 : vector<16xi32> to vector<16xi32>
      %swap3A_43 = vector.shape_cast %get3A_39 : vector<16xi32> to vector<16xi32>
      tpu.vector_store %arg7[%swap3A_40], %swap3A_43 {strides = array<i32>} : memref<80xi32, #tpu.memory_space<vmem>>, vector<16xi32>,
      %get3A_44 = arith.index_cast %scan3A_12 : i32 to index
      %get3A_45 = arith.constant 64 : index
      %get3A_46 = tpu.vector_load %arg6[%get3A_44, %get3A_45] {strides = array<i32>} : memref<128x80xi32, #tpu.memory_space<vmem>>, vector<1x16xi32>,
      %get3A_47 = vector.shape_cast %get3A_46 : vector<1x16xi32> to vector<16xi32>
      %swap3A_48 = arith.constant 64 : index
      %swap3A_49 = tpu.vector_load %arg7[%swap3A_48] {strides = array<i32>} : memref<80xi32, #tpu.memory_space<vmem>>, vector<16xi32>,
      %swap3A_50 = vector.shape_cast %swap3A_49 : vector<16xi32> to vector<16xi32>
      %swap3A_51 = vector.shape_cast %get3A_47 : vector<16xi32> to vector<16xi32>
      tpu.vector_store %arg7[%swap3A_48], %swap3A_51 {strides = array<i32>} : memref<80xi32, #tpu.memory_space<vmem>>, vector<16xi32>,
      "tpu.region"() ({
        %run_scoped3A = tpu.sem_alloc : memref<!tpu.dma_semaphore, #tpu.memory_space<semaphore_mem>>
        %dma_start3A = arith.constant 0 : i32
        %dma_start3A_53 = arith.constant 0 : i32
        %dma_start3A_54 = tpu.memref_slice %arg9[%dma_start3A, %dma_start3A_53] : memref<10240x16xf32, #tpu.memory_space<vmem_shared>> -> memref<10240x16xf32, #tpu.memory_space<vmem_shared>>
        tpu.enqueue_indirect_dma source(%arg8 : memref<80x16xf32, #tpu.memory_space<vmem>>) target(%dma_start3A_54 : memref<10240x16xf32, #tpu.memory_space<vmem_shared>>) offsets(%arg7 : memref<80xi32, #tpu.memory_space<vmem>>) semaphore(%run_scoped3A : memref<!tpu.dma_semaphore, #tpu.memory_space<semaphore_mem>>) {add = true}
        %dma_wait3A = arith.constant 0 : i32
        %dma_wait3A_55 = arith.constant 0 : i32
        %dma_wait3A_56 = tpu.memref_slice %arg9[%dma_wait3A, %dma_wait3A_55] : memref<10240x16xf32, #tpu.memory_space<vmem_shared>> -> memref<10240x16xf32, #tpu.memory_space<vmem_shared>>
        tpu.wait_indirect_dma semaphore(%run_scoped3A : memref<!tpu.dma_semaphore, #tpu.memory_space<semaphore_mem>>) src(%arg8 : memref<80x16xf32, #tpu.memory_space<vmem>>) dst(%dma_wait3A_56 : memref<10240x16xf32, #tpu.memory_space<vmem_shared>>)
        tpu.yield
      }) : () -> ()
      %scan3A_52 = arith.constant 0 : i32
      scf.yield %scan3A_52 : i32
    }
    %scan3A_6 = arith.constant 128 : i32
    %barrier3A_7 = arith.constant 0 : index
    tpu.barrier barrier_id(%barrier3A_7)
    %mul3A_8 = arith.constant 640 : i32
    %mul3A_9 = arith.muli %arg1, %mul3A_8 : i32
    %mul3A_10 = arith.constant 640 : i32
    %mul3A_11 = arith.muli %arg1, %mul3A_10 : i32
    "tpu.region"() ({
      %run_scoped3A = tpu.sem_alloc : memref<!tpu.dma_semaphore, #tpu.memory_space<semaphore_mem>>
      %dma_start3A = arith.constant 0 : i32
      %dma_start3A_12 = tpu.memref_slice %arg5[%arg0, %mul3A_11, %dma_start3A] : memref<2x10240x16xf32, #tpu.memory_space<hbm>> -> memref<1x640x16xf32, #tpu.memory_space<hbm>>
      %dma_start3A_13 = tpu.memref_squeeze %dma_start3A_12 : memref<1x640x16xf32, #tpu.memory_space<hbm>> -> memref<640x16xf32, #tpu.memory_space<hbm>>
      %dma_start3A_14 = arith.constant 0 : i32
      %dma_start3A_15 = tpu.memref_slice %arg9[%mul3A_9, %dma_start3A_14] : memref<10240x16xf32, #tpu.memory_space<vmem_shared>> -> memref<640x16xf32, #tpu.memory_space<vmem_shared>>
      tpu.enqueue_dma source(%dma_start3A_15 : memref<640x16xf32, #tpu.memory_space<vmem_shared>>) target(%dma_start3A_13 : memref<640x16xf32, #tpu.memory_space<hbm>>) target_semaphore(%run_scoped3A : memref<!tpu.dma_semaphore, #tpu.memory_space<semaphore_mem>>)
      %dma_wait3A = arith.constant 0 : i32
      %dma_wait3A_16 = tpu.memref_slice %arg5[%arg0, %mul3A_11, %dma_wait3A] : memref<2x10240x16xf32, #tpu.memory_space<hbm>> -> memref<1x640x16xf32, #tpu.memory_space<hbm>>
      %dma_wait3A_17 = tpu.memref_squeeze %dma_wait3A_16 : memref<1x640x16xf32, #tpu.memory_space<hbm>> -> memref<640x16xf32, #tpu.memory_space<hbm>>
      %dma_wait3A_18 = arith.constant 0 : i32
      %dma_wait3A_19 = tpu.memref_slice %arg9[%mul3A_9, %dma_wait3A_18] : memref<10240x16xf32, #tpu.memory_space<vmem_shared>> -> memref<640x16xf32, #tpu.memory_space<vmem_shared>>
      tpu.wait_dma2 semaphore(%run_scoped3A : memref<!tpu.dma_semaphore, #tpu.memory_space<semaphore_mem>>) src(%dma_wait3A_19 : memref<640x16xf32, #tpu.memory_space<vmem_shared>>) dst(%dma_wait3A_17 : memref<640x16xf32, #tpu.memory_space<hbm>>)
      tpu.yield
    }) : () -> ()
    return
  }
}

#map = affine_map<(d0, d1) -> (0, 0)>
#map1 = affine_map<(d0, d1) -> (0, 0, 0, 0, 0)>
module attributes {stable_mosaic.version = 14 : i64} {
  func.func @_sc_msgpass(%arg0: i32, %arg1: i32, %arg2: memref<10000x256xf32, #tpu.memory_space<hbm>>, %arg3: memref<2x16x8x32x80xi32, #tpu.memory_space<hbm>>, %arg4: memref<2x16x8x32x80xi32, #tpu.memory_space<hbm>>, %arg5: memref<10000x256xf32, #tpu.memory_space<hbm>>, %arg6: memref<32x80xi32, #tpu.memory_space<vmem>>, %arg7: memref<32x80xi32, #tpu.memory_space<vmem>>, %arg8: memref<80xi32, #tpu.memory_space<vmem>>, %arg9: memref<80xi32, #tpu.memory_space<vmem>>, %arg10: memref<80xi32, #tpu.memory_space<vmem>>, %arg11: memref<80xi32, #tpu.memory_space<vmem>>, %arg12: memref<80x256xf32, #tpu.memory_space<vmem>>, %arg13: memref<80x256xf32, #tpu.memory_space<vmem>>, %arg14: memref<!tpu.dma_semaphore, #tpu.memory_space<semaphore_mem>>, %arg15: memref<!tpu.dma_semaphore, #tpu.memory_space<semaphore_mem>>, %arg16: memref<!tpu.dma_semaphore, #tpu.memory_space<semaphore_mem>>, %arg17: memref<!tpu.dma_semaphore, #tpu.memory_space<semaphore_mem>>, %arg18: memref<5008x256xf32, #tpu.memory_space<vmem_shared>>) attributes {dimension_semantics = [#tpu.dimension_semantics<core_parallel>, #tpu.dimension_semantics<subcore_parallel>], iteration_bounds = array<i64: 2, 16>, scalar_prefetch = 0 : i64, scratch_operands = 13 : i64, tpu.core_type = #tpu.core_type<sc_vector_subcore>, window_params = [{transform_indices = #map}, {transform_indices = #map1}, {transform_indices = #map1}, {transform_indices = #map}]} {
    %mul3A = arith.constant 5000 : i32
    %mul3A_0 = arith.muli %arg0, %mul3A : i32
    %mul3A_1 = arith.constant 312 : i32
    %mul3A_2 = arith.muli %arg1, %mul3A_1 : i32
    %add3A = arith.addi %mul3A_0, %mul3A_2 : i32
    "tpu.region"() ({
      %run_scoped3A = tpu.sem_alloc : memref<!tpu.dma_semaphore, #tpu.memory_space<semaphore_mem>>
      %dma_start3A = arith.constant 0 : i32
      %dma_start3A_18 = tpu.memref_slice %arg18[%mul3A_2, %dma_start3A] : memref<5008x256xf32, #tpu.memory_space<vmem_shared>> -> memref<312x256xf32, #tpu.memory_space<vmem_shared>>
      %dma_start3A_19 = arith.constant 0 : i32
      %dma_start3A_20 = tpu.memref_slice %arg2[%add3A, %dma_start3A_19] : memref<10000x256xf32, #tpu.memory_space<hbm>> -> memref<312x256xf32, #tpu.memory_space<hbm>>
      tpu.enqueue_dma source(%dma_start3A_20 : memref<312x256xf32, #tpu.memory_space<hbm>>) target(%dma_start3A_18 : memref<312x256xf32, #tpu.memory_space<vmem_shared>>) target_semaphore(%run_scoped3A : memref<!tpu.dma_semaphore, #tpu.memory_space<semaphore_mem>>)
      %dma_wait3A = arith.constant 0 : i32
      %dma_wait3A_21 = tpu.memref_slice %arg18[%mul3A_2, %dma_wait3A] : memref<5008x256xf32, #tpu.memory_space<vmem_shared>> -> memref<312x256xf32, #tpu.memory_space<vmem_shared>>
      %dma_wait3A_22 = arith.constant 0 : i32
      %dma_wait3A_23 = tpu.memref_slice %arg2[%add3A, %dma_wait3A_22] : memref<10000x256xf32, #tpu.memory_space<hbm>> -> memref<312x256xf32, #tpu.memory_space<hbm>>
      tpu.wait_dma2 semaphore(%run_scoped3A : memref<!tpu.dma_semaphore, #tpu.memory_space<semaphore_mem>>) src(%dma_wait3A_23 : memref<312x256xf32, #tpu.memory_space<hbm>>) dst(%dma_wait3A_21 : memref<312x256xf32, #tpu.memory_space<vmem_shared>>)
      tpu.yield
    }) : () -> ()
    %eq3A = arith.constant 15 : i32
    %eq3A_3 = arith.cmpi eq, %arg1, %eq3A : i32
    %convert_element_type3A = arith.extui %eq3A_3 : i1 to i32
    %cond3A = arith.constant 0 : i32
    %cond3A_4 = arith.cmpi ne, %convert_element_type3A, %cond3A : i32
    scf.if %cond3A_4 {
      %add3A_18 = arith.constant 4992 : i32
      %add3A_19 = arith.addi %mul3A_0, %add3A_18 : i32
      "tpu.region"() ({
        %run_scoped3A = tpu.sem_alloc : memref<!tpu.dma_semaphore, #tpu.memory_space<semaphore_mem>>
        %dma_start3A = arith.constant 4992 : i32
        %dma_start3A_20 = arith.constant 0 : i32
        %dma_start3A_21 = tpu.memref_slice %arg18[%dma_start3A, %dma_start3A_20] : memref<5008x256xf32, #tpu.memory_space<vmem_shared>> -> memref<8x256xf32, #tpu.memory_space<vmem_shared>>
        %dma_start3A_22 = arith.constant 0 : i32
        %dma_start3A_23 = tpu.memref_slice %arg2[%add3A_19, %dma_start3A_22] : memref<10000x256xf32, #tpu.memory_space<hbm>> -> memref<8x256xf32, #tpu.memory_space<hbm>>
        tpu.enqueue_dma source(%dma_start3A_23 : memref<8x256xf32, #tpu.memory_space<hbm>>) target(%dma_start3A_21 : memref<8x256xf32, #tpu.memory_space<vmem_shared>>) target_semaphore(%run_scoped3A : memref<!tpu.dma_semaphore, #tpu.memory_space<semaphore_mem>>)
        %dma_wait3A = arith.constant 4992 : i32
        %dma_wait3A_24 = arith.constant 0 : i32
        %dma_wait3A_25 = tpu.memref_slice %arg18[%dma_wait3A, %dma_wait3A_24] : memref<5008x256xf32, #tpu.memory_space<vmem_shared>> -> memref<8x256xf32, #tpu.memory_space<vmem_shared>>
        %dma_wait3A_26 = arith.constant 0 : i32
        %dma_wait3A_27 = tpu.memref_slice %arg2[%add3A_19, %dma_wait3A_26] : memref<10000x256xf32, #tpu.memory_space<hbm>> -> memref<8x256xf32, #tpu.memory_space<hbm>>
        tpu.wait_dma2 semaphore(%run_scoped3A : memref<!tpu.dma_semaphore, #tpu.memory_space<semaphore_mem>>) src(%dma_wait3A_27 : memref<8x256xf32, #tpu.memory_space<hbm>>) dst(%dma_wait3A_25 : memref<8x256xf32, #tpu.memory_space<vmem_shared>>)
        tpu.yield
      }) : () -> ()
    } else {
    }
    %barrier3A = arith.constant 0 : index
    tpu.barrier barrier_id(%barrier3A)
    %scan3A = arith.constant 0 : i32
    %scan3A_5 = arith.constant 0 : i32
    %scan3A_6 = arith.constant 8 : i32
    %scan3A_7 = arith.addi %scan3A_5, %scan3A_6 : i32
    %scan3A_8 = arith.constant 1 : i32
    %scan3A_9 = scf.for %scan3A_18 = %scan3A_5 to %scan3A_7 step %scan3A_8 iter_args(%scan3A_19 = %scan3A) -> (i32)  : i32 {
      "tpu.region"() ({
        %run_scoped3A = tpu.sem_alloc : memref<!tpu.dma_semaphore, #tpu.memory_space<semaphore_mem>>
        %dma_start3A_79 = arith.constant 0 : i32
        %dma_start3A_80 = arith.constant 0 : i32
        %dma_start3A_81 = tpu.memref_slice %arg3[%arg0, %arg1, %scan3A_18, %dma_start3A_79, %dma_start3A_80] : memref<2x16x8x32x80xi32, #tpu.memory_space<hbm>> -> memref<1x1x1x32x80xi32, #tpu.memory_space<hbm>>
        %dma_start3A_82 = tpu.memref_squeeze %dma_start3A_81 : memref<1x1x1x32x80xi32, #tpu.memory_space<hbm>> -> memref<32x80xi32, #tpu.memory_space<hbm>>
        %dma_start3A_83 = arith.constant 0 : i32
        %dma_start3A_84 = arith.constant 0 : i32
        %dma_start3A_85 = tpu.memref_slice %arg3[%arg0, %arg1, %scan3A_18, %dma_start3A_83, %dma_start3A_84] : memref<2x16x8x32x80xi32, #tpu.memory_space<hbm>> -> memref<1x1x1x32x80xi32, #tpu.memory_space<hbm>>
        %dma_start3A_86 = tpu.memref_squeeze %dma_start3A_85 : memref<1x1x1x32x80xi32, #tpu.memory_space<hbm>> -> memref<32x80xi32, #tpu.memory_space<hbm>>
        tpu.enqueue_dma source(%dma_start3A_86 : memref<32x80xi32, #tpu.memory_space<hbm>>) target(%arg6 : memref<32x80xi32, #tpu.memory_space<vmem>>) target_semaphore(%run_scoped3A : memref<!tpu.dma_semaphore, #tpu.memory_space<semaphore_mem>>)
        %dma_wait3A_87 = arith.constant 0 : i32
        %dma_wait3A_88 = arith.constant 0 : i32
        %dma_wait3A_89 = tpu.memref_slice %arg3[%arg0, %arg1, %scan3A_18, %dma_wait3A_87, %dma_wait3A_88] : memref<2x16x8x32x80xi32, #tpu.memory_space<hbm>> -> memref<1x1x1x32x80xi32, #tpu.memory_space<hbm>>
        %dma_wait3A_90 = tpu.memref_squeeze %dma_wait3A_89 : memref<1x1x1x32x80xi32, #tpu.memory_space<hbm>> -> memref<32x80xi32, #tpu.memory_space<hbm>>
        %dma_wait3A_91 = arith.constant 0 : i32
        %dma_wait3A_92 = arith.constant 0 : i32
        %dma_wait3A_93 = tpu.memref_slice %arg3[%arg0, %arg1, %scan3A_18, %dma_wait3A_91, %dma_wait3A_92] : memref<2x16x8x32x80xi32, #tpu.memory_space<hbm>> -> memref<1x1x1x32x80xi32, #tpu.memory_space<hbm>>
        %dma_wait3A_94 = tpu.memref_squeeze %dma_wait3A_93 : memref<1x1x1x32x80xi32, #tpu.memory_space<hbm>> -> memref<32x80xi32, #tpu.memory_space<hbm>>
        tpu.wait_dma2 semaphore(%run_scoped3A : memref<!tpu.dma_semaphore, #tpu.memory_space<semaphore_mem>>) src(%dma_wait3A_94 : memref<32x80xi32, #tpu.memory_space<hbm>>) dst(%arg6 : memref<32x80xi32, #tpu.memory_space<vmem>>)
        tpu.yield
      }) : () -> ()
      "tpu.region"() ({
        %run_scoped3A = tpu.sem_alloc : memref<!tpu.dma_semaphore, #tpu.memory_space<semaphore_mem>>
        %dma_start3A_79 = arith.constant 0 : i32
        %dma_start3A_80 = arith.constant 0 : i32
        %dma_start3A_81 = tpu.memref_slice %arg4[%arg0, %arg1, %scan3A_18, %dma_start3A_79, %dma_start3A_80] : memref<2x16x8x32x80xi32, #tpu.memory_space<hbm>> -> memref<1x1x1x32x80xi32, #tpu.memory_space<hbm>>
        %dma_start3A_82 = tpu.memref_squeeze %dma_start3A_81 : memref<1x1x1x32x80xi32, #tpu.memory_space<hbm>> -> memref<32x80xi32, #tpu.memory_space<hbm>>
        %dma_start3A_83 = arith.constant 0 : i32
        %dma_start3A_84 = arith.constant 0 : i32
        %dma_start3A_85 = tpu.memref_slice %arg4[%arg0, %arg1, %scan3A_18, %dma_start3A_83, %dma_start3A_84] : memref<2x16x8x32x80xi32, #tpu.memory_space<hbm>> -> memref<1x1x1x32x80xi32, #tpu.memory_space<hbm>>
        %dma_start3A_86 = tpu.memref_squeeze %dma_start3A_85 : memref<1x1x1x32x80xi32, #tpu.memory_space<hbm>> -> memref<32x80xi32, #tpu.memory_space<hbm>>
        tpu.enqueue_dma source(%dma_start3A_86 : memref<32x80xi32, #tpu.memory_space<hbm>>) target(%arg7 : memref<32x80xi32, #tpu.memory_space<vmem>>) target_semaphore(%run_scoped3A : memref<!tpu.dma_semaphore, #tpu.memory_space<semaphore_mem>>)
        %dma_wait3A_87 = arith.constant 0 : i32
        %dma_wait3A_88 = arith.constant 0 : i32
        %dma_wait3A_89 = tpu.memref_slice %arg4[%arg0, %arg1, %scan3A_18, %dma_wait3A_87, %dma_wait3A_88] : memref<2x16x8x32x80xi32, #tpu.memory_space<hbm>> -> memref<1x1x1x32x80xi32, #tpu.memory_space<hbm>>
        %dma_wait3A_90 = tpu.memref_squeeze %dma_wait3A_89 : memref<1x1x1x32x80xi32, #tpu.memory_space<hbm>> -> memref<32x80xi32, #tpu.memory_space<hbm>>
        %dma_wait3A_91 = arith.constant 0 : i32
        %dma_wait3A_92 = arith.constant 0 : i32
        %dma_wait3A_93 = tpu.memref_slice %arg4[%arg0, %arg1, %scan3A_18, %dma_wait3A_91, %dma_wait3A_92] : memref<2x16x8x32x80xi32, #tpu.memory_space<hbm>> -> memref<1x1x1x32x80xi32, #tpu.memory_space<hbm>>
        %dma_wait3A_94 = tpu.memref_squeeze %dma_wait3A_93 : memref<1x1x1x32x80xi32, #tpu.memory_space<hbm>> -> memref<32x80xi32, #tpu.memory_space<hbm>>
        tpu.wait_dma2 semaphore(%run_scoped3A : memref<!tpu.dma_semaphore, #tpu.memory_space<semaphore_mem>>) src(%dma_wait3A_94 : memref<32x80xi32, #tpu.memory_space<hbm>>) dst(%arg7 : memref<32x80xi32, #tpu.memory_space<vmem>>)
        tpu.yield
      }) : () -> ()
      %get3A = arith.constant 0 : i32
      %get3A_20 = arith.index_cast %get3A : i32 to index
      %get3A_21 = arith.constant 0 : index
      %get3A_22 = tpu.vector_load %arg6[%get3A_20, %get3A_21] {strides = array<i32>} : memref<32x80xi32, #tpu.memory_space<vmem>>, vector<1x16xi32>,
      %get3A_23 = vector.shape_cast %get3A_22 : vector<1x16xi32> to vector<16xi32>
      %swap3A = arith.constant 0 : index
      %swap3A_24 = tpu.vector_load %arg8[%swap3A] {strides = array<i32>} : memref<80xi32, #tpu.memory_space<vmem>>, vector<16xi32>,
      %swap3A_25 = vector.shape_cast %swap3A_24 : vector<16xi32> to vector<16xi32>
      %swap3A_26 = vector.shape_cast %get3A_23 : vector<16xi32> to vector<16xi32>
      tpu.vector_store %arg8[%swap3A], %swap3A_26 {strides = array<i32>} : memref<80xi32, #tpu.memory_space<vmem>>, vector<16xi32>,
      %get3A_27 = arith.constant 0 : i32
      %get3A_28 = arith.index_cast %get3A_27 : i32 to index
      %get3A_29 = arith.constant 16 : index
      %get3A_30 = tpu.vector_load %arg6[%get3A_28, %get3A_29] {strides = array<i32>} : memref<32x80xi32, #tpu.memory_space<vmem>>, vector<1x16xi32>,
      %get3A_31 = vector.shape_cast %get3A_30 : vector<1x16xi32> to vector<16xi32>
      %swap3A_32 = arith.constant 16 : index
      %swap3A_33 = tpu.vector_load %arg8[%swap3A_32] {strides = array<i32>} : memref<80xi32, #tpu.memory_space<vmem>>, vector<16xi32>,
      %swap3A_34 = vector.shape_cast %swap3A_33 : vector<16xi32> to vector<16xi32>
      %swap3A_35 = vector.shape_cast %get3A_31 : vector<16xi32> to vector<16xi32>
      tpu.vector_store %arg8[%swap3A_32], %swap3A_35 {strides = array<i32>} : memref<80xi32, #tpu.memory_space<vmem>>, vector<16xi32>,
      %get3A_36 = arith.constant 0 : i32
      %get3A_37 = arith.index_cast %get3A_36 : i32 to index
      %get3A_38 = arith.constant 32 : index
      %get3A_39 = tpu.vector_load %arg6[%get3A_37, %get3A_38] {strides = array<i32>} : memref<32x80xi32, #tpu.memory_space<vmem>>, vector<1x16xi32>,
      %get3A_40 = vector.shape_cast %get3A_39 : vector<1x16xi32> to vector<16xi32>
      %swap3A_41 = arith.constant 32 : index
      %swap3A_42 = tpu.vector_load %arg8[%swap3A_41] {strides = array<i32>} : memref<80xi32, #tpu.memory_space<vmem>>, vector<16xi32>,
      %swap3A_43 = vector.shape_cast %swap3A_42 : vector<16xi32> to vector<16xi32>
      %swap3A_44 = vector.shape_cast %get3A_40 : vector<16xi32> to vector<16xi32>
      tpu.vector_store %arg8[%swap3A_41], %swap3A_44 {strides = array<i32>} : memref<80xi32, #tpu.memory_space<vmem>>, vector<16xi32>,
      %get3A_45 = arith.constant 0 : i32
      %get3A_46 = arith.index_cast %get3A_45 : i32 to index
      %get3A_47 = arith.constant 48 : index
      %get3A_48 = tpu.vector_load %arg6[%get3A_46, %get3A_47] {strides = array<i32>} : memref<32x80xi32, #tpu.memory_space<vmem>>, vector<1x16xi32>,
      %get3A_49 = vector.shape_cast %get3A_48 : vector<1x16xi32> to vector<16xi32>
      %swap3A_50 = arith.constant 48 : index
      %swap3A_51 = tpu.vector_load %arg8[%swap3A_50] {strides = array<i32>} : memref<80xi32, #tpu.memory_space<vmem>>, vector<16xi32>,
      %swap3A_52 = vector.shape_cast %swap3A_51 : vector<16xi32> to vector<16xi32>
      %swap3A_53 = vector.shape_cast %get3A_49 : vector<16xi32> to vector<16xi32>
      tpu.vector_store %arg8[%swap3A_50], %swap3A_53 {strides = array<i32>} : memref<80xi32, #tpu.memory_space<vmem>>, vector<16xi32>,
      %get3A_54 = arith.constant 0 : i32
      %get3A_55 = arith.index_cast %get3A_54 : i32 to index
      %get3A_56 = arith.constant 64 : index
      %get3A_57 = tpu.vector_load %arg6[%get3A_55, %get3A_56] {strides = array<i32>} : memref<32x80xi32, #tpu.memory_space<vmem>>, vector<1x16xi32>,
      %get3A_58 = vector.shape_cast %get3A_57 : vector<1x16xi32> to vector<16xi32>
      %swap3A_59 = arith.constant 64 : index
      %swap3A_60 = tpu.vector_load %arg8[%swap3A_59] {strides = array<i32>} : memref<80xi32, #tpu.memory_space<vmem>>, vector<16xi32>,
      %swap3A_61 = vector.shape_cast %swap3A_60 : vector<16xi32> to vector<16xi32>
      %swap3A_62 = vector.shape_cast %get3A_58 : vector<16xi32> to vector<16xi32>
      tpu.vector_store %arg8[%swap3A_59], %swap3A_62 {strides = array<i32>} : memref<80xi32, #tpu.memory_space<vmem>>, vector<16xi32>,
      %dma_start3A = arith.constant 0 : i32
      %dma_start3A_63 = arith.constant 0 : i32
      %dma_start3A_64 = tpu.memref_slice %arg2[%dma_start3A, %dma_start3A_63] : memref<10000x256xf32, #tpu.memory_space<hbm>> -> memref<10000x256xf32, #tpu.memory_space<hbm>>
      %dma_start3A_65 = arith.constant -1 : i32
      tpu.enqueue_indirect_dma source(%dma_start3A_64 : memref<10000x256xf32, #tpu.memory_space<hbm>>) target(%arg12 : memref<80x256xf32, #tpu.memory_space<vmem>>) offsets(%arg8 : memref<80xi32, #tpu.memory_space<vmem>>) offset_filter(%dma_start3A_65) semaphore(%arg14 : memref<!tpu.dma_semaphore, #tpu.memory_space<semaphore_mem>>)
      %scan3A_66 = arith.constant 0 : i32
      %scan3A_67 = arith.constant 0 : i32
      %scan3A_68 = arith.constant 16 : i32
      %scan3A_69 = arith.addi %scan3A_67, %scan3A_68 : i32
      %scan3A_70 = arith.constant 1 : i32
      %scan3A_71 = scf.for %scan3A_79 = %scan3A_67 to %scan3A_69 step %scan3A_70 iter_args(%scan3A_80 = %scan3A_66) -> (i32)  : i32 {
        %mul3A_81 = arith.constant 2 : i32
        %mul3A_82 = arith.muli %mul3A_81, %scan3A_79 : i32
        %gt3A = arith.constant 0 : i32
        %gt3A_83 = arith.cmpi sgt, %scan3A_79, %gt3A : i32
        %convert_element_type3A_84 = arith.extui %gt3A_83 : i1 to i32
        %cond3A_85 = arith.constant 0 : i32
        %cond3A_86 = arith.cmpi ne, %convert_element_type3A_84, %cond3A_85 : i32
        scf.if %cond3A_86 {
          %dma_wait3A_236 = arith.constant 0 : i32
          %dma_wait3A_237 = arith.constant 0 : i32
          %dma_wait3A_238 = tpu.memref_slice %arg18[%dma_wait3A_236, %dma_wait3A_237] : memref<5008x256xf32, #tpu.memory_space<vmem_shared>> -> memref<5008x256xf32, #tpu.memory_space<vmem_shared>>
          tpu.wait_indirect_dma semaphore(%arg17 : memref<!tpu.dma_semaphore, #tpu.memory_space<semaphore_mem>>) src(%arg13 : memref<80x256xf32, #tpu.memory_space<vmem>>) dst(%dma_wait3A_238 : memref<5008x256xf32, #tpu.memory_space<vmem_shared>>)
        } else {
        }
        %add3A_87 = arith.constant 1 : i32
        %add3A_88 = arith.addi %mul3A_82, %add3A_87 : i32
        %get3A_89 = arith.index_cast %add3A_88 : i32 to index
        %get3A_90 = arith.constant 0 : index
        %get3A_91 = tpu.vector_load %arg6[%get3A_89, %get3A_90] {strides = array<i32>} : memref<32x80xi32, #tpu.memory_space<vmem>>, vector<1x16xi32>,
        %get3A_92 = vector.shape_cast %get3A_91 : vector<1x16xi32> to vector<16xi32>
        %swap3A_93 = arith.constant 0 : index
        %swap3A_94 = tpu.vector_load %arg9[%swap3A_93] {strides = array<i32>} : memref<80xi32, #tpu.memory_space<vmem>>, vector<16xi32>,
        %swap3A_95 = vector.shape_cast %swap3A_94 : vector<16xi32> to vector<16xi32>
        %swap3A_96 = vector.shape_cast %get3A_92 : vector<16xi32> to vector<16xi32>
        tpu.vector_store %arg9[%swap3A_93], %swap3A_96 {strides = array<i32>} : memref<80xi32, #tpu.memory_space<vmem>>, vector<16xi32>,
        %get3A_97 = arith.index_cast %add3A_88 : i32 to index
        %get3A_98 = arith.constant 16 : index
        %get3A_99 = tpu.vector_load %arg6[%get3A_97, %get3A_98] {strides = array<i32>} : memref<32x80xi32, #tpu.memory_space<vmem>>, vector<1x16xi32>,
        %get3A_100 = vector.shape_cast %get3A_99 : vector<1x16xi32> to vector<16xi32>
        %swap3A_101 = arith.constant 16 : index
        %swap3A_102 = tpu.vector_load %arg9[%swap3A_101] {strides = array<i32>} : memref<80xi32, #tpu.memory_space<vmem>>, vector<16xi32>,
        %swap3A_103 = vector.shape_cast %swap3A_102 : vector<16xi32> to vector<16xi32>
        %swap3A_104 = vector.shape_cast %get3A_100 : vector<16xi32> to vector<16xi32>
        tpu.vector_store %arg9[%swap3A_101], %swap3A_104 {strides = array<i32>} : memref<80xi32, #tpu.memory_space<vmem>>, vector<16xi32>,
        %get3A_105 = arith.index_cast %add3A_88 : i32 to index
        %get3A_106 = arith.constant 32 : index
        %get3A_107 = tpu.vector_load %arg6[%get3A_105, %get3A_106] {strides = array<i32>} : memref<32x80xi32, #tpu.memory_space<vmem>>, vector<1x16xi32>,
        %get3A_108 = vector.shape_cast %get3A_107 : vector<1x16xi32> to vector<16xi32>
        %swap3A_109 = arith.constant 32 : index
        %swap3A_110 = tpu.vector_load %arg9[%swap3A_109] {strides = array<i32>} : memref<80xi32, #tpu.memory_space<vmem>>, vector<16xi32>,
        %swap3A_111 = vector.shape_cast %swap3A_110 : vector<16xi32> to vector<16xi32>
        %swap3A_112 = vector.shape_cast %get3A_108 : vector<16xi32> to vector<16xi32>
        tpu.vector_store %arg9[%swap3A_109], %swap3A_112 {strides = array<i32>} : memref<80xi32, #tpu.memory_space<vmem>>, vector<16xi32>,
        %get3A_113 = arith.index_cast %add3A_88 : i32 to index
        %get3A_114 = arith.constant 48 : index
        %get3A_115 = tpu.vector_load %arg6[%get3A_113, %get3A_114] {strides = array<i32>} : memref<32x80xi32, #tpu.memory_space<vmem>>, vector<1x16xi32>,
        %get3A_116 = vector.shape_cast %get3A_115 : vector<1x16xi32> to vector<16xi32>
        %swap3A_117 = arith.constant 48 : index
        %swap3A_118 = tpu.vector_load %arg9[%swap3A_117] {strides = array<i32>} : memref<80xi32, #tpu.memory_space<vmem>>, vector<16xi32>,
        %swap3A_119 = vector.shape_cast %swap3A_118 : vector<16xi32> to vector<16xi32>
        %swap3A_120 = vector.shape_cast %get3A_116 : vector<16xi32> to vector<16xi32>
        tpu.vector_store %arg9[%swap3A_117], %swap3A_120 {strides = array<i32>} : memref<80xi32, #tpu.memory_space<vmem>>, vector<16xi32>,
        %get3A_121 = arith.index_cast %add3A_88 : i32 to index
        %get3A_122 = arith.constant 64 : index
        %get3A_123 = tpu.vector_load %arg6[%get3A_121, %get3A_122] {strides = array<i32>} : memref<32x80xi32, #tpu.memory_space<vmem>>, vector<1x16xi32>,
        %get3A_124 = vector.shape_cast %get3A_123 : vector<1x16xi32> to vector<16xi32>
        %swap3A_125 = arith.constant 64 : index
        %swap3A_126 = tpu.vector_load %arg9[%swap3A_125] {strides = array<i32>} : memref<80xi32, #tpu.memory_space<vmem>>, vector<16xi32>,
        %swap3A_127 = vector.shape_cast %swap3A_126 : vector<16xi32> to vector<16xi32>
        %swap3A_128 = vector.shape_cast %get3A_124 : vector<16xi32> to vector<16xi32>
        tpu.vector_store %arg9[%swap3A_125], %swap3A_128 {strides = array<i32>} : memref<80xi32, #tpu.memory_space<vmem>>, vector<16xi32>,
        %dma_start3A_129 = arith.constant 0 : i32
        %dma_start3A_130 = arith.constant 0 : i32
        %dma_start3A_131 = tpu.memref_slice %arg2[%dma_start3A_129, %dma_start3A_130] : memref<10000x256xf32, #tpu.memory_space<hbm>> -> memref<10000x256xf32, #tpu.memory_space<hbm>>
        %dma_start3A_132 = arith.constant -1 : i32
        tpu.enqueue_indirect_dma source(%dma_start3A_131 : memref<10000x256xf32, #tpu.memory_space<hbm>>) target(%arg13 : memref<80x256xf32, #tpu.memory_space<vmem>>) offsets(%arg9 : memref<80xi32, #tpu.memory_space<vmem>>) offset_filter(%dma_start3A_132) semaphore(%arg15 : memref<!tpu.dma_semaphore, #tpu.memory_space<semaphore_mem>>)
        %dma_wait3A_133 = arith.constant 0 : i32
        %dma_wait3A_134 = arith.constant 0 : i32
        %dma_wait3A_135 = tpu.memref_slice %arg2[%dma_wait3A_133, %dma_wait3A_134] : memref<10000x256xf32, #tpu.memory_space<hbm>> -> memref<10000x256xf32, #tpu.memory_space<hbm>>
        tpu.wait_indirect_dma semaphore(%arg14 : memref<!tpu.dma_semaphore, #tpu.memory_space<semaphore_mem>>) src(%dma_wait3A_135 : memref<10000x256xf32, #tpu.memory_space<hbm>>) dst(%arg12 : memref<80x256xf32, #tpu.memory_space<vmem>>)
        %get3A_136 = arith.index_cast %mul3A_82 : i32 to index
        %get3A_137 = arith.constant 0 : index
        %get3A_138 = tpu.vector_load %arg7[%get3A_136, %get3A_137] {strides = array<i32>} : memref<32x80xi32, #tpu.memory_space<vmem>>, vector<1x16xi32>,
        %get3A_139 = vector.shape_cast %get3A_138 : vector<1x16xi32> to vector<16xi32>
        %swap3A_140 = arith.constant 0 : index
        %swap3A_141 = tpu.vector_load %arg10[%swap3A_140] {strides = array<i32>} : memref<80xi32, #tpu.memory_space<vmem>>, vector<16xi32>,
        %swap3A_142 = vector.shape_cast %swap3A_141 : vector<16xi32> to vector<16xi32>
        %swap3A_143 = vector.shape_cast %get3A_139 : vector<16xi32> to vector<16xi32>
        tpu.vector_store %arg10[%swap3A_140], %swap3A_143 {strides = array<i32>} : memref<80xi32, #tpu.memory_space<vmem>>, vector<16xi32>,
        %get3A_144 = arith.index_cast %mul3A_82 : i32 to index
        %get3A_145 = arith.constant 16 : index
        %get3A_146 = tpu.vector_load %arg7[%get3A_144, %get3A_145] {strides = array<i32>} : memref<32x80xi32, #tpu.memory_space<vmem>>, vector<1x16xi32>,
        %get3A_147 = vector.shape_cast %get3A_146 : vector<1x16xi32> to vector<16xi32>
        %swap3A_148 = arith.constant 16 : index
        %swap3A_149 = tpu.vector_load %arg10[%swap3A_148] {strides = array<i32>} : memref<80xi32, #tpu.memory_space<vmem>>, vector<16xi32>,
        %swap3A_150 = vector.shape_cast %swap3A_149 : vector<16xi32> to vector<16xi32>
        %swap3A_151 = vector.shape_cast %get3A_147 : vector<16xi32> to vector<16xi32>
        tpu.vector_store %arg10[%swap3A_148], %swap3A_151 {strides = array<i32>} : memref<80xi32, #tpu.memory_space<vmem>>, vector<16xi32>,
        %get3A_152 = arith.index_cast %mul3A_82 : i32 to index
        %get3A_153 = arith.constant 32 : index
        %get3A_154 = tpu.vector_load %arg7[%get3A_152, %get3A_153] {strides = array<i32>} : memref<32x80xi32, #tpu.memory_space<vmem>>, vector<1x16xi32>,
        %get3A_155 = vector.shape_cast %get3A_154 : vector<1x16xi32> to vector<16xi32>
        %swap3A_156 = arith.constant 32 : index
        %swap3A_157 = tpu.vector_load %arg10[%swap3A_156] {strides = array<i32>} : memref<80xi32, #tpu.memory_space<vmem>>, vector<16xi32>,
        %swap3A_158 = vector.shape_cast %swap3A_157 : vector<16xi32> to vector<16xi32>
        %swap3A_159 = vector.shape_cast %get3A_155 : vector<16xi32> to vector<16xi32>
        tpu.vector_store %arg10[%swap3A_156], %swap3A_159 {strides = array<i32>} : memref<80xi32, #tpu.memory_space<vmem>>, vector<16xi32>,
        %get3A_160 = arith.index_cast %mul3A_82 : i32 to index
        %get3A_161 = arith.constant 48 : index
        %get3A_162 = tpu.vector_load %arg7[%get3A_160, %get3A_161] {strides = array<i32>} : memref<32x80xi32, #tpu.memory_space<vmem>>, vector<1x16xi32>,
        %get3A_163 = vector.shape_cast %get3A_162 : vector<1x16xi32> to vector<16xi32>
        %swap3A_164 = arith.constant 48 : index
        %swap3A_165 = tpu.vector_load %arg10[%swap3A_164] {strides = array<i32>} : memref<80xi32, #tpu.memory_space<vmem>>, vector<16xi32>,
        %swap3A_166 = vector.shape_cast %swap3A_165 : vector<16xi32> to vector<16xi32>
        %swap3A_167 = vector.shape_cast %get3A_163 : vector<16xi32> to vector<16xi32>
        tpu.vector_store %arg10[%swap3A_164], %swap3A_167 {strides = array<i32>} : memref<80xi32, #tpu.memory_space<vmem>>, vector<16xi32>,
        %get3A_168 = arith.index_cast %mul3A_82 : i32 to index
        %get3A_169 = arith.constant 64 : index
        %get3A_170 = tpu.vector_load %arg7[%get3A_168, %get3A_169] {strides = array<i32>} : memref<32x80xi32, #tpu.memory_space<vmem>>, vector<1x16xi32>,
        %get3A_171 = vector.shape_cast %get3A_170 : vector<1x16xi32> to vector<16xi32>
        %swap3A_172 = arith.constant 64 : index
        %swap3A_173 = tpu.vector_load %arg10[%swap3A_172] {strides = array<i32>} : memref<80xi32, #tpu.memory_space<vmem>>, vector<16xi32>,
        %swap3A_174 = vector.shape_cast %swap3A_173 : vector<16xi32> to vector<16xi32>
        %swap3A_175 = vector.shape_cast %get3A_171 : vector<16xi32> to vector<16xi32>
        tpu.vector_store %arg10[%swap3A_172], %swap3A_175 {strides = array<i32>} : memref<80xi32, #tpu.memory_space<vmem>>, vector<16xi32>,
        %dma_start3A_176 = arith.constant 0 : i32
        %dma_start3A_177 = arith.constant 0 : i32
        %dma_start3A_178 = tpu.memref_slice %arg18[%dma_start3A_176, %dma_start3A_177] : memref<5008x256xf32, #tpu.memory_space<vmem_shared>> -> memref<5008x256xf32, #tpu.memory_space<vmem_shared>>
        %dma_start3A_179 = arith.constant -1 : i32
        tpu.enqueue_indirect_dma source(%arg12 : memref<80x256xf32, #tpu.memory_space<vmem>>) target(%dma_start3A_178 : memref<5008x256xf32, #tpu.memory_space<vmem_shared>>) offsets(%arg10 : memref<80xi32, #tpu.memory_space<vmem>>) offset_filter(%dma_start3A_179) semaphore(%arg16 : memref<!tpu.dma_semaphore, #tpu.memory_space<semaphore_mem>>) {add = true}
        %add3A_180 = arith.constant 2 : i32
        %add3A_181 = arith.addi %mul3A_82, %add3A_180 : i32
        %lt3A = arith.constant 32 : i32
        %lt3A_182 = arith.cmpi slt, %add3A_181, %lt3A : i32
        %convert_element_type3A_183 = arith.extui %lt3A_182 : i1 to i32
        %cond3A_184 = arith.constant 0 : i32
        %cond3A_185 = arith.cmpi ne, %convert_element_type3A_183, %cond3A_184 : i32
        scf.if %cond3A_185 {
          %dma_wait3A_236 = arith.constant 0 : i32
          %dma_wait3A_237 = arith.constant 0 : i32
          %dma_wait3A_238 = tpu.memref_slice %arg18[%dma_wait3A_236, %dma_wait3A_237] : memref<5008x256xf32, #tpu.memory_space<vmem_shared>> -> memref<5008x256xf32, #tpu.memory_space<vmem_shared>>
          tpu.wait_indirect_dma semaphore(%arg16 : memref<!tpu.dma_semaphore, #tpu.memory_space<semaphore_mem>>) src(%arg12 : memref<80x256xf32, #tpu.memory_space<vmem>>) dst(%dma_wait3A_238 : memref<5008x256xf32, #tpu.memory_space<vmem_shared>>)
          %add3A_239 = arith.constant 2 : i32
          %add3A_240 = arith.addi %mul3A_82, %add3A_239 : i32
          %get3A_241 = arith.index_cast %add3A_240 : i32 to index
          %get3A_242 = arith.constant 0 : index
          %get3A_243 = tpu.vector_load %arg6[%get3A_241, %get3A_242] {strides = array<i32>} : memref<32x80xi32, #tpu.memory_space<vmem>>, vector<1x16xi32>,
          %get3A_244 = vector.shape_cast %get3A_243 : vector<1x16xi32> to vector<16xi32>
          %swap3A_245 = arith.constant 0 : index
          %swap3A_246 = tpu.vector_load %arg8[%swap3A_245] {strides = array<i32>} : memref<80xi32, #tpu.memory_space<vmem>>, vector<16xi32>,
          %swap3A_247 = vector.shape_cast %swap3A_246 : vector<16xi32> to vector<16xi32>
          %swap3A_248 = vector.shape_cast %get3A_244 : vector<16xi32> to vector<16xi32>
          tpu.vector_store %arg8[%swap3A_245], %swap3A_248 {strides = array<i32>} : memref<80xi32, #tpu.memory_space<vmem>>, vector<16xi32>,
          %get3A_249 = arith.index_cast %add3A_240 : i32 to index
          %get3A_250 = arith.constant 16 : index
          %get3A_251 = tpu.vector_load %arg6[%get3A_249, %get3A_250] {strides = array<i32>} : memref<32x80xi32, #tpu.memory_space<vmem>>, vector<1x16xi32>,
          %get3A_252 = vector.shape_cast %get3A_251 : vector<1x16xi32> to vector<16xi32>
          %swap3A_253 = arith.constant 16 : index
          %swap3A_254 = tpu.vector_load %arg8[%swap3A_253] {strides = array<i32>} : memref<80xi32, #tpu.memory_space<vmem>>, vector<16xi32>,
          %swap3A_255 = vector.shape_cast %swap3A_254 : vector<16xi32> to vector<16xi32>
          %swap3A_256 = vector.shape_cast %get3A_252 : vector<16xi32> to vector<16xi32>
          tpu.vector_store %arg8[%swap3A_253], %swap3A_256 {strides = array<i32>} : memref<80xi32, #tpu.memory_space<vmem>>, vector<16xi32>,
          %get3A_257 = arith.index_cast %add3A_240 : i32 to index
          %get3A_258 = arith.constant 32 : index
          %get3A_259 = tpu.vector_load %arg6[%get3A_257, %get3A_258] {strides = array<i32>} : memref<32x80xi32, #tpu.memory_space<vmem>>, vector<1x16xi32>,
          %get3A_260 = vector.shape_cast %get3A_259 : vector<1x16xi32> to vector<16xi32>
          %swap3A_261 = arith.constant 32 : index
          %swap3A_262 = tpu.vector_load %arg8[%swap3A_261] {strides = array<i32>} : memref<80xi32, #tpu.memory_space<vmem>>, vector<16xi32>,
          %swap3A_263 = vector.shape_cast %swap3A_262 : vector<16xi32> to vector<16xi32>
          %swap3A_264 = vector.shape_cast %get3A_260 : vector<16xi32> to vector<16xi32>
          tpu.vector_store %arg8[%swap3A_261], %swap3A_264 {strides = array<i32>} : memref<80xi32, #tpu.memory_space<vmem>>, vector<16xi32>,
          %get3A_265 = arith.index_cast %add3A_240 : i32 to index
          %get3A_266 = arith.constant 48 : index
          %get3A_267 = tpu.vector_load %arg6[%get3A_265, %get3A_266] {strides = array<i32>} : memref<32x80xi32, #tpu.memory_space<vmem>>, vector<1x16xi32>,
          %get3A_268 = vector.shape_cast %get3A_267 : vector<1x16xi32> to vector<16xi32>
          %swap3A_269 = arith.constant 48 : index
          %swap3A_270 = tpu.vector_load %arg8[%swap3A_269] {strides = array<i32>} : memref<80xi32, #tpu.memory_space<vmem>>, vector<16xi32>,
          %swap3A_271 = vector.shape_cast %swap3A_270 : vector<16xi32> to vector<16xi32>
          %swap3A_272 = vector.shape_cast %get3A_268 : vector<16xi32> to vector<16xi32>
          tpu.vector_store %arg8[%swap3A_269], %swap3A_272 {strides = array<i32>} : memref<80xi32, #tpu.memory_space<vmem>>, vector<16xi32>,
          %get3A_273 = arith.index_cast %add3A_240 : i32 to index
          %get3A_274 = arith.constant 64 : index
          %get3A_275 = tpu.vector_load %arg6[%get3A_273, %get3A_274] {strides = array<i32>} : memref<32x80xi32, #tpu.memory_space<vmem>>, vector<1x16xi32>,
          %get3A_276 = vector.shape_cast %get3A_275 : vector<1x16xi32> to vector<16xi32>
          %swap3A_277 = arith.constant 64 : index
          %swap3A_278 = tpu.vector_load %arg8[%swap3A_277] {strides = array<i32>} : memref<80xi32, #tpu.memory_space<vmem>>, vector<16xi32>,
          %swap3A_279 = vector.shape_cast %swap3A_278 : vector<16xi32> to vector<16xi32>
          %swap3A_280 = vector.shape_cast %get3A_276 : vector<16xi32> to vector<16xi32>
          tpu.vector_store %arg8[%swap3A_277], %swap3A_280 {strides = array<i32>} : memref<80xi32, #tpu.memory_space<vmem>>, vector<16xi32>,
          %dma_start3A_281 = arith.constant 0 : i32
          %dma_start3A_282 = arith.constant 0 : i32
          %dma_start3A_283 = tpu.memref_slice %arg2[%dma_start3A_281, %dma_start3A_282] : memref<10000x256xf32, #tpu.memory_space<hbm>> -> memref<10000x256xf32, #tpu.memory_space<hbm>>
          %dma_start3A_284 = arith.constant -1 : i32
          tpu.enqueue_indirect_dma source(%dma_start3A_283 : memref<10000x256xf32, #tpu.memory_space<hbm>>) target(%arg12 : memref<80x256xf32, #tpu.memory_space<vmem>>) offsets(%arg8 : memref<80xi32, #tpu.memory_space<vmem>>) offset_filter(%dma_start3A_284) semaphore(%arg14 : memref<!tpu.dma_semaphore, #tpu.memory_space<semaphore_mem>>)
        } else {
        }
        %dma_wait3A_186 = arith.constant 0 : i32
        %dma_wait3A_187 = arith.constant 0 : i32
        %dma_wait3A_188 = tpu.memref_slice %arg2[%dma_wait3A_186, %dma_wait3A_187] : memref<10000x256xf32, #tpu.memory_space<hbm>> -> memref<10000x256xf32, #tpu.memory_space<hbm>>
        tpu.wait_indirect_dma semaphore(%arg15 : memref<!tpu.dma_semaphore, #tpu.memory_space<semaphore_mem>>) src(%dma_wait3A_188 : memref<10000x256xf32, #tpu.memory_space<hbm>>) dst(%arg13 : memref<80x256xf32, #tpu.memory_space<vmem>>)
        %add3A_189 = arith.constant 1 : i32
        %add3A_190 = arith.addi %mul3A_82, %add3A_189 : i32
        %get3A_191 = arith.index_cast %add3A_190 : i32 to index
        %get3A_192 = arith.constant 0 : index
        %get3A_193 = tpu.vector_load %arg7[%get3A_191, %get3A_192] {strides = array<i32>} : memref<32x80xi32, #tpu.memory_space<vmem>>, vector<1x16xi32>,
        %get3A_194 = vector.shape_cast %get3A_193 : vector<1x16xi32> to vector<16xi32>
        %swap3A_195 = arith.constant 0 : index
        %swap3A_196 = tpu.vector_load %arg11[%swap3A_195] {strides = array<i32>} : memref<80xi32, #tpu.memory_space<vmem>>, vector<16xi32>,
        %swap3A_197 = vector.shape_cast %swap3A_196 : vector<16xi32> to vector<16xi32>
        %swap3A_198 = vector.shape_cast %get3A_194 : vector<16xi32> to vector<16xi32>
        tpu.vector_store %arg11[%swap3A_195], %swap3A_198 {strides = array<i32>} : memref<80xi32, #tpu.memory_space<vmem>>, vector<16xi32>,
        %get3A_199 = arith.index_cast %add3A_190 : i32 to index
        %get3A_200 = arith.constant 16 : index
        %get3A_201 = tpu.vector_load %arg7[%get3A_199, %get3A_200] {strides = array<i32>} : memref<32x80xi32, #tpu.memory_space<vmem>>, vector<1x16xi32>,
        %get3A_202 = vector.shape_cast %get3A_201 : vector<1x16xi32> to vector<16xi32>
        %swap3A_203 = arith.constant 16 : index
        %swap3A_204 = tpu.vector_load %arg11[%swap3A_203] {strides = array<i32>} : memref<80xi32, #tpu.memory_space<vmem>>, vector<16xi32>,
        %swap3A_205 = vector.shape_cast %swap3A_204 : vector<16xi32> to vector<16xi32>
        %swap3A_206 = vector.shape_cast %get3A_202 : vector<16xi32> to vector<16xi32>
        tpu.vector_store %arg11[%swap3A_203], %swap3A_206 {strides = array<i32>} : memref<80xi32, #tpu.memory_space<vmem>>, vector<16xi32>,
        %get3A_207 = arith.index_cast %add3A_190 : i32 to index
        %get3A_208 = arith.constant 32 : index
        %get3A_209 = tpu.vector_load %arg7[%get3A_207, %get3A_208] {strides = array<i32>} : memref<32x80xi32, #tpu.memory_space<vmem>>, vector<1x16xi32>,
        %get3A_210 = vector.shape_cast %get3A_209 : vector<1x16xi32> to vector<16xi32>
        %swap3A_211 = arith.constant 32 : index
        %swap3A_212 = tpu.vector_load %arg11[%swap3A_211] {strides = array<i32>} : memref<80xi32, #tpu.memory_space<vmem>>, vector<16xi32>,
        %swap3A_213 = vector.shape_cast %swap3A_212 : vector<16xi32> to vector<16xi32>
        %swap3A_214 = vector.shape_cast %get3A_210 : vector<16xi32> to vector<16xi32>
        tpu.vector_store %arg11[%swap3A_211], %swap3A_214 {strides = array<i32>} : memref<80xi32, #tpu.memory_space<vmem>>, vector<16xi32>,
        %get3A_215 = arith.index_cast %add3A_190 : i32 to index
        %get3A_216 = arith.constant 48 : index
        %get3A_217 = tpu.vector_load %arg7[%get3A_215, %get3A_216] {strides = array<i32>} : memref<32x80xi32, #tpu.memory_space<vmem>>, vector<1x16xi32>,
        %get3A_218 = vector.shape_cast %get3A_217 : vector<1x16xi32> to vector<16xi32>
        %swap3A_219 = arith.constant 48 : index
        %swap3A_220 = tpu.vector_load %arg11[%swap3A_219] {strides = array<i32>} : memref<80xi32, #tpu.memory_space<vmem>>, vector<16xi32>,
        %swap3A_221 = vector.shape_cast %swap3A_220 : vector<16xi32> to vector<16xi32>
        %swap3A_222 = vector.shape_cast %get3A_218 : vector<16xi32> to vector<16xi32>
        tpu.vector_store %arg11[%swap3A_219], %swap3A_222 {strides = array<i32>} : memref<80xi32, #tpu.memory_space<vmem>>, vector<16xi32>,
        %get3A_223 = arith.index_cast %add3A_190 : i32 to index
        %get3A_224 = arith.constant 64 : index
        %get3A_225 = tpu.vector_load %arg7[%get3A_223, %get3A_224] {strides = array<i32>} : memref<32x80xi32, #tpu.memory_space<vmem>>, vector<1x16xi32>,
        %get3A_226 = vector.shape_cast %get3A_225 : vector<1x16xi32> to vector<16xi32>
        %swap3A_227 = arith.constant 64 : index
        %swap3A_228 = tpu.vector_load %arg11[%swap3A_227] {strides = array<i32>} : memref<80xi32, #tpu.memory_space<vmem>>, vector<16xi32>,
        %swap3A_229 = vector.shape_cast %swap3A_228 : vector<16xi32> to vector<16xi32>
        %swap3A_230 = vector.shape_cast %get3A_226 : vector<16xi32> to vector<16xi32>
        tpu.vector_store %arg11[%swap3A_227], %swap3A_230 {strides = array<i32>} : memref<80xi32, #tpu.memory_space<vmem>>, vector<16xi32>,
        %dma_start3A_231 = arith.constant 0 : i32
        %dma_start3A_232 = arith.constant 0 : i32
        %dma_start3A_233 = tpu.memref_slice %arg18[%dma_start3A_231, %dma_start3A_232] : memref<5008x256xf32, #tpu.memory_space<vmem_shared>> -> memref<5008x256xf32, #tpu.memory_space<vmem_shared>>
        %dma_start3A_234 = arith.constant -1 : i32
        tpu.enqueue_indirect_dma source(%arg13 : memref<80x256xf32, #tpu.memory_space<vmem>>) target(%dma_start3A_233 : memref<5008x256xf32, #tpu.memory_space<vmem_shared>>) offsets(%arg11 : memref<80xi32, #tpu.memory_space<vmem>>) offset_filter(%dma_start3A_234) semaphore(%arg17 : memref<!tpu.dma_semaphore, #tpu.memory_space<semaphore_mem>>) {add = true}
        %scan3A_235 = arith.constant 0 : i32
        scf.yield %scan3A_235 : i32
      }
      %scan3A_72 = arith.constant 16 : i32
      %dma_wait3A = arith.constant 0 : i32
      %dma_wait3A_73 = arith.constant 0 : i32
      %dma_wait3A_74 = tpu.memref_slice %arg18[%dma_wait3A, %dma_wait3A_73] : memref<5008x256xf32, #tpu.memory_space<vmem_shared>> -> memref<5008x256xf32, #tpu.memory_space<vmem_shared>>
      tpu.wait_indirect_dma semaphore(%arg16 : memref<!tpu.dma_semaphore, #tpu.memory_space<semaphore_mem>>) src(%arg12 : memref<80x256xf32, #tpu.memory_space<vmem>>) dst(%dma_wait3A_74 : memref<5008x256xf32, #tpu.memory_space<vmem_shared>>)
      %dma_wait3A_75 = arith.constant 0 : i32
      %dma_wait3A_76 = arith.constant 0 : i32
      %dma_wait3A_77 = tpu.memref_slice %arg18[%dma_wait3A_75, %dma_wait3A_76] : memref<5008x256xf32, #tpu.memory_space<vmem_shared>> -> memref<5008x256xf32, #tpu.memory_space<vmem_shared>>
      tpu.wait_indirect_dma semaphore(%arg17 : memref<!tpu.dma_semaphore, #tpu.memory_space<semaphore_mem>>) src(%arg13 : memref<80x256xf32, #tpu.memory_space<vmem>>) dst(%dma_wait3A_77 : memref<5008x256xf32, #tpu.memory_space<vmem_shared>>)
      %scan3A_78 = arith.constant 0 : i32
      scf.yield %scan3A_78 : i32
    }
    %scan3A_10 = arith.constant 8 : i32
    %barrier3A_11 = arith.constant 0 : index
    tpu.barrier barrier_id(%barrier3A_11)
    %add3A_12 = arith.addi %mul3A_0, %mul3A_2 : i32
    "tpu.region"() ({
      %run_scoped3A = tpu.sem_alloc : memref<!tpu.dma_semaphore, #tpu.memory_space<semaphore_mem>>
      %dma_start3A = arith.constant 0 : i32
      %dma_start3A_18 = tpu.memref_slice %arg5[%add3A_12, %dma_start3A] : memref<10000x256xf32, #tpu.memory_space<hbm>> -> memref<312x256xf32, #tpu.memory_space<hbm>>
      %dma_start3A_19 = arith.constant 0 : i32
      %dma_start3A_20 = tpu.memref_slice %arg18[%mul3A_2, %dma_start3A_19] : memref<5008x256xf32, #tpu.memory_space<vmem_shared>> -> memref<312x256xf32, #tpu.memory_space<vmem_shared>>
      tpu.enqueue_dma source(%dma_start3A_20 : memref<312x256xf32, #tpu.memory_space<vmem_shared>>) target(%dma_start3A_18 : memref<312x256xf32, #tpu.memory_space<hbm>>) target_semaphore(%run_scoped3A : memref<!tpu.dma_semaphore, #tpu.memory_space<semaphore_mem>>)
      %dma_wait3A = arith.constant 0 : i32
      %dma_wait3A_21 = tpu.memref_slice %arg5[%add3A_12, %dma_wait3A] : memref<10000x256xf32, #tpu.memory_space<hbm>> -> memref<312x256xf32, #tpu.memory_space<hbm>>
      %dma_wait3A_22 = arith.constant 0 : i32
      %dma_wait3A_23 = tpu.memref_slice %arg18[%mul3A_2, %dma_wait3A_22] : memref<5008x256xf32, #tpu.memory_space<vmem_shared>> -> memref<312x256xf32, #tpu.memory_space<vmem_shared>>
      tpu.wait_dma2 semaphore(%run_scoped3A : memref<!tpu.dma_semaphore, #tpu.memory_space<semaphore_mem>>) src(%dma_wait3A_23 : memref<312x256xf32, #tpu.memory_space<vmem_shared>>) dst(%dma_wait3A_21 : memref<312x256xf32, #tpu.memory_space<hbm>>)
      tpu.yield
    }) : () -> ()
    %eq3A_13 = arith.constant 15 : i32
    %eq3A_14 = arith.cmpi eq, %arg1, %eq3A_13 : i32
    %convert_element_type3A_15 = arith.extui %eq3A_14 : i1 to i32
    %cond3A_16 = arith.constant 0 : i32
    %cond3A_17 = arith.cmpi ne, %convert_element_type3A_15, %cond3A_16 : i32
    scf.if %cond3A_17 {
      %add3A_18 = arith.constant 4992 : i32
      %add3A_19 = arith.addi %mul3A_0, %add3A_18 : i32
      "tpu.region"() ({
        %run_scoped3A = tpu.sem_alloc : memref<!tpu.dma_semaphore, #tpu.memory_space<semaphore_mem>>
        %dma_start3A = arith.constant 0 : i32
        %dma_start3A_20 = tpu.memref_slice %arg5[%add3A_19, %dma_start3A] : memref<10000x256xf32, #tpu.memory_space<hbm>> -> memref<8x256xf32, #tpu.memory_space<hbm>>
        %dma_start3A_21 = arith.constant 4992 : i32
        %dma_start3A_22 = arith.constant 0 : i32
        %dma_start3A_23 = tpu.memref_slice %arg18[%dma_start3A_21, %dma_start3A_22] : memref<5008x256xf32, #tpu.memory_space<vmem_shared>> -> memref<8x256xf32, #tpu.memory_space<vmem_shared>>
        tpu.enqueue_dma source(%dma_start3A_23 : memref<8x256xf32, #tpu.memory_space<vmem_shared>>) target(%dma_start3A_20 : memref<8x256xf32, #tpu.memory_space<hbm>>) target_semaphore(%run_scoped3A : memref<!tpu.dma_semaphore, #tpu.memory_space<semaphore_mem>>)
        %dma_wait3A = arith.constant 0 : i32
        %dma_wait3A_24 = tpu.memref_slice %arg5[%add3A_19, %dma_wait3A] : memref<10000x256xf32, #tpu.memory_space<hbm>> -> memref<8x256xf32, #tpu.memory_space<hbm>>
        %dma_wait3A_25 = arith.constant 4992 : i32
        %dma_wait3A_26 = arith.constant 0 : i32
        %dma_wait3A_27 = tpu.memref_slice %arg18[%dma_wait3A_25, %dma_wait3A_26] : memref<5008x256xf32, #tpu.memory_space<vmem_shared>> -> memref<8x256xf32, #tpu.memory_space<vmem_shared>>
        tpu.wait_dma2 semaphore(%run_scoped3A : memref<!tpu.dma_semaphore, #tpu.memory_space<semaphore_mem>>) src(%dma_wait3A_27 : memref<8x256xf32, #tpu.memory_space<vmem_shared>>) dst(%dma_wait3A_24 : memref<8x256xf32, #tpu.memory_space<hbm>>)
        tpu.yield
      }) : () -> ()
    } else {
    }
    return
  }
}

#map = affine_map<(d0, d1) -> (0, 0)>
#map1 = affine_map<(d0, d1) -> (0, 0, 0, 0, 0)>
module attributes {stable_mosaic.version = 14 : i64} {
  func.func @_sc_msgpass(%arg0: i32, %arg1: i32, %arg2: memref<10000x256xf32, #tpu.memory_space<hbm>>, %arg3: memref<2x16x8x32x80xi32, #tpu.memory_space<hbm>>, %arg4: memref<2x16x8x32x80xi32, #tpu.memory_space<hbm>>, %arg5: memref<10000x256xf32, #tpu.memory_space<hbm>>, %arg6: memref<32x80xi32, #tpu.memory_space<vmem>>, %arg7: memref<32x80xi32, #tpu.memory_space<vmem>>, %arg8: memref<80xi32, #tpu.memory_space<vmem>>, %arg9: memref<80xi32, #tpu.memory_space<vmem>>, %arg10: memref<80xi32, #tpu.memory_space<vmem>>, %arg11: memref<80xi32, #tpu.memory_space<vmem>>, %arg12: memref<80x256xf32, #tpu.memory_space<vmem>>, %arg13: memref<80x256xf32, #tpu.memory_space<vmem>>, %arg14: memref<!tpu.dma_semaphore, #tpu.memory_space<semaphore_mem>>, %arg15: memref<!tpu.dma_semaphore, #tpu.memory_space<semaphore_mem>>, %arg16: memref<!tpu.dma_semaphore, #tpu.memory_space<semaphore_mem>>, %arg17: memref<!tpu.dma_semaphore, #tpu.memory_space<semaphore_mem>>, %arg18: memref<5008x256xf32, #tpu.memory_space<vmem_shared>>) attributes {dimension_semantics = [#tpu.dimension_semantics<core_parallel>, #tpu.dimension_semantics<subcore_parallel>], iteration_bounds = array<i64: 2, 16>, scalar_prefetch = 0 : i64, scratch_operands = 13 : i64, tpu.core_type = #tpu.core_type<sc_vector_subcore>, window_params = [{transform_indices = #map}, {transform_indices = #map1}, {transform_indices = #map1}, {transform_indices = #map}]} {
    %mul3A = arith.constant 5000 : i32
    %mul3A_0 = arith.muli %arg0, %mul3A : i32
    %mul3A_1 = arith.constant 312 : i32
    %mul3A_2 = arith.muli %arg1, %mul3A_1 : i32
    %add3A = arith.addi %mul3A_0, %mul3A_2 : i32
    "tpu.region"() ({
      %run_scoped3A = tpu.sem_alloc : memref<!tpu.dma_semaphore, #tpu.memory_space<semaphore_mem>>
      %dma_start3A = arith.constant 0 : i32
      %dma_start3A_18 = tpu.memref_slice %arg18[%mul3A_2, %dma_start3A] : memref<5008x256xf32, #tpu.memory_space<vmem_shared>> -> memref<312x256xf32, #tpu.memory_space<vmem_shared>>
      %dma_start3A_19 = arith.constant 0 : i32
      %dma_start3A_20 = tpu.memref_slice %arg2[%add3A, %dma_start3A_19] : memref<10000x256xf32, #tpu.memory_space<hbm>> -> memref<312x256xf32, #tpu.memory_space<hbm>>
      tpu.enqueue_dma source(%dma_start3A_20 : memref<312x256xf32, #tpu.memory_space<hbm>>) target(%dma_start3A_18 : memref<312x256xf32, #tpu.memory_space<vmem_shared>>) target_semaphore(%run_scoped3A : memref<!tpu.dma_semaphore, #tpu.memory_space<semaphore_mem>>)
      %dma_wait3A = arith.constant 0 : i32
      %dma_wait3A_21 = tpu.memref_slice %arg18[%mul3A_2, %dma_wait3A] : memref<5008x256xf32, #tpu.memory_space<vmem_shared>> -> memref<312x256xf32, #tpu.memory_space<vmem_shared>>
      %dma_wait3A_22 = arith.constant 0 : i32
      %dma_wait3A_23 = tpu.memref_slice %arg2[%add3A, %dma_wait3A_22] : memref<10000x256xf32, #tpu.memory_space<hbm>> -> memref<312x256xf32, #tpu.memory_space<hbm>>
      tpu.wait_dma2 semaphore(%run_scoped3A : memref<!tpu.dma_semaphore, #tpu.memory_space<semaphore_mem>>) src(%dma_wait3A_23 : memref<312x256xf32, #tpu.memory_space<hbm>>) dst(%dma_wait3A_21 : memref<312x256xf32, #tpu.memory_space<vmem_shared>>)
      tpu.yield
    }) : () -> ()
    %eq3A = arith.constant 15 : i32
    %eq3A_3 = arith.cmpi eq, %arg1, %eq3A : i32
    %convert_element_type3A = arith.extui %eq3A_3 : i1 to i32
    %cond3A = arith.constant 0 : i32
    %cond3A_4 = arith.cmpi ne, %convert_element_type3A, %cond3A : i32
    scf.if %cond3A_4 {
      %add3A_18 = arith.constant 4992 : i32
      %add3A_19 = arith.addi %mul3A_0, %add3A_18 : i32
      "tpu.region"() ({
        %run_scoped3A = tpu.sem_alloc : memref<!tpu.dma_semaphore, #tpu.memory_space<semaphore_mem>>
        %dma_start3A = arith.constant 4992 : i32
        %dma_start3A_20 = arith.constant 0 : i32
        %dma_start3A_21 = tpu.memref_slice %arg18[%dma_start3A, %dma_start3A_20] : memref<5008x256xf32, #tpu.memory_space<vmem_shared>> -> memref<8x256xf32, #tpu.memory_space<vmem_shared>>
        %dma_start3A_22 = arith.constant 0 : i32
        %dma_start3A_23 = tpu.memref_slice %arg2[%add3A_19, %dma_start3A_22] : memref<10000x256xf32, #tpu.memory_space<hbm>> -> memref<8x256xf32, #tpu.memory_space<hbm>>
        tpu.enqueue_dma source(%dma_start3A_23 : memref<8x256xf32, #tpu.memory_space<hbm>>) target(%dma_start3A_21 : memref<8x256xf32, #tpu.memory_space<vmem_shared>>) target_semaphore(%run_scoped3A : memref<!tpu.dma_semaphore, #tpu.memory_space<semaphore_mem>>)
        %dma_wait3A = arith.constant 4992 : i32
        %dma_wait3A_24 = arith.constant 0 : i32
        %dma_wait3A_25 = tpu.memref_slice %arg18[%dma_wait3A, %dma_wait3A_24] : memref<5008x256xf32, #tpu.memory_space<vmem_shared>> -> memref<8x256xf32, #tpu.memory_space<vmem_shared>>
        %dma_wait3A_26 = arith.constant 0 : i32
        %dma_wait3A_27 = tpu.memref_slice %arg2[%add3A_19, %dma_wait3A_26] : memref<10000x256xf32, #tpu.memory_space<hbm>> -> memref<8x256xf32, #tpu.memory_space<hbm>>
        tpu.wait_dma2 semaphore(%run_scoped3A : memref<!tpu.dma_semaphore, #tpu.memory_space<semaphore_mem>>) src(%dma_wait3A_27 : memref<8x256xf32, #tpu.memory_space<hbm>>) dst(%dma_wait3A_25 : memref<8x256xf32, #tpu.memory_space<vmem_shared>>)
        tpu.yield
      }) : () -> ()
    } else {
    }
    %barrier3A = arith.constant 0 : index
    tpu.barrier barrier_id(%barrier3A)
    %scan3A = arith.constant 0 : i32
    %scan3A_5 = arith.constant 0 : i32
    %scan3A_6 = arith.constant 8 : i32
    %scan3A_7 = arith.addi %scan3A_5, %scan3A_6 : i32
    %scan3A_8 = arith.constant 1 : i32
    %scan3A_9 = scf.for %scan3A_18 = %scan3A_5 to %scan3A_7 step %scan3A_8 iter_args(%scan3A_19 = %scan3A) -> (i32)  : i32 {
      "tpu.region"() ({
        %run_scoped3A = tpu.sem_alloc : memref<!tpu.dma_semaphore, #tpu.memory_space<semaphore_mem>>
        %dma_start3A_79 = arith.constant 0 : i32
        %dma_start3A_80 = arith.constant 0 : i32
        %dma_start3A_81 = tpu.memref_slice %arg3[%arg0, %arg1, %scan3A_18, %dma_start3A_79, %dma_start3A_80] : memref<2x16x8x32x80xi32, #tpu.memory_space<hbm>> -> memref<1x1x1x32x80xi32, #tpu.memory_space<hbm>>
        %dma_start3A_82 = tpu.memref_squeeze %dma_start3A_81 : memref<1x1x1x32x80xi32, #tpu.memory_space<hbm>> -> memref<32x80xi32, #tpu.memory_space<hbm>>
        %dma_start3A_83 = arith.constant 0 : i32
        %dma_start3A_84 = arith.constant 0 : i32
        %dma_start3A_85 = tpu.memref_slice %arg3[%arg0, %arg1, %scan3A_18, %dma_start3A_83, %dma_start3A_84] : memref<2x16x8x32x80xi32, #tpu.memory_space<hbm>> -> memref<1x1x1x32x80xi32, #tpu.memory_space<hbm>>
        %dma_start3A_86 = tpu.memref_squeeze %dma_start3A_85 : memref<1x1x1x32x80xi32, #tpu.memory_space<hbm>> -> memref<32x80xi32, #tpu.memory_space<hbm>>
        tpu.enqueue_dma source(%dma_start3A_86 : memref<32x80xi32, #tpu.memory_space<hbm>>) target(%arg6 : memref<32x80xi32, #tpu.memory_space<vmem>>) target_semaphore(%run_scoped3A : memref<!tpu.dma_semaphore, #tpu.memory_space<semaphore_mem>>)
        %dma_wait3A_87 = arith.constant 0 : i32
        %dma_wait3A_88 = arith.constant 0 : i32
        %dma_wait3A_89 = tpu.memref_slice %arg3[%arg0, %arg1, %scan3A_18, %dma_wait3A_87, %dma_wait3A_88] : memref<2x16x8x32x80xi32, #tpu.memory_space<hbm>> -> memref<1x1x1x32x80xi32, #tpu.memory_space<hbm>>
        %dma_wait3A_90 = tpu.memref_squeeze %dma_wait3A_89 : memref<1x1x1x32x80xi32, #tpu.memory_space<hbm>> -> memref<32x80xi32, #tpu.memory_space<hbm>>
        %dma_wait3A_91 = arith.constant 0 : i32
        %dma_wait3A_92 = arith.constant 0 : i32
        %dma_wait3A_93 = tpu.memref_slice %arg3[%arg0, %arg1, %scan3A_18, %dma_wait3A_91, %dma_wait3A_92] : memref<2x16x8x32x80xi32, #tpu.memory_space<hbm>> -> memref<1x1x1x32x80xi32, #tpu.memory_space<hbm>>
        %dma_wait3A_94 = tpu.memref_squeeze %dma_wait3A_93 : memref<1x1x1x32x80xi32, #tpu.memory_space<hbm>> -> memref<32x80xi32, #tpu.memory_space<hbm>>
        tpu.wait_dma2 semaphore(%run_scoped3A : memref<!tpu.dma_semaphore, #tpu.memory_space<semaphore_mem>>) src(%dma_wait3A_94 : memref<32x80xi32, #tpu.memory_space<hbm>>) dst(%arg6 : memref<32x80xi32, #tpu.memory_space<vmem>>)
        tpu.yield
      }) : () -> ()
      "tpu.region"() ({
        %run_scoped3A = tpu.sem_alloc : memref<!tpu.dma_semaphore, #tpu.memory_space<semaphore_mem>>
        %dma_start3A_79 = arith.constant 0 : i32
        %dma_start3A_80 = arith.constant 0 : i32
        %dma_start3A_81 = tpu.memref_slice %arg4[%arg0, %arg1, %scan3A_18, %dma_start3A_79, %dma_start3A_80] : memref<2x16x8x32x80xi32, #tpu.memory_space<hbm>> -> memref<1x1x1x32x80xi32, #tpu.memory_space<hbm>>
        %dma_start3A_82 = tpu.memref_squeeze %dma_start3A_81 : memref<1x1x1x32x80xi32, #tpu.memory_space<hbm>> -> memref<32x80xi32, #tpu.memory_space<hbm>>
        %dma_start3A_83 = arith.constant 0 : i32
        %dma_start3A_84 = arith.constant 0 : i32
        %dma_start3A_85 = tpu.memref_slice %arg4[%arg0, %arg1, %scan3A_18, %dma_start3A_83, %dma_start3A_84] : memref<2x16x8x32x80xi32, #tpu.memory_space<hbm>> -> memref<1x1x1x32x80xi32, #tpu.memory_space<hbm>>
        %dma_start3A_86 = tpu.memref_squeeze %dma_start3A_85 : memref<1x1x1x32x80xi32, #tpu.memory_space<hbm>> -> memref<32x80xi32, #tpu.memory_space<hbm>>
        tpu.enqueue_dma source(%dma_start3A_86 : memref<32x80xi32, #tpu.memory_space<hbm>>) target(%arg7 : memref<32x80xi32, #tpu.memory_space<vmem>>) target_semaphore(%run_scoped3A : memref<!tpu.dma_semaphore, #tpu.memory_space<semaphore_mem>>)
        %dma_wait3A_87 = arith.constant 0 : i32
        %dma_wait3A_88 = arith.constant 0 : i32
        %dma_wait3A_89 = tpu.memref_slice %arg4[%arg0, %arg1, %scan3A_18, %dma_wait3A_87, %dma_wait3A_88] : memref<2x16x8x32x80xi32, #tpu.memory_space<hbm>> -> memref<1x1x1x32x80xi32, #tpu.memory_space<hbm>>
        %dma_wait3A_90 = tpu.memref_squeeze %dma_wait3A_89 : memref<1x1x1x32x80xi32, #tpu.memory_space<hbm>> -> memref<32x80xi32, #tpu.memory_space<hbm>>
        %dma_wait3A_91 = arith.constant 0 : i32
        %dma_wait3A_92 = arith.constant 0 : i32
        %dma_wait3A_93 = tpu.memref_slice %arg4[%arg0, %arg1, %scan3A_18, %dma_wait3A_91, %dma_wait3A_92] : memref<2x16x8x32x80xi32, #tpu.memory_space<hbm>> -> memref<1x1x1x32x80xi32, #tpu.memory_space<hbm>>
        %dma_wait3A_94 = tpu.memref_squeeze %dma_wait3A_93 : memref<1x1x1x32x80xi32, #tpu.memory_space<hbm>> -> memref<32x80xi32, #tpu.memory_space<hbm>>
        tpu.wait_dma2 semaphore(%run_scoped3A : memref<!tpu.dma_semaphore, #tpu.memory_space<semaphore_mem>>) src(%dma_wait3A_94 : memref<32x80xi32, #tpu.memory_space<hbm>>) dst(%arg7 : memref<32x80xi32, #tpu.memory_space<vmem>>)
        tpu.yield
      }) : () -> ()
      %get3A = arith.constant 0 : i32
      %get3A_20 = arith.index_cast %get3A : i32 to index
      %get3A_21 = arith.constant 0 : index
      %get3A_22 = tpu.vector_load %arg6[%get3A_20, %get3A_21] {strides = array<i32>} : memref<32x80xi32, #tpu.memory_space<vmem>>, vector<1x16xi32>,
      %get3A_23 = vector.shape_cast %get3A_22 : vector<1x16xi32> to vector<16xi32>
      %swap3A = arith.constant 0 : index
      %swap3A_24 = tpu.vector_load %arg8[%swap3A] {strides = array<i32>} : memref<80xi32, #tpu.memory_space<vmem>>, vector<16xi32>,
      %swap3A_25 = vector.shape_cast %swap3A_24 : vector<16xi32> to vector<16xi32>
      %swap3A_26 = vector.shape_cast %get3A_23 : vector<16xi32> to vector<16xi32>
      tpu.vector_store %arg8[%swap3A], %swap3A_26 {strides = array<i32>} : memref<80xi32, #tpu.memory_space<vmem>>, vector<16xi32>,
      %get3A_27 = arith.constant 0 : i32
      %get3A_28 = arith.index_cast %get3A_27 : i32 to index
      %get3A_29 = arith.constant 16 : index
      %get3A_30 = tpu.vector_load %arg6[%get3A_28, %get3A_29] {strides = array<i32>} : memref<32x80xi32, #tpu.memory_space<vmem>>, vector<1x16xi32>,
      %get3A_31 = vector.shape_cast %get3A_30 : vector<1x16xi32> to vector<16xi32>
      %swap3A_32 = arith.constant 16 : index
      %swap3A_33 = tpu.vector_load %arg8[%swap3A_32] {strides = array<i32>} : memref<80xi32, #tpu.memory_space<vmem>>, vector<16xi32>,
      %swap3A_34 = vector.shape_cast %swap3A_33 : vector<16xi32> to vector<16xi32>
      %swap3A_35 = vector.shape_cast %get3A_31 : vector<16xi32> to vector<16xi32>
      tpu.vector_store %arg8[%swap3A_32], %swap3A_35 {strides = array<i32>} : memref<80xi32, #tpu.memory_space<vmem>>, vector<16xi32>,
      %get3A_36 = arith.constant 0 : i32
      %get3A_37 = arith.index_cast %get3A_36 : i32 to index
      %get3A_38 = arith.constant 32 : index
      %get3A_39 = tpu.vector_load %arg6[%get3A_37, %get3A_38] {strides = array<i32>} : memref<32x80xi32, #tpu.memory_space<vmem>>, vector<1x16xi32>,
      %get3A_40 = vector.shape_cast %get3A_39 : vector<1x16xi32> to vector<16xi32>
      %swap3A_41 = arith.constant 32 : index
      %swap3A_42 = tpu.vector_load %arg8[%swap3A_41] {strides = array<i32>} : memref<80xi32, #tpu.memory_space<vmem>>, vector<16xi32>,
      %swap3A_43 = vector.shape_cast %swap3A_42 : vector<16xi32> to vector<16xi32>
      %swap3A_44 = vector.shape_cast %get3A_40 : vector<16xi32> to vector<16xi32>
      tpu.vector_store %arg8[%swap3A_41], %swap3A_44 {strides = array<i32>} : memref<80xi32, #tpu.memory_space<vmem>>, vector<16xi32>,
      %get3A_45 = arith.constant 0 : i32
      %get3A_46 = arith.index_cast %get3A_45 : i32 to index
      %get3A_47 = arith.constant 48 : index
      %get3A_48 = tpu.vector_load %arg6[%get3A_46, %get3A_47] {strides = array<i32>} : memref<32x80xi32, #tpu.memory_space<vmem>>, vector<1x16xi32>,
      %get3A_49 = vector.shape_cast %get3A_48 : vector<1x16xi32> to vector<16xi32>
      %swap3A_50 = arith.constant 48 : index
      %swap3A_51 = tpu.vector_load %arg8[%swap3A_50] {strides = array<i32>} : memref<80xi32, #tpu.memory_space<vmem>>, vector<16xi32>,
      %swap3A_52 = vector.shape_cast %swap3A_51 : vector<16xi32> to vector<16xi32>
      %swap3A_53 = vector.shape_cast %get3A_49 : vector<16xi32> to vector<16xi32>
      tpu.vector_store %arg8[%swap3A_50], %swap3A_53 {strides = array<i32>} : memref<80xi32, #tpu.memory_space<vmem>>, vector<16xi32>,
      %get3A_54 = arith.constant 0 : i32
      %get3A_55 = arith.index_cast %get3A_54 : i32 to index
      %get3A_56 = arith.constant 64 : index
      %get3A_57 = tpu.vector_load %arg6[%get3A_55, %get3A_56] {strides = array<i32>} : memref<32x80xi32, #tpu.memory_space<vmem>>, vector<1x16xi32>,
      %get3A_58 = vector.shape_cast %get3A_57 : vector<1x16xi32> to vector<16xi32>
      %swap3A_59 = arith.constant 64 : index
      %swap3A_60 = tpu.vector_load %arg8[%swap3A_59] {strides = array<i32>} : memref<80xi32, #tpu.memory_space<vmem>>, vector<16xi32>,
      %swap3A_61 = vector.shape_cast %swap3A_60 : vector<16xi32> to vector<16xi32>
      %swap3A_62 = vector.shape_cast %get3A_58 : vector<16xi32> to vector<16xi32>
      tpu.vector_store %arg8[%swap3A_59], %swap3A_62 {strides = array<i32>} : memref<80xi32, #tpu.memory_space<vmem>>, vector<16xi32>,
      %dma_start3A = arith.constant 0 : i32
      %dma_start3A_63 = arith.constant 0 : i32
      %dma_start3A_64 = tpu.memref_slice %arg2[%dma_start3A, %dma_start3A_63] : memref<10000x256xf32, #tpu.memory_space<hbm>> -> memref<10000x256xf32, #tpu.memory_space<hbm>>
      %dma_start3A_65 = arith.constant -1 : i32
      tpu.enqueue_indirect_dma source(%dma_start3A_64 : memref<10000x256xf32, #tpu.memory_space<hbm>>) target(%arg12 : memref<80x256xf32, #tpu.memory_space<vmem>>) offsets(%arg8 : memref<80xi32, #tpu.memory_space<vmem>>) offset_filter(%dma_start3A_65) semaphore(%arg14 : memref<!tpu.dma_semaphore, #tpu.memory_space<semaphore_mem>>)
      %scan3A_66 = arith.constant 0 : i32
      %scan3A_67 = arith.constant 0 : i32
      %scan3A_68 = arith.constant 16 : i32
      %scan3A_69 = arith.addi %scan3A_67, %scan3A_68 : i32
      %scan3A_70 = arith.constant 1 : i32
      %scan3A_71 = scf.for %scan3A_79 = %scan3A_67 to %scan3A_69 step %scan3A_70 iter_args(%scan3A_80 = %scan3A_66) -> (i32)  : i32 {
        %mul3A_81 = arith.constant 2 : i32
        %mul3A_82 = arith.muli %mul3A_81, %scan3A_79 : i32
        %gt3A = arith.constant 0 : i32
        %gt3A_83 = arith.cmpi sgt, %scan3A_79, %gt3A : i32
        %convert_element_type3A_84 = arith.extui %gt3A_83 : i1 to i32
        %cond3A_85 = arith.constant 0 : i32
        %cond3A_86 = arith.cmpi ne, %convert_element_type3A_84, %cond3A_85 : i32
        scf.if %cond3A_86 {
          %dma_wait3A_236 = arith.constant 0 : i32
          %dma_wait3A_237 = arith.constant 0 : i32
          %dma_wait3A_238 = tpu.memref_slice %arg18[%dma_wait3A_236, %dma_wait3A_237] : memref<5008x256xf32, #tpu.memory_space<vmem_shared>> -> memref<5008x256xf32, #tpu.memory_space<vmem_shared>>
          tpu.wait_indirect_dma semaphore(%arg17 : memref<!tpu.dma_semaphore, #tpu.memory_space<semaphore_mem>>) src(%arg13 : memref<80x256xf32, #tpu.memory_space<vmem>>) dst(%dma_wait3A_238 : memref<5008x256xf32, #tpu.memory_space<vmem_shared>>)
        } else {
        }
        %add3A_87 = arith.constant 1 : i32
        %add3A_88 = arith.addi %mul3A_82, %add3A_87 : i32
        %get3A_89 = arith.index_cast %add3A_88 : i32 to index
        %get3A_90 = arith.constant 0 : index
        %get3A_91 = tpu.vector_load %arg6[%get3A_89, %get3A_90] {strides = array<i32>} : memref<32x80xi32, #tpu.memory_space<vmem>>, vector<1x16xi32>,
        %get3A_92 = vector.shape_cast %get3A_91 : vector<1x16xi32> to vector<16xi32>
        %swap3A_93 = arith.constant 0 : index
        %swap3A_94 = tpu.vector_load %arg9[%swap3A_93] {strides = array<i32>} : memref<80xi32, #tpu.memory_space<vmem>>, vector<16xi32>,
        %swap3A_95 = vector.shape_cast %swap3A_94 : vector<16xi32> to vector<16xi32>
        %swap3A_96 = vector.shape_cast %get3A_92 : vector<16xi32> to vector<16xi32>
        tpu.vector_store %arg9[%swap3A_93], %swap3A_96 {strides = array<i32>} : memref<80xi32, #tpu.memory_space<vmem>>, vector<16xi32>,
        %get3A_97 = arith.index_cast %add3A_88 : i32 to index
        %get3A_98 = arith.constant 16 : index
        %get3A_99 = tpu.vector_load %arg6[%get3A_97, %get3A_98] {strides = array<i32>} : memref<32x80xi32, #tpu.memory_space<vmem>>, vector<1x16xi32>,
        %get3A_100 = vector.shape_cast %get3A_99 : vector<1x16xi32> to vector<16xi32>
        %swap3A_101 = arith.constant 16 : index
        %swap3A_102 = tpu.vector_load %arg9[%swap3A_101] {strides = array<i32>} : memref<80xi32, #tpu.memory_space<vmem>>, vector<16xi32>,
        %swap3A_103 = vector.shape_cast %swap3A_102 : vector<16xi32> to vector<16xi32>
        %swap3A_104 = vector.shape_cast %get3A_100 : vector<16xi32> to vector<16xi32>
        tpu.vector_store %arg9[%swap3A_101], %swap3A_104 {strides = array<i32>} : memref<80xi32, #tpu.memory_space<vmem>>, vector<16xi32>,
        %get3A_105 = arith.index_cast %add3A_88 : i32 to index
        %get3A_106 = arith.constant 32 : index
        %get3A_107 = tpu.vector_load %arg6[%get3A_105, %get3A_106] {strides = array<i32>} : memref<32x80xi32, #tpu.memory_space<vmem>>, vector<1x16xi32>,
        %get3A_108 = vector.shape_cast %get3A_107 : vector<1x16xi32> to vector<16xi32>
        %swap3A_109 = arith.constant 32 : index
        %swap3A_110 = tpu.vector_load %arg9[%swap3A_109] {strides = array<i32>} : memref<80xi32, #tpu.memory_space<vmem>>, vector<16xi32>,
        %swap3A_111 = vector.shape_cast %swap3A_110 : vector<16xi32> to vector<16xi32>
        %swap3A_112 = vector.shape_cast %get3A_108 : vector<16xi32> to vector<16xi32>
        tpu.vector_store %arg9[%swap3A_109], %swap3A_112 {strides = array<i32>} : memref<80xi32, #tpu.memory_space<vmem>>, vector<16xi32>,
        %get3A_113 = arith.index_cast %add3A_88 : i32 to index
        %get3A_114 = arith.constant 48 : index
        %get3A_115 = tpu.vector_load %arg6[%get3A_113, %get3A_114] {strides = array<i32>} : memref<32x80xi32, #tpu.memory_space<vmem>>, vector<1x16xi32>,
        %get3A_116 = vector.shape_cast %get3A_115 : vector<1x16xi32> to vector<16xi32>
        %swap3A_117 = arith.constant 48 : index
        %swap3A_118 = tpu.vector_load %arg9[%swap3A_117] {strides = array<i32>} : memref<80xi32, #tpu.memory_space<vmem>>, vector<16xi32>,
        %swap3A_119 = vector.shape_cast %swap3A_118 : vector<16xi32> to vector<16xi32>
        %swap3A_120 = vector.shape_cast %get3A_116 : vector<16xi32> to vector<16xi32>
        tpu.vector_store %arg9[%swap3A_117], %swap3A_120 {strides = array<i32>} : memref<80xi32, #tpu.memory_space<vmem>>, vector<16xi32>,
        %get3A_121 = arith.index_cast %add3A_88 : i32 to index
        %get3A_122 = arith.constant 64 : index
        %get3A_123 = tpu.vector_load %arg6[%get3A_121, %get3A_122] {strides = array<i32>} : memref<32x80xi32, #tpu.memory_space<vmem>>, vector<1x16xi32>,
        %get3A_124 = vector.shape_cast %get3A_123 : vector<1x16xi32> to vector<16xi32>
        %swap3A_125 = arith.constant 64 : index
        %swap3A_126 = tpu.vector_load %arg9[%swap3A_125] {strides = array<i32>} : memref<80xi32, #tpu.memory_space<vmem>>, vector<16xi32>,
        %swap3A_127 = vector.shape_cast %swap3A_126 : vector<16xi32> to vector<16xi32>
        %swap3A_128 = vector.shape_cast %get3A_124 : vector<16xi32> to vector<16xi32>
        tpu.vector_store %arg9[%swap3A_125], %swap3A_128 {strides = array<i32>} : memref<80xi32, #tpu.memory_space<vmem>>, vector<16xi32>,
        %dma_start3A_129 = arith.constant 0 : i32
        %dma_start3A_130 = arith.constant 0 : i32
        %dma_start3A_131 = tpu.memref_slice %arg2[%dma_start3A_129, %dma_start3A_130] : memref<10000x256xf32, #tpu.memory_space<hbm>> -> memref<10000x256xf32, #tpu.memory_space<hbm>>
        %dma_start3A_132 = arith.constant -1 : i32
        tpu.enqueue_indirect_dma source(%dma_start3A_131 : memref<10000x256xf32, #tpu.memory_space<hbm>>) target(%arg13 : memref<80x256xf32, #tpu.memory_space<vmem>>) offsets(%arg9 : memref<80xi32, #tpu.memory_space<vmem>>) offset_filter(%dma_start3A_132) semaphore(%arg15 : memref<!tpu.dma_semaphore, #tpu.memory_space<semaphore_mem>>)
        %dma_wait3A_133 = arith.constant 0 : i32
        %dma_wait3A_134 = arith.constant 0 : i32
        %dma_wait3A_135 = tpu.memref_slice %arg2[%dma_wait3A_133, %dma_wait3A_134] : memref<10000x256xf32, #tpu.memory_space<hbm>> -> memref<10000x256xf32, #tpu.memory_space<hbm>>
        tpu.wait_indirect_dma semaphore(%arg14 : memref<!tpu.dma_semaphore, #tpu.memory_space<semaphore_mem>>) src(%dma_wait3A_135 : memref<10000x256xf32, #tpu.memory_space<hbm>>) dst(%arg12 : memref<80x256xf32, #tpu.memory_space<vmem>>)
        %get3A_136 = arith.index_cast %mul3A_82 : i32 to index
        %get3A_137 = arith.constant 0 : index
        %get3A_138 = tpu.vector_load %arg7[%get3A_136, %get3A_137] {strides = array<i32>} : memref<32x80xi32, #tpu.memory_space<vmem>>, vector<1x16xi32>,
        %get3A_139 = vector.shape_cast %get3A_138 : vector<1x16xi32> to vector<16xi32>
        %swap3A_140 = arith.constant 0 : index
        %swap3A_141 = tpu.vector_load %arg10[%swap3A_140] {strides = array<i32>} : memref<80xi32, #tpu.memory_space<vmem>>, vector<16xi32>,
        %swap3A_142 = vector.shape_cast %swap3A_141 : vector<16xi32> to vector<16xi32>
        %swap3A_143 = vector.shape_cast %get3A_139 : vector<16xi32> to vector<16xi32>
        tpu.vector_store %arg10[%swap3A_140], %swap3A_143 {strides = array<i32>} : memref<80xi32, #tpu.memory_space<vmem>>, vector<16xi32>,
        %get3A_144 = arith.index_cast %mul3A_82 : i32 to index
        %get3A_145 = arith.constant 16 : index
        %get3A_146 = tpu.vector_load %arg7[%get3A_144, %get3A_145] {strides = array<i32>} : memref<32x80xi32, #tpu.memory_space<vmem>>, vector<1x16xi32>,
        %get3A_147 = vector.shape_cast %get3A_146 : vector<1x16xi32> to vector<16xi32>
        %swap3A_148 = arith.constant 16 : index
        %swap3A_149 = tpu.vector_load %arg10[%swap3A_148] {strides = array<i32>} : memref<80xi32, #tpu.memory_space<vmem>>, vector<16xi32>,
        %swap3A_150 = vector.shape_cast %swap3A_149 : vector<16xi32> to vector<16xi32>
        %swap3A_151 = vector.shape_cast %get3A_147 : vector<16xi32> to vector<16xi32>
        tpu.vector_store %arg10[%swap3A_148], %swap3A_151 {strides = array<i32>} : memref<80xi32, #tpu.memory_space<vmem>>, vector<16xi32>,
        %get3A_152 = arith.index_cast %mul3A_82 : i32 to index
        %get3A_153 = arith.constant 32 : index
        %get3A_154 = tpu.vector_load %arg7[%get3A_152, %get3A_153] {strides = array<i32>} : memref<32x80xi32, #tpu.memory_space<vmem>>, vector<1x16xi32>,
        %get3A_155 = vector.shape_cast %get3A_154 : vector<1x16xi32> to vector<16xi32>
        %swap3A_156 = arith.constant 32 : index
        %swap3A_157 = tpu.vector_load %arg10[%swap3A_156] {strides = array<i32>} : memref<80xi32, #tpu.memory_space<vmem>>, vector<16xi32>,
        %swap3A_158 = vector.shape_cast %swap3A_157 : vector<16xi32> to vector<16xi32>
        %swap3A_159 = vector.shape_cast %get3A_155 : vector<16xi32> to vector<16xi32>
        tpu.vector_store %arg10[%swap3A_156], %swap3A_159 {strides = array<i32>} : memref<80xi32, #tpu.memory_space<vmem>>, vector<16xi32>,
        %get3A_160 = arith.index_cast %mul3A_82 : i32 to index
        %get3A_161 = arith.constant 48 : index
        %get3A_162 = tpu.vector_load %arg7[%get3A_160, %get3A_161] {strides = array<i32>} : memref<32x80xi32, #tpu.memory_space<vmem>>, vector<1x16xi32>,
        %get3A_163 = vector.shape_cast %get3A_162 : vector<1x16xi32> to vector<16xi32>
        %swap3A_164 = arith.constant 48 : index
        %swap3A_165 = tpu.vector_load %arg10[%swap3A_164] {strides = array<i32>} : memref<80xi32, #tpu.memory_space<vmem>>, vector<16xi32>,
        %swap3A_166 = vector.shape_cast %swap3A_165 : vector<16xi32> to vector<16xi32>
        %swap3A_167 = vector.shape_cast %get3A_163 : vector<16xi32> to vector<16xi32>
        tpu.vector_store %arg10[%swap3A_164], %swap3A_167 {strides = array<i32>} : memref<80xi32, #tpu.memory_space<vmem>>, vector<16xi32>,
        %get3A_168 = arith.index_cast %mul3A_82 : i32 to index
        %get3A_169 = arith.constant 64 : index
        %get3A_170 = tpu.vector_load %arg7[%get3A_168, %get3A_169] {strides = array<i32>} : memref<32x80xi32, #tpu.memory_space<vmem>>, vector<1x16xi32>,
        %get3A_171 = vector.shape_cast %get3A_170 : vector<1x16xi32> to vector<16xi32>
        %swap3A_172 = arith.constant 64 : index
        %swap3A_173 = tpu.vector_load %arg10[%swap3A_172] {strides = array<i32>} : memref<80xi32, #tpu.memory_space<vmem>>, vector<16xi32>,
        %swap3A_174 = vector.shape_cast %swap3A_173 : vector<16xi32> to vector<16xi32>
        %swap3A_175 = vector.shape_cast %get3A_171 : vector<16xi32> to vector<16xi32>
        tpu.vector_store %arg10[%swap3A_172], %swap3A_175 {strides = array<i32>} : memref<80xi32, #tpu.memory_space<vmem>>, vector<16xi32>,
        %dma_start3A_176 = arith.constant 0 : i32
        %dma_start3A_177 = arith.constant 0 : i32
        %dma_start3A_178 = tpu.memref_slice %arg18[%dma_start3A_176, %dma_start3A_177] : memref<5008x256xf32, #tpu.memory_space<vmem_shared>> -> memref<5008x256xf32, #tpu.memory_space<vmem_shared>>
        %dma_start3A_179 = arith.constant -1 : i32
        tpu.enqueue_indirect_dma source(%arg12 : memref<80x256xf32, #tpu.memory_space<vmem>>) target(%dma_start3A_178 : memref<5008x256xf32, #tpu.memory_space<vmem_shared>>) offsets(%arg10 : memref<80xi32, #tpu.memory_space<vmem>>) offset_filter(%dma_start3A_179) semaphore(%arg16 : memref<!tpu.dma_semaphore, #tpu.memory_space<semaphore_mem>>) {add = true}
        %add3A_180 = arith.constant 2 : i32
        %add3A_181 = arith.addi %mul3A_82, %add3A_180 : i32
        %lt3A = arith.constant 32 : i32
        %lt3A_182 = arith.cmpi slt, %add3A_181, %lt3A : i32
        %convert_element_type3A_183 = arith.extui %lt3A_182 : i1 to i32
        %cond3A_184 = arith.constant 0 : i32
        %cond3A_185 = arith.cmpi ne, %convert_element_type3A_183, %cond3A_184 : i32
        scf.if %cond3A_185 {
          %dma_wait3A_236 = arith.constant 0 : i32
          %dma_wait3A_237 = arith.constant 0 : i32
          %dma_wait3A_238 = tpu.memref_slice %arg18[%dma_wait3A_236, %dma_wait3A_237] : memref<5008x256xf32, #tpu.memory_space<vmem_shared>> -> memref<5008x256xf32, #tpu.memory_space<vmem_shared>>
          tpu.wait_indirect_dma semaphore(%arg16 : memref<!tpu.dma_semaphore, #tpu.memory_space<semaphore_mem>>) src(%arg12 : memref<80x256xf32, #tpu.memory_space<vmem>>) dst(%dma_wait3A_238 : memref<5008x256xf32, #tpu.memory_space<vmem_shared>>)
          %add3A_239 = arith.constant 2 : i32
          %add3A_240 = arith.addi %mul3A_82, %add3A_239 : i32
          %get3A_241 = arith.index_cast %add3A_240 : i32 to index
          %get3A_242 = arith.constant 0 : index
          %get3A_243 = tpu.vector_load %arg6[%get3A_241, %get3A_242] {strides = array<i32>} : memref<32x80xi32, #tpu.memory_space<vmem>>, vector<1x16xi32>,
          %get3A_244 = vector.shape_cast %get3A_243 : vector<1x16xi32> to vector<16xi32>
          %swap3A_245 = arith.constant 0 : index
          %swap3A_246 = tpu.vector_load %arg8[%swap3A_245] {strides = array<i32>} : memref<80xi32, #tpu.memory_space<vmem>>, vector<16xi32>,
          %swap3A_247 = vector.shape_cast %swap3A_246 : vector<16xi32> to vector<16xi32>
          %swap3A_248 = vector.shape_cast %get3A_244 : vector<16xi32> to vector<16xi32>
          tpu.vector_store %arg8[%swap3A_245], %swap3A_248 {strides = array<i32>} : memref<80xi32, #tpu.memory_space<vmem>>, vector<16xi32>,
          %get3A_249 = arith.index_cast %add3A_240 : i32 to index
          %get3A_250 = arith.constant 16 : index
          %get3A_251 = tpu.vector_load %arg6[%get3A_249, %get3A_250] {strides = array<i32>} : memref<32x80xi32, #tpu.memory_space<vmem>>, vector<1x16xi32>,
          %get3A_252 = vector.shape_cast %get3A_251 : vector<1x16xi32> to vector<16xi32>
          %swap3A_253 = arith.constant 16 : index
          %swap3A_254 = tpu.vector_load %arg8[%swap3A_253] {strides = array<i32>} : memref<80xi32, #tpu.memory_space<vmem>>, vector<16xi32>,
          %swap3A_255 = vector.shape_cast %swap3A_254 : vector<16xi32> to vector<16xi32>
          %swap3A_256 = vector.shape_cast %get3A_252 : vector<16xi32> to vector<16xi32>
          tpu.vector_store %arg8[%swap3A_253], %swap3A_256 {strides = array<i32>} : memref<80xi32, #tpu.memory_space<vmem>>, vector<16xi32>,
          %get3A_257 = arith.index_cast %add3A_240 : i32 to index
          %get3A_258 = arith.constant 32 : index
          %get3A_259 = tpu.vector_load %arg6[%get3A_257, %get3A_258] {strides = array<i32>} : memref<32x80xi32, #tpu.memory_space<vmem>>, vector<1x16xi32>,
          %get3A_260 = vector.shape_cast %get3A_259 : vector<1x16xi32> to vector<16xi32>
          %swap3A_261 = arith.constant 32 : index
          %swap3A_262 = tpu.vector_load %arg8[%swap3A_261] {strides = array<i32>} : memref<80xi32, #tpu.memory_space<vmem>>, vector<16xi32>,
          %swap3A_263 = vector.shape_cast %swap3A_262 : vector<16xi32> to vector<16xi32>
          %swap3A_264 = vector.shape_cast %get3A_260 : vector<16xi32> to vector<16xi32>
          tpu.vector_store %arg8[%swap3A_261], %swap3A_264 {strides = array<i32>} : memref<80xi32, #tpu.memory_space<vmem>>, vector<16xi32>,
          %get3A_265 = arith.index_cast %add3A_240 : i32 to index
          %get3A_266 = arith.constant 48 : index
          %get3A_267 = tpu.vector_load %arg6[%get3A_265, %get3A_266] {strides = array<i32>} : memref<32x80xi32, #tpu.memory_space<vmem>>, vector<1x16xi32>,
          %get3A_268 = vector.shape_cast %get3A_267 : vector<1x16xi32> to vector<16xi32>
          %swap3A_269 = arith.constant 48 : index
          %swap3A_270 = tpu.vector_load %arg8[%swap3A_269] {strides = array<i32>} : memref<80xi32, #tpu.memory_space<vmem>>, vector<16xi32>,
          %swap3A_271 = vector.shape_cast %swap3A_270 : vector<16xi32> to vector<16xi32>
          %swap3A_272 = vector.shape_cast %get3A_268 : vector<16xi32> to vector<16xi32>
          tpu.vector_store %arg8[%swap3A_269], %swap3A_272 {strides = array<i32>} : memref<80xi32, #tpu.memory_space<vmem>>, vector<16xi32>,
          %get3A_273 = arith.index_cast %add3A_240 : i32 to index
          %get3A_274 = arith.constant 64 : index
          %get3A_275 = tpu.vector_load %arg6[%get3A_273, %get3A_274] {strides = array<i32>} : memref<32x80xi32, #tpu.memory_space<vmem>>, vector<1x16xi32>,
          %get3A_276 = vector.shape_cast %get3A_275 : vector<1x16xi32> to vector<16xi32>
          %swap3A_277 = arith.constant 64 : index
          %swap3A_278 = tpu.vector_load %arg8[%swap3A_277] {strides = array<i32>} : memref<80xi32, #tpu.memory_space<vmem>>, vector<16xi32>,
          %swap3A_279 = vector.shape_cast %swap3A_278 : vector<16xi32> to vector<16xi32>
          %swap3A_280 = vector.shape_cast %get3A_276 : vector<16xi32> to vector<16xi32>
          tpu.vector_store %arg8[%swap3A_277], %swap3A_280 {strides = array<i32>} : memref<80xi32, #tpu.memory_space<vmem>>, vector<16xi32>,
          %dma_start3A_281 = arith.constant 0 : i32
          %dma_start3A_282 = arith.constant 0 : i32
          %dma_start3A_283 = tpu.memref_slice %arg2[%dma_start3A_281, %dma_start3A_282] : memref<10000x256xf32, #tpu.memory_space<hbm>> -> memref<10000x256xf32, #tpu.memory_space<hbm>>
          %dma_start3A_284 = arith.constant -1 : i32
          tpu.enqueue_indirect_dma source(%dma_start3A_283 : memref<10000x256xf32, #tpu.memory_space<hbm>>) target(%arg12 : memref<80x256xf32, #tpu.memory_space<vmem>>) offsets(%arg8 : memref<80xi32, #tpu.memory_space<vmem>>) offset_filter(%dma_start3A_284) semaphore(%arg14 : memref<!tpu.dma_semaphore, #tpu.memory_space<semaphore_mem>>)
        } else {
        }
        %dma_wait3A_186 = arith.constant 0 : i32
        %dma_wait3A_187 = arith.constant 0 : i32
        %dma_wait3A_188 = tpu.memref_slice %arg2[%dma_wait3A_186, %dma_wait3A_187] : memref<10000x256xf32, #tpu.memory_space<hbm>> -> memref<10000x256xf32, #tpu.memory_space<hbm>>
        tpu.wait_indirect_dma semaphore(%arg15 : memref<!tpu.dma_semaphore, #tpu.memory_space<semaphore_mem>>) src(%dma_wait3A_188 : memref<10000x256xf32, #tpu.memory_space<hbm>>) dst(%arg13 : memref<80x256xf32, #tpu.memory_space<vmem>>)
        %add3A_189 = arith.constant 1 : i32
        %add3A_190 = arith.addi %mul3A_82, %add3A_189 : i32
        %get3A_191 = arith.index_cast %add3A_190 : i32 to index
        %get3A_192 = arith.constant 0 : index
        %get3A_193 = tpu.vector_load %arg7[%get3A_191, %get3A_192] {strides = array<i32>} : memref<32x80xi32, #tpu.memory_space<vmem>>, vector<1x16xi32>,
        %get3A_194 = vector.shape_cast %get3A_193 : vector<1x16xi32> to vector<16xi32>
        %swap3A_195 = arith.constant 0 : index
        %swap3A_196 = tpu.vector_load %arg11[%swap3A_195] {strides = array<i32>} : memref<80xi32, #tpu.memory_space<vmem>>, vector<16xi32>,
        %swap3A_197 = vector.shape_cast %swap3A_196 : vector<16xi32> to vector<16xi32>
        %swap3A_198 = vector.shape_cast %get3A_194 : vector<16xi32> to vector<16xi32>
        tpu.vector_store %arg11[%swap3A_195], %swap3A_198 {strides = array<i32>} : memref<80xi32, #tpu.memory_space<vmem>>, vector<16xi32>,
        %get3A_199 = arith.index_cast %add3A_190 : i32 to index
        %get3A_200 = arith.constant 16 : index
        %get3A_201 = tpu.vector_load %arg7[%get3A_199, %get3A_200] {strides = array<i32>} : memref<32x80xi32, #tpu.memory_space<vmem>>, vector<1x16xi32>,
        %get3A_202 = vector.shape_cast %get3A_201 : vector<1x16xi32> to vector<16xi32>
        %swap3A_203 = arith.constant 16 : index
        %swap3A_204 = tpu.vector_load %arg11[%swap3A_203] {strides = array<i32>} : memref<80xi32, #tpu.memory_space<vmem>>, vector<16xi32>,
        %swap3A_205 = vector.shape_cast %swap3A_204 : vector<16xi32> to vector<16xi32>
        %swap3A_206 = vector.shape_cast %get3A_202 : vector<16xi32> to vector<16xi32>
        tpu.vector_store %arg11[%swap3A_203], %swap3A_206 {strides = array<i32>} : memref<80xi32, #tpu.memory_space<vmem>>, vector<16xi32>,
        %get3A_207 = arith.index_cast %add3A_190 : i32 to index
        %get3A_208 = arith.constant 32 : index
        %get3A_209 = tpu.vector_load %arg7[%get3A_207, %get3A_208] {strides = array<i32>} : memref<32x80xi32, #tpu.memory_space<vmem>>, vector<1x16xi32>,
        %get3A_210 = vector.shape_cast %get3A_209 : vector<1x16xi32> to vector<16xi32>
        %swap3A_211 = arith.constant 32 : index
        %swap3A_212 = tpu.vector_load %arg11[%swap3A_211] {strides = array<i32>} : memref<80xi32, #tpu.memory_space<vmem>>, vector<16xi32>,
        %swap3A_213 = vector.shape_cast %swap3A_212 : vector<16xi32> to vector<16xi32>
        %swap3A_214 = vector.shape_cast %get3A_210 : vector<16xi32> to vector<16xi32>
        tpu.vector_store %arg11[%swap3A_211], %swap3A_214 {strides = array<i32>} : memref<80xi32, #tpu.memory_space<vmem>>, vector<16xi32>,
        %get3A_215 = arith.index_cast %add3A_190 : i32 to index
        %get3A_216 = arith.constant 48 : index
        %get3A_217 = tpu.vector_load %arg7[%get3A_215, %get3A_216] {strides = array<i32>} : memref<32x80xi32, #tpu.memory_space<vmem>>, vector<1x16xi32>,
        %get3A_218 = vector.shape_cast %get3A_217 : vector<1x16xi32> to vector<16xi32>
        %swap3A_219 = arith.constant 48 : index
        %swap3A_220 = tpu.vector_load %arg11[%swap3A_219] {strides = array<i32>} : memref<80xi32, #tpu.memory_space<vmem>>, vector<16xi32>,
        %swap3A_221 = vector.shape_cast %swap3A_220 : vector<16xi32> to vector<16xi32>
        %swap3A_222 = vector.shape_cast %get3A_218 : vector<16xi32> to vector<16xi32>
        tpu.vector_store %arg11[%swap3A_219], %swap3A_222 {strides = array<i32>} : memref<80xi32, #tpu.memory_space<vmem>>, vector<16xi32>,
        %get3A_223 = arith.index_cast %add3A_190 : i32 to index
        %get3A_224 = arith.constant 64 : index
        %get3A_225 = tpu.vector_load %arg7[%get3A_223, %get3A_224] {strides = array<i32>} : memref<32x80xi32, #tpu.memory_space<vmem>>, vector<1x16xi32>,
        %get3A_226 = vector.shape_cast %get3A_225 : vector<1x16xi32> to vector<16xi32>
        %swap3A_227 = arith.constant 64 : index
        %swap3A_228 = tpu.vector_load %arg11[%swap3A_227] {strides = array<i32>} : memref<80xi32, #tpu.memory_space<vmem>>, vector<16xi32>,
        %swap3A_229 = vector.shape_cast %swap3A_228 : vector<16xi32> to vector<16xi32>
        %swap3A_230 = vector.shape_cast %get3A_226 : vector<16xi32> to vector<16xi32>
        tpu.vector_store %arg11[%swap3A_227], %swap3A_230 {strides = array<i32>} : memref<80xi32, #tpu.memory_space<vmem>>, vector<16xi32>,
        %dma_start3A_231 = arith.constant 0 : i32
        %dma_start3A_232 = arith.constant 0 : i32
        %dma_start3A_233 = tpu.memref_slice %arg18[%dma_start3A_231, %dma_start3A_232] : memref<5008x256xf32, #tpu.memory_space<vmem_shared>> -> memref<5008x256xf32, #tpu.memory_space<vmem_shared>>
        %dma_start3A_234 = arith.constant -1 : i32
        tpu.enqueue_indirect_dma source(%arg13 : memref<80x256xf32, #tpu.memory_space<vmem>>) target(%dma_start3A_233 : memref<5008x256xf32, #tpu.memory_space<vmem_shared>>) offsets(%arg11 : memref<80xi32, #tpu.memory_space<vmem>>) offset_filter(%dma_start3A_234) semaphore(%arg17 : memref<!tpu.dma_semaphore, #tpu.memory_space<semaphore_mem>>) {add = true}
        %scan3A_235 = arith.constant 0 : i32
        scf.yield %scan3A_235 : i32
      }
      %scan3A_72 = arith.constant 16 : i32
      %dma_wait3A = arith.constant 0 : i32
      %dma_wait3A_73 = arith.constant 0 : i32
      %dma_wait3A_74 = tpu.memref_slice %arg18[%dma_wait3A, %dma_wait3A_73] : memref<5008x256xf32, #tpu.memory_space<vmem_shared>> -> memref<5008x256xf32, #tpu.memory_space<vmem_shared>>
      tpu.wait_indirect_dma semaphore(%arg16 : memref<!tpu.dma_semaphore, #tpu.memory_space<semaphore_mem>>) src(%arg12 : memref<80x256xf32, #tpu.memory_space<vmem>>) dst(%dma_wait3A_74 : memref<5008x256xf32, #tpu.memory_space<vmem_shared>>)
      %dma_wait3A_75 = arith.constant 0 : i32
      %dma_wait3A_76 = arith.constant 0 : i32
      %dma_wait3A_77 = tpu.memref_slice %arg18[%dma_wait3A_75, %dma_wait3A_76] : memref<5008x256xf32, #tpu.memory_space<vmem_shared>> -> memref<5008x256xf32, #tpu.memory_space<vmem_shared>>
      tpu.wait_indirect_dma semaphore(%arg17 : memref<!tpu.dma_semaphore, #tpu.memory_space<semaphore_mem>>) src(%arg13 : memref<80x256xf32, #tpu.memory_space<vmem>>) dst(%dma_wait3A_77 : memref<5008x256xf32, #tpu.memory_space<vmem_shared>>)
      %scan3A_78 = arith.constant 0 : i32
      scf.yield %scan3A_78 : i32
    }
    %scan3A_10 = arith.constant 8 : i32
    %barrier3A_11 = arith.constant 0 : index
    tpu.barrier barrier_id(%barrier3A_11)
    %add3A_12 = arith.addi %mul3A_0, %mul3A_2 : i32
    "tpu.region"() ({
      %run_scoped3A = tpu.sem_alloc : memref<!tpu.dma_semaphore, #tpu.memory_space<semaphore_mem>>
      %dma_start3A = arith.constant 0 : i32
      %dma_start3A_18 = tpu.memref_slice %arg5[%add3A_12, %dma_start3A] : memref<10000x256xf32, #tpu.memory_space<hbm>> -> memref<312x256xf32, #tpu.memory_space<hbm>>
      %dma_start3A_19 = arith.constant 0 : i32
      %dma_start3A_20 = tpu.memref_slice %arg18[%mul3A_2, %dma_start3A_19] : memref<5008x256xf32, #tpu.memory_space<vmem_shared>> -> memref<312x256xf32, #tpu.memory_space<vmem_shared>>
      tpu.enqueue_dma source(%dma_start3A_20 : memref<312x256xf32, #tpu.memory_space<vmem_shared>>) target(%dma_start3A_18 : memref<312x256xf32, #tpu.memory_space<hbm>>) target_semaphore(%run_scoped3A : memref<!tpu.dma_semaphore, #tpu.memory_space<semaphore_mem>>)
      %dma_wait3A = arith.constant 0 : i32
      %dma_wait3A_21 = tpu.memref_slice %arg5[%add3A_12, %dma_wait3A] : memref<10000x256xf32, #tpu.memory_space<hbm>> -> memref<312x256xf32, #tpu.memory_space<hbm>>
      %dma_wait3A_22 = arith.constant 0 : i32
      %dma_wait3A_23 = tpu.memref_slice %arg18[%mul3A_2, %dma_wait3A_22] : memref<5008x256xf32, #tpu.memory_space<vmem_shared>> -> memref<312x256xf32, #tpu.memory_space<vmem_shared>>
      tpu.wait_dma2 semaphore(%run_scoped3A : memref<!tpu.dma_semaphore, #tpu.memory_space<semaphore_mem>>) src(%dma_wait3A_23 : memref<312x256xf32, #tpu.memory_space<vmem_shared>>) dst(%dma_wait3A_21 : memref<312x256xf32, #tpu.memory_space<hbm>>)
      tpu.yield
    }) : () -> ()
    %eq3A_13 = arith.constant 15 : i32
    %eq3A_14 = arith.cmpi eq, %arg1, %eq3A_13 : i32
    %convert_element_type3A_15 = arith.extui %eq3A_14 : i1 to i32
    %cond3A_16 = arith.constant 0 : i32
    %cond3A_17 = arith.cmpi ne, %convert_element_type3A_15, %cond3A_16 : i32
    scf.if %cond3A_17 {
      %add3A_18 = arith.constant 4992 : i32
      %add3A_19 = arith.addi %mul3A_0, %add3A_18 : i32
      "tpu.region"() ({
        %run_scoped3A = tpu.sem_alloc : memref<!tpu.dma_semaphore, #tpu.memory_space<semaphore_mem>>
        %dma_start3A = arith.constant 0 : i32
        %dma_start3A_20 = tpu.memref_slice %arg5[%add3A_19, %dma_start3A] : memref<10000x256xf32, #tpu.memory_space<hbm>> -> memref<8x256xf32, #tpu.memory_space<hbm>>
        %dma_start3A_21 = arith.constant 4992 : i32
        %dma_start3A_22 = arith.constant 0 : i32
        %dma_start3A_23 = tpu.memref_slice %arg18[%dma_start3A_21, %dma_start3A_22] : memref<5008x256xf32, #tpu.memory_space<vmem_shared>> -> memref<8x256xf32, #tpu.memory_space<vmem_shared>>
        tpu.enqueue_dma source(%dma_start3A_23 : memref<8x256xf32, #tpu.memory_space<vmem_shared>>) target(%dma_start3A_20 : memref<8x256xf32, #tpu.memory_space<hbm>>) target_semaphore(%run_scoped3A : memref<!tpu.dma_semaphore, #tpu.memory_space<semaphore_mem>>)
        %dma_wait3A = arith.constant 0 : i32
        %dma_wait3A_24 = tpu.memref_slice %arg5[%add3A_19, %dma_wait3A] : memref<10000x256xf32, #tpu.memory_space<hbm>> -> memref<8x256xf32, #tpu.memory_space<hbm>>
        %dma_wait3A_25 = arith.constant 4992 : i32
        %dma_wait3A_26 = arith.constant 0 : i32
        %dma_wait3A_27 = tpu.memref_slice %arg18[%dma_wait3A_25, %dma_wait3A_26] : memref<5008x256xf32, #tpu.memory_space<vmem_shared>> -> memref<8x256xf32, #tpu.memory_space<vmem_shared>>
        tpu.wait_dma2 semaphore(%run_scoped3A : memref<!tpu.dma_semaphore, #tpu.memory_space<semaphore_mem>>) src(%dma_wait3A_27 : memref<8x256xf32, #tpu.memory_space<vmem_shared>>) dst(%dma_wait3A_24 : memref<8x256xf32, #tpu.memory_space<hbm>>)
        tpu.yield
      }) : () -> ()
    } else {
    }
    return
  }
}

#map = affine_map<(d0, d1) -> (0, 0)>
#map1 = affine_map<(d0, d1) -> (0, 0, 0, 0, 0)>
module attributes {stable_mosaic.version = 14 : i64} {
  func.func @_sc_msgpass(%arg0: i32, %arg1: i32, %arg2: memref<10000x256xf32, #tpu.memory_space<hbm>>, %arg3: memref<2x16x8x32x80xi32, #tpu.memory_space<hbm>>, %arg4: memref<2x16x8x32x80xi32, #tpu.memory_space<hbm>>, %arg5: memref<10000x256xf32, #tpu.memory_space<hbm>>, %arg6: memref<32x80xi32, #tpu.memory_space<vmem>>, %arg7: memref<32x80xi32, #tpu.memory_space<vmem>>, %arg8: memref<80xi32, #tpu.memory_space<vmem>>, %arg9: memref<80xi32, #tpu.memory_space<vmem>>, %arg10: memref<80xi32, #tpu.memory_space<vmem>>, %arg11: memref<80xi32, #tpu.memory_space<vmem>>, %arg12: memref<80x256xf32, #tpu.memory_space<vmem>>, %arg13: memref<80x256xf32, #tpu.memory_space<vmem>>, %arg14: memref<!tpu.dma_semaphore, #tpu.memory_space<semaphore_mem>>, %arg15: memref<!tpu.dma_semaphore, #tpu.memory_space<semaphore_mem>>, %arg16: memref<!tpu.dma_semaphore, #tpu.memory_space<semaphore_mem>>, %arg17: memref<!tpu.dma_semaphore, #tpu.memory_space<semaphore_mem>>, %arg18: memref<5008x256xf32, #tpu.memory_space<vmem_shared>>) attributes {dimension_semantics = [#tpu.dimension_semantics<core_parallel>, #tpu.dimension_semantics<subcore_parallel>], iteration_bounds = array<i64: 2, 16>, scalar_prefetch = 0 : i64, scratch_operands = 13 : i64, tpu.core_type = #tpu.core_type<sc_vector_subcore>, window_params = [{transform_indices = #map}, {transform_indices = #map1}, {transform_indices = #map1}, {transform_indices = #map}]} {
    %mul3A = arith.constant 5000 : i32
    %mul3A_0 = arith.muli %arg0, %mul3A : i32
    %mul3A_1 = arith.constant 312 : i32
    %mul3A_2 = arith.muli %arg1, %mul3A_1 : i32
    %add3A = arith.addi %mul3A_0, %mul3A_2 : i32
    "tpu.region"() ({
      %run_scoped3A = tpu.sem_alloc : memref<!tpu.dma_semaphore, #tpu.memory_space<semaphore_mem>>
      %dma_start3A = arith.constant 0 : i32
      %dma_start3A_18 = tpu.memref_slice %arg18[%mul3A_2, %dma_start3A] : memref<5008x256xf32, #tpu.memory_space<vmem_shared>> -> memref<312x256xf32, #tpu.memory_space<vmem_shared>>
      %dma_start3A_19 = arith.constant 0 : i32
      %dma_start3A_20 = tpu.memref_slice %arg2[%add3A, %dma_start3A_19] : memref<10000x256xf32, #tpu.memory_space<hbm>> -> memref<312x256xf32, #tpu.memory_space<hbm>>
      tpu.enqueue_dma source(%dma_start3A_20 : memref<312x256xf32, #tpu.memory_space<hbm>>) target(%dma_start3A_18 : memref<312x256xf32, #tpu.memory_space<vmem_shared>>) target_semaphore(%run_scoped3A : memref<!tpu.dma_semaphore, #tpu.memory_space<semaphore_mem>>)
      %dma_wait3A = arith.constant 0 : i32
      %dma_wait3A_21 = tpu.memref_slice %arg18[%mul3A_2, %dma_wait3A] : memref<5008x256xf32, #tpu.memory_space<vmem_shared>> -> memref<312x256xf32, #tpu.memory_space<vmem_shared>>
      %dma_wait3A_22 = arith.constant 0 : i32
      %dma_wait3A_23 = tpu.memref_slice %arg2[%add3A, %dma_wait3A_22] : memref<10000x256xf32, #tpu.memory_space<hbm>> -> memref<312x256xf32, #tpu.memory_space<hbm>>
      tpu.wait_dma2 semaphore(%run_scoped3A : memref<!tpu.dma_semaphore, #tpu.memory_space<semaphore_mem>>) src(%dma_wait3A_23 : memref<312x256xf32, #tpu.memory_space<hbm>>) dst(%dma_wait3A_21 : memref<312x256xf32, #tpu.memory_space<vmem_shared>>)
      tpu.yield
    }) : () -> ()
    %eq3A = arith.constant 15 : i32
    %eq3A_3 = arith.cmpi eq, %arg1, %eq3A : i32
    %convert_element_type3A = arith.extui %eq3A_3 : i1 to i32
    %cond3A = arith.constant 0 : i32
    %cond3A_4 = arith.cmpi ne, %convert_element_type3A, %cond3A : i32
    scf.if %cond3A_4 {
      %add3A_18 = arith.constant 4992 : i32
      %add3A_19 = arith.addi %mul3A_0, %add3A_18 : i32
      "tpu.region"() ({
        %run_scoped3A = tpu.sem_alloc : memref<!tpu.dma_semaphore, #tpu.memory_space<semaphore_mem>>
        %dma_start3A = arith.constant 4992 : i32
        %dma_start3A_20 = arith.constant 0 : i32
        %dma_start3A_21 = tpu.memref_slice %arg18[%dma_start3A, %dma_start3A_20] : memref<5008x256xf32, #tpu.memory_space<vmem_shared>> -> memref<8x256xf32, #tpu.memory_space<vmem_shared>>
        %dma_start3A_22 = arith.constant 0 : i32
        %dma_start3A_23 = tpu.memref_slice %arg2[%add3A_19, %dma_start3A_22] : memref<10000x256xf32, #tpu.memory_space<hbm>> -> memref<8x256xf32, #tpu.memory_space<hbm>>
        tpu.enqueue_dma source(%dma_start3A_23 : memref<8x256xf32, #tpu.memory_space<hbm>>) target(%dma_start3A_21 : memref<8x256xf32, #tpu.memory_space<vmem_shared>>) target_semaphore(%run_scoped3A : memref<!tpu.dma_semaphore, #tpu.memory_space<semaphore_mem>>)
        %dma_wait3A = arith.constant 4992 : i32
        %dma_wait3A_24 = arith.constant 0 : i32
        %dma_wait3A_25 = tpu.memref_slice %arg18[%dma_wait3A, %dma_wait3A_24] : memref<5008x256xf32, #tpu.memory_space<vmem_shared>> -> memref<8x256xf32, #tpu.memory_space<vmem_shared>>
        %dma_wait3A_26 = arith.constant 0 : i32
        %dma_wait3A_27 = tpu.memref_slice %arg2[%add3A_19, %dma_wait3A_26] : memref<10000x256xf32, #tpu.memory_space<hbm>> -> memref<8x256xf32, #tpu.memory_space<hbm>>
        tpu.wait_dma2 semaphore(%run_scoped3A : memref<!tpu.dma_semaphore, #tpu.memory_space<semaphore_mem>>) src(%dma_wait3A_27 : memref<8x256xf32, #tpu.memory_space<hbm>>) dst(%dma_wait3A_25 : memref<8x256xf32, #tpu.memory_space<vmem_shared>>)
        tpu.yield
      }) : () -> ()
    } else {
    }
    %barrier3A = arith.constant 0 : index
    tpu.barrier barrier_id(%barrier3A)
    %scan3A = arith.constant 0 : i32
    %scan3A_5 = arith.constant 0 : i32
    %scan3A_6 = arith.constant 8 : i32
    %scan3A_7 = arith.addi %scan3A_5, %scan3A_6 : i32
    %scan3A_8 = arith.constant 1 : i32
    %scan3A_9 = scf.for %scan3A_18 = %scan3A_5 to %scan3A_7 step %scan3A_8 iter_args(%scan3A_19 = %scan3A) -> (i32)  : i32 {
      "tpu.region"() ({
        %run_scoped3A = tpu.sem_alloc : memref<!tpu.dma_semaphore, #tpu.memory_space<semaphore_mem>>
        %dma_start3A_79 = arith.constant 0 : i32
        %dma_start3A_80 = arith.constant 0 : i32
        %dma_start3A_81 = tpu.memref_slice %arg3[%arg0, %arg1, %scan3A_18, %dma_start3A_79, %dma_start3A_80] : memref<2x16x8x32x80xi32, #tpu.memory_space<hbm>> -> memref<1x1x1x32x80xi32, #tpu.memory_space<hbm>>
        %dma_start3A_82 = tpu.memref_squeeze %dma_start3A_81 : memref<1x1x1x32x80xi32, #tpu.memory_space<hbm>> -> memref<32x80xi32, #tpu.memory_space<hbm>>
        %dma_start3A_83 = arith.constant 0 : i32
        %dma_start3A_84 = arith.constant 0 : i32
        %dma_start3A_85 = tpu.memref_slice %arg3[%arg0, %arg1, %scan3A_18, %dma_start3A_83, %dma_start3A_84] : memref<2x16x8x32x80xi32, #tpu.memory_space<hbm>> -> memref<1x1x1x32x80xi32, #tpu.memory_space<hbm>>
        %dma_start3A_86 = tpu.memref_squeeze %dma_start3A_85 : memref<1x1x1x32x80xi32, #tpu.memory_space<hbm>> -> memref<32x80xi32, #tpu.memory_space<hbm>>
        tpu.enqueue_dma source(%dma_start3A_86 : memref<32x80xi32, #tpu.memory_space<hbm>>) target(%arg6 : memref<32x80xi32, #tpu.memory_space<vmem>>) target_semaphore(%run_scoped3A : memref<!tpu.dma_semaphore, #tpu.memory_space<semaphore_mem>>)
        %dma_wait3A_87 = arith.constant 0 : i32
        %dma_wait3A_88 = arith.constant 0 : i32
        %dma_wait3A_89 = tpu.memref_slice %arg3[%arg0, %arg1, %scan3A_18, %dma_wait3A_87, %dma_wait3A_88] : memref<2x16x8x32x80xi32, #tpu.memory_space<hbm>> -> memref<1x1x1x32x80xi32, #tpu.memory_space<hbm>>
        %dma_wait3A_90 = tpu.memref_squeeze %dma_wait3A_89 : memref<1x1x1x32x80xi32, #tpu.memory_space<hbm>> -> memref<32x80xi32, #tpu.memory_space<hbm>>
        %dma_wait3A_91 = arith.constant 0 : i32
        %dma_wait3A_92 = arith.constant 0 : i32
        %dma_wait3A_93 = tpu.memref_slice %arg3[%arg0, %arg1, %scan3A_18, %dma_wait3A_91, %dma_wait3A_92] : memref<2x16x8x32x80xi32, #tpu.memory_space<hbm>> -> memref<1x1x1x32x80xi32, #tpu.memory_space<hbm>>
        %dma_wait3A_94 = tpu.memref_squeeze %dma_wait3A_93 : memref<1x1x1x32x80xi32, #tpu.memory_space<hbm>> -> memref<32x80xi32, #tpu.memory_space<hbm>>
        tpu.wait_dma2 semaphore(%run_scoped3A : memref<!tpu.dma_semaphore, #tpu.memory_space<semaphore_mem>>) src(%dma_wait3A_94 : memref<32x80xi32, #tpu.memory_space<hbm>>) dst(%arg6 : memref<32x80xi32, #tpu.memory_space<vmem>>)
        tpu.yield
      }) : () -> ()
      "tpu.region"() ({
        %run_scoped3A = tpu.sem_alloc : memref<!tpu.dma_semaphore, #tpu.memory_space<semaphore_mem>>
        %dma_start3A_79 = arith.constant 0 : i32
        %dma_start3A_80 = arith.constant 0 : i32
        %dma_start3A_81 = tpu.memref_slice %arg4[%arg0, %arg1, %scan3A_18, %dma_start3A_79, %dma_start3A_80] : memref<2x16x8x32x80xi32, #tpu.memory_space<hbm>> -> memref<1x1x1x32x80xi32, #tpu.memory_space<hbm>>
        %dma_start3A_82 = tpu.memref_squeeze %dma_start3A_81 : memref<1x1x1x32x80xi32, #tpu.memory_space<hbm>> -> memref<32x80xi32, #tpu.memory_space<hbm>>
        %dma_start3A_83 = arith.constant 0 : i32
        %dma_start3A_84 = arith.constant 0 : i32
        %dma_start3A_85 = tpu.memref_slice %arg4[%arg0, %arg1, %scan3A_18, %dma_start3A_83, %dma_start3A_84] : memref<2x16x8x32x80xi32, #tpu.memory_space<hbm>> -> memref<1x1x1x32x80xi32, #tpu.memory_space<hbm>>
        %dma_start3A_86 = tpu.memref_squeeze %dma_start3A_85 : memref<1x1x1x32x80xi32, #tpu.memory_space<hbm>> -> memref<32x80xi32, #tpu.memory_space<hbm>>
        tpu.enqueue_dma source(%dma_start3A_86 : memref<32x80xi32, #tpu.memory_space<hbm>>) target(%arg7 : memref<32x80xi32, #tpu.memory_space<vmem>>) target_semaphore(%run_scoped3A : memref<!tpu.dma_semaphore, #tpu.memory_space<semaphore_mem>>)
        %dma_wait3A_87 = arith.constant 0 : i32
        %dma_wait3A_88 = arith.constant 0 : i32
        %dma_wait3A_89 = tpu.memref_slice %arg4[%arg0, %arg1, %scan3A_18, %dma_wait3A_87, %dma_wait3A_88] : memref<2x16x8x32x80xi32, #tpu.memory_space<hbm>> -> memref<1x1x1x32x80xi32, #tpu.memory_space<hbm>>
        %dma_wait3A_90 = tpu.memref_squeeze %dma_wait3A_89 : memref<1x1x1x32x80xi32, #tpu.memory_space<hbm>> -> memref<32x80xi32, #tpu.memory_space<hbm>>
        %dma_wait3A_91 = arith.constant 0 : i32
        %dma_wait3A_92 = arith.constant 0 : i32
        %dma_wait3A_93 = tpu.memref_slice %arg4[%arg0, %arg1, %scan3A_18, %dma_wait3A_91, %dma_wait3A_92] : memref<2x16x8x32x80xi32, #tpu.memory_space<hbm>> -> memref<1x1x1x32x80xi32, #tpu.memory_space<hbm>>
        %dma_wait3A_94 = tpu.memref_squeeze %dma_wait3A_93 : memref<1x1x1x32x80xi32, #tpu.memory_space<hbm>> -> memref<32x80xi32, #tpu.memory_space<hbm>>
        tpu.wait_dma2 semaphore(%run_scoped3A : memref<!tpu.dma_semaphore, #tpu.memory_space<semaphore_mem>>) src(%dma_wait3A_94 : memref<32x80xi32, #tpu.memory_space<hbm>>) dst(%arg7 : memref<32x80xi32, #tpu.memory_space<vmem>>)
        tpu.yield
      }) : () -> ()
      %get3A = arith.constant 0 : i32
      %get3A_20 = arith.index_cast %get3A : i32 to index
      %get3A_21 = arith.constant 0 : index
      %get3A_22 = tpu.vector_load %arg6[%get3A_20, %get3A_21] {strides = array<i32>} : memref<32x80xi32, #tpu.memory_space<vmem>>, vector<1x16xi32>,
      %get3A_23 = vector.shape_cast %get3A_22 : vector<1x16xi32> to vector<16xi32>
      %swap3A = arith.constant 0 : index
      %swap3A_24 = tpu.vector_load %arg8[%swap3A] {strides = array<i32>} : memref<80xi32, #tpu.memory_space<vmem>>, vector<16xi32>,
      %swap3A_25 = vector.shape_cast %swap3A_24 : vector<16xi32> to vector<16xi32>
      %swap3A_26 = vector.shape_cast %get3A_23 : vector<16xi32> to vector<16xi32>
      tpu.vector_store %arg8[%swap3A], %swap3A_26 {strides = array<i32>} : memref<80xi32, #tpu.memory_space<vmem>>, vector<16xi32>,
      %get3A_27 = arith.constant 0 : i32
      %get3A_28 = arith.index_cast %get3A_27 : i32 to index
      %get3A_29 = arith.constant 16 : index
      %get3A_30 = tpu.vector_load %arg6[%get3A_28, %get3A_29] {strides = array<i32>} : memref<32x80xi32, #tpu.memory_space<vmem>>, vector<1x16xi32>,
      %get3A_31 = vector.shape_cast %get3A_30 : vector<1x16xi32> to vector<16xi32>
      %swap3A_32 = arith.constant 16 : index
      %swap3A_33 = tpu.vector_load %arg8[%swap3A_32] {strides = array<i32>} : memref<80xi32, #tpu.memory_space<vmem>>, vector<16xi32>,
      %swap3A_34 = vector.shape_cast %swap3A_33 : vector<16xi32> to vector<16xi32>
      %swap3A_35 = vector.shape_cast %get3A_31 : vector<16xi32> to vector<16xi32>
      tpu.vector_store %arg8[%swap3A_32], %swap3A_35 {strides = array<i32>} : memref<80xi32, #tpu.memory_space<vmem>>, vector<16xi32>,
      %get3A_36 = arith.constant 0 : i32
      %get3A_37 = arith.index_cast %get3A_36 : i32 to index
      %get3A_38 = arith.constant 32 : index
      %get3A_39 = tpu.vector_load %arg6[%get3A_37, %get3A_38] {strides = array<i32>} : memref<32x80xi32, #tpu.memory_space<vmem>>, vector<1x16xi32>,
      %get3A_40 = vector.shape_cast %get3A_39 : vector<1x16xi32> to vector<16xi32>
      %swap3A_41 = arith.constant 32 : index
      %swap3A_42 = tpu.vector_load %arg8[%swap3A_41] {strides = array<i32>} : memref<80xi32, #tpu.memory_space<vmem>>, vector<16xi32>,
      %swap3A_43 = vector.shape_cast %swap3A_42 : vector<16xi32> to vector<16xi32>
      %swap3A_44 = vector.shape_cast %get3A_40 : vector<16xi32> to vector<16xi32>
      tpu.vector_store %arg8[%swap3A_41], %swap3A_44 {strides = array<i32>} : memref<80xi32, #tpu.memory_space<vmem>>, vector<16xi32>,
      %get3A_45 = arith.constant 0 : i32
      %get3A_46 = arith.index_cast %get3A_45 : i32 to index
      %get3A_47 = arith.constant 48 : index
      %get3A_48 = tpu.vector_load %arg6[%get3A_46, %get3A_47] {strides = array<i32>} : memref<32x80xi32, #tpu.memory_space<vmem>>, vector<1x16xi32>,
      %get3A_49 = vector.shape_cast %get3A_48 : vector<1x16xi32> to vector<16xi32>
      %swap3A_50 = arith.constant 48 : index
      %swap3A_51 = tpu.vector_load %arg8[%swap3A_50] {strides = array<i32>} : memref<80xi32, #tpu.memory_space<vmem>>, vector<16xi32>,
      %swap3A_52 = vector.shape_cast %swap3A_51 : vector<16xi32> to vector<16xi32>
      %swap3A_53 = vector.shape_cast %get3A_49 : vector<16xi32> to vector<16xi32>
      tpu.vector_store %arg8[%swap3A_50], %swap3A_53 {strides = array<i32>} : memref<80xi32, #tpu.memory_space<vmem>>, vector<16xi32>,
      %get3A_54 = arith.constant 0 : i32
      %get3A_55 = arith.index_cast %get3A_54 : i32 to index
      %get3A_56 = arith.constant 64 : index
      %get3A_57 = tpu.vector_load %arg6[%get3A_55, %get3A_56] {strides = array<i32>} : memref<32x80xi32, #tpu.memory_space<vmem>>, vector<1x16xi32>,
      %get3A_58 = vector.shape_cast %get3A_57 : vector<1x16xi32> to vector<16xi32>
      %swap3A_59 = arith.constant 64 : index
      %swap3A_60 = tpu.vector_load %arg8[%swap3A_59] {strides = array<i32>} : memref<80xi32, #tpu.memory_space<vmem>>, vector<16xi32>,
      %swap3A_61 = vector.shape_cast %swap3A_60 : vector<16xi32> to vector<16xi32>
      %swap3A_62 = vector.shape_cast %get3A_58 : vector<16xi32> to vector<16xi32>
      tpu.vector_store %arg8[%swap3A_59], %swap3A_62 {strides = array<i32>} : memref<80xi32, #tpu.memory_space<vmem>>, vector<16xi32>,
      %dma_start3A = arith.constant 0 : i32
      %dma_start3A_63 = arith.constant 0 : i32
      %dma_start3A_64 = tpu.memref_slice %arg2[%dma_start3A, %dma_start3A_63] : memref<10000x256xf32, #tpu.memory_space<hbm>> -> memref<10000x256xf32, #tpu.memory_space<hbm>>
      %dma_start3A_65 = arith.constant -1 : i32
      tpu.enqueue_indirect_dma source(%dma_start3A_64 : memref<10000x256xf32, #tpu.memory_space<hbm>>) target(%arg12 : memref<80x256xf32, #tpu.memory_space<vmem>>) offsets(%arg8 : memref<80xi32, #tpu.memory_space<vmem>>) offset_filter(%dma_start3A_65) semaphore(%arg14 : memref<!tpu.dma_semaphore, #tpu.memory_space<semaphore_mem>>)
      %scan3A_66 = arith.constant 0 : i32
      %scan3A_67 = arith.constant 0 : i32
      %scan3A_68 = arith.constant 16 : i32
      %scan3A_69 = arith.addi %scan3A_67, %scan3A_68 : i32
      %scan3A_70 = arith.constant 1 : i32
      %scan3A_71 = scf.for %scan3A_79 = %scan3A_67 to %scan3A_69 step %scan3A_70 iter_args(%scan3A_80 = %scan3A_66) -> (i32)  : i32 {
        %mul3A_81 = arith.constant 2 : i32
        %mul3A_82 = arith.muli %mul3A_81, %scan3A_79 : i32
        %gt3A = arith.constant 0 : i32
        %gt3A_83 = arith.cmpi sgt, %scan3A_79, %gt3A : i32
        %convert_element_type3A_84 = arith.extui %gt3A_83 : i1 to i32
        %cond3A_85 = arith.constant 0 : i32
        %cond3A_86 = arith.cmpi ne, %convert_element_type3A_84, %cond3A_85 : i32
        scf.if %cond3A_86 {
          %dma_wait3A_236 = arith.constant 0 : i32
          %dma_wait3A_237 = arith.constant 0 : i32
          %dma_wait3A_238 = tpu.memref_slice %arg18[%dma_wait3A_236, %dma_wait3A_237] : memref<5008x256xf32, #tpu.memory_space<vmem_shared>> -> memref<5008x256xf32, #tpu.memory_space<vmem_shared>>
          tpu.wait_indirect_dma semaphore(%arg17 : memref<!tpu.dma_semaphore, #tpu.memory_space<semaphore_mem>>) src(%arg13 : memref<80x256xf32, #tpu.memory_space<vmem>>) dst(%dma_wait3A_238 : memref<5008x256xf32, #tpu.memory_space<vmem_shared>>)
        } else {
        }
        %add3A_87 = arith.constant 1 : i32
        %add3A_88 = arith.addi %mul3A_82, %add3A_87 : i32
        %get3A_89 = arith.index_cast %add3A_88 : i32 to index
        %get3A_90 = arith.constant 0 : index
        %get3A_91 = tpu.vector_load %arg6[%get3A_89, %get3A_90] {strides = array<i32>} : memref<32x80xi32, #tpu.memory_space<vmem>>, vector<1x16xi32>,
        %get3A_92 = vector.shape_cast %get3A_91 : vector<1x16xi32> to vector<16xi32>
        %swap3A_93 = arith.constant 0 : index
        %swap3A_94 = tpu.vector_load %arg9[%swap3A_93] {strides = array<i32>} : memref<80xi32, #tpu.memory_space<vmem>>, vector<16xi32>,
        %swap3A_95 = vector.shape_cast %swap3A_94 : vector<16xi32> to vector<16xi32>
        %swap3A_96 = vector.shape_cast %get3A_92 : vector<16xi32> to vector<16xi32>
        tpu.vector_store %arg9[%swap3A_93], %swap3A_96 {strides = array<i32>} : memref<80xi32, #tpu.memory_space<vmem>>, vector<16xi32>,
        %get3A_97 = arith.index_cast %add3A_88 : i32 to index
        %get3A_98 = arith.constant 16 : index
        %get3A_99 = tpu.vector_load %arg6[%get3A_97, %get3A_98] {strides = array<i32>} : memref<32x80xi32, #tpu.memory_space<vmem>>, vector<1x16xi32>,
        %get3A_100 = vector.shape_cast %get3A_99 : vector<1x16xi32> to vector<16xi32>
        %swap3A_101 = arith.constant 16 : index
        %swap3A_102 = tpu.vector_load %arg9[%swap3A_101] {strides = array<i32>} : memref<80xi32, #tpu.memory_space<vmem>>, vector<16xi32>,
        %swap3A_103 = vector.shape_cast %swap3A_102 : vector<16xi32> to vector<16xi32>
        %swap3A_104 = vector.shape_cast %get3A_100 : vector<16xi32> to vector<16xi32>
        tpu.vector_store %arg9[%swap3A_101], %swap3A_104 {strides = array<i32>} : memref<80xi32, #tpu.memory_space<vmem>>, vector<16xi32>,
        %get3A_105 = arith.index_cast %add3A_88 : i32 to index
        %get3A_106 = arith.constant 32 : index
        %get3A_107 = tpu.vector_load %arg6[%get3A_105, %get3A_106] {strides = array<i32>} : memref<32x80xi32, #tpu.memory_space<vmem>>, vector<1x16xi32>,
        %get3A_108 = vector.shape_cast %get3A_107 : vector<1x16xi32> to vector<16xi32>
        %swap3A_109 = arith.constant 32 : index
        %swap3A_110 = tpu.vector_load %arg9[%swap3A_109] {strides = array<i32>} : memref<80xi32, #tpu.memory_space<vmem>>, vector<16xi32>,
        %swap3A_111 = vector.shape_cast %swap3A_110 : vector<16xi32> to vector<16xi32>
        %swap3A_112 = vector.shape_cast %get3A_108 : vector<16xi32> to vector<16xi32>
        tpu.vector_store %arg9[%swap3A_109], %swap3A_112 {strides = array<i32>} : memref<80xi32, #tpu.memory_space<vmem>>, vector<16xi32>,
        %get3A_113 = arith.index_cast %add3A_88 : i32 to index
        %get3A_114 = arith.constant 48 : index
        %get3A_115 = tpu.vector_load %arg6[%get3A_113, %get3A_114] {strides = array<i32>} : memref<32x80xi32, #tpu.memory_space<vmem>>, vector<1x16xi32>,
        %get3A_116 = vector.shape_cast %get3A_115 : vector<1x16xi32> to vector<16xi32>
        %swap3A_117 = arith.constant 48 : index
        %swap3A_118 = tpu.vector_load %arg9[%swap3A_117] {strides = array<i32>} : memref<80xi32, #tpu.memory_space<vmem>>, vector<16xi32>,
        %swap3A_119 = vector.shape_cast %swap3A_118 : vector<16xi32> to vector<16xi32>
        %swap3A_120 = vector.shape_cast %get3A_116 : vector<16xi32> to vector<16xi32>
        tpu.vector_store %arg9[%swap3A_117], %swap3A_120 {strides = array<i32>} : memref<80xi32, #tpu.memory_space<vmem>>, vector<16xi32>,
        %get3A_121 = arith.index_cast %add3A_88 : i32 to index
        %get3A_122 = arith.constant 64 : index
        %get3A_123 = tpu.vector_load %arg6[%get3A_121, %get3A_122] {strides = array<i32>} : memref<32x80xi32, #tpu.memory_space<vmem>>, vector<1x16xi32>,
        %get3A_124 = vector.shape_cast %get3A_123 : vector<1x16xi32> to vector<16xi32>
        %swap3A_125 = arith.constant 64 : index
        %swap3A_126 = tpu.vector_load %arg9[%swap3A_125] {strides = array<i32>} : memref<80xi32, #tpu.memory_space<vmem>>, vector<16xi32>,
        %swap3A_127 = vector.shape_cast %swap3A_126 : vector<16xi32> to vector<16xi32>
        %swap3A_128 = vector.shape_cast %get3A_124 : vector<16xi32> to vector<16xi32>
        tpu.vector_store %arg9[%swap3A_125], %swap3A_128 {strides = array<i32>} : memref<80xi32, #tpu.memory_space<vmem>>, vector<16xi32>,
        %dma_start3A_129 = arith.constant 0 : i32
        %dma_start3A_130 = arith.constant 0 : i32
        %dma_start3A_131 = tpu.memref_slice %arg2[%dma_start3A_129, %dma_start3A_130] : memref<10000x256xf32, #tpu.memory_space<hbm>> -> memref<10000x256xf32, #tpu.memory_space<hbm>>
        %dma_start3A_132 = arith.constant -1 : i32
        tpu.enqueue_indirect_dma source(%dma_start3A_131 : memref<10000x256xf32, #tpu.memory_space<hbm>>) target(%arg13 : memref<80x256xf32, #tpu.memory_space<vmem>>) offsets(%arg9 : memref<80xi32, #tpu.memory_space<vmem>>) offset_filter(%dma_start3A_132) semaphore(%arg15 : memref<!tpu.dma_semaphore, #tpu.memory_space<semaphore_mem>>)
        %dma_wait3A_133 = arith.constant 0 : i32
        %dma_wait3A_134 = arith.constant 0 : i32
        %dma_wait3A_135 = tpu.memref_slice %arg2[%dma_wait3A_133, %dma_wait3A_134] : memref<10000x256xf32, #tpu.memory_space<hbm>> -> memref<10000x256xf32, #tpu.memory_space<hbm>>
        tpu.wait_indirect_dma semaphore(%arg14 : memref<!tpu.dma_semaphore, #tpu.memory_space<semaphore_mem>>) src(%dma_wait3A_135 : memref<10000x256xf32, #tpu.memory_space<hbm>>) dst(%arg12 : memref<80x256xf32, #tpu.memory_space<vmem>>)
        %get3A_136 = arith.index_cast %mul3A_82 : i32 to index
        %get3A_137 = arith.constant 0 : index
        %get3A_138 = tpu.vector_load %arg7[%get3A_136, %get3A_137] {strides = array<i32>} : memref<32x80xi32, #tpu.memory_space<vmem>>, vector<1x16xi32>,
        %get3A_139 = vector.shape_cast %get3A_138 : vector<1x16xi32> to vector<16xi32>
        %swap3A_140 = arith.constant 0 : index
        %swap3A_141 = tpu.vector_load %arg10[%swap3A_140] {strides = array<i32>} : memref<80xi32, #tpu.memory_space<vmem>>, vector<16xi32>,
        %swap3A_142 = vector.shape_cast %swap3A_141 : vector<16xi32> to vector<16xi32>
        %swap3A_143 = vector.shape_cast %get3A_139 : vector<16xi32> to vector<16xi32>
        tpu.vector_store %arg10[%swap3A_140], %swap3A_143 {strides = array<i32>} : memref<80xi32, #tpu.memory_space<vmem>>, vector<16xi32>,
        %get3A_144 = arith.index_cast %mul3A_82 : i32 to index
        %get3A_145 = arith.constant 16 : index
        %get3A_146 = tpu.vector_load %arg7[%get3A_144, %get3A_145] {strides = array<i32>} : memref<32x80xi32, #tpu.memory_space<vmem>>, vector<1x16xi32>,
        %get3A_147 = vector.shape_cast %get3A_146 : vector<1x16xi32> to vector<16xi32>
        %swap3A_148 = arith.constant 16 : index
        %swap3A_149 = tpu.vector_load %arg10[%swap3A_148] {strides = array<i32>} : memref<80xi32, #tpu.memory_space<vmem>>, vector<16xi32>,
        %swap3A_150 = vector.shape_cast %swap3A_149 : vector<16xi32> to vector<16xi32>
        %swap3A_151 = vector.shape_cast %get3A_147 : vector<16xi32> to vector<16xi32>
        tpu.vector_store %arg10[%swap3A_148], %swap3A_151 {strides = array<i32>} : memref<80xi32, #tpu.memory_space<vmem>>, vector<16xi32>,
        %get3A_152 = arith.index_cast %mul3A_82 : i32 to index
        %get3A_153 = arith.constant 32 : index
        %get3A_154 = tpu.vector_load %arg7[%get3A_152, %get3A_153] {strides = array<i32>} : memref<32x80xi32, #tpu.memory_space<vmem>>, vector<1x16xi32>,
        %get3A_155 = vector.shape_cast %get3A_154 : vector<1x16xi32> to vector<16xi32>
        %swap3A_156 = arith.constant 32 : index
        %swap3A_157 = tpu.vector_load %arg10[%swap3A_156] {strides = array<i32>} : memref<80xi32, #tpu.memory_space<vmem>>, vector<16xi32>,
        %swap3A_158 = vector.shape_cast %swap3A_157 : vector<16xi32> to vector<16xi32>
        %swap3A_159 = vector.shape_cast %get3A_155 : vector<16xi32> to vector<16xi32>
        tpu.vector_store %arg10[%swap3A_156], %swap3A_159 {strides = array<i32>} : memref<80xi32, #tpu.memory_space<vmem>>, vector<16xi32>,
        %get3A_160 = arith.index_cast %mul3A_82 : i32 to index
        %get3A_161 = arith.constant 48 : index
        %get3A_162 = tpu.vector_load %arg7[%get3A_160, %get3A_161] {strides = array<i32>} : memref<32x80xi32, #tpu.memory_space<vmem>>, vector<1x16xi32>,
        %get3A_163 = vector.shape_cast %get3A_162 : vector<1x16xi32> to vector<16xi32>
        %swap3A_164 = arith.constant 48 : index
        %swap3A_165 = tpu.vector_load %arg10[%swap3A_164] {strides = array<i32>} : memref<80xi32, #tpu.memory_space<vmem>>, vector<16xi32>,
        %swap3A_166 = vector.shape_cast %swap3A_165 : vector<16xi32> to vector<16xi32>
        %swap3A_167 = vector.shape_cast %get3A_163 : vector<16xi32> to vector<16xi32>
        tpu.vector_store %arg10[%swap3A_164], %swap3A_167 {strides = array<i32>} : memref<80xi32, #tpu.memory_space<vmem>>, vector<16xi32>,
        %get3A_168 = arith.index_cast %mul3A_82 : i32 to index
        %get3A_169 = arith.constant 64 : index
        %get3A_170 = tpu.vector_load %arg7[%get3A_168, %get3A_169] {strides = array<i32>} : memref<32x80xi32, #tpu.memory_space<vmem>>, vector<1x16xi32>,
        %get3A_171 = vector.shape_cast %get3A_170 : vector<1x16xi32> to vector<16xi32>
        %swap3A_172 = arith.constant 64 : index
        %swap3A_173 = tpu.vector_load %arg10[%swap3A_172] {strides = array<i32>} : memref<80xi32, #tpu.memory_space<vmem>>, vector<16xi32>,
        %swap3A_174 = vector.shape_cast %swap3A_173 : vector<16xi32> to vector<16xi32>
        %swap3A_175 = vector.shape_cast %get3A_171 : vector<16xi32> to vector<16xi32>
        tpu.vector_store %arg10[%swap3A_172], %swap3A_175 {strides = array<i32>} : memref<80xi32, #tpu.memory_space<vmem>>, vector<16xi32>,
        %dma_start3A_176 = arith.constant 0 : i32
        %dma_start3A_177 = arith.constant 0 : i32
        %dma_start3A_178 = tpu.memref_slice %arg18[%dma_start3A_176, %dma_start3A_177] : memref<5008x256xf32, #tpu.memory_space<vmem_shared>> -> memref<5008x256xf32, #tpu.memory_space<vmem_shared>>
        %dma_start3A_179 = arith.constant -1 : i32
        tpu.enqueue_indirect_dma source(%arg12 : memref<80x256xf32, #tpu.memory_space<vmem>>) target(%dma_start3A_178 : memref<5008x256xf32, #tpu.memory_space<vmem_shared>>) offsets(%arg10 : memref<80xi32, #tpu.memory_space<vmem>>) offset_filter(%dma_start3A_179) semaphore(%arg16 : memref<!tpu.dma_semaphore, #tpu.memory_space<semaphore_mem>>) {add = true}
        %add3A_180 = arith.constant 2 : i32
        %add3A_181 = arith.addi %mul3A_82, %add3A_180 : i32
        %lt3A = arith.constant 32 : i32
        %lt3A_182 = arith.cmpi slt, %add3A_181, %lt3A : i32
        %convert_element_type3A_183 = arith.extui %lt3A_182 : i1 to i32
        %cond3A_184 = arith.constant 0 : i32
        %cond3A_185 = arith.cmpi ne, %convert_element_type3A_183, %cond3A_184 : i32
        scf.if %cond3A_185 {
          %dma_wait3A_236 = arith.constant 0 : i32
          %dma_wait3A_237 = arith.constant 0 : i32
          %dma_wait3A_238 = tpu.memref_slice %arg18[%dma_wait3A_236, %dma_wait3A_237] : memref<5008x256xf32, #tpu.memory_space<vmem_shared>> -> memref<5008x256xf32, #tpu.memory_space<vmem_shared>>
          tpu.wait_indirect_dma semaphore(%arg16 : memref<!tpu.dma_semaphore, #tpu.memory_space<semaphore_mem>>) src(%arg12 : memref<80x256xf32, #tpu.memory_space<vmem>>) dst(%dma_wait3A_238 : memref<5008x256xf32, #tpu.memory_space<vmem_shared>>)
          %add3A_239 = arith.constant 2 : i32
          %add3A_240 = arith.addi %mul3A_82, %add3A_239 : i32
          %get3A_241 = arith.index_cast %add3A_240 : i32 to index
          %get3A_242 = arith.constant 0 : index
          %get3A_243 = tpu.vector_load %arg6[%get3A_241, %get3A_242] {strides = array<i32>} : memref<32x80xi32, #tpu.memory_space<vmem>>, vector<1x16xi32>,
          %get3A_244 = vector.shape_cast %get3A_243 : vector<1x16xi32> to vector<16xi32>
          %swap3A_245 = arith.constant 0 : index
          %swap3A_246 = tpu.vector_load %arg8[%swap3A_245] {strides = array<i32>} : memref<80xi32, #tpu.memory_space<vmem>>, vector<16xi32>,
          %swap3A_247 = vector.shape_cast %swap3A_246 : vector<16xi32> to vector<16xi32>
          %swap3A_248 = vector.shape_cast %get3A_244 : vector<16xi32> to vector<16xi32>
          tpu.vector_store %arg8[%swap3A_245], %swap3A_248 {strides = array<i32>} : memref<80xi32, #tpu.memory_space<vmem>>, vector<16xi32>,
          %get3A_249 = arith.index_cast %add3A_240 : i32 to index
          %get3A_250 = arith.constant 16 : index
          %get3A_251 = tpu.vector_load %arg6[%get3A_249, %get3A_250] {strides = array<i32>} : memref<32x80xi32, #tpu.memory_space<vmem>>, vector<1x16xi32>,
          %get3A_252 = vector.shape_cast %get3A_251 : vector<1x16xi32> to vector<16xi32>
          %swap3A_253 = arith.constant 16 : index
          %swap3A_254 = tpu.vector_load %arg8[%swap3A_253] {strides = array<i32>} : memref<80xi32, #tpu.memory_space<vmem>>, vector<16xi32>,
          %swap3A_255 = vector.shape_cast %swap3A_254 : vector<16xi32> to vector<16xi32>
          %swap3A_256 = vector.shape_cast %get3A_252 : vector<16xi32> to vector<16xi32>
          tpu.vector_store %arg8[%swap3A_253], %swap3A_256 {strides = array<i32>} : memref<80xi32, #tpu.memory_space<vmem>>, vector<16xi32>,
          %get3A_257 = arith.index_cast %add3A_240 : i32 to index
          %get3A_258 = arith.constant 32 : index
          %get3A_259 = tpu.vector_load %arg6[%get3A_257, %get3A_258] {strides = array<i32>} : memref<32x80xi32, #tpu.memory_space<vmem>>, vector<1x16xi32>,
          %get3A_260 = vector.shape_cast %get3A_259 : vector<1x16xi32> to vector<16xi32>
          %swap3A_261 = arith.constant 32 : index
          %swap3A_262 = tpu.vector_load %arg8[%swap3A_261] {strides = array<i32>} : memref<80xi32, #tpu.memory_space<vmem>>, vector<16xi32>,
          %swap3A_263 = vector.shape_cast %swap3A_262 : vector<16xi32> to vector<16xi32>
          %swap3A_264 = vector.shape_cast %get3A_260 : vector<16xi32> to vector<16xi32>
          tpu.vector_store %arg8[%swap3A_261], %swap3A_264 {strides = array<i32>} : memref<80xi32, #tpu.memory_space<vmem>>, vector<16xi32>,
          %get3A_265 = arith.index_cast %add3A_240 : i32 to index
          %get3A_266 = arith.constant 48 : index
          %get3A_267 = tpu.vector_load %arg6[%get3A_265, %get3A_266] {strides = array<i32>} : memref<32x80xi32, #tpu.memory_space<vmem>>, vector<1x16xi32>,
          %get3A_268 = vector.shape_cast %get3A_267 : vector<1x16xi32> to vector<16xi32>
          %swap3A_269 = arith.constant 48 : index
          %swap3A_270 = tpu.vector_load %arg8[%swap3A_269] {strides = array<i32>} : memref<80xi32, #tpu.memory_space<vmem>>, vector<16xi32>,
          %swap3A_271 = vector.shape_cast %swap3A_270 : vector<16xi32> to vector<16xi32>
          %swap3A_272 = vector.shape_cast %get3A_268 : vector<16xi32> to vector<16xi32>
          tpu.vector_store %arg8[%swap3A_269], %swap3A_272 {strides = array<i32>} : memref<80xi32, #tpu.memory_space<vmem>>, vector<16xi32>,
          %get3A_273 = arith.index_cast %add3A_240 : i32 to index
          %get3A_274 = arith.constant 64 : index
          %get3A_275 = tpu.vector_load %arg6[%get3A_273, %get3A_274] {strides = array<i32>} : memref<32x80xi32, #tpu.memory_space<vmem>>, vector<1x16xi32>,
          %get3A_276 = vector.shape_cast %get3A_275 : vector<1x16xi32> to vector<16xi32>
          %swap3A_277 = arith.constant 64 : index
          %swap3A_278 = tpu.vector_load %arg8[%swap3A_277] {strides = array<i32>} : memref<80xi32, #tpu.memory_space<vmem>>, vector<16xi32>,
          %swap3A_279 = vector.shape_cast %swap3A_278 : vector<16xi32> to vector<16xi32>
          %swap3A_280 = vector.shape_cast %get3A_276 : vector<16xi32> to vector<16xi32>
          tpu.vector_store %arg8[%swap3A_277], %swap3A_280 {strides = array<i32>} : memref<80xi32, #tpu.memory_space<vmem>>, vector<16xi32>,
          %dma_start3A_281 = arith.constant 0 : i32
          %dma_start3A_282 = arith.constant 0 : i32
          %dma_start3A_283 = tpu.memref_slice %arg2[%dma_start3A_281, %dma_start3A_282] : memref<10000x256xf32, #tpu.memory_space<hbm>> -> memref<10000x256xf32, #tpu.memory_space<hbm>>
          %dma_start3A_284 = arith.constant -1 : i32
          tpu.enqueue_indirect_dma source(%dma_start3A_283 : memref<10000x256xf32, #tpu.memory_space<hbm>>) target(%arg12 : memref<80x256xf32, #tpu.memory_space<vmem>>) offsets(%arg8 : memref<80xi32, #tpu.memory_space<vmem>>) offset_filter(%dma_start3A_284) semaphore(%arg14 : memref<!tpu.dma_semaphore, #tpu.memory_space<semaphore_mem>>)
        } else {
        }
        %dma_wait3A_186 = arith.constant 0 : i32
        %dma_wait3A_187 = arith.constant 0 : i32
        %dma_wait3A_188 = tpu.memref_slice %arg2[%dma_wait3A_186, %dma_wait3A_187] : memref<10000x256xf32, #tpu.memory_space<hbm>> -> memref<10000x256xf32, #tpu.memory_space<hbm>>
        tpu.wait_indirect_dma semaphore(%arg15 : memref<!tpu.dma_semaphore, #tpu.memory_space<semaphore_mem>>) src(%dma_wait3A_188 : memref<10000x256xf32, #tpu.memory_space<hbm>>) dst(%arg13 : memref<80x256xf32, #tpu.memory_space<vmem>>)
        %add3A_189 = arith.constant 1 : i32
        %add3A_190 = arith.addi %mul3A_82, %add3A_189 : i32
        %get3A_191 = arith.index_cast %add3A_190 : i32 to index
        %get3A_192 = arith.constant 0 : index
        %get3A_193 = tpu.vector_load %arg7[%get3A_191, %get3A_192] {strides = array<i32>} : memref<32x80xi32, #tpu.memory_space<vmem>>, vector<1x16xi32>,
        %get3A_194 = vector.shape_cast %get3A_193 : vector<1x16xi32> to vector<16xi32>
        %swap3A_195 = arith.constant 0 : index
        %swap3A_196 = tpu.vector_load %arg11[%swap3A_195] {strides = array<i32>} : memref<80xi32, #tpu.memory_space<vmem>>, vector<16xi32>,
        %swap3A_197 = vector.shape_cast %swap3A_196 : vector<16xi32> to vector<16xi32>
        %swap3A_198 = vector.shape_cast %get3A_194 : vector<16xi32> to vector<16xi32>
        tpu.vector_store %arg11[%swap3A_195], %swap3A_198 {strides = array<i32>} : memref<80xi32, #tpu.memory_space<vmem>>, vector<16xi32>,
        %get3A_199 = arith.index_cast %add3A_190 : i32 to index
        %get3A_200 = arith.constant 16 : index
        %get3A_201 = tpu.vector_load %arg7[%get3A_199, %get3A_200] {strides = array<i32>} : memref<32x80xi32, #tpu.memory_space<vmem>>, vector<1x16xi32>,
        %get3A_202 = vector.shape_cast %get3A_201 : vector<1x16xi32> to vector<16xi32>
        %swap3A_203 = arith.constant 16 : index
        %swap3A_204 = tpu.vector_load %arg11[%swap3A_203] {strides = array<i32>} : memref<80xi32, #tpu.memory_space<vmem>>, vector<16xi32>,
        %swap3A_205 = vector.shape_cast %swap3A_204 : vector<16xi32> to vector<16xi32>
        %swap3A_206 = vector.shape_cast %get3A_202 : vector<16xi32> to vector<16xi32>
        tpu.vector_store %arg11[%swap3A_203], %swap3A_206 {strides = array<i32>} : memref<80xi32, #tpu.memory_space<vmem>>, vector<16xi32>,
        %get3A_207 = arith.index_cast %add3A_190 : i32 to index
        %get3A_208 = arith.constant 32 : index
        %get3A_209 = tpu.vector_load %arg7[%get3A_207, %get3A_208] {strides = array<i32>} : memref<32x80xi32, #tpu.memory_space<vmem>>, vector<1x16xi32>,
        %get3A_210 = vector.shape_cast %get3A_209 : vector<1x16xi32> to vector<16xi32>
        %swap3A_211 = arith.constant 32 : index
        %swap3A_212 = tpu.vector_load %arg11[%swap3A_211] {strides = array<i32>} : memref<80xi32, #tpu.memory_space<vmem>>, vector<16xi32>,
        %swap3A_213 = vector.shape_cast %swap3A_212 : vector<16xi32> to vector<16xi32>
        %swap3A_214 = vector.shape_cast %get3A_210 : vector<16xi32> to vector<16xi32>
        tpu.vector_store %arg11[%swap3A_211], %swap3A_214 {strides = array<i32>} : memref<80xi32, #tpu.memory_space<vmem>>, vector<16xi32>,
        %get3A_215 = arith.index_cast %add3A_190 : i32 to index
        %get3A_216 = arith.constant 48 : index
        %get3A_217 = tpu.vector_load %arg7[%get3A_215, %get3A_216] {strides = array<i32>} : memref<32x80xi32, #tpu.memory_space<vmem>>, vector<1x16xi32>,
        %get3A_218 = vector.shape_cast %get3A_217 : vector<1x16xi32> to vector<16xi32>
        %swap3A_219 = arith.constant 48 : index
        %swap3A_220 = tpu.vector_load %arg11[%swap3A_219] {strides = array<i32>} : memref<80xi32, #tpu.memory_space<vmem>>, vector<16xi32>,
        %swap3A_221 = vector.shape_cast %swap3A_220 : vector<16xi32> to vector<16xi32>
        %swap3A_222 = vector.shape_cast %get3A_218 : vector<16xi32> to vector<16xi32>
        tpu.vector_store %arg11[%swap3A_219], %swap3A_222 {strides = array<i32>} : memref<80xi32, #tpu.memory_space<vmem>>, vector<16xi32>,
        %get3A_223 = arith.index_cast %add3A_190 : i32 to index
        %get3A_224 = arith.constant 64 : index
        %get3A_225 = tpu.vector_load %arg7[%get3A_223, %get3A_224] {strides = array<i32>} : memref<32x80xi32, #tpu.memory_space<vmem>>, vector<1x16xi32>,
        %get3A_226 = vector.shape_cast %get3A_225 : vector<1x16xi32> to vector<16xi32>
        %swap3A_227 = arith.constant 64 : index
        %swap3A_228 = tpu.vector_load %arg11[%swap3A_227] {strides = array<i32>} : memref<80xi32, #tpu.memory_space<vmem>>, vector<16xi32>,
        %swap3A_229 = vector.shape_cast %swap3A_228 : vector<16xi32> to vector<16xi32>
        %swap3A_230 = vector.shape_cast %get3A_226 : vector<16xi32> to vector<16xi32>
        tpu.vector_store %arg11[%swap3A_227], %swap3A_230 {strides = array<i32>} : memref<80xi32, #tpu.memory_space<vmem>>, vector<16xi32>,
        %dma_start3A_231 = arith.constant 0 : i32
        %dma_start3A_232 = arith.constant 0 : i32
        %dma_start3A_233 = tpu.memref_slice %arg18[%dma_start3A_231, %dma_start3A_232] : memref<5008x256xf32, #tpu.memory_space<vmem_shared>> -> memref<5008x256xf32, #tpu.memory_space<vmem_shared>>
        %dma_start3A_234 = arith.constant -1 : i32
        tpu.enqueue_indirect_dma source(%arg13 : memref<80x256xf32, #tpu.memory_space<vmem>>) target(%dma_start3A_233 : memref<5008x256xf32, #tpu.memory_space<vmem_shared>>) offsets(%arg11 : memref<80xi32, #tpu.memory_space<vmem>>) offset_filter(%dma_start3A_234) semaphore(%arg17 : memref<!tpu.dma_semaphore, #tpu.memory_space<semaphore_mem>>) {add = true}
        %scan3A_235 = arith.constant 0 : i32
        scf.yield %scan3A_235 : i32
      }
      %scan3A_72 = arith.constant 16 : i32
      %dma_wait3A = arith.constant 0 : i32
      %dma_wait3A_73 = arith.constant 0 : i32
      %dma_wait3A_74 = tpu.memref_slice %arg18[%dma_wait3A, %dma_wait3A_73] : memref<5008x256xf32, #tpu.memory_space<vmem_shared>> -> memref<5008x256xf32, #tpu.memory_space<vmem_shared>>
      tpu.wait_indirect_dma semaphore(%arg16 : memref<!tpu.dma_semaphore, #tpu.memory_space<semaphore_mem>>) src(%arg12 : memref<80x256xf32, #tpu.memory_space<vmem>>) dst(%dma_wait3A_74 : memref<5008x256xf32, #tpu.memory_space<vmem_shared>>)
      %dma_wait3A_75 = arith.constant 0 : i32
      %dma_wait3A_76 = arith.constant 0 : i32
      %dma_wait3A_77 = tpu.memref_slice %arg18[%dma_wait3A_75, %dma_wait3A_76] : memref<5008x256xf32, #tpu.memory_space<vmem_shared>> -> memref<5008x256xf32, #tpu.memory_space<vmem_shared>>
      tpu.wait_indirect_dma semaphore(%arg17 : memref<!tpu.dma_semaphore, #tpu.memory_space<semaphore_mem>>) src(%arg13 : memref<80x256xf32, #tpu.memory_space<vmem>>) dst(%dma_wait3A_77 : memref<5008x256xf32, #tpu.memory_space<vmem_shared>>)
      %scan3A_78 = arith.constant 0 : i32
      scf.yield %scan3A_78 : i32
    }
    %scan3A_10 = arith.constant 8 : i32
    %barrier3A_11 = arith.constant 0 : index
    tpu.barrier barrier_id(%barrier3A_11)
    %add3A_12 = arith.addi %mul3A_0, %mul3A_2 : i32
    "tpu.region"() ({
      %run_scoped3A = tpu.sem_alloc : memref<!tpu.dma_semaphore, #tpu.memory_space<semaphore_mem>>
      %dma_start3A = arith.constant 0 : i32
      %dma_start3A_18 = tpu.memref_slice %arg5[%add3A_12, %dma_start3A] : memref<10000x256xf32, #tpu.memory_space<hbm>> -> memref<312x256xf32, #tpu.memory_space<hbm>>
      %dma_start3A_19 = arith.constant 0 : i32
      %dma_start3A_20 = tpu.memref_slice %arg18[%mul3A_2, %dma_start3A_19] : memref<5008x256xf32, #tpu.memory_space<vmem_shared>> -> memref<312x256xf32, #tpu.memory_space<vmem_shared>>
      tpu.enqueue_dma source(%dma_start3A_20 : memref<312x256xf32, #tpu.memory_space<vmem_shared>>) target(%dma_start3A_18 : memref<312x256xf32, #tpu.memory_space<hbm>>) target_semaphore(%run_scoped3A : memref<!tpu.dma_semaphore, #tpu.memory_space<semaphore_mem>>)
      %dma_wait3A = arith.constant 0 : i32
      %dma_wait3A_21 = tpu.memref_slice %arg5[%add3A_12, %dma_wait3A] : memref<10000x256xf32, #tpu.memory_space<hbm>> -> memref<312x256xf32, #tpu.memory_space<hbm>>
      %dma_wait3A_22 = arith.constant 0 : i32
      %dma_wait3A_23 = tpu.memref_slice %arg18[%mul3A_2, %dma_wait3A_22] : memref<5008x256xf32, #tpu.memory_space<vmem_shared>> -> memref<312x256xf32, #tpu.memory_space<vmem_shared>>
      tpu.wait_dma2 semaphore(%run_scoped3A : memref<!tpu.dma_semaphore, #tpu.memory_space<semaphore_mem>>) src(%dma_wait3A_23 : memref<312x256xf32, #tpu.memory_space<vmem_shared>>) dst(%dma_wait3A_21 : memref<312x256xf32, #tpu.memory_space<hbm>>)
      tpu.yield
    }) : () -> ()
    %eq3A_13 = arith.constant 15 : i32
    %eq3A_14 = arith.cmpi eq, %arg1, %eq3A_13 : i32
    %convert_element_type3A_15 = arith.extui %eq3A_14 : i1 to i32
    %cond3A_16 = arith.constant 0 : i32
    %cond3A_17 = arith.cmpi ne, %convert_element_type3A_15, %cond3A_16 : i32
    scf.if %cond3A_17 {
      %add3A_18 = arith.constant 4992 : i32
      %add3A_19 = arith.addi %mul3A_0, %add3A_18 : i32
      "tpu.region"() ({
        %run_scoped3A = tpu.sem_alloc : memref<!tpu.dma_semaphore, #tpu.memory_space<semaphore_mem>>
        %dma_start3A = arith.constant 0 : i32
        %dma_start3A_20 = tpu.memref_slice %arg5[%add3A_19, %dma_start3A] : memref<10000x256xf32, #tpu.memory_space<hbm>> -> memref<8x256xf32, #tpu.memory_space<hbm>>
        %dma_start3A_21 = arith.constant 4992 : i32
        %dma_start3A_22 = arith.constant 0 : i32
        %dma_start3A_23 = tpu.memref_slice %arg18[%dma_start3A_21, %dma_start3A_22] : memref<5008x256xf32, #tpu.memory_space<vmem_shared>> -> memref<8x256xf32, #tpu.memory_space<vmem_shared>>
        tpu.enqueue_dma source(%dma_start3A_23 : memref<8x256xf32, #tpu.memory_space<vmem_shared>>) target(%dma_start3A_20 : memref<8x256xf32, #tpu.memory_space<hbm>>) target_semaphore(%run_scoped3A : memref<!tpu.dma_semaphore, #tpu.memory_space<semaphore_mem>>)
        %dma_wait3A = arith.constant 0 : i32
        %dma_wait3A_24 = tpu.memref_slice %arg5[%add3A_19, %dma_wait3A] : memref<10000x256xf32, #tpu.memory_space<hbm>> -> memref<8x256xf32, #tpu.memory_space<hbm>>
        %dma_wait3A_25 = arith.constant 4992 : i32
        %dma_wait3A_26 = arith.constant 0 : i32
        %dma_wait3A_27 = tpu.memref_slice %arg18[%dma_wait3A_25, %dma_wait3A_26] : memref<5008x256xf32, #tpu.memory_space<vmem_shared>> -> memref<8x256xf32, #tpu.memory_space<vmem_shared>>
        tpu.wait_dma2 semaphore(%run_scoped3A : memref<!tpu.dma_semaphore, #tpu.memory_space<semaphore_mem>>) src(%dma_wait3A_27 : memref<8x256xf32, #tpu.memory_space<vmem_shared>>) dst(%dma_wait3A_24 : memref<8x256xf32, #tpu.memory_space<hbm>>)
        tpu.yield
      }) : () -> ()
    } else {
    }
    return
  }
}

#map = affine_map<(d0, d1) -> (0, 0)>
#map1 = affine_map<(d0, d1) -> (0, 0, 0, 0, 0)>
module attributes {stable_mosaic.version = 14 : i64} {
  func.func @_sc_msgpass(%arg0: i32, %arg1: i32, %arg2: memref<10000x256xf32, #tpu.memory_space<hbm>>, %arg3: memref<2x16x8x32x80xi32, #tpu.memory_space<hbm>>, %arg4: memref<2x16x8x32x80xi32, #tpu.memory_space<hbm>>, %arg5: memref<10000x256xf32, #tpu.memory_space<hbm>>, %arg6: memref<32x80xi32, #tpu.memory_space<vmem>>, %arg7: memref<32x80xi32, #tpu.memory_space<vmem>>, %arg8: memref<80xi32, #tpu.memory_space<vmem>>, %arg9: memref<80xi32, #tpu.memory_space<vmem>>, %arg10: memref<80xi32, #tpu.memory_space<vmem>>, %arg11: memref<80xi32, #tpu.memory_space<vmem>>, %arg12: memref<80x256xf32, #tpu.memory_space<vmem>>, %arg13: memref<80x256xf32, #tpu.memory_space<vmem>>, %arg14: memref<!tpu.dma_semaphore, #tpu.memory_space<semaphore_mem>>, %arg15: memref<!tpu.dma_semaphore, #tpu.memory_space<semaphore_mem>>, %arg16: memref<!tpu.dma_semaphore, #tpu.memory_space<semaphore_mem>>, %arg17: memref<!tpu.dma_semaphore, #tpu.memory_space<semaphore_mem>>, %arg18: memref<5008x256xf32, #tpu.memory_space<vmem_shared>>) attributes {dimension_semantics = [#tpu.dimension_semantics<core_parallel>, #tpu.dimension_semantics<subcore_parallel>], iteration_bounds = array<i64: 2, 16>, scalar_prefetch = 0 : i64, scratch_operands = 13 : i64, tpu.core_type = #tpu.core_type<sc_vector_subcore>, window_params = [{transform_indices = #map}, {transform_indices = #map1}, {transform_indices = #map1}, {transform_indices = #map}]} {
    %mul3A = arith.constant 5000 : i32
    %mul3A_0 = arith.muli %arg0, %mul3A : i32
    %mul3A_1 = arith.constant 312 : i32
    %mul3A_2 = arith.muli %arg1, %mul3A_1 : i32
    %add3A = arith.addi %mul3A_0, %mul3A_2 : i32
    "tpu.region"() ({
      %run_scoped3A = tpu.sem_alloc : memref<!tpu.dma_semaphore, #tpu.memory_space<semaphore_mem>>
      %dma_start3A = arith.constant 0 : i32
      %dma_start3A_18 = tpu.memref_slice %arg18[%mul3A_2, %dma_start3A] : memref<5008x256xf32, #tpu.memory_space<vmem_shared>> -> memref<312x256xf32, #tpu.memory_space<vmem_shared>>
      %dma_start3A_19 = arith.constant 0 : i32
      %dma_start3A_20 = tpu.memref_slice %arg2[%add3A, %dma_start3A_19] : memref<10000x256xf32, #tpu.memory_space<hbm>> -> memref<312x256xf32, #tpu.memory_space<hbm>>
      tpu.enqueue_dma source(%dma_start3A_20 : memref<312x256xf32, #tpu.memory_space<hbm>>) target(%dma_start3A_18 : memref<312x256xf32, #tpu.memory_space<vmem_shared>>) target_semaphore(%run_scoped3A : memref<!tpu.dma_semaphore, #tpu.memory_space<semaphore_mem>>)
      %dma_wait3A = arith.constant 0 : i32
      %dma_wait3A_21 = tpu.memref_slice %arg18[%mul3A_2, %dma_wait3A] : memref<5008x256xf32, #tpu.memory_space<vmem_shared>> -> memref<312x256xf32, #tpu.memory_space<vmem_shared>>
      %dma_wait3A_22 = arith.constant 0 : i32
      %dma_wait3A_23 = tpu.memref_slice %arg2[%add3A, %dma_wait3A_22] : memref<10000x256xf32, #tpu.memory_space<hbm>> -> memref<312x256xf32, #tpu.memory_space<hbm>>
      tpu.wait_dma2 semaphore(%run_scoped3A : memref<!tpu.dma_semaphore, #tpu.memory_space<semaphore_mem>>) src(%dma_wait3A_23 : memref<312x256xf32, #tpu.memory_space<hbm>>) dst(%dma_wait3A_21 : memref<312x256xf32, #tpu.memory_space<vmem_shared>>)
      tpu.yield
    }) : () -> ()
    %eq3A = arith.constant 15 : i32
    %eq3A_3 = arith.cmpi eq, %arg1, %eq3A : i32
    %convert_element_type3A = arith.extui %eq3A_3 : i1 to i32
    %cond3A = arith.constant 0 : i32
    %cond3A_4 = arith.cmpi ne, %convert_element_type3A, %cond3A : i32
    scf.if %cond3A_4 {
      %add3A_18 = arith.constant 4992 : i32
      %add3A_19 = arith.addi %mul3A_0, %add3A_18 : i32
      "tpu.region"() ({
        %run_scoped3A = tpu.sem_alloc : memref<!tpu.dma_semaphore, #tpu.memory_space<semaphore_mem>>
        %dma_start3A = arith.constant 4992 : i32
        %dma_start3A_20 = arith.constant 0 : i32
        %dma_start3A_21 = tpu.memref_slice %arg18[%dma_start3A, %dma_start3A_20] : memref<5008x256xf32, #tpu.memory_space<vmem_shared>> -> memref<8x256xf32, #tpu.memory_space<vmem_shared>>
        %dma_start3A_22 = arith.constant 0 : i32
        %dma_start3A_23 = tpu.memref_slice %arg2[%add3A_19, %dma_start3A_22] : memref<10000x256xf32, #tpu.memory_space<hbm>> -> memref<8x256xf32, #tpu.memory_space<hbm>>
        tpu.enqueue_dma source(%dma_start3A_23 : memref<8x256xf32, #tpu.memory_space<hbm>>) target(%dma_start3A_21 : memref<8x256xf32, #tpu.memory_space<vmem_shared>>) target_semaphore(%run_scoped3A : memref<!tpu.dma_semaphore, #tpu.memory_space<semaphore_mem>>)
        %dma_wait3A = arith.constant 4992 : i32
        %dma_wait3A_24 = arith.constant 0 : i32
        %dma_wait3A_25 = tpu.memref_slice %arg18[%dma_wait3A, %dma_wait3A_24] : memref<5008x256xf32, #tpu.memory_space<vmem_shared>> -> memref<8x256xf32, #tpu.memory_space<vmem_shared>>
        %dma_wait3A_26 = arith.constant 0 : i32
        %dma_wait3A_27 = tpu.memref_slice %arg2[%add3A_19, %dma_wait3A_26] : memref<10000x256xf32, #tpu.memory_space<hbm>> -> memref<8x256xf32, #tpu.memory_space<hbm>>
        tpu.wait_dma2 semaphore(%run_scoped3A : memref<!tpu.dma_semaphore, #tpu.memory_space<semaphore_mem>>) src(%dma_wait3A_27 : memref<8x256xf32, #tpu.memory_space<hbm>>) dst(%dma_wait3A_25 : memref<8x256xf32, #tpu.memory_space<vmem_shared>>)
        tpu.yield
      }) : () -> ()
    } else {
    }
    %barrier3A = arith.constant 0 : index
    tpu.barrier barrier_id(%barrier3A)
    %scan3A = arith.constant 0 : i32
    %scan3A_5 = arith.constant 0 : i32
    %scan3A_6 = arith.constant 8 : i32
    %scan3A_7 = arith.addi %scan3A_5, %scan3A_6 : i32
    %scan3A_8 = arith.constant 1 : i32
    %scan3A_9 = scf.for %scan3A_18 = %scan3A_5 to %scan3A_7 step %scan3A_8 iter_args(%scan3A_19 = %scan3A) -> (i32)  : i32 {
      "tpu.region"() ({
        %run_scoped3A = tpu.sem_alloc : memref<!tpu.dma_semaphore, #tpu.memory_space<semaphore_mem>>
        %dma_start3A_79 = arith.constant 0 : i32
        %dma_start3A_80 = arith.constant 0 : i32
        %dma_start3A_81 = tpu.memref_slice %arg3[%arg0, %arg1, %scan3A_18, %dma_start3A_79, %dma_start3A_80] : memref<2x16x8x32x80xi32, #tpu.memory_space<hbm>> -> memref<1x1x1x32x80xi32, #tpu.memory_space<hbm>>
        %dma_start3A_82 = tpu.memref_squeeze %dma_start3A_81 : memref<1x1x1x32x80xi32, #tpu.memory_space<hbm>> -> memref<32x80xi32, #tpu.memory_space<hbm>>
        %dma_start3A_83 = arith.constant 0 : i32
        %dma_start3A_84 = arith.constant 0 : i32
        %dma_start3A_85 = tpu.memref_slice %arg3[%arg0, %arg1, %scan3A_18, %dma_start3A_83, %dma_start3A_84] : memref<2x16x8x32x80xi32, #tpu.memory_space<hbm>> -> memref<1x1x1x32x80xi32, #tpu.memory_space<hbm>>
        %dma_start3A_86 = tpu.memref_squeeze %dma_start3A_85 : memref<1x1x1x32x80xi32, #tpu.memory_space<hbm>> -> memref<32x80xi32, #tpu.memory_space<hbm>>
        tpu.enqueue_dma source(%dma_start3A_86 : memref<32x80xi32, #tpu.memory_space<hbm>>) target(%arg6 : memref<32x80xi32, #tpu.memory_space<vmem>>) target_semaphore(%run_scoped3A : memref<!tpu.dma_semaphore, #tpu.memory_space<semaphore_mem>>)
        %dma_wait3A_87 = arith.constant 0 : i32
        %dma_wait3A_88 = arith.constant 0 : i32
        %dma_wait3A_89 = tpu.memref_slice %arg3[%arg0, %arg1, %scan3A_18, %dma_wait3A_87, %dma_wait3A_88] : memref<2x16x8x32x80xi32, #tpu.memory_space<hbm>> -> memref<1x1x1x32x80xi32, #tpu.memory_space<hbm>>
        %dma_wait3A_90 = tpu.memref_squeeze %dma_wait3A_89 : memref<1x1x1x32x80xi32, #tpu.memory_space<hbm>> -> memref<32x80xi32, #tpu.memory_space<hbm>>
        %dma_wait3A_91 = arith.constant 0 : i32
        %dma_wait3A_92 = arith.constant 0 : i32
        %dma_wait3A_93 = tpu.memref_slice %arg3[%arg0, %arg1, %scan3A_18, %dma_wait3A_91, %dma_wait3A_92] : memref<2x16x8x32x80xi32, #tpu.memory_space<hbm>> -> memref<1x1x1x32x80xi32, #tpu.memory_space<hbm>>
        %dma_wait3A_94 = tpu.memref_squeeze %dma_wait3A_93 : memref<1x1x1x32x80xi32, #tpu.memory_space<hbm>> -> memref<32x80xi32, #tpu.memory_space<hbm>>
        tpu.wait_dma2 semaphore(%run_scoped3A : memref<!tpu.dma_semaphore, #tpu.memory_space<semaphore_mem>>) src(%dma_wait3A_94 : memref<32x80xi32, #tpu.memory_space<hbm>>) dst(%arg6 : memref<32x80xi32, #tpu.memory_space<vmem>>)
        tpu.yield
      }) : () -> ()
      "tpu.region"() ({
        %run_scoped3A = tpu.sem_alloc : memref<!tpu.dma_semaphore, #tpu.memory_space<semaphore_mem>>
        %dma_start3A_79 = arith.constant 0 : i32
        %dma_start3A_80 = arith.constant 0 : i32
        %dma_start3A_81 = tpu.memref_slice %arg4[%arg0, %arg1, %scan3A_18, %dma_start3A_79, %dma_start3A_80] : memref<2x16x8x32x80xi32, #tpu.memory_space<hbm>> -> memref<1x1x1x32x80xi32, #tpu.memory_space<hbm>>
        %dma_start3A_82 = tpu.memref_squeeze %dma_start3A_81 : memref<1x1x1x32x80xi32, #tpu.memory_space<hbm>> -> memref<32x80xi32, #tpu.memory_space<hbm>>
        %dma_start3A_83 = arith.constant 0 : i32
        %dma_start3A_84 = arith.constant 0 : i32
        %dma_start3A_85 = tpu.memref_slice %arg4[%arg0, %arg1, %scan3A_18, %dma_start3A_83, %dma_start3A_84] : memref<2x16x8x32x80xi32, #tpu.memory_space<hbm>> -> memref<1x1x1x32x80xi32, #tpu.memory_space<hbm>>
        %dma_start3A_86 = tpu.memref_squeeze %dma_start3A_85 : memref<1x1x1x32x80xi32, #tpu.memory_space<hbm>> -> memref<32x80xi32, #tpu.memory_space<hbm>>
        tpu.enqueue_dma source(%dma_start3A_86 : memref<32x80xi32, #tpu.memory_space<hbm>>) target(%arg7 : memref<32x80xi32, #tpu.memory_space<vmem>>) target_semaphore(%run_scoped3A : memref<!tpu.dma_semaphore, #tpu.memory_space<semaphore_mem>>)
        %dma_wait3A_87 = arith.constant 0 : i32
        %dma_wait3A_88 = arith.constant 0 : i32
        %dma_wait3A_89 = tpu.memref_slice %arg4[%arg0, %arg1, %scan3A_18, %dma_wait3A_87, %dma_wait3A_88] : memref<2x16x8x32x80xi32, #tpu.memory_space<hbm>> -> memref<1x1x1x32x80xi32, #tpu.memory_space<hbm>>
        %dma_wait3A_90 = tpu.memref_squeeze %dma_wait3A_89 : memref<1x1x1x32x80xi32, #tpu.memory_space<hbm>> -> memref<32x80xi32, #tpu.memory_space<hbm>>
        %dma_wait3A_91 = arith.constant 0 : i32
        %dma_wait3A_92 = arith.constant 0 : i32
        %dma_wait3A_93 = tpu.memref_slice %arg4[%arg0, %arg1, %scan3A_18, %dma_wait3A_91, %dma_wait3A_92] : memref<2x16x8x32x80xi32, #tpu.memory_space<hbm>> -> memref<1x1x1x32x80xi32, #tpu.memory_space<hbm>>
        %dma_wait3A_94 = tpu.memref_squeeze %dma_wait3A_93 : memref<1x1x1x32x80xi32, #tpu.memory_space<hbm>> -> memref<32x80xi32, #tpu.memory_space<hbm>>
        tpu.wait_dma2 semaphore(%run_scoped3A : memref<!tpu.dma_semaphore, #tpu.memory_space<semaphore_mem>>) src(%dma_wait3A_94 : memref<32x80xi32, #tpu.memory_space<hbm>>) dst(%arg7 : memref<32x80xi32, #tpu.memory_space<vmem>>)
        tpu.yield
      }) : () -> ()
      %get3A = arith.constant 0 : i32
      %get3A_20 = arith.index_cast %get3A : i32 to index
      %get3A_21 = arith.constant 0 : index
      %get3A_22 = tpu.vector_load %arg6[%get3A_20, %get3A_21] {strides = array<i32>} : memref<32x80xi32, #tpu.memory_space<vmem>>, vector<1x16xi32>,
      %get3A_23 = vector.shape_cast %get3A_22 : vector<1x16xi32> to vector<16xi32>
      %swap3A = arith.constant 0 : index
      %swap3A_24 = tpu.vector_load %arg8[%swap3A] {strides = array<i32>} : memref<80xi32, #tpu.memory_space<vmem>>, vector<16xi32>,
      %swap3A_25 = vector.shape_cast %swap3A_24 : vector<16xi32> to vector<16xi32>
      %swap3A_26 = vector.shape_cast %get3A_23 : vector<16xi32> to vector<16xi32>
      tpu.vector_store %arg8[%swap3A], %swap3A_26 {strides = array<i32>} : memref<80xi32, #tpu.memory_space<vmem>>, vector<16xi32>,
      %get3A_27 = arith.constant 0 : i32
      %get3A_28 = arith.index_cast %get3A_27 : i32 to index
      %get3A_29 = arith.constant 16 : index
      %get3A_30 = tpu.vector_load %arg6[%get3A_28, %get3A_29] {strides = array<i32>} : memref<32x80xi32, #tpu.memory_space<vmem>>, vector<1x16xi32>,
      %get3A_31 = vector.shape_cast %get3A_30 : vector<1x16xi32> to vector<16xi32>
      %swap3A_32 = arith.constant 16 : index
      %swap3A_33 = tpu.vector_load %arg8[%swap3A_32] {strides = array<i32>} : memref<80xi32, #tpu.memory_space<vmem>>, vector<16xi32>,
      %swap3A_34 = vector.shape_cast %swap3A_33 : vector<16xi32> to vector<16xi32>
      %swap3A_35 = vector.shape_cast %get3A_31 : vector<16xi32> to vector<16xi32>
      tpu.vector_store %arg8[%swap3A_32], %swap3A_35 {strides = array<i32>} : memref<80xi32, #tpu.memory_space<vmem>>, vector<16xi32>,
      %get3A_36 = arith.constant 0 : i32
      %get3A_37 = arith.index_cast %get3A_36 : i32 to index
      %get3A_38 = arith.constant 32 : index
      %get3A_39 = tpu.vector_load %arg6[%get3A_37, %get3A_38] {strides = array<i32>} : memref<32x80xi32, #tpu.memory_space<vmem>>, vector<1x16xi32>,
      %get3A_40 = vector.shape_cast %get3A_39 : vector<1x16xi32> to vector<16xi32>
      %swap3A_41 = arith.constant 32 : index
      %swap3A_42 = tpu.vector_load %arg8[%swap3A_41] {strides = array<i32>} : memref<80xi32, #tpu.memory_space<vmem>>, vector<16xi32>,
      %swap3A_43 = vector.shape_cast %swap3A_42 : vector<16xi32> to vector<16xi32>
      %swap3A_44 = vector.shape_cast %get3A_40 : vector<16xi32> to vector<16xi32>
      tpu.vector_store %arg8[%swap3A_41], %swap3A_44 {strides = array<i32>} : memref<80xi32, #tpu.memory_space<vmem>>, vector<16xi32>,
      %get3A_45 = arith.constant 0 : i32
      %get3A_46 = arith.index_cast %get3A_45 : i32 to index
      %get3A_47 = arith.constant 48 : index
      %get3A_48 = tpu.vector_load %arg6[%get3A_46, %get3A_47] {strides = array<i32>} : memref<32x80xi32, #tpu.memory_space<vmem>>, vector<1x16xi32>,
      %get3A_49 = vector.shape_cast %get3A_48 : vector<1x16xi32> to vector<16xi32>
      %swap3A_50 = arith.constant 48 : index
      %swap3A_51 = tpu.vector_load %arg8[%swap3A_50] {strides = array<i32>} : memref<80xi32, #tpu.memory_space<vmem>>, vector<16xi32>,
      %swap3A_52 = vector.shape_cast %swap3A_51 : vector<16xi32> to vector<16xi32>
      %swap3A_53 = vector.shape_cast %get3A_49 : vector<16xi32> to vector<16xi32>
      tpu.vector_store %arg8[%swap3A_50], %swap3A_53 {strides = array<i32>} : memref<80xi32, #tpu.memory_space<vmem>>, vector<16xi32>,
      %get3A_54 = arith.constant 0 : i32
      %get3A_55 = arith.index_cast %get3A_54 : i32 to index
      %get3A_56 = arith.constant 64 : index
      %get3A_57 = tpu.vector_load %arg6[%get3A_55, %get3A_56] {strides = array<i32>} : memref<32x80xi32, #tpu.memory_space<vmem>>, vector<1x16xi32>,
      %get3A_58 = vector.shape_cast %get3A_57 : vector<1x16xi32> to vector<16xi32>
      %swap3A_59 = arith.constant 64 : index
      %swap3A_60 = tpu.vector_load %arg8[%swap3A_59] {strides = array<i32>} : memref<80xi32, #tpu.memory_space<vmem>>, vector<16xi32>,
      %swap3A_61 = vector.shape_cast %swap3A_60 : vector<16xi32> to vector<16xi32>
      %swap3A_62 = vector.shape_cast %get3A_58 : vector<16xi32> to vector<16xi32>
      tpu.vector_store %arg8[%swap3A_59], %swap3A_62 {strides = array<i32>} : memref<80xi32, #tpu.memory_space<vmem>>, vector<16xi32>,
      %dma_start3A = arith.constant 0 : i32
      %dma_start3A_63 = arith.constant 0 : i32
      %dma_start3A_64 = tpu.memref_slice %arg2[%dma_start3A, %dma_start3A_63] : memref<10000x256xf32, #tpu.memory_space<hbm>> -> memref<10000x256xf32, #tpu.memory_space<hbm>>
      %dma_start3A_65 = arith.constant -1 : i32
      tpu.enqueue_indirect_dma source(%dma_start3A_64 : memref<10000x256xf32, #tpu.memory_space<hbm>>) target(%arg12 : memref<80x256xf32, #tpu.memory_space<vmem>>) offsets(%arg8 : memref<80xi32, #tpu.memory_space<vmem>>) offset_filter(%dma_start3A_65) semaphore(%arg14 : memref<!tpu.dma_semaphore, #tpu.memory_space<semaphore_mem>>)
      %scan3A_66 = arith.constant 0 : i32
      %scan3A_67 = arith.constant 0 : i32
      %scan3A_68 = arith.constant 16 : i32
      %scan3A_69 = arith.addi %scan3A_67, %scan3A_68 : i32
      %scan3A_70 = arith.constant 1 : i32
      %scan3A_71 = scf.for %scan3A_79 = %scan3A_67 to %scan3A_69 step %scan3A_70 iter_args(%scan3A_80 = %scan3A_66) -> (i32)  : i32 {
        %mul3A_81 = arith.constant 2 : i32
        %mul3A_82 = arith.muli %mul3A_81, %scan3A_79 : i32
        %gt3A = arith.constant 0 : i32
        %gt3A_83 = arith.cmpi sgt, %scan3A_79, %gt3A : i32
        %convert_element_type3A_84 = arith.extui %gt3A_83 : i1 to i32
        %cond3A_85 = arith.constant 0 : i32
        %cond3A_86 = arith.cmpi ne, %convert_element_type3A_84, %cond3A_85 : i32
        scf.if %cond3A_86 {
          %dma_wait3A_236 = arith.constant 0 : i32
          %dma_wait3A_237 = arith.constant 0 : i32
          %dma_wait3A_238 = tpu.memref_slice %arg18[%dma_wait3A_236, %dma_wait3A_237] : memref<5008x256xf32, #tpu.memory_space<vmem_shared>> -> memref<5008x256xf32, #tpu.memory_space<vmem_shared>>
          tpu.wait_indirect_dma semaphore(%arg17 : memref<!tpu.dma_semaphore, #tpu.memory_space<semaphore_mem>>) src(%arg13 : memref<80x256xf32, #tpu.memory_space<vmem>>) dst(%dma_wait3A_238 : memref<5008x256xf32, #tpu.memory_space<vmem_shared>>)
        } else {
        }
        %add3A_87 = arith.constant 1 : i32
        %add3A_88 = arith.addi %mul3A_82, %add3A_87 : i32
        %get3A_89 = arith.index_cast %add3A_88 : i32 to index
        %get3A_90 = arith.constant 0 : index
        %get3A_91 = tpu.vector_load %arg6[%get3A_89, %get3A_90] {strides = array<i32>} : memref<32x80xi32, #tpu.memory_space<vmem>>, vector<1x16xi32>,
        %get3A_92 = vector.shape_cast %get3A_91 : vector<1x16xi32> to vector<16xi32>
        %swap3A_93 = arith.constant 0 : index
        %swap3A_94 = tpu.vector_load %arg9[%swap3A_93] {strides = array<i32>} : memref<80xi32, #tpu.memory_space<vmem>>, vector<16xi32>,
        %swap3A_95 = vector.shape_cast %swap3A_94 : vector<16xi32> to vector<16xi32>
        %swap3A_96 = vector.shape_cast %get3A_92 : vector<16xi32> to vector<16xi32>
        tpu.vector_store %arg9[%swap3A_93], %swap3A_96 {strides = array<i32>} : memref<80xi32, #tpu.memory_space<vmem>>, vector<16xi32>,
        %get3A_97 = arith.index_cast %add3A_88 : i32 to index
        %get3A_98 = arith.constant 16 : index
        %get3A_99 = tpu.vector_load %arg6[%get3A_97, %get3A_98] {strides = array<i32>} : memref<32x80xi32, #tpu.memory_space<vmem>>, vector<1x16xi32>,
        %get3A_100 = vector.shape_cast %get3A_99 : vector<1x16xi32> to vector<16xi32>
        %swap3A_101 = arith.constant 16 : index
        %swap3A_102 = tpu.vector_load %arg9[%swap3A_101] {strides = array<i32>} : memref<80xi32, #tpu.memory_space<vmem>>, vector<16xi32>,
        %swap3A_103 = vector.shape_cast %swap3A_102 : vector<16xi32> to vector<16xi32>
        %swap3A_104 = vector.shape_cast %get3A_100 : vector<16xi32> to vector<16xi32>
        tpu.vector_store %arg9[%swap3A_101], %swap3A_104 {strides = array<i32>} : memref<80xi32, #tpu.memory_space<vmem>>, vector<16xi32>,
        %get3A_105 = arith.index_cast %add3A_88 : i32 to index
        %get3A_106 = arith.constant 32 : index
        %get3A_107 = tpu.vector_load %arg6[%get3A_105, %get3A_106] {strides = array<i32>} : memref<32x80xi32, #tpu.memory_space<vmem>>, vector<1x16xi32>,
        %get3A_108 = vector.shape_cast %get3A_107 : vector<1x16xi32> to vector<16xi32>
        %swap3A_109 = arith.constant 32 : index
        %swap3A_110 = tpu.vector_load %arg9[%swap3A_109] {strides = array<i32>} : memref<80xi32, #tpu.memory_space<vmem>>, vector<16xi32>,
        %swap3A_111 = vector.shape_cast %swap3A_110 : vector<16xi32> to vector<16xi32>
        %swap3A_112 = vector.shape_cast %get3A_108 : vector<16xi32> to vector<16xi32>
        tpu.vector_store %arg9[%swap3A_109], %swap3A_112 {strides = array<i32>} : memref<80xi32, #tpu.memory_space<vmem>>, vector<16xi32>,
        %get3A_113 = arith.index_cast %add3A_88 : i32 to index
        %get3A_114 = arith.constant 48 : index
        %get3A_115 = tpu.vector_load %arg6[%get3A_113, %get3A_114] {strides = array<i32>} : memref<32x80xi32, #tpu.memory_space<vmem>>, vector<1x16xi32>,
        %get3A_116 = vector.shape_cast %get3A_115 : vector<1x16xi32> to vector<16xi32>
        %swap3A_117 = arith.constant 48 : index
        %swap3A_118 = tpu.vector_load %arg9[%swap3A_117] {strides = array<i32>} : memref<80xi32, #tpu.memory_space<vmem>>, vector<16xi32>,
        %swap3A_119 = vector.shape_cast %swap3A_118 : vector<16xi32> to vector<16xi32>
        %swap3A_120 = vector.shape_cast %get3A_116 : vector<16xi32> to vector<16xi32>
        tpu.vector_store %arg9[%swap3A_117], %swap3A_120 {strides = array<i32>} : memref<80xi32, #tpu.memory_space<vmem>>, vector<16xi32>,
        %get3A_121 = arith.index_cast %add3A_88 : i32 to index
        %get3A_122 = arith.constant 64 : index
        %get3A_123 = tpu.vector_load %arg6[%get3A_121, %get3A_122] {strides = array<i32>} : memref<32x80xi32, #tpu.memory_space<vmem>>, vector<1x16xi32>,
        %get3A_124 = vector.shape_cast %get3A_123 : vector<1x16xi32> to vector<16xi32>
        %swap3A_125 = arith.constant 64 : index
        %swap3A_126 = tpu.vector_load %arg9[%swap3A_125] {strides = array<i32>} : memref<80xi32, #tpu.memory_space<vmem>>, vector<16xi32>,
        %swap3A_127 = vector.shape_cast %swap3A_126 : vector<16xi32> to vector<16xi32>
        %swap3A_128 = vector.shape_cast %get3A_124 : vector<16xi32> to vector<16xi32>
        tpu.vector_store %arg9[%swap3A_125], %swap3A_128 {strides = array<i32>} : memref<80xi32, #tpu.memory_space<vmem>>, vector<16xi32>,
        %dma_start3A_129 = arith.constant 0 : i32
        %dma_start3A_130 = arith.constant 0 : i32
        %dma_start3A_131 = tpu.memref_slice %arg2[%dma_start3A_129, %dma_start3A_130] : memref<10000x256xf32, #tpu.memory_space<hbm>> -> memref<10000x256xf32, #tpu.memory_space<hbm>>
        %dma_start3A_132 = arith.constant -1 : i32
        tpu.enqueue_indirect_dma source(%dma_start3A_131 : memref<10000x256xf32, #tpu.memory_space<hbm>>) target(%arg13 : memref<80x256xf32, #tpu.memory_space<vmem>>) offsets(%arg9 : memref<80xi32, #tpu.memory_space<vmem>>) offset_filter(%dma_start3A_132) semaphore(%arg15 : memref<!tpu.dma_semaphore, #tpu.memory_space<semaphore_mem>>)
        %dma_wait3A_133 = arith.constant 0 : i32
        %dma_wait3A_134 = arith.constant 0 : i32
        %dma_wait3A_135 = tpu.memref_slice %arg2[%dma_wait3A_133, %dma_wait3A_134] : memref<10000x256xf32, #tpu.memory_space<hbm>> -> memref<10000x256xf32, #tpu.memory_space<hbm>>
        tpu.wait_indirect_dma semaphore(%arg14 : memref<!tpu.dma_semaphore, #tpu.memory_space<semaphore_mem>>) src(%dma_wait3A_135 : memref<10000x256xf32, #tpu.memory_space<hbm>>) dst(%arg12 : memref<80x256xf32, #tpu.memory_space<vmem>>)
        %get3A_136 = arith.index_cast %mul3A_82 : i32 to index
        %get3A_137 = arith.constant 0 : index
        %get3A_138 = tpu.vector_load %arg7[%get3A_136, %get3A_137] {strides = array<i32>} : memref<32x80xi32, #tpu.memory_space<vmem>>, vector<1x16xi32>,
        %get3A_139 = vector.shape_cast %get3A_138 : vector<1x16xi32> to vector<16xi32>
        %swap3A_140 = arith.constant 0 : index
        %swap3A_141 = tpu.vector_load %arg10[%swap3A_140] {strides = array<i32>} : memref<80xi32, #tpu.memory_space<vmem>>, vector<16xi32>,
        %swap3A_142 = vector.shape_cast %swap3A_141 : vector<16xi32> to vector<16xi32>
        %swap3A_143 = vector.shape_cast %get3A_139 : vector<16xi32> to vector<16xi32>
        tpu.vector_store %arg10[%swap3A_140], %swap3A_143 {strides = array<i32>} : memref<80xi32, #tpu.memory_space<vmem>>, vector<16xi32>,
        %get3A_144 = arith.index_cast %mul3A_82 : i32 to index
        %get3A_145 = arith.constant 16 : index
        %get3A_146 = tpu.vector_load %arg7[%get3A_144, %get3A_145] {strides = array<i32>} : memref<32x80xi32, #tpu.memory_space<vmem>>, vector<1x16xi32>,
        %get3A_147 = vector.shape_cast %get3A_146 : vector<1x16xi32> to vector<16xi32>
        %swap3A_148 = arith.constant 16 : index
        %swap3A_149 = tpu.vector_load %arg10[%swap3A_148] {strides = array<i32>} : memref<80xi32, #tpu.memory_space<vmem>>, vector<16xi32>,
        %swap3A_150 = vector.shape_cast %swap3A_149 : vector<16xi32> to vector<16xi32>
        %swap3A_151 = vector.shape_cast %get3A_147 : vector<16xi32> to vector<16xi32>
        tpu.vector_store %arg10[%swap3A_148], %swap3A_151 {strides = array<i32>} : memref<80xi32, #tpu.memory_space<vmem>>, vector<16xi32>,
        %get3A_152 = arith.index_cast %mul3A_82 : i32 to index
        %get3A_153 = arith.constant 32 : index
        %get3A_154 = tpu.vector_load %arg7[%get3A_152, %get3A_153] {strides = array<i32>} : memref<32x80xi32, #tpu.memory_space<vmem>>, vector<1x16xi32>,
        %get3A_155 = vector.shape_cast %get3A_154 : vector<1x16xi32> to vector<16xi32>
        %swap3A_156 = arith.constant 32 : index
        %swap3A_157 = tpu.vector_load %arg10[%swap3A_156] {strides = array<i32>} : memref<80xi32, #tpu.memory_space<vmem>>, vector<16xi32>,
        %swap3A_158 = vector.shape_cast %swap3A_157 : vector<16xi32> to vector<16xi32>
        %swap3A_159 = vector.shape_cast %get3A_155 : vector<16xi32> to vector<16xi32>
        tpu.vector_store %arg10[%swap3A_156], %swap3A_159 {strides = array<i32>} : memref<80xi32, #tpu.memory_space<vmem>>, vector<16xi32>,
        %get3A_160 = arith.index_cast %mul3A_82 : i32 to index
        %get3A_161 = arith.constant 48 : index
        %get3A_162 = tpu.vector_load %arg7[%get3A_160, %get3A_161] {strides = array<i32>} : memref<32x80xi32, #tpu.memory_space<vmem>>, vector<1x16xi32>,
        %get3A_163 = vector.shape_cast %get3A_162 : vector<1x16xi32> to vector<16xi32>
        %swap3A_164 = arith.constant 48 : index
        %swap3A_165 = tpu.vector_load %arg10[%swap3A_164] {strides = array<i32>} : memref<80xi32, #tpu.memory_space<vmem>>, vector<16xi32>,
        %swap3A_166 = vector.shape_cast %swap3A_165 : vector<16xi32> to vector<16xi32>
        %swap3A_167 = vector.shape_cast %get3A_163 : vector<16xi32> to vector<16xi32>
        tpu.vector_store %arg10[%swap3A_164], %swap3A_167 {strides = array<i32>} : memref<80xi32, #tpu.memory_space<vmem>>, vector<16xi32>,
        %get3A_168 = arith.index_cast %mul3A_82 : i32 to index
        %get3A_169 = arith.constant 64 : index
        %get3A_170 = tpu.vector_load %arg7[%get3A_168, %get3A_169] {strides = array<i32>} : memref<32x80xi32, #tpu.memory_space<vmem>>, vector<1x16xi32>,
        %get3A_171 = vector.shape_cast %get3A_170 : vector<1x16xi32> to vector<16xi32>
        %swap3A_172 = arith.constant 64 : index
        %swap3A_173 = tpu.vector_load %arg10[%swap3A_172] {strides = array<i32>} : memref<80xi32, #tpu.memory_space<vmem>>, vector<16xi32>,
        %swap3A_174 = vector.shape_cast %swap3A_173 : vector<16xi32> to vector<16xi32>
        %swap3A_175 = vector.shape_cast %get3A_171 : vector<16xi32> to vector<16xi32>
        tpu.vector_store %arg10[%swap3A_172], %swap3A_175 {strides = array<i32>} : memref<80xi32, #tpu.memory_space<vmem>>, vector<16xi32>,
        %dma_start3A_176 = arith.constant 0 : i32
        %dma_start3A_177 = arith.constant 0 : i32
        %dma_start3A_178 = tpu.memref_slice %arg18[%dma_start3A_176, %dma_start3A_177] : memref<5008x256xf32, #tpu.memory_space<vmem_shared>> -> memref<5008x256xf32, #tpu.memory_space<vmem_shared>>
        %dma_start3A_179 = arith.constant -1 : i32
        tpu.enqueue_indirect_dma source(%arg12 : memref<80x256xf32, #tpu.memory_space<vmem>>) target(%dma_start3A_178 : memref<5008x256xf32, #tpu.memory_space<vmem_shared>>) offsets(%arg10 : memref<80xi32, #tpu.memory_space<vmem>>) offset_filter(%dma_start3A_179) semaphore(%arg16 : memref<!tpu.dma_semaphore, #tpu.memory_space<semaphore_mem>>) {add = true}
        %add3A_180 = arith.constant 2 : i32
        %add3A_181 = arith.addi %mul3A_82, %add3A_180 : i32
        %lt3A = arith.constant 32 : i32
        %lt3A_182 = arith.cmpi slt, %add3A_181, %lt3A : i32
        %convert_element_type3A_183 = arith.extui %lt3A_182 : i1 to i32
        %cond3A_184 = arith.constant 0 : i32
        %cond3A_185 = arith.cmpi ne, %convert_element_type3A_183, %cond3A_184 : i32
        scf.if %cond3A_185 {
          %dma_wait3A_236 = arith.constant 0 : i32
          %dma_wait3A_237 = arith.constant 0 : i32
          %dma_wait3A_238 = tpu.memref_slice %arg18[%dma_wait3A_236, %dma_wait3A_237] : memref<5008x256xf32, #tpu.memory_space<vmem_shared>> -> memref<5008x256xf32, #tpu.memory_space<vmem_shared>>
          tpu.wait_indirect_dma semaphore(%arg16 : memref<!tpu.dma_semaphore, #tpu.memory_space<semaphore_mem>>) src(%arg12 : memref<80x256xf32, #tpu.memory_space<vmem>>) dst(%dma_wait3A_238 : memref<5008x256xf32, #tpu.memory_space<vmem_shared>>)
          %add3A_239 = arith.constant 2 : i32
          %add3A_240 = arith.addi %mul3A_82, %add3A_239 : i32
          %get3A_241 = arith.index_cast %add3A_240 : i32 to index
          %get3A_242 = arith.constant 0 : index
          %get3A_243 = tpu.vector_load %arg6[%get3A_241, %get3A_242] {strides = array<i32>} : memref<32x80xi32, #tpu.memory_space<vmem>>, vector<1x16xi32>,
          %get3A_244 = vector.shape_cast %get3A_243 : vector<1x16xi32> to vector<16xi32>
          %swap3A_245 = arith.constant 0 : index
          %swap3A_246 = tpu.vector_load %arg8[%swap3A_245] {strides = array<i32>} : memref<80xi32, #tpu.memory_space<vmem>>, vector<16xi32>,
          %swap3A_247 = vector.shape_cast %swap3A_246 : vector<16xi32> to vector<16xi32>
          %swap3A_248 = vector.shape_cast %get3A_244 : vector<16xi32> to vector<16xi32>
          tpu.vector_store %arg8[%swap3A_245], %swap3A_248 {strides = array<i32>} : memref<80xi32, #tpu.memory_space<vmem>>, vector<16xi32>,
          %get3A_249 = arith.index_cast %add3A_240 : i32 to index
          %get3A_250 = arith.constant 16 : index
          %get3A_251 = tpu.vector_load %arg6[%get3A_249, %get3A_250] {strides = array<i32>} : memref<32x80xi32, #tpu.memory_space<vmem>>, vector<1x16xi32>,
          %get3A_252 = vector.shape_cast %get3A_251 : vector<1x16xi32> to vector<16xi32>
          %swap3A_253 = arith.constant 16 : index
          %swap3A_254 = tpu.vector_load %arg8[%swap3A_253] {strides = array<i32>} : memref<80xi32, #tpu.memory_space<vmem>>, vector<16xi32>,
          %swap3A_255 = vector.shape_cast %swap3A_254 : vector<16xi32> to vector<16xi32>
          %swap3A_256 = vector.shape_cast %get3A_252 : vector<16xi32> to vector<16xi32>
          tpu.vector_store %arg8[%swap3A_253], %swap3A_256 {strides = array<i32>} : memref<80xi32, #tpu.memory_space<vmem>>, vector<16xi32>,
          %get3A_257 = arith.index_cast %add3A_240 : i32 to index
          %get3A_258 = arith.constant 32 : index
          %get3A_259 = tpu.vector_load %arg6[%get3A_257, %get3A_258] {strides = array<i32>} : memref<32x80xi32, #tpu.memory_space<vmem>>, vector<1x16xi32>,
          %get3A_260 = vector.shape_cast %get3A_259 : vector<1x16xi32> to vector<16xi32>
          %swap3A_261 = arith.constant 32 : index
          %swap3A_262 = tpu.vector_load %arg8[%swap3A_261] {strides = array<i32>} : memref<80xi32, #tpu.memory_space<vmem>>, vector<16xi32>,
          %swap3A_263 = vector.shape_cast %swap3A_262 : vector<16xi32> to vector<16xi32>
          %swap3A_264 = vector.shape_cast %get3A_260 : vector<16xi32> to vector<16xi32>
          tpu.vector_store %arg8[%swap3A_261], %swap3A_264 {strides = array<i32>} : memref<80xi32, #tpu.memory_space<vmem>>, vector<16xi32>,
          %get3A_265 = arith.index_cast %add3A_240 : i32 to index
          %get3A_266 = arith.constant 48 : index
          %get3A_267 = tpu.vector_load %arg6[%get3A_265, %get3A_266] {strides = array<i32>} : memref<32x80xi32, #tpu.memory_space<vmem>>, vector<1x16xi32>,
          %get3A_268 = vector.shape_cast %get3A_267 : vector<1x16xi32> to vector<16xi32>
          %swap3A_269 = arith.constant 48 : index
          %swap3A_270 = tpu.vector_load %arg8[%swap3A_269] {strides = array<i32>} : memref<80xi32, #tpu.memory_space<vmem>>, vector<16xi32>,
          %swap3A_271 = vector.shape_cast %swap3A_270 : vector<16xi32> to vector<16xi32>
          %swap3A_272 = vector.shape_cast %get3A_268 : vector<16xi32> to vector<16xi32>
          tpu.vector_store %arg8[%swap3A_269], %swap3A_272 {strides = array<i32>} : memref<80xi32, #tpu.memory_space<vmem>>, vector<16xi32>,
          %get3A_273 = arith.index_cast %add3A_240 : i32 to index
          %get3A_274 = arith.constant 64 : index
          %get3A_275 = tpu.vector_load %arg6[%get3A_273, %get3A_274] {strides = array<i32>} : memref<32x80xi32, #tpu.memory_space<vmem>>, vector<1x16xi32>,
          %get3A_276 = vector.shape_cast %get3A_275 : vector<1x16xi32> to vector<16xi32>
          %swap3A_277 = arith.constant 64 : index
          %swap3A_278 = tpu.vector_load %arg8[%swap3A_277] {strides = array<i32>} : memref<80xi32, #tpu.memory_space<vmem>>, vector<16xi32>,
          %swap3A_279 = vector.shape_cast %swap3A_278 : vector<16xi32> to vector<16xi32>
          %swap3A_280 = vector.shape_cast %get3A_276 : vector<16xi32> to vector<16xi32>
          tpu.vector_store %arg8[%swap3A_277], %swap3A_280 {strides = array<i32>} : memref<80xi32, #tpu.memory_space<vmem>>, vector<16xi32>,
          %dma_start3A_281 = arith.constant 0 : i32
          %dma_start3A_282 = arith.constant 0 : i32
          %dma_start3A_283 = tpu.memref_slice %arg2[%dma_start3A_281, %dma_start3A_282] : memref<10000x256xf32, #tpu.memory_space<hbm>> -> memref<10000x256xf32, #tpu.memory_space<hbm>>
          %dma_start3A_284 = arith.constant -1 : i32
          tpu.enqueue_indirect_dma source(%dma_start3A_283 : memref<10000x256xf32, #tpu.memory_space<hbm>>) target(%arg12 : memref<80x256xf32, #tpu.memory_space<vmem>>) offsets(%arg8 : memref<80xi32, #tpu.memory_space<vmem>>) offset_filter(%dma_start3A_284) semaphore(%arg14 : memref<!tpu.dma_semaphore, #tpu.memory_space<semaphore_mem>>)
        } else {
        }
        %dma_wait3A_186 = arith.constant 0 : i32
        %dma_wait3A_187 = arith.constant 0 : i32
        %dma_wait3A_188 = tpu.memref_slice %arg2[%dma_wait3A_186, %dma_wait3A_187] : memref<10000x256xf32, #tpu.memory_space<hbm>> -> memref<10000x256xf32, #tpu.memory_space<hbm>>
        tpu.wait_indirect_dma semaphore(%arg15 : memref<!tpu.dma_semaphore, #tpu.memory_space<semaphore_mem>>) src(%dma_wait3A_188 : memref<10000x256xf32, #tpu.memory_space<hbm>>) dst(%arg13 : memref<80x256xf32, #tpu.memory_space<vmem>>)
        %add3A_189 = arith.constant 1 : i32
        %add3A_190 = arith.addi %mul3A_82, %add3A_189 : i32
        %get3A_191 = arith.index_cast %add3A_190 : i32 to index
        %get3A_192 = arith.constant 0 : index
        %get3A_193 = tpu.vector_load %arg7[%get3A_191, %get3A_192] {strides = array<i32>} : memref<32x80xi32, #tpu.memory_space<vmem>>, vector<1x16xi32>,
        %get3A_194 = vector.shape_cast %get3A_193 : vector<1x16xi32> to vector<16xi32>
        %swap3A_195 = arith.constant 0 : index
        %swap3A_196 = tpu.vector_load %arg11[%swap3A_195] {strides = array<i32>} : memref<80xi32, #tpu.memory_space<vmem>>, vector<16xi32>,
        %swap3A_197 = vector.shape_cast %swap3A_196 : vector<16xi32> to vector<16xi32>
        %swap3A_198 = vector.shape_cast %get3A_194 : vector<16xi32> to vector<16xi32>
        tpu.vector_store %arg11[%swap3A_195], %swap3A_198 {strides = array<i32>} : memref<80xi32, #tpu.memory_space<vmem>>, vector<16xi32>,
        %get3A_199 = arith.index_cast %add3A_190 : i32 to index
        %get3A_200 = arith.constant 16 : index
        %get3A_201 = tpu.vector_load %arg7[%get3A_199, %get3A_200] {strides = array<i32>} : memref<32x80xi32, #tpu.memory_space<vmem>>, vector<1x16xi32>,
        %get3A_202 = vector.shape_cast %get3A_201 : vector<1x16xi32> to vector<16xi32>
        %swap3A_203 = arith.constant 16 : index
        %swap3A_204 = tpu.vector_load %arg11[%swap3A_203] {strides = array<i32>} : memref<80xi32, #tpu.memory_space<vmem>>, vector<16xi32>,
        %swap3A_205 = vector.shape_cast %swap3A_204 : vector<16xi32> to vector<16xi32>
        %swap3A_206 = vector.shape_cast %get3A_202 : vector<16xi32> to vector<16xi32>
        tpu.vector_store %arg11[%swap3A_203], %swap3A_206 {strides = array<i32>} : memref<80xi32, #tpu.memory_space<vmem>>, vector<16xi32>,
        %get3A_207 = arith.index_cast %add3A_190 : i32 to index
        %get3A_208 = arith.constant 32 : index
        %get3A_209 = tpu.vector_load %arg7[%get3A_207, %get3A_208] {strides = array<i32>} : memref<32x80xi32, #tpu.memory_space<vmem>>, vector<1x16xi32>,
        %get3A_210 = vector.shape_cast %get3A_209 : vector<1x16xi32> to vector<16xi32>
        %swap3A_211 = arith.constant 32 : index
        %swap3A_212 = tpu.vector_load %arg11[%swap3A_211] {strides = array<i32>} : memref<80xi32, #tpu.memory_space<vmem>>, vector<16xi32>,
        %swap3A_213 = vector.shape_cast %swap3A_212 : vector<16xi32> to vector<16xi32>
        %swap3A_214 = vector.shape_cast %get3A_210 : vector<16xi32> to vector<16xi32>
        tpu.vector_store %arg11[%swap3A_211], %swap3A_214 {strides = array<i32>} : memref<80xi32, #tpu.memory_space<vmem>>, vector<16xi32>,
        %get3A_215 = arith.index_cast %add3A_190 : i32 to index
        %get3A_216 = arith.constant 48 : index
        %get3A_217 = tpu.vector_load %arg7[%get3A_215, %get3A_216] {strides = array<i32>} : memref<32x80xi32, #tpu.memory_space<vmem>>, vector<1x16xi32>,
        %get3A_218 = vector.shape_cast %get3A_217 : vector<1x16xi32> to vector<16xi32>
        %swap3A_219 = arith.constant 48 : index
        %swap3A_220 = tpu.vector_load %arg11[%swap3A_219] {strides = array<i32>} : memref<80xi32, #tpu.memory_space<vmem>>, vector<16xi32>,
        %swap3A_221 = vector.shape_cast %swap3A_220 : vector<16xi32> to vector<16xi32>
        %swap3A_222 = vector.shape_cast %get3A_218 : vector<16xi32> to vector<16xi32>
        tpu.vector_store %arg11[%swap3A_219], %swap3A_222 {strides = array<i32>} : memref<80xi32, #tpu.memory_space<vmem>>, vector<16xi32>,
        %get3A_223 = arith.index_cast %add3A_190 : i32 to index
        %get3A_224 = arith.constant 64 : index
        %get3A_225 = tpu.vector_load %arg7[%get3A_223, %get3A_224] {strides = array<i32>} : memref<32x80xi32, #tpu.memory_space<vmem>>, vector<1x16xi32>,
        %get3A_226 = vector.shape_cast %get3A_225 : vector<1x16xi32> to vector<16xi32>
        %swap3A_227 = arith.constant 64 : index
        %swap3A_228 = tpu.vector_load %arg11[%swap3A_227] {strides = array<i32>} : memref<80xi32, #tpu.memory_space<vmem>>, vector<16xi32>,
        %swap3A_229 = vector.shape_cast %swap3A_228 : vector<16xi32> to vector<16xi32>
        %swap3A_230 = vector.shape_cast %get3A_226 : vector<16xi32> to vector<16xi32>
        tpu.vector_store %arg11[%swap3A_227], %swap3A_230 {strides = array<i32>} : memref<80xi32, #tpu.memory_space<vmem>>, vector<16xi32>,
        %dma_start3A_231 = arith.constant 0 : i32
        %dma_start3A_232 = arith.constant 0 : i32
        %dma_start3A_233 = tpu.memref_slice %arg18[%dma_start3A_231, %dma_start3A_232] : memref<5008x256xf32, #tpu.memory_space<vmem_shared>> -> memref<5008x256xf32, #tpu.memory_space<vmem_shared>>
        %dma_start3A_234 = arith.constant -1 : i32
        tpu.enqueue_indirect_dma source(%arg13 : memref<80x256xf32, #tpu.memory_space<vmem>>) target(%dma_start3A_233 : memref<5008x256xf32, #tpu.memory_space<vmem_shared>>) offsets(%arg11 : memref<80xi32, #tpu.memory_space<vmem>>) offset_filter(%dma_start3A_234) semaphore(%arg17 : memref<!tpu.dma_semaphore, #tpu.memory_space<semaphore_mem>>) {add = true}
        %scan3A_235 = arith.constant 0 : i32
        scf.yield %scan3A_235 : i32
      }
      %scan3A_72 = arith.constant 16 : i32
      %dma_wait3A = arith.constant 0 : i32
      %dma_wait3A_73 = arith.constant 0 : i32
      %dma_wait3A_74 = tpu.memref_slice %arg18[%dma_wait3A, %dma_wait3A_73] : memref<5008x256xf32, #tpu.memory_space<vmem_shared>> -> memref<5008x256xf32, #tpu.memory_space<vmem_shared>>
      tpu.wait_indirect_dma semaphore(%arg16 : memref<!tpu.dma_semaphore, #tpu.memory_space<semaphore_mem>>) src(%arg12 : memref<80x256xf32, #tpu.memory_space<vmem>>) dst(%dma_wait3A_74 : memref<5008x256xf32, #tpu.memory_space<vmem_shared>>)
      %dma_wait3A_75 = arith.constant 0 : i32
      %dma_wait3A_76 = arith.constant 0 : i32
      %dma_wait3A_77 = tpu.memref_slice %arg18[%dma_wait3A_75, %dma_wait3A_76] : memref<5008x256xf32, #tpu.memory_space<vmem_shared>> -> memref<5008x256xf32, #tpu.memory_space<vmem_shared>>
      tpu.wait_indirect_dma semaphore(%arg17 : memref<!tpu.dma_semaphore, #tpu.memory_space<semaphore_mem>>) src(%arg13 : memref<80x256xf32, #tpu.memory_space<vmem>>) dst(%dma_wait3A_77 : memref<5008x256xf32, #tpu.memory_space<vmem_shared>>)
      %scan3A_78 = arith.constant 0 : i32
      scf.yield %scan3A_78 : i32
    }
    %scan3A_10 = arith.constant 8 : i32
    %barrier3A_11 = arith.constant 0 : index
    tpu.barrier barrier_id(%barrier3A_11)
    %add3A_12 = arith.addi %mul3A_0, %mul3A_2 : i32
    "tpu.region"() ({
      %run_scoped3A = tpu.sem_alloc : memref<!tpu.dma_semaphore, #tpu.memory_space<semaphore_mem>>
      %dma_start3A = arith.constant 0 : i32
      %dma_start3A_18 = tpu.memref_slice %arg5[%add3A_12, %dma_start3A] : memref<10000x256xf32, #tpu.memory_space<hbm>> -> memref<312x256xf32, #tpu.memory_space<hbm>>
      %dma_start3A_19 = arith.constant 0 : i32
      %dma_start3A_20 = tpu.memref_slice %arg18[%mul3A_2, %dma_start3A_19] : memref<5008x256xf32, #tpu.memory_space<vmem_shared>> -> memref<312x256xf32, #tpu.memory_space<vmem_shared>>
      tpu.enqueue_dma source(%dma_start3A_20 : memref<312x256xf32, #tpu.memory_space<vmem_shared>>) target(%dma_start3A_18 : memref<312x256xf32, #tpu.memory_space<hbm>>) target_semaphore(%run_scoped3A : memref<!tpu.dma_semaphore, #tpu.memory_space<semaphore_mem>>)
      %dma_wait3A = arith.constant 0 : i32
      %dma_wait3A_21 = tpu.memref_slice %arg5[%add3A_12, %dma_wait3A] : memref<10000x256xf32, #tpu.memory_space<hbm>> -> memref<312x256xf32, #tpu.memory_space<hbm>>
      %dma_wait3A_22 = arith.constant 0 : i32
      %dma_wait3A_23 = tpu.memref_slice %arg18[%mul3A_2, %dma_wait3A_22] : memref<5008x256xf32, #tpu.memory_space<vmem_shared>> -> memref<312x256xf32, #tpu.memory_space<vmem_shared>>
      tpu.wait_dma2 semaphore(%run_scoped3A : memref<!tpu.dma_semaphore, #tpu.memory_space<semaphore_mem>>) src(%dma_wait3A_23 : memref<312x256xf32, #tpu.memory_space<vmem_shared>>) dst(%dma_wait3A_21 : memref<312x256xf32, #tpu.memory_space<hbm>>)
      tpu.yield
    }) : () -> ()
    %eq3A_13 = arith.constant 15 : i32
    %eq3A_14 = arith.cmpi eq, %arg1, %eq3A_13 : i32
    %convert_element_type3A_15 = arith.extui %eq3A_14 : i1 to i32
    %cond3A_16 = arith.constant 0 : i32
    %cond3A_17 = arith.cmpi ne, %convert_element_type3A_15, %cond3A_16 : i32
    scf.if %cond3A_17 {
      %add3A_18 = arith.constant 4992 : i32
      %add3A_19 = arith.addi %mul3A_0, %add3A_18 : i32
      "tpu.region"() ({
        %run_scoped3A = tpu.sem_alloc : memref<!tpu.dma_semaphore, #tpu.memory_space<semaphore_mem>>
        %dma_start3A = arith.constant 0 : i32
        %dma_start3A_20 = tpu.memref_slice %arg5[%add3A_19, %dma_start3A] : memref<10000x256xf32, #tpu.memory_space<hbm>> -> memref<8x256xf32, #tpu.memory_space<hbm>>
        %dma_start3A_21 = arith.constant 4992 : i32
        %dma_start3A_22 = arith.constant 0 : i32
        %dma_start3A_23 = tpu.memref_slice %arg18[%dma_start3A_21, %dma_start3A_22] : memref<5008x256xf32, #tpu.memory_space<vmem_shared>> -> memref<8x256xf32, #tpu.memory_space<vmem_shared>>
        tpu.enqueue_dma source(%dma_start3A_23 : memref<8x256xf32, #tpu.memory_space<vmem_shared>>) target(%dma_start3A_20 : memref<8x256xf32, #tpu.memory_space<hbm>>) target_semaphore(%run_scoped3A : memref<!tpu.dma_semaphore, #tpu.memory_space<semaphore_mem>>)
        %dma_wait3A = arith.constant 0 : i32
        %dma_wait3A_24 = tpu.memref_slice %arg5[%add3A_19, %dma_wait3A] : memref<10000x256xf32, #tpu.memory_space<hbm>> -> memref<8x256xf32, #tpu.memory_space<hbm>>
        %dma_wait3A_25 = arith.constant 4992 : i32
        %dma_wait3A_26 = arith.constant 0 : i32
        %dma_wait3A_27 = tpu.memref_slice %arg18[%dma_wait3A_25, %dma_wait3A_26] : memref<5008x256xf32, #tpu.memory_space<vmem_shared>> -> memref<8x256xf32, #tpu.memory_space<vmem_shared>>
        tpu.wait_dma2 semaphore(%run_scoped3A : memref<!tpu.dma_semaphore, #tpu.memory_space<semaphore_mem>>) src(%dma_wait3A_27 : memref<8x256xf32, #tpu.memory_space<vmem_shared>>) dst(%dma_wait3A_24 : memref<8x256xf32, #tpu.memory_space<hbm>>)
        tpu.yield
      }) : () -> ()
    } else {
    }
    return
  }
}

module attributes {stable_mosaic.version = 14 : i64} {
  func.func @_dis_body(%arg0: memref<2x10240xf32, #tpu.memory_space<vmem>>, %arg1: memref<1x10240xf32, #tpu.memory_space<vmem>>) attributes {dimension_semantics = [], scalar_prefetch = 0 : i64, scratch_operands = 0 : i64, tpu.core_type = #tpu.core_type<tc>} {
    %get3A = arith.constant 0 : index
    %get3A_0 = arith.constant 0 : index
    %get3A_1 = vector.load %arg0[%get3A, %get3A_0] : memref<2x10240xf32, #tpu.memory_space<vmem>>, vector<2x10240xf32>
    %reduce_sum3A = arith.constant dense<0.000000e+00> : vector<10240xf32>
    %reduce_sum3A_2 = vector.multi_reduction <add>, %get3A_1, %reduce_sum3A [0] : vector<2x10240xf32> to vector<10240xf32>
    %broadcast_in_dim3A = vector.shape_cast %reduce_sum3A_2 : vector<10240xf32> to vector<1x10240xf32>
    %add3A = arith.constant 1.000000e+00 : f32
    %add3A_3 = vector.broadcast %add3A : f32 to vector<1x10240xf32>
    %add3A_4 = arith.addf %add3A_3, %broadcast_in_dim3A : vector<1x10240xf32>
    %rsqrt3A = math.rsqrt %add3A_4 : vector<1x10240xf32>
    %swap3A = arith.constant 0 : index
    %swap3A_5 = arith.constant 0 : index
    %swap3A_6 = vector.load %arg1[%swap3A, %swap3A_5] : memref<1x10240xf32, #tpu.memory_space<vmem>>, vector<1x10240xf32>
    tpu.vector_store %arg1[%swap3A, %swap3A_5], %rsqrt3A {strides = array<i32>} : memref<1x10240xf32, #tpu.memory_space<vmem>>, vector<1x10240xf32>,
    return
  }
}

module attributes {stable_mosaic.version = 14 : i64} {
  func.func @_embmm_body(%arg0: i32, %arg1: memref<2000x128xf32, #tpu.memory_space<vmem>>, %arg2: memref<2000x1xf32, #tpu.memory_space<vmem>>, %arg3: memref<128x256xf32, #tpu.memory_space<vmem>>, %arg4: memref<1x256xf32, #tpu.memory_space<vmem>>, %arg5: memref<256x256xf32, #tpu.memory_space<vmem>>, %arg6: memref<2000x256xf32, #tpu.memory_space<vmem>>) attributes {dimension_semantics = [#tpu.dimension_semantics<arbitrary>], iteration_bounds = array<i64: 5>, scalar_prefetch = 0 : i64, scratch_operands = 0 : i64, tpu.core_type = #tpu.core_type<tc>, window_params = [{transform_indices = @transform_0, window_bounds = array<i64: 2000, 128>}, {transform_indices = @transform_1, window_bounds = array<i64: 2000, 1>}, {pipeline_mode = #tpu.pipeline_mode<synchronous>, transform_indices = @transform_2, window_bounds = array<i64: 128, 256>}, {pipeline_mode = #tpu.pipeline_mode<synchronous>, transform_indices = @transform_3, window_bounds = array<i64: 1, 256>}, {pipeline_mode = #tpu.pipeline_mode<synchronous>, transform_indices = @transform_4, window_bounds = array<i64: 256, 256>}, {transform_indices = @transform_5, window_bounds = array<i64: 2000, 256>}]} {
    %get3A = arith.constant 0 : index
    %get3A_0 = arith.constant 0 : index
    %get3A_1 = vector.load %arg1[%get3A, %get3A_0] : memref<2000x128xf32, #tpu.memory_space<vmem>>, vector<2000x128xf32>
    %get3A_2 = arith.constant 0 : index
    %get3A_3 = arith.constant 0 : index
    %get3A_4 = vector.load %arg3[%get3A_2, %get3A_3] : memref<128x256xf32, #tpu.memory_space<vmem>>, vector<128x256xf32>
    %dot_general3A = arith.constant dense<0.000000e+00> : vector<2000x256xf32>
    %dot_general3A_5 = tpu.matmul %get3A_1, %get3A_4, %dot_general3A {dimension_numbers = #tpu.dot_dimension_numbers<[1], [0], [0], [1], [0, 0, 1, 1], [], []>, transpose_lhs_hint = false} : vector<2000x128xf32>, vector<128x256xf32>, vector<2000x256xf32> -> vector<2000x256xf32>
    %get3A_6 = arith.constant 0 : index
    %get3A_7 = arith.constant 0 : index
    %get3A_8 = vector.load %arg4[%get3A_6, %get3A_7] : memref<1x256xf32, #tpu.memory_space<vmem>>, vector<1x256xf32>
    %add3A = vector.broadcast %get3A_8 : vector<1x256xf32> to vector<2000x256xf32>
    %add3A_9 = arith.addf %dot_general3A_5, %add3A : vector<2000x256xf32>
    %get3A_10 = arith.constant 0 : index
    %get3A_11 = arith.constant 0 : index
    %get3A_12 = vector.load %arg2[%get3A_10, %get3A_11] : memref<2000x1xf32, #tpu.memory_space<vmem>>, vector<2000x1xf32>
    %mul3A = vector.broadcast %get3A_12 : vector<2000x1xf32> to vector<2000x256xf32>
    %mul3A_13 = arith.mulf %add3A_9, %mul3A : vector<2000x256xf32>
    %get3A_14 = arith.constant 0 : index
    %get3A_15 = arith.constant 0 : index
    %get3A_16 = vector.load %arg5[%get3A_14, %get3A_15] : memref<256x256xf32, #tpu.memory_space<vmem>>, vector<256x256xf32>
    %dot_general3A_17 = arith.constant dense<0.000000e+00> : vector<2000x256xf32>
    %dot_general3A_18 = tpu.matmul %mul3A_13, %get3A_16, %dot_general3A_17 {dimension_numbers = #tpu.dot_dimension_numbers<[1], [0], [0], [1], [0, 0, 1, 1], [], []>, transpose_lhs_hint = false} : vector<2000x256xf32>, vector<256x256xf32>, vector<2000x256xf32> -> vector<2000x256xf32>
    %swap3A = arith.constant 0 : index
    %swap3A_19 = arith.constant 0 : index
    %swap3A_20 = vector.load %arg6[%swap3A, %swap3A_19] : memref<2000x256xf32, #tpu.memory_space<vmem>>, vector<2000x256xf32>
    tpu.vector_store %arg6[%swap3A, %swap3A_19], %dot_general3A_18 {strides = array<i32>} : memref<2000x256xf32, #tpu.memory_space<vmem>>, vector<2000x256xf32>,
    return
  }
  func.func @transform_0(%arg0: i32) -> (i32, i32) {
    %c0_i32 = arith.constant 0 : i32
    %c0_i32_0 = arith.constant 0 : i32
    return %arg0, %c0_i32 : i32, i32
  }
  func.func @transform_1(%arg0: i32) -> (i32, i32) {
    %c0_i32 = arith.constant 0 : i32
    %c0_i32_0 = arith.constant 0 : i32
    return %arg0, %c0_i32 : i32, i32
  }
  func.func @transform_2(%arg0: i32) -> (i32, i32) {
    %c0_i32 = arith.constant 0 : i32
    %c0_i32_0 = arith.constant 0 : i32
    %c0_i32_1 = arith.constant 0 : i32
    return %c0_i32, %c0_i32_0 : i32, i32
  }
  func.func @transform_3(%arg0: i32) -> (i32, i32) {
    %c0_i32 = arith.constant 0 : i32
    %c0_i32_0 = arith.constant 0 : i32
    %c0_i32_1 = arith.constant 0 : i32
    return %c0_i32, %c0_i32_0 : i32, i32
  }
  func.func @transform_4(%arg0: i32) -> (i32, i32) {
    %c0_i32 = arith.constant 0 : i32
    %c0_i32_0 = arith.constant 0 : i32
    %c0_i32_1 = arith.constant 0 : i32
    return %c0_i32, %c0_i32_0 : i32, i32
  }
  func.func @transform_5(%arg0: i32) -> (i32, i32) {
    %c0_i32 = arith.constant 0 : i32
    %c0_i32_0 = arith.constant 0 : i32
    return %arg0, %c0_i32 : i32, i32
  }
}

module attributes {stable_mosaic.version = 14 : i64} {
  func.func @_sam_body(%arg0: i32, %arg1: i32, %arg2: memref<2000x256xf32, #tpu.memory_space<vmem>>, %arg3: memref<2000x1xf32, #tpu.memory_space<vmem>>, %arg4: memref<1x256xf32, #tpu.memory_space<vmem>>, %arg5: memref<1x256xf32, #tpu.memory_space<vmem>>, %arg6: memref<1x256xf32, #tpu.memory_space<vmem>>, %arg7: memref<256x256xf32, #tpu.memory_space<vmem>>, %arg8: memref<2000x256xf32, #tpu.memory_space<vmem>>, %arg9: memref<2x256xf32, #tpu.memory_space<vmem>>) attributes {dimension_semantics = [#tpu.dimension_semantics<arbitrary>, #tpu.dimension_semantics<arbitrary>], iteration_bounds = array<i64: 2, 5>, scalar_prefetch = 0 : i64, scratch_operands = 1 : i64, tpu.core_type = #tpu.core_type<tc>, window_params = [{transform_indices = @transform_0, window_bounds = array<i64: 2000, 256>}, {transform_indices = @transform_1, window_bounds = array<i64: 2000, 1>}, {pipeline_mode = #tpu.pipeline_mode<synchronous>, transform_indices = @transform_2, window_bounds = array<i64: 1, 256>}, {pipeline_mode = #tpu.pipeline_mode<synchronous>, transform_indices = @transform_3, window_bounds = array<i64: 1, 256>}, {pipeline_mode = #tpu.pipeline_mode<synchronous>, transform_indices = @transform_4, window_bounds = array<i64: 1, 256>}, {pipeline_mode = #tpu.pipeline_mode<synchronous>, transform_indices = @transform_5, window_bounds = array<i64: 256, 256>}, {transform_indices = @transform_6, window_bounds = array<i64: 2000, 256>}]} {
    %get3A = arith.constant 0 : index
    %get3A_0 = arith.constant 0 : index
    %get3A_1 = vector.load %arg2[%get3A, %get3A_0] : memref<2000x256xf32, #tpu.memory_space<vmem>>, vector<2000x256xf32>
    %get3A_2 = arith.constant 0 : index
    %get3A_3 = arith.constant 0 : index
    %get3A_4 = vector.load %arg3[%get3A_2, %get3A_3] : memref<2000x1xf32, #tpu.memory_space<vmem>>, vector<2000x1xf32>
    %mul3A = vector.broadcast %get3A_4 : vector<2000x1xf32> to vector<2000x256xf32>
    %mul3A_5 = arith.mulf %get3A_1, %mul3A : vector<2000x256xf32>
    %get3A_6 = arith.constant 0 : index
    %get3A_7 = arith.constant 0 : index
    %get3A_8 = vector.load %arg4[%get3A_6, %get3A_7] : memref<1x256xf32, #tpu.memory_space<vmem>>, vector<1x256xf32>
    %add3A = vector.broadcast %get3A_8 : vector<1x256xf32> to vector<2000x256xf32>
    %add3A_9 = arith.addf %mul3A_5, %add3A : vector<2000x256xf32>
    %eq3A = arith.constant 0 : i32
    %eq3A_10 = arith.cmpi eq, %arg0, %eq3A : i32
    %convert_element_type3A = arith.extui %eq3A_10 : i1 to i32
    %cond3A = arith.constant 0 : i32
    %cond3A_11 = arith.cmpi ne, %convert_element_type3A, %cond3A : i32
    scf.if %cond3A_11 {
      %reduce_sum3A = arith.constant dense<0.000000e+00> : vector<256xf32>
      %reduce_sum3A_17 = vector.multi_reduction <add>, %add3A_9, %reduce_sum3A [0] : vector<2000x256xf32> to vector<256xf32>
      %broadcast_in_dim3A = vector.shape_cast %reduce_sum3A_17 : vector<256xf32> to vector<1x256xf32>
      %mul3A_18 = arith.mulf %add3A_9, %add3A_9 : vector<2000x256xf32>
      %reduce_sum3A_19 = arith.constant dense<0.000000e+00> : vector<256xf32>
      %reduce_sum3A_20 = vector.multi_reduction <add>, %mul3A_18, %reduce_sum3A_19 [0] : vector<2000x256xf32> to vector<256xf32>
      %broadcast_in_dim3A_21 = vector.shape_cast %reduce_sum3A_20 : vector<256xf32> to vector<1x256xf32>
      %concatenate3A = tpu.concatenate %broadcast_in_dim3A, %broadcast_in_dim3A_21 in 0 : vector<1x256xf32>, vector<1x256xf32> -> vector<2x256xf32>
      %eq3A_22 = arith.constant 0 : i32
      %eq3A_23 = arith.cmpi eq, %arg1, %eq3A_22 : i32
      %convert_element_type3A_24 = arith.extui %eq3A_23 : i1 to i32
      %cond3A_25 = arith.constant 0 : i32
      %cond3A_26 = arith.cmpi ne, %convert_element_type3A_24, %cond3A_25 : i32
      scf.if %cond3A_26 {
        %swap3A = arith.constant 0 : index
        %swap3A_31 = arith.constant 0 : index
        %swap3A_32 = vector.load %arg9[%swap3A, %swap3A_31] : memref<2x256xf32, #tpu.memory_space<vmem>>, vector<2x256xf32>
        tpu.vector_store %arg9[%swap3A, %swap3A_31], %concatenate3A {strides = array<i32>} : memref<2x256xf32, #tpu.memory_space<vmem>>, vector<2x256xf32>,
      } else {
      }
      %ne3A = arith.constant 0 : i32
      %ne3A_27 = arith.cmpi ne, %arg1, %ne3A : i32
      %convert_element_type3A_28 = arith.extui %ne3A_27 : i1 to i32
      %cond3A_29 = arith.constant 0 : i32
      %cond3A_30 = arith.cmpi ne, %convert_element_type3A_28, %cond3A_29 : i32
      scf.if %cond3A_30 {
        %get3A_31 = arith.constant 0 : index
        %get3A_32 = arith.constant 0 : index
        %get3A_33 = vector.load %arg9[%get3A_31, %get3A_32] : memref<2x256xf32, #tpu.memory_space<vmem>>, vector<2x256xf32>
        %add3A_34 = arith.addf %get3A_33, %concatenate3A : vector<2x256xf32>
        %swap3A = arith.constant 0 : index
        %swap3A_35 = arith.constant 0 : index
        %swap3A_36 = vector.load %arg9[%swap3A, %swap3A_35] : memref<2x256xf32, #tpu.memory_space<vmem>>, vector<2x256xf32>
        tpu.vector_store %arg9[%swap3A, %swap3A_35], %add3A_34 {strides = array<i32>} : memref<2x256xf32, #tpu.memory_space<vmem>>, vector<2x256xf32>,
      } else {
      }
    } else {
    }
    %eq3A_12 = arith.constant 1 : i32
    %eq3A_13 = arith.cmpi eq, %arg0, %eq3A_12 : i32
    %convert_element_type3A_14 = arith.extui %eq3A_13 : i1 to i32
    %cond3A_15 = arith.constant 0 : i32
    %cond3A_16 = arith.cmpi ne, %convert_element_type3A_14, %cond3A_15 : i32
    scf.if %cond3A_16 {
      %get3A_17 = arith.constant 0 : index
      %get3A_18 = arith.constant 0 : index
      %get3A_19 = vector.load %arg9[%get3A_17, %get3A_18] : memref<2x256xf32, #tpu.memory_space<vmem>>, vector<1x256xf32>
      %mul3A_20 = arith.constant 9.99999974E-5 : f32
      %mul3A_21 = vector.broadcast %mul3A_20 : f32 to vector<1x256xf32>
      %mul3A_22 = arith.mulf %get3A_19, %mul3A_21 : vector<1x256xf32>
      %get3A_23 = arith.constant 1 : index
      %get3A_24 = arith.constant 0 : index
      %get3A_25 = vector.load %arg9[%get3A_23, %get3A_24] : memref<2x256xf32, #tpu.memory_space<vmem>>, vector<1x256xf32>
      %mul3A_26 = arith.constant 9.99999974E-5 : f32
      %mul3A_27 = vector.broadcast %mul3A_26 : f32 to vector<1x256xf32>
      %mul3A_28 = arith.mulf %get3A_25, %mul3A_27 : vector<1x256xf32>
      %mul3A_29 = arith.mulf %mul3A_22, %mul3A_22 : vector<1x256xf32>
      %sub3A = arith.subf %mul3A_28, %mul3A_29 : vector<1x256xf32>
      %sub3A_30 = vector.broadcast %mul3A_22 : vector<1x256xf32> to vector<2000x256xf32>
      %sub3A_31 = arith.subf %add3A_9, %sub3A_30 : vector<2000x256xf32>
      %add3A_32 = arith.constant 9.99999974E-6 : f32
      %add3A_33 = vector.broadcast %add3A_32 : f32 to vector<1x256xf32>
      %add3A_34 = arith.addf %sub3A, %add3A_33 : vector<1x256xf32>
      %rsqrt3A = math.rsqrt %add3A_34 : vector<1x256xf32>
      %mul3A_35 = vector.broadcast %rsqrt3A : vector<1x256xf32> to vector<2000x256xf32>
      %mul3A_36 = arith.mulf %sub3A_31, %mul3A_35 : vector<2000x256xf32>
      %get3A_37 = arith.constant 0 : index
      %get3A_38 = arith.constant 0 : index
      %get3A_39 = vector.load %arg5[%get3A_37, %get3A_38] : memref<1x256xf32, #tpu.memory_space<vmem>>, vector<1x256xf32>
      %mul3A_40 = vector.broadcast %get3A_39 : vector<1x256xf32> to vector<2000x256xf32>
      %mul3A_41 = arith.mulf %mul3A_36, %mul3A_40 : vector<2000x256xf32>
      %get3A_42 = arith.constant 0 : index
      %get3A_43 = arith.constant 0 : index
      %get3A_44 = vector.load %arg6[%get3A_42, %get3A_43] : memref<1x256xf32, #tpu.memory_space<vmem>>, vector<1x256xf32>
      %add3A_45 = vector.broadcast %get3A_44 : vector<1x256xf32> to vector<2000x256xf32>
      %add3A_46 = arith.addf %mul3A_41, %add3A_45 : vector<2000x256xf32>
      %max3A = arith.constant 0.000000e+00 : f32
      %max3A_47 = vector.broadcast %max3A : f32 to vector<2000x256xf32>
      %max3A_48 = arith.maximumf %add3A_46, %max3A_47 : vector<2000x256xf32>
      %get3A_49 = arith.constant 0 : index
      %get3A_50 = arith.constant 0 : index
      %get3A_51 = vector.load %arg3[%get3A_49, %get3A_50] : memref<2000x1xf32, #tpu.memory_space<vmem>>, vector<2000x1xf32>
      %mul3A_52 = vector.broadcast %get3A_51 : vector<2000x1xf32> to vector<2000x256xf32>
      %mul3A_53 = arith.mulf %max3A_48, %mul3A_52 : vector<2000x256xf32>
      %get3A_54 = arith.constant 0 : index
      %get3A_55 = arith.constant 0 : index
      %get3A_56 = vector.load %arg7[%get3A_54, %get3A_55] : memref<256x256xf32, #tpu.memory_space<vmem>>, vector<256x256xf32>
      %dot_general3A = arith.constant dense<0.000000e+00> : vector<2000x256xf32>
      %dot_general3A_57 = tpu.matmul %mul3A_53, %get3A_56, %dot_general3A {dimension_numbers = #tpu.dot_dimension_numbers<[1], [0], [0], [1], [0, 0, 1, 1], [], []>, transpose_lhs_hint = false} : vector<2000x256xf32>, vector<256x256xf32>, vector<2000x256xf32> -> vector<2000x256xf32>
      %swap3A = arith.constant 0 : index
      %swap3A_58 = arith.constant 0 : index
      %swap3A_59 = vector.load %arg8[%swap3A, %swap3A_58] : memref<2000x256xf32, #tpu.memory_space<vmem>>, vector<2000x256xf32>
      tpu.vector_store %arg8[%swap3A, %swap3A_58], %dot_general3A_57 {strides = array<i32>} : memref<2000x256xf32, #tpu.memory_space<vmem>>, vector<2000x256xf32>,
    } else {
    }
    return
  }
  func.func @transform_0(%arg0: i32, %arg1: i32) -> (i32, i32) {
    %c0_i32 = arith.constant 0 : i32
    %c0_i32_0 = arith.constant 0 : i32
    return %arg1, %c0_i32 : i32, i32
  }
  func.func @transform_1(%arg0: i32, %arg1: i32) -> (i32, i32) {
    %c0_i32 = arith.constant 0 : i32
    %c0_i32_0 = arith.constant 0 : i32
    return %arg1, %c0_i32 : i32, i32
  }
  func.func @transform_2(%arg0: i32, %arg1: i32) -> (i32, i32) {
    %c0_i32 = arith.constant 0 : i32
    %c0_i32_0 = arith.constant 0 : i32
    %c0_i32_1 = arith.constant 0 : i32
    return %c0_i32, %c0_i32_0 : i32, i32
  }
  func.func @transform_3(%arg0: i32, %arg1: i32) -> (i32, i32) {
    %c0_i32 = arith.constant 0 : i32
    %c0_i32_0 = arith.constant 0 : i32
    %c0_i32_1 = arith.constant 0 : i32
    return %c0_i32, %c0_i32_0 : i32, i32
  }
  func.func @transform_4(%arg0: i32, %arg1: i32) -> (i32, i32) {
    %c0_i32 = arith.constant 0 : i32
    %c0_i32_0 = arith.constant 0 : i32
    %c0_i32_1 = arith.constant 0 : i32
    return %c0_i32, %c0_i32_0 : i32, i32
  }
  func.func @transform_5(%arg0: i32, %arg1: i32) -> (i32, i32) {
    %c0_i32 = arith.constant 0 : i32
    %c0_i32_0 = arith.constant 0 : i32
    %c0_i32_1 = arith.constant 0 : i32
    return %c0_i32, %c0_i32_0 : i32, i32
  }
  func.func @transform_6(%arg0: i32, %arg1: i32) -> (i32, i32) {
    %c0_i32 = arith.constant 0 : i32
    %c0_i32_0 = arith.constant 0 : i32
    return %arg1, %c0_i32 : i32, i32
  }
}

module attributes {stable_mosaic.version = 14 : i64} {
  func.func @_sam_body(%arg0: i32, %arg1: i32, %arg2: memref<2000x256xf32, #tpu.memory_space<vmem>>, %arg3: memref<2000x1xf32, #tpu.memory_space<vmem>>, %arg4: memref<1x256xf32, #tpu.memory_space<vmem>>, %arg5: memref<1x256xf32, #tpu.memory_space<vmem>>, %arg6: memref<1x256xf32, #tpu.memory_space<vmem>>, %arg7: memref<256x256xf32, #tpu.memory_space<vmem>>, %arg8: memref<2000x256xf32, #tpu.memory_space<vmem>>, %arg9: memref<2x256xf32, #tpu.memory_space<vmem>>) attributes {dimension_semantics = [#tpu.dimension_semantics<arbitrary>, #tpu.dimension_semantics<arbitrary>], iteration_bounds = array<i64: 2, 5>, scalar_prefetch = 0 : i64, scratch_operands = 1 : i64, tpu.core_type = #tpu.core_type<tc>, window_params = [{transform_indices = @transform_0, window_bounds = array<i64: 2000, 256>}, {transform_indices = @transform_1, window_bounds = array<i64: 2000, 1>}, {pipeline_mode = #tpu.pipeline_mode<synchronous>, transform_indices = @transform_2, window_bounds = array<i64: 1, 256>}, {pipeline_mode = #tpu.pipeline_mode<synchronous>, transform_indices = @transform_3, window_bounds = array<i64: 1, 256>}, {pipeline_mode = #tpu.pipeline_mode<synchronous>, transform_indices = @transform_4, window_bounds = array<i64: 1, 256>}, {pipeline_mode = #tpu.pipeline_mode<synchronous>, transform_indices = @transform_5, window_bounds = array<i64: 256, 256>}, {transform_indices = @transform_6, window_bounds = array<i64: 2000, 256>}]} {
    %get3A = arith.constant 0 : index
    %get3A_0 = arith.constant 0 : index
    %get3A_1 = vector.load %arg2[%get3A, %get3A_0] : memref<2000x256xf32, #tpu.memory_space<vmem>>, vector<2000x256xf32>
    %get3A_2 = arith.constant 0 : index
    %get3A_3 = arith.constant 0 : index
    %get3A_4 = vector.load %arg3[%get3A_2, %get3A_3] : memref<2000x1xf32, #tpu.memory_space<vmem>>, vector<2000x1xf32>
    %mul3A = vector.broadcast %get3A_4 : vector<2000x1xf32> to vector<2000x256xf32>
    %mul3A_5 = arith.mulf %get3A_1, %mul3A : vector<2000x256xf32>
    %get3A_6 = arith.constant 0 : index
    %get3A_7 = arith.constant 0 : index
    %get3A_8 = vector.load %arg4[%get3A_6, %get3A_7] : memref<1x256xf32, #tpu.memory_space<vmem>>, vector<1x256xf32>
    %add3A = vector.broadcast %get3A_8 : vector<1x256xf32> to vector<2000x256xf32>
    %add3A_9 = arith.addf %mul3A_5, %add3A : vector<2000x256xf32>
    %eq3A = arith.constant 0 : i32
    %eq3A_10 = arith.cmpi eq, %arg0, %eq3A : i32
    %convert_element_type3A = arith.extui %eq3A_10 : i1 to i32
    %cond3A = arith.constant 0 : i32
    %cond3A_11 = arith.cmpi ne, %convert_element_type3A, %cond3A : i32
    scf.if %cond3A_11 {
      %reduce_sum3A = arith.constant dense<0.000000e+00> : vector<256xf32>
      %reduce_sum3A_17 = vector.multi_reduction <add>, %add3A_9, %reduce_sum3A [0] : vector<2000x256xf32> to vector<256xf32>
      %broadcast_in_dim3A = vector.shape_cast %reduce_sum3A_17 : vector<256xf32> to vector<1x256xf32>
      %mul3A_18 = arith.mulf %add3A_9, %add3A_9 : vector<2000x256xf32>
      %reduce_sum3A_19 = arith.constant dense<0.000000e+00> : vector<256xf32>
      %reduce_sum3A_20 = vector.multi_reduction <add>, %mul3A_18, %reduce_sum3A_19 [0] : vector<2000x256xf32> to vector<256xf32>
      %broadcast_in_dim3A_21 = vector.shape_cast %reduce_sum3A_20 : vector<256xf32> to vector<1x256xf32>
      %concatenate3A = tpu.concatenate %broadcast_in_dim3A, %broadcast_in_dim3A_21 in 0 : vector<1x256xf32>, vector<1x256xf32> -> vector<2x256xf32>
      %eq3A_22 = arith.constant 0 : i32
      %eq3A_23 = arith.cmpi eq, %arg1, %eq3A_22 : i32
      %convert_element_type3A_24 = arith.extui %eq3A_23 : i1 to i32
      %cond3A_25 = arith.constant 0 : i32
      %cond3A_26 = arith.cmpi ne, %convert_element_type3A_24, %cond3A_25 : i32
      scf.if %cond3A_26 {
        %swap3A = arith.constant 0 : index
        %swap3A_31 = arith.constant 0 : index
        %swap3A_32 = vector.load %arg9[%swap3A, %swap3A_31] : memref<2x256xf32, #tpu.memory_space<vmem>>, vector<2x256xf32>
        tpu.vector_store %arg9[%swap3A, %swap3A_31], %concatenate3A {strides = array<i32>} : memref<2x256xf32, #tpu.memory_space<vmem>>, vector<2x256xf32>,
      } else {
      }
      %ne3A = arith.constant 0 : i32
      %ne3A_27 = arith.cmpi ne, %arg1, %ne3A : i32
      %convert_element_type3A_28 = arith.extui %ne3A_27 : i1 to i32
      %cond3A_29 = arith.constant 0 : i32
      %cond3A_30 = arith.cmpi ne, %convert_element_type3A_28, %cond3A_29 : i32
      scf.if %cond3A_30 {
        %get3A_31 = arith.constant 0 : index
        %get3A_32 = arith.constant 0 : index
        %get3A_33 = vector.load %arg9[%get3A_31, %get3A_32] : memref<2x256xf32, #tpu.memory_space<vmem>>, vector<2x256xf32>
        %add3A_34 = arith.addf %get3A_33, %concatenate3A : vector<2x256xf32>
        %swap3A = arith.constant 0 : index
        %swap3A_35 = arith.constant 0 : index
        %swap3A_36 = vector.load %arg9[%swap3A, %swap3A_35] : memref<2x256xf32, #tpu.memory_space<vmem>>, vector<2x256xf32>
        tpu.vector_store %arg9[%swap3A, %swap3A_35], %add3A_34 {strides = array<i32>} : memref<2x256xf32, #tpu.memory_space<vmem>>, vector<2x256xf32>,
      } else {
      }
    } else {
    }
    %eq3A_12 = arith.constant 1 : i32
    %eq3A_13 = arith.cmpi eq, %arg0, %eq3A_12 : i32
    %convert_element_type3A_14 = arith.extui %eq3A_13 : i1 to i32
    %cond3A_15 = arith.constant 0 : i32
    %cond3A_16 = arith.cmpi ne, %convert_element_type3A_14, %cond3A_15 : i32
    scf.if %cond3A_16 {
      %get3A_17 = arith.constant 0 : index
      %get3A_18 = arith.constant 0 : index
      %get3A_19 = vector.load %arg9[%get3A_17, %get3A_18] : memref<2x256xf32, #tpu.memory_space<vmem>>, vector<1x256xf32>
      %mul3A_20 = arith.constant 9.99999974E-5 : f32
      %mul3A_21 = vector.broadcast %mul3A_20 : f32 to vector<1x256xf32>
      %mul3A_22 = arith.mulf %get3A_19, %mul3A_21 : vector<1x256xf32>
      %get3A_23 = arith.constant 1 : index
      %get3A_24 = arith.constant 0 : index
      %get3A_25 = vector.load %arg9[%get3A_23, %get3A_24] : memref<2x256xf32, #tpu.memory_space<vmem>>, vector<1x256xf32>
      %mul3A_26 = arith.constant 9.99999974E-5 : f32
      %mul3A_27 = vector.broadcast %mul3A_26 : f32 to vector<1x256xf32>
      %mul3A_28 = arith.mulf %get3A_25, %mul3A_27 : vector<1x256xf32>
      %mul3A_29 = arith.mulf %mul3A_22, %mul3A_22 : vector<1x256xf32>
      %sub3A = arith.subf %mul3A_28, %mul3A_29 : vector<1x256xf32>
      %sub3A_30 = vector.broadcast %mul3A_22 : vector<1x256xf32> to vector<2000x256xf32>
      %sub3A_31 = arith.subf %add3A_9, %sub3A_30 : vector<2000x256xf32>
      %add3A_32 = arith.constant 9.99999974E-6 : f32
      %add3A_33 = vector.broadcast %add3A_32 : f32 to vector<1x256xf32>
      %add3A_34 = arith.addf %sub3A, %add3A_33 : vector<1x256xf32>
      %rsqrt3A = math.rsqrt %add3A_34 : vector<1x256xf32>
      %mul3A_35 = vector.broadcast %rsqrt3A : vector<1x256xf32> to vector<2000x256xf32>
      %mul3A_36 = arith.mulf %sub3A_31, %mul3A_35 : vector<2000x256xf32>
      %get3A_37 = arith.constant 0 : index
      %get3A_38 = arith.constant 0 : index
      %get3A_39 = vector.load %arg5[%get3A_37, %get3A_38] : memref<1x256xf32, #tpu.memory_space<vmem>>, vector<1x256xf32>
      %mul3A_40 = vector.broadcast %get3A_39 : vector<1x256xf32> to vector<2000x256xf32>
      %mul3A_41 = arith.mulf %mul3A_36, %mul3A_40 : vector<2000x256xf32>
      %get3A_42 = arith.constant 0 : index
      %get3A_43 = arith.constant 0 : index
      %get3A_44 = vector.load %arg6[%get3A_42, %get3A_43] : memref<1x256xf32, #tpu.memory_space<vmem>>, vector<1x256xf32>
      %add3A_45 = vector.broadcast %get3A_44 : vector<1x256xf32> to vector<2000x256xf32>
      %add3A_46 = arith.addf %mul3A_41, %add3A_45 : vector<2000x256xf32>
      %swap3A = arith.constant 0 : index
      %swap3A_47 = arith.constant 0 : index
      %swap3A_48 = vector.load %arg8[%swap3A, %swap3A_47] : memref<2000x256xf32, #tpu.memory_space<vmem>>, vector<2000x256xf32>
      tpu.vector_store %arg8[%swap3A, %swap3A_47], %add3A_46 {strides = array<i32>} : memref<2000x256xf32, #tpu.memory_space<vmem>>, vector<2000x256xf32>,
    } else {
    }
    return
  }
  func.func @transform_0(%arg0: i32, %arg1: i32) -> (i32, i32) {
    %c0_i32 = arith.constant 0 : i32
    %c0_i32_0 = arith.constant 0 : i32
    return %arg1, %c0_i32 : i32, i32
  }
  func.func @transform_1(%arg0: i32, %arg1: i32) -> (i32, i32) {
    %c0_i32 = arith.constant 0 : i32
    %c0_i32_0 = arith.constant 0 : i32
    return %arg1, %c0_i32 : i32, i32
  }
  func.func @transform_2(%arg0: i32, %arg1: i32) -> (i32, i32) {
    %c0_i32 = arith.constant 0 : i32
    %c0_i32_0 = arith.constant 0 : i32
    %c0_i32_1 = arith.constant 0 : i32
    return %c0_i32, %c0_i32_0 : i32, i32
  }
  func.func @transform_3(%arg0: i32, %arg1: i32) -> (i32, i32) {
    %c0_i32 = arith.constant 0 : i32
    %c0_i32_0 = arith.constant 0 : i32
    %c0_i32_1 = arith.constant 0 : i32
    return %c0_i32, %c0_i32_0 : i32, i32
  }
  func.func @transform_4(%arg0: i32, %arg1: i32) -> (i32, i32) {
    %c0_i32 = arith.constant 0 : i32
    %c0_i32_0 = arith.constant 0 : i32
    %c0_i32_1 = arith.constant 0 : i32
    return %c0_i32, %c0_i32_0 : i32, i32
  }
  func.func @transform_5(%arg0: i32, %arg1: i32) -> (i32, i32) {
    %c0_i32 = arith.constant 0 : i32
    %c0_i32_0 = arith.constant 0 : i32
    %c0_i32_1 = arith.constant 0 : i32
    return %c0_i32, %c0_i32_0 : i32, i32
  }
  func.func @transform_6(%arg0: i32, %arg1: i32) -> (i32, i32) {
    %c0_i32 = arith.constant 0 : i32
    %c0_i32_0 = arith.constant 0 : i32
    return %arg1, %c0_i32 : i32, i32
  }
}

module attributes {stable_mosaic.version = 14 : i64} {
  func.func @_pool_body(%arg0: i32, %arg1: memref<2000x256xf32, #tpu.memory_space<vmem>>, %arg2: memref<2000x1xi32, #tpu.memory_space<vmem>>, %arg3: memref<256x128xf32, #tpu.memory_space<vmem>>, %arg4: memref<1x128xf32, #tpu.memory_space<vmem>>, %arg5: memref<128x64xf32, #tpu.memory_space<vmem>>, %arg6: memref<1x64xf32, #tpu.memory_space<vmem>>, %arg7: memref<64x10xf32, #tpu.memory_space<vmem>>, %arg8: memref<1x10xf32, #tpu.memory_space<vmem>>, %arg9: memref<64x10xf32, #tpu.memory_space<vmem>>, %arg10: memref<64x256xf32, #tpu.memory_space<vmem>>, %arg11: memref<1x64xf32, #tpu.memory_space<vmem>>) attributes {dimension_semantics = [#tpu.dimension_semantics<arbitrary>], iteration_bounds = array<i64: 5>, scalar_prefetch = 0 : i64, scratch_operands = 2 : i64, tpu.core_type = #tpu.core_type<tc>, window_params = [{transform_indices = @transform_0, window_bounds = array<i64: 2000, 256>}, {transform_indices = @transform_1, window_bounds = array<i64: 2000, 1>}, {pipeline_mode = #tpu.pipeline_mode<synchronous>, transform_indices = @transform_2, window_bounds = array<i64: 256, 128>}, {pipeline_mode = #tpu.pipeline_mode<synchronous>, transform_indices = @transform_3, window_bounds = array<i64: 1, 128>}, {pipeline_mode = #tpu.pipeline_mode<synchronous>, transform_indices = @transform_4, window_bounds = array<i64: 128, 64>}, {pipeline_mode = #tpu.pipeline_mode<synchronous>, transform_indices = @transform_5, window_bounds = array<i64: 1, 64>}, {pipeline_mode = #tpu.pipeline_mode<synchronous>, transform_indices = @transform_6, window_bounds = array<i64: 64, 10>}, {pipeline_mode = #tpu.pipeline_mode<synchronous>, transform_indices = @transform_7, window_bounds = array<i64: 1, 10>}, {pipeline_mode = #tpu.pipeline_mode<synchronous>, transform_indices = @transform_8, window_bounds = array<i64: 64, 10>}]} {
    %eq3A = arith.constant 0 : i32
    %eq3A_0 = arith.cmpi eq, %arg0, %eq3A : i32
    %convert_element_type3A = arith.extui %eq3A_0 : i1 to i32
    %cond3A = arith.constant 0 : i32
    %cond3A_1 = arith.cmpi ne, %convert_element_type3A, %cond3A : i32
    scf.if %cond3A_1 {
      %broadcast_in_dim3A_31 = arith.constant 0.000000e+00 : f32
      %broadcast_in_dim3A_32 = vector.broadcast %broadcast_in_dim3A_31 : f32 to vector<64x256xf32>
      %swap3A_33 = arith.constant 0 : index
      %swap3A_34 = arith.constant 0 : index
      %swap3A_35 = vector.load %arg10[%swap3A_33, %swap3A_34] : memref<64x256xf32, #tpu.memory_space<vmem>>, vector<64x256xf32>
      tpu.vector_store %arg10[%swap3A_33, %swap3A_34], %broadcast_in_dim3A_32 {strides = array<i32>} : memref<64x256xf32, #tpu.memory_space<vmem>>, vector<64x256xf32>,
      %broadcast_in_dim3A_36 = arith.constant 0.000000e+00 : f32
      %broadcast_in_dim3A_37 = vector.broadcast %broadcast_in_dim3A_36 : f32 to vector<1x64xf32>
      %swap3A_38 = arith.constant 0 : index
      %swap3A_39 = arith.constant 0 : index
      %swap3A_40 = vector.load %arg11[%swap3A_38, %swap3A_39] : memref<1x64xf32, #tpu.memory_space<vmem>>, vector<1x64xf32>
      tpu.vector_store %arg11[%swap3A_38, %swap3A_39], %broadcast_in_dim3A_37 {strides = array<i32>} : memref<1x64xf32, #tpu.memory_space<vmem>>, vector<1x64xf32>,
    } else {
    }
    %iota3A = tpu.iota {dimensions = array<i32: 1>} : vector<1x64xi32>
    %get3A = arith.constant 0 : index
    %get3A_2 = arith.constant 0 : index
    %get3A_3 = vector.load %arg2[%get3A, %get3A_2] : memref<2000x1xi32, #tpu.memory_space<vmem>>, vector<2000x1xi32>
    %eq3A_4 = vector.broadcast %get3A_3 : vector<2000x1xi32> to vector<2000x64xi32>
    %eq3A_5 = vector.broadcast %iota3A : vector<1x64xi32> to vector<2000x64xi32>
    %eq3A_6 = arith.cmpi eq, %eq3A_4, %eq3A_5 : vector<2000x64xi32>
    %convert_element_type3A_7 = arith.extui %eq3A_6 : vector<2000x64xi1> to vector<2000x64xi32>
    %convert_element_type3A_8 = arith.sitofp %convert_element_type3A_7 : vector<2000x64xi32> to vector<2000x64xf32>
    %get3A_9 = arith.constant 0 : index
    %get3A_10 = arith.constant 0 : index
    %get3A_11 = vector.load %arg10[%get3A_9, %get3A_10] : memref<64x256xf32, #tpu.memory_space<vmem>>, vector<64x256xf32>
    %get3A_12 = arith.constant 0 : index
    %get3A_13 = arith.constant 0 : index
    %get3A_14 = vector.load %arg1[%get3A_12, %get3A_13] : memref<2000x256xf32, #tpu.memory_space<vmem>>, vector<2000x256xf32>
    %dot_general3A = arith.constant dense<0.000000e+00> : vector<64x256xf32>
    %dot_general3A_15 = tpu.matmul %convert_element_type3A_8, %get3A_14, %dot_general3A {dimension_numbers = #tpu.dot_dimension_numbers<[0], [0], [1], [1], [0, 1, 1, 1], [], []>, transpose_lhs_hint = false} : vector<2000x64xf32>, vector<2000x256xf32>, vector<64x256xf32> -> vector<64x256xf32>
    %add3A = arith.addf %get3A_11, %dot_general3A_15 : vector<64x256xf32>
    %swap3A = arith.constant 0 : index
    %swap3A_16 = arith.constant 0 : index
    %swap3A_17 = vector.load %arg10[%swap3A, %swap3A_16] : memref<64x256xf32, #tpu.memory_space<vmem>>, vector<64x256xf32>
    tpu.vector_store %arg10[%swap3A, %swap3A_16], %add3A {strides = array<i32>} : memref<64x256xf32, #tpu.memory_space<vmem>>, vector<64x256xf32>,
    %get3A_18 = arith.constant 0 : index
    %get3A_19 = arith.constant 0 : index
    %get3A_20 = vector.load %arg11[%get3A_18, %get3A_19] : memref<1x64xf32, #tpu.memory_space<vmem>>, vector<1x64xf32>
    %reduce_sum3A = arith.constant dense<0.000000e+00> : vector<64xf32>
    %reduce_sum3A_21 = vector.multi_reduction <add>, %convert_element_type3A_8, %reduce_sum3A [0] : vector<2000x64xf32> to vector<64xf32>
    %broadcast_in_dim3A = vector.shape_cast %reduce_sum3A_21 : vector<64xf32> to vector<1x64xf32>
    %add3A_22 = arith.addf %get3A_20, %broadcast_in_dim3A : vector<1x64xf32>
    %swap3A_23 = arith.constant 0 : index
    %swap3A_24 = arith.constant 0 : index
    %swap3A_25 = vector.load %arg11[%swap3A_23, %swap3A_24] : memref<1x64xf32, #tpu.memory_space<vmem>>, vector<1x64xf32>
    tpu.vector_store %arg11[%swap3A_23, %swap3A_24], %add3A_22 {strides = array<i32>} : memref<1x64xf32, #tpu.memory_space<vmem>>, vector<1x64xf32>,
    %eq3A_26 = arith.constant 4 : i32
    %eq3A_27 = arith.cmpi eq, %arg0, %eq3A_26 : i32
    %convert_element_type3A_28 = arith.extui %eq3A_27 : i1 to i32
    %cond3A_29 = arith.constant 0 : i32
    %cond3A_30 = arith.cmpi ne, %convert_element_type3A_28, %cond3A_29 : i32
    scf.if %cond3A_30 {
      %get3A_31 = arith.constant 0 : index
      %get3A_32 = arith.constant 0 : index
      %get3A_33 = vector.load %arg10[%get3A_31, %get3A_32] : memref<64x256xf32, #tpu.memory_space<vmem>>, vector<64x256xf32>
      %get3A_34 = arith.constant 0 : index
      %get3A_35 = arith.constant 0 : index
      %get3A_36 = vector.load %arg11[%get3A_34, %get3A_35] : memref<1x64xf32, #tpu.memory_space<vmem>>, vector<1x64xf32>
      %max3A = arith.constant 1.000000e+00 : f32
      %max3A_37 = vector.broadcast %max3A : f32 to vector<1x64xf32>
      %max3A_38 = arith.maximumf %get3A_36, %max3A_37 : vector<1x64xf32>
      %reshape3A = vector.shape_cast %max3A_38 : vector<1x64xf32> to vector<64x1xf32>
      %div3A = vector.broadcast %reshape3A : vector<64x1xf32> to vector<64x256xf32>
      %div3A_39 = arith.divf %get3A_33, %div3A : vector<64x256xf32>
      %get3A_40 = arith.constant 0 : index
      %get3A_41 = arith.constant 0 : index
      %get3A_42 = vector.load %arg3[%get3A_40, %get3A_41] : memref<256x128xf32, #tpu.memory_space<vmem>>, vector<256x128xf32>
      %dot_general3A_43 = arith.constant dense<0.000000e+00> : vector<64x128xf32>
      %dot_general3A_44 = tpu.matmul %div3A_39, %get3A_42, %dot_general3A_43 {dimension_numbers = #tpu.dot_dimension_numbers<[1], [0], [0], [1], [0, 0, 1, 1], [], []>, transpose_lhs_hint = false} : vector<64x256xf32>, vector<256x128xf32>, vector<64x128xf32> -> vector<64x128xf32>
      %get3A_45 = arith.constant 0 : index
      %get3A_46 = arith.constant 0 : index
      %get3A_47 = vector.load %arg4[%get3A_45, %get3A_46] : memref<1x128xf32, #tpu.memory_space<vmem>>, vector<1x128xf32>
      %add3A_48 = vector.broadcast %get3A_47 : vector<1x128xf32> to vector<64x128xf32>
      %add3A_49 = arith.addf %dot_general3A_44, %add3A_48 : vector<64x128xf32>
      %max3A_50 = arith.constant 0.000000e+00 : f32
      %max3A_51 = vector.broadcast %max3A_50 : f32 to vector<64x128xf32>
      %max3A_52 = arith.maximumf %add3A_49, %max3A_51 : vector<64x128xf32>
      %get3A_53 = arith.constant 0 : index
      %get3A_54 = arith.constant 0 : index
      %get3A_55 = vector.load %arg5[%get3A_53, %get3A_54] : memref<128x64xf32, #tpu.memory_space<vmem>>, vector<128x64xf32>
      %dot_general3A_56 = arith.constant dense<0.000000e+00> : vector<64x64xf32>
      %dot_general3A_57 = tpu.matmul %max3A_52, %get3A_55, %dot_general3A_56 {dimension_numbers = #tpu.dot_dimension_numbers<[1], [0], [0], [1], [0, 0, 1, 1], [], []>, transpose_lhs_hint = false} : vector<64x128xf32>, vector<128x64xf32>, vector<64x64xf32> -> vector<64x64xf32>
      %get3A_58 = arith.constant 0 : index
      %get3A_59 = arith.constant 0 : index
      %get3A_60 = vector.load %arg6[%get3A_58, %get3A_59] : memref<1x64xf32, #tpu.memory_space<vmem>>, vector<1x64xf32>
      %add3A_61 = vector.broadcast %get3A_60 : vector<1x64xf32> to vector<64x64xf32>
      %add3A_62 = arith.addf %dot_general3A_57, %add3A_61 : vector<64x64xf32>
      %max3A_63 = arith.constant 0.000000e+00 : f32
      %max3A_64 = vector.broadcast %max3A_63 : f32 to vector<64x64xf32>
      %max3A_65 = arith.maximumf %add3A_62, %max3A_64 : vector<64x64xf32>
      %get3A_66 = arith.constant 0 : index
      %get3A_67 = arith.constant 0 : index
      %get3A_68 = vector.load %arg7[%get3A_66, %get3A_67] : memref<64x10xf32, #tpu.memory_space<vmem>>, vector<64x10xf32>
      %dot_general3A_69 = arith.constant dense<0.000000e+00> : vector<64x10xf32>
      %dot_general3A_70 = tpu.matmul %max3A_65, %get3A_68, %dot_general3A_69 {dimension_numbers = #tpu.dot_dimension_numbers<[1], [0], [0], [1], [0, 0, 1, 1], [], []>, transpose_lhs_hint = false} : vector<64x64xf32>, vector<64x10xf32>, vector<64x10xf32> -> vector<64x10xf32>
      %get3A_71 = arith.constant 0 : index
      %get3A_72 = arith.constant 0 : index
      %get3A_73 = vector.load %arg8[%get3A_71, %get3A_72] : memref<1x10xf32, #tpu.memory_space<vmem>>, vector<1x10xf32>
      %add3A_74 = vector.broadcast %get3A_73 : vector<1x10xf32> to vector<64x10xf32>
      %add3A_75 = arith.addf %dot_general3A_70, %add3A_74 : vector<64x10xf32>
      %swap3A_76 = arith.constant 0 : index
      %swap3A_77 = arith.constant 0 : index
      %swap3A_78 = vector.load %arg9[%swap3A_76, %swap3A_77] : memref<64x10xf32, #tpu.memory_space<vmem>>, vector<64x10xf32>
      tpu.vector_store %arg9[%swap3A_76, %swap3A_77], %add3A_75 {strides = array<i32>} : memref<64x10xf32, #tpu.memory_space<vmem>>, vector<64x10xf32>,
    } else {
    }
    return
  }
  func.func @transform_0(%arg0: i32) -> (i32, i32) {
    %c0_i32 = arith.constant 0 : i32
    %c0_i32_0 = arith.constant 0 : i32
    return %arg0, %c0_i32 : i32, i32
  }
  func.func @transform_1(%arg0: i32) -> (i32, i32) {
    %c0_i32 = arith.constant 0 : i32
    %c0_i32_0 = arith.constant 0 : i32
    return %arg0, %c0_i32 : i32, i32
  }
  func.func @transform_2(%arg0: i32) -> (i32, i32) {
    %c0_i32 = arith.constant 0 : i32
    %c0_i32_0 = arith.constant 0 : i32
    %c0_i32_1 = arith.constant 0 : i32
    return %c0_i32, %c0_i32_0 : i32, i32
  }
  func.func @transform_3(%arg0: i32) -> (i32, i32) {
    %c0_i32 = arith.constant 0 : i32
    %c0_i32_0 = arith.constant 0 : i32
    %c0_i32_1 = arith.constant 0 : i32
    return %c0_i32, %c0_i32_0 : i32, i32
  }
  func.func @transform_4(%arg0: i32) -> (i32, i32) {
    %c0_i32 = arith.constant 0 : i32
    %c0_i32_0 = arith.constant 0 : i32
    %c0_i32_1 = arith.constant 0 : i32
    return %c0_i32, %c0_i32_0 : i32, i32
  }
  func.func @transform_5(%arg0: i32) -> (i32, i32) {
    %c0_i32 = arith.constant 0 : i32
    %c0_i32_0 = arith.constant 0 : i32
    %c0_i32_1 = arith.constant 0 : i32
    return %c0_i32, %c0_i32_0 : i32, i32
  }
  func.func @transform_6(%arg0: i32) -> (i32, i32) {
    %c0_i32 = arith.constant 0 : i32
    %c0_i32_0 = arith.constant 0 : i32
    %c0_i32_1 = arith.constant 0 : i32
    return %c0_i32, %c0_i32_0 : i32, i32
  }
  func.func @transform_7(%arg0: i32) -> (i32, i32) {
    %c0_i32 = arith.constant 0 : i32
    %c0_i32_0 = arith.constant 0 : i32
    %c0_i32_1 = arith.constant 0 : i32
    return %c0_i32, %c0_i32_0 : i32, i32
  }
  func.func @transform_8(%arg0: i32) -> (i32, i32) {
    %c0_i32 = arith.constant 0 : i32
    %c0_i32_0 = arith.constant 0 : i32
    %c0_i32_1 = arith.constant 0 : i32
    return %c0_i32, %c0_i32_0 : i32, i32
  }
}

</mosaic_0001>

<sc_bundles>
// kernel: kernel.14.cloned.1.call-start
scs
__scs_entry_jumppad:
0x0: {  	(pc) =	sbr.rel $0x88, $3  }
0x1: {  	(tag) =	ssettag $0x0;
	lr =	simm.s32 $0x1  }
0x2: {  	[smem:$0x3F92] =	sst lr;
	_ =	strace $0xD0000000  }
0x3: {  	_ = 	snop  }
0x4: {  	_ = 	snop  }
0x5: {  	_ = 	snop  }
0x6: {  	_ = 	snop  }
0x7: {  	_ = 	snop  }
__scs_overlays_trampoline_lowered:
0x8: {  	[smem:$0x3FA1] =	sst s0  }
0x9: {  	[smem:$0x3FA2] =	sst s1  }
0xa: {  	[smem:$0x3FA3] =	sst s2  }
0xb: {  	[smem:$0x3FA4] =	sst s3  }
0xc: {  	[smem:$0x3FA5] =	sst s4  }
0xd: {  	[smem:$0x3FA6] =	sst s5  }
0xe: {  	[smem:$0x3FA7] =	sst s6  }
0xf: {  	[smem:$0x3FA8] =	sst s7  }
0x10: {  	[smem:$0x3FA9] =	sst s8  }
0x11: {  	[smem:$0x3FAA] =	sst s9;
	s0 =	simm.s32 @!p0 $0x0  }
0x12: {  	s1 =	sld [smem:$0x3F90];
	s0 =	simm.s32 @p0 $0x1  }
0x13: {  	[smem:$0x3FAB] =	sst s0;
	s0 =	simm.s32 @!p1 $0x0  }
0x14: {  	s2 =	sld [smem:$0x3F8F];
	s0 =	simm.s32 @p1 $0x1  }
0x15: {  	[smem:$0x3FAC] =	sst s0;
	s0 =	simm.s32 @!p2 $0x0  }
0x16: {  	s3 =	sld [smem:$0x3FDB];
	s0 =	simm.s32 @p2 $0x1  }
0x17: {  	s4 =	simm.s32 $0x1BF5;
	[smem:$0x3FAE] =	sst s0  }
0x18: {  	s0 =	sld [smem:$0x3F91];
	_ =	swait.ge [sflag:s4], $0x0  }
0x19: {  	s7 =	sld [smem:$0x3F92]  }
0x1a: {  	s8 =	sadd.s32 $0xFFFFE003, lr  }
0x1b: {  	s9 =	sadd.s32 $0xFFFFFEF7, lr;
	s5 =	simm.s32 $0xFFFFFFFF;
	p2 =	slt.u32 s8, $0xFFFFF086  }
0x1c: {  	p1 =	slt.u32 s9, $0xF7A;
	s5 =	simm.s32 @!p2 $0x0  }
0x1d: {  	s5 =	simm.s32 @p1 $0x1;
	p0 =	seq.s32 s7, s2  }
0x1e: {  	s7 =	smul.u32 @!p0 $0xF7A, s2;
	p2 =	seq.s32 @!p0 s5, $0x0  }
0x1f: {  	s9 =	smul.u32 $0xF7A, s1;
	s8 =	simm.s32 @!p0 $0x1BF5;
	p2 =	por !p2, p0  }
0x20: {  	[sflag:s8] =	ssyncset.s32 @!p0 $0xFFFFF086;
	s6 =	sadd.s32 @!p0 s3, s7;
	s7 =	simm.s32 @!p0 $0x108  }
0x21: {  	s3 =	sadd.s32 s3, s9;
	s6 =	sadd.s32 @!p0 $0x88, s6;
	s7 =	simm.s32 @p2 $0x1082  }
0x22: {  	[simem:s7], [sflag:s8] =	dma.local @!p0 [hbm:s6], $0xF7A  }
0x23: {  	s9 =	sor.u32 $0xD0000000, s2;
	s6 =	simm.s32 $0x108;
	_ =	swait.ge @!p0 [sflag:s8], $0x0  }
0x24: {  	s3 =	sadd.s32 $0x88, s3;
	s6 =	simm.s32 @!p1 $0x1082;
	[sflag:s4] =	ssyncset.s32 $0xFFFFF086  }
0x25: {  	[simem:s6], [sflag:s4] =	dma.local [hbm:s3], $0xF7A  }
0x26: {  	[smem:$0x3F92] =	sst s1;
	(tag) =	ssettag s2;
	_ =	strace s9  }
0x27: {  	s1 =	sld [smem:$0x3FA2]  }
0x28: {  	s2 =	sld [smem:$0x3FA3]  }
0x29: {  	s4 =	sld [smem:$0x3FA5]  }
0x2a: {  	p0 =	seq.s32 s5, $0x0;
	s5 =	sld [smem:$0x3FA6]  }
0x2b: {  	s6 =	sld [smem:$0x3FA7]  }
0x2c: {  	s7 =	sld [smem:$0x3FA8]  }
0x2d: {  	s3 =	simm.s32 $0x108;
	s8 =	sld [smem:$0x3FA9]  }
0x2e: {  	s3 =	simm.s32 @!p0 $0x1082;
	s9 =	sld [smem:$0x3FAA]  }
0x2f: {  	lr =	sadd.s32 s0, s3;
	s0 =	sld [smem:$0x3FA1]  }
0x30: {  	s3 =	sld [smem:$0x3FA4]  }
0x31: {  	[smem:$0x3FAD] =	sst s10  }
0x32: {  	s10 =	sld [smem:$0x3FAB];
	_ =	sdelay $0x3  }
0x33: {  	p0 =	seq.s32 s10, $0x1;
	s10 =	sld [smem:$0x3FAD];
	_ =	sdelay $0x3  }
0x34: {  	[smem:$0x3FAD] =	sst s10  }
0x35: {  	s10 =	sld [smem:$0x3FAC];
	_ =	sdelay $0x3  }
0x36: {  	p1 =	seq.s32 s10, $0x1;
	s10 =	sld [smem:$0x3FAD];
	_ =	sdelay $0x3  }
0x37: {  	[smem:$0x3FAD] =	sst s10  }
0x38: {  	s10 =	sld [smem:$0x3FAE]  }
0x39: {  	_ = 	snop;
	(pc) =	sbr.ind lr, $3  }
0x3a: {  	_ = 	snop  }
0x3b: {  	_ = 	snop  }
0x3c: {  	p2 =	seq.s32 s10, $0x1;
	s10 =	sld [smem:$0x3FAD]  }
0x3d: {  	_ =	shalt  }
0x3e: {  	_ =	shalt  }
0x3f: {  	_ =	shalt  }
0x40: {  	_ =	shalt  }
0x41: {  	_ =	shalt  }
0x42: {  	_ =	shalt  }
0x43: {  	_ =	shalt  }
0x44: {  	_ =	shalt  }
0x45: {  	_ =	shalt  }
0x46: {  	_ =	shalt  }
0x47: {  	_ =	shalt  }
0x48: {  	_ =	shalt  }
0x49: {  	_ =	shalt  }
0x4a: {  	_ =	shalt  }
0x4b: {  	_ =	shalt  }
0x4c: {  	_ =	shalt  }
0x4d: {  	_ =	shalt  }
0x4e: {  	_ =	shalt  }
0x4f: {  	_ =	shalt  }
0x50: {  	_ =	shalt  }
0x51: {  	_ =	shalt  }
0x52: {  	_ =	shalt  }
0x53: {  	_ =	shalt  }
0x54: {  	_ =	shalt  }
0x55: {  	_ =	shalt  }
0x56: {  	_ =	shalt  }
0x57: {  	_ =	shalt  }
0x58: {  	_ =	shalt  }
0x59: {  	_ =	shalt  }
0x5a: {  	_ =	shalt  }
0x5b: {  	_ =	shalt  }
0x5c: {  	_ =	shalt  }
0x5d: {  	_ =	shalt  }
0x5e: {  	_ =	shalt  }
0x5f: {  	_ =	shalt  }
0x60: {  	_ =	shalt  }
0x61: {  	_ =	shalt  }
0x62: {  	_ =	shalt  }
0x63: {  	_ =	shalt  }
0x64: {  	_ =	shalt  }
0x65: {  	_ =	shalt  }
0x66: {  	_ =	shalt  }
0x67: {  	_ =	shalt  }
0x68: {  	_ =	shalt  }
0x69: {  	_ =	shalt  }
0x6a: {  	_ =	shalt  }
0x6b: {  	_ =	shalt  }
0x6c: {  	_ =	shalt  }
0x6d: {  	_ =	shalt  }
0x6e: {  	_ =	shalt  }
0x6f: {  	_ =	shalt  }
0x70: {  	_ =	shalt  }
0x71: {  	_ =	shalt  }
0x72: {  	_ =	shalt  }
0x73: {  	_ =	shalt  }
0x74: {  	_ =	shalt  }
0x75: {  	_ =	shalt  }
0x76: {  	_ =	shalt  }
0x77: {  	_ =	shalt  }
0x78: {  	_ =	shalt  }
0x79: {  	_ =	shalt  }
0x7a: {  	_ =	shalt  }
0x7b: {  	_ =	shalt  }
0x7c: {  	_ =	shalt  }
0x7d: {  	_ =	shalt  }
0x7e: {  	_ =	shalt  }
0x7f: {  	_ =	shalt  }
0x80: {  	_ =	shalt  }
0x81: {  	_ =	shalt  }
0x82: {  	_ =	shalt  }
0x83: {  	_ =	shalt  }
0x84: {  	_ =	shalt  }
0x85: {  	_ =	shalt  }
0x86: {  	_ =	shalt  }
0x87: {  	_ =	shalt  }
.Lfunc_end0:
.L_simem_size_0:
called_computation_lowered:
.L_overlay_start_0:
0x88: {  	s2 =	sld [smem:$0x3FD9]  }
0x89: {  	s3 =	sld [smem:$0x3FFE];
	_ =	sdelay $0x1  }
0x8a: {  	s1 =	srdreg.scid  }
0x8b: {  	s0 =	sand.u32 $0x1, s1  }
0x8c: {  	s17 =	sshll.u32 s0, $0xA;
	s2 =	sadd.s32 s3, s2  }
0x8d: {  	s2 =	sadd.s32 s2, s17  }
0x8e: {  	[smem:$0x3FB9] =	sst s2  }
0x8f: {  	_ = 	snop  }
0x90: {  	s2 =	sld [smem:$0x3FD0];
	(tm) =	ssettm $0x1  }
0x91: {  	s18 =	sld [smem:$0x3FFB];
	_ =	sdelay $0x3  }
0x92: {  	_ =	strace s18  }
0x93: {  	s3 =	sld [smem:$0x3FFC];
	_ =	sdelay $0x3  }
0x94: {  	_ =	strace s3  }
0x95: {  	s3 =	sld [smem:$0x3FFD];
	_ =	sdelay $0x3  }
0x96: {  	_ =	strace s3  }
0x97: {  	_ =	strace $0x8FFFFFFF  }
0x98: {  	s19 =	sld [smem:$0x3FDB];
	_ =	sdelay $0x1  }
0x99: {  	s4 =	simm.s32 $_scs_section_size  }
0x9a: {  	s5 =	simm.s32 $_size__tile_overlayer_lowered;
	s6 =	simm.s32 $_tile_overlayer_lowered  }
0x9b: {  	s22 =	simm.s32 $0x1BFF;
	s21 =	sshll.u32 s6, $0x1;
	s3 =	sadd.s32 s4, s19  }
0x9c: {  	s7 =	simm.s32 $0x0;
	s20 =	sshll.u32 s5, $0x1;
	s5 =	sadd.s32 s21, s3  }
0x9d: {  	[timem:s7], [sflag:s22] =	dma.local [hbm:s5], s20  }
0x9e: {  	_ =	swait.ge [sflag:s22], s20  }
0x9f: {  	s4 =	ssub.s32 $0x0, s20;
	[sflag:s22] =	ssyncset.done $0x0  }
0xa0: {  	[sflag:s22] =	ssyncadd.s32 s4;
	_ =	sdelay $0x1  }
0xa1: {  	s23 =	simm.s32 $0x1B8B  }
0xa2: {  	_ =	swait.ge [sflag:s23], $0x1  }
0xa3: {  	[sflag:s23] =	ssyncset.done $0x0  }
0xa4: {  	s25 =	simm.s32 $0x1B8E;
	s24 =	sld [smem:$0x3FFE];
	[sflag:s23] =	ssyncadd.s32 $0xFFFFFFFF  }
0xa5: {  	s26 =	simm.s32 $execute0_lowered;
	[smem:$0x3FD2] =	sst s25  }
0xa6: {  	s5 =	sshll.u32 s26, $0x1;
	_ =	strace $0x80000046;
	[dreg:$0x1] =	wrdreg $0xFFFFFFFF  }
0xa7: {  	s28 =	simm.s32 $_size_execute0_lowered;
	s3 =	sadd.s32 s3, s5;
	[dreg:$0x0] =	wrdreg $0x0  }
0xa8: {  	s5 =	sshll.u32 s28, $0x1;
	[dreg:$0x2] =	wrdreg s3  }
0xa9: {  	[dreg:$0x3] =	wrdreg s5  }
0xaa: {  	[dreg:$0x4] =	wrdreg $0xC0  }
0xab: {  	_ =	task [dreg:s7], $0x5FFFF  }
0xac: {  	[dreg:$0x1] =	wrdreg $0xFFFFFFFF  }
0xad: {  	[dreg:$0x0] =	wrdreg $0x60  }
0xae: {  	[dreg:$0x2] =	wrdreg s24  }
0xaf: {  	[dreg:$0x3] =	wrdreg s2  }
0xb0: {  	[dreg:$0x4] =	wrdreg $0x2D500  }
0xb1: {  	[dreg:$0x5] =	wrdreg $0x9  }
0xb2: {  	_ =	task.clear_ibuf [dreg:s7], $0x6FFFF;
	_ =	strace $0x90000046  }
0xb3: {  	s29 =	simm.s32 $0x9;
	_ =	strace $0x80000048  }
0xb4: {  	_ =	swait.ge [sflag:s29], $0x1  }
0xb5: {  	[sflag:s29] =	ssyncadd.s32 $0xFFFFFFFF  }
0xb6: {  	_ =	strace $0x90000048  }
0xb7: {  	_ =	sfence  }
0xb8: {  	s30 =	sld [smem:$0x0];
	_ =	sdelay $0x2  }
0xb9: {  	s31 =	sshll.u32 s1, $0xD;
	s1 =	sshrl.u32 s1, $0x2  }
0xba: {  	s3 =	sand.u32 $0x4000, s31;
	s1 =	sadd.s32 s1, s30  }
0xbb: {  	s0 =	sor.u32 s3, s0;
	s1 =	sshll.u32 s1, $0x11  }
0xbc: {  	s0 =	sor.u32 s1, s0  }
0xbd: {  	s0 =	sadd.s32 $0x8F2B, s0  }
0xbe: {  	[sflag:s0] =	ssyncadd.remote.s32 $0x1  }
0xbf: {  	_ =	sfence.sel $0xFFFF  }
0xc0: {  	[dreg:$0x0] =	wrdreg $0xFFFFFFFF;
	(pc) =	sbr.abs _section_cstart, $3  }
0xc1: {  	[dreg:$0x1] =	wrdreg $0xFFFFFFFF  }
0xc2: {  	_ =	task.clear_ibuf [dreg:s7], $0x2FFFF;
	_ =	strace $0x9FFFFFFF  }
0xc3: {  	(tm) =	ssettm $0x7FFFFFFF  }
tec
execute0_lowered:
.L_overlay_start_1:
0x0: {  	(tag) =	ssettag $0x1  }
0x1: {  	s6 =	rddreg [dreg:$0x0]  }
0x2: {  	s2 =	rddreg [dreg:$0x1]  }
0x3: {  	s1 =	srdreg.scid;
	s0 =	stileid.u32  }
0x4: {  	s3 =	rddreg [dreg:$0x2];
	s4 =	simm.s32 $0x0;
	s13 =	simm.s32 $0x50  }
0x5: {  	s14 =	simm.s32 $0x2800;
	s7 =	sand.u32 $0x1, s1;
	s8 =	smul.u32 $0x2800, s0  }
0x6: {  	s15 =	simm.s32 $0x0;
	s1 =	rddreg [dreg:$0x3];
	s5 =	smul.u32 $0x28000, s7  }
0x7: {  	[smem:$0x7FF] =	sst s4;
	s10 =	sshll.u32 s0, $0x6;
	s7 =	ssub.s32 $0x2, s7  }
0x8: {  	_ =	strace $0x80000047;
	s31 =	sshrl.u32 s7, $0x1;
	s9 =	sadd.s32 s8, s5  }
0x9: {  	s12 =	sadd.s32 s8, s3;
	s5 =	sadd.s32 $0xDE00, s6;
	s9 =	sshrl.u32 s9, $0x3  }
0xa: {  	s11 =	ssub.s32 s7, s31;
	s9 =	sadd.s32 s9, s6;
	s6 =	sor.u32 $0x1C01, s10  }
0xb: {  	s10 =	sshrl.u32 s12, $0x3;
	s12 =	simm.s32 $0x2850;
	s7 =	sadd.s32 $0x3E00, s9  }
0xc: {  	s8 =	sadd.s32 $0xE400, s9;
	s9 =	smax.u32 s11, $0x1;
	s11 =	simm.s32 $0x1  }
.LBB2_1:
0xd: {  	[spmem:s10], [sflag:s6] =	dma.local [hbm:s5], $0x500  }
0xe: {  	_ =	swait.ge [sflag:s11], $0x500  }
0xf: {  	[sflag:s11] =	ssyncset.done $0x0  }
0x10: {  	[sflag:s11] =	ssyncadd.s32 $0xFFFFFB00  }
0x11: {  	[tilespmem:s4], [sflag:$0x1] =	stream.linear.gather [hbm4b:s7+s4], $0x2800, $0x38;
	[tilespmem:$0x5550] =	vst v63  }
0x12: {  	_ =	swait.ge [sflag:s11], $0x2800  }
0x13: {  	[sflag:s11] =	ssyncset.done $0x0  }
0x14: {  	[sflag:s11] =	ssyncadd.s32 $0xFFFFD800  }
0x15: {  	[tilespmem:s12], [sflag:$0x1] =	stream.linear.gather [hbm4b:s2+s4], $0x500, $0x38;
	[tilespmem:$0x5550] =	vst v63  }
0x16: {  	_ =	swait.ge [sflag:s11], $0x500  }
0x17: {  	[sflag:s11] =	ssyncset.done $0x0  }
0x18: {  	[sflag:s11] =	ssyncadd.s32 $0xFFFFFB00  }
0x19: {  	s16 =	simm.s32 $0x0;
	[bflag:$0x0] =	sbarrier.arrive $0xFFFF  }
0x1a: {  	v0 =	vld [tilespmem:s16+$0x0];
	_ =	sdelay $0x4  }
0x1b: {  	[tilespmem:$0x2800] =	vst v0  }
0x1c: {  	v0 =	vld [tilespmem:s16+$0x10];
	_ =	sdelay $0x4  }
0x1d: {  	[tilespmem:$0x2810] =	vst v0  }
0x1e: {  	v0 =	vld [tilespmem:s16+$0x20];
	_ =	sdelay $0x4  }
0x1f: {  	[tilespmem:$0x2820] =	vst v0  }
0x20: {  	v0 =	vld [tilespmem:s16+$0x30];
	_ =	sdelay $0x4  }
0x21: {  	[tilespmem:$0x2830] =	vst v0  }
0x22: {  	v0 =	vld [tilespmem:s16+$0x40];
	_ =	sdelay $0x4  }
0x23: {  	[tilespmem:$0x2840] =	vst v0  }
0x24: {  	[spmem:s3] =	stream.indirect.scatter.add.f32 [tilespmem:s12], [sflag:$0x1], $0x10, s14, s13, $0xb8;
	[tilespmem:$0x5550] =	vst v63  }
0x25: {  	_ =	swait.ge [sflag:s11], $0x500  }
0x26: {  	s17 =	simm.s32 $0x280;
	s16 =	simm.s32 $0x140;
	[sflag:s11] =	ssyncset.done $0x0  }
.LBB2_2:
0x27: {  	s18 =	sshra.s32 s16, $0x2  }
0x28: {  	[sflag:s11] =	ssyncadd.s32 $0xFFFFFB00;
	s16 =	smov.u32 s17;
	s19 =	sadd.s32 $0x140, s17  }
0x29: {  	p0 =	sne.s32 s17, $0x9EC0;
	v0 =	vld [tilespmem:s18+$0x0];
	_ =	sdelay $0x4  }
0x2a: {  	[tilespmem:$0x2800] =	vst v0  }
0x2b: {  	v0 =	vld [tilespmem:s18+$0x10];
	_ =	sdelay $0x4  }
0x2c: {  	[tilespmem:$0x2810] =	vst v0  }
0x2d: {  	v0 =	vld [tilespmem:s18+$0x20];
	_ =	sdelay $0x4  }
0x2e: {  	[tilespmem:$0x2820] =	vst v0  }
0x2f: {  	v0 =	vld [tilespmem:s18+$0x30];
	_ =	sdelay $0x4  }
0x30: {  	[tilespmem:$0x2830] =	vst v0  }
0x31: {  	v0 =	vld [tilespmem:s18+$0x40];
	_ =	sdelay $0x3  }
.Ltmp0:
0x32: {  	(pc) =	sbr.rel @p0 .LBB2_2-.Ltmp0, $4  }
0x33: {  	[tilespmem:$0x2840] =	vst v0  }
0x34: {  	[spmem:s3] =	stream.indirect.scatter.add.f32 [tilespmem:s12], [sflag:$0x1], $0x10, s14, s13, $0xb8;
	[tilespmem:$0x5550] =	vst v63  }
0x35: {  	_ =	swait.ge [sflag:s11], $0x500  }
0x36: {  	s17 =	smov.u32 s19;
	[sflag:s11] =	ssyncset.done $0x0  }
0x37: {  	s16 =	sshra.s32 s16, $0x2;
	[sflag:s11] =	ssyncadd.s32 $0xFFFFFB00  }
0x38: {  	v0 =	vld [tilespmem:s16+$0x0];
	_ =	sdelay $0x4  }
0x39: {  	[tilespmem:$0x2800] =	vst v0  }
0x3a: {  	v0 =	vld [tilespmem:s16+$0x10];
	_ =	sdelay $0x4  }
0x3b: {  	[tilespmem:$0x2810] =	vst v0  }
0x3c: {  	v0 =	vld [tilespmem:s16+$0x20];
	_ =	sdelay $0x4  }
0x3d: {  	[tilespmem:$0x2820] =	vst v0  }
0x3e: {  	v0 =	vld [tilespmem:s16+$0x30];
	_ =	sdelay $0x4  }
0x3f: {  	[tilespmem:$0x2830] =	vst v0  }
0x40: {  	v0 =	vld [tilespmem:s16+$0x40];
	_ =	sdelay $0x4  }
0x41: {  	[tilespmem:$0x2840] =	vst v0  }
0x42: {  	[spmem:s3] =	stream.indirect.scatter.add.f32 [tilespmem:s12], [sflag:$0x1], $0x10, s14, s13, $0xb8;
	[tilespmem:$0x5550] =	vst v63  }
0x43: {  	_ =	swait.ge [sflag:s11], $0x500  }
0x44: {  	s15 =	sadd.s32 $0x1, s15;
	[sflag:s11] =	ssyncset.done $0x0  }
0x45: {  	p0 =	sne.s32 s15, s9;
	[sflag:s11] =	ssyncadd.s32 $0xFFFFFB00  }
.Ltmp1:
0x46: {  	[bflag:$0x0] =	sbarrier.arrive $0xFFFF;
	(pc) =	sbr.rel @p0 .LBB2_1-.Ltmp1, $4  }
0x47: {  	[hbm:s8], [sflag:s6] =	dma.local [spmem:s10], $0x500  }
0x48: {  	_ =	swait.ge [sflag:s11], $0x500  }
0x49: {  	[sflag:s11] =	ssyncset.done $0x0  }
0x4a: {  	[sflag:s11] =	ssyncadd.s32 $0xFFFFFB00  }
0x4b: {  	_ =	sfence.sel $0x180000  }
0x4c: {  	[bflag:$0x0] =	sbarrier.arrive $0xFFFF  }
0x4d: {  	p0 =	sne.s32 s0, $0x0;
	_ =	strace $0x90000047  }
0x4e: {  	s0 =	sadd.s32 @!p0 $0x100000, s1;
	[bflag:$0x2] =	sbarrier.arrive $0xFFFF  }
0x4f: {  	[sflag:s0] =	ssyncadd.tile.s32 @!p0 $0x1;
	_ =	shalt  }
.Lfunc_end2:
_tile_overlayer_lowered:
.L_overlay_start_2:
0x50: {  	(tag) =	ssettag $0x2  }
0x51: {  	s0 =	rddreg [dreg:$0x0];
	s2 =	stileid.u32  }
0x52: {  	s1 =	rddreg [dreg:$0x1];
	p0 =	sne.s32 s2, $0x0  }
0x53: {  	s3 =	rddreg [dreg:$0x2];
	[bflag:$0x3] =	sbarrier.arrive $0xFFFF;
	s2 =	simm.s32 @!p0 $0x1C01  }
0x54: {  	[timem:s3], [sflag:s2] =	dma.local @!p0 [hbm:s0], s1  }
0x55: {  	s0 =	simm.s32 @!p0 $0x1  }
0x56: {  	_ =	swait.ge @!p0 [sflag:s0], s1  }
0x57: {  	s1 =	ssub.s32 @!p0 $0x0, s1;
	[sflag:s0] =	ssyncset.done @!p0 $0x0  }
0x58: {  	[sflag:s0] =	ssyncadd.s32 @!p0 s1  }
0x59: {  	[bflag:$0x3] =	sbarrier.arrive $0xFFFF  }
0x5a: {  	_ =	shalt  }

// kernel: kernel.17.cloned.1.call-start
scs
__scs_entry_jumppad:
0x0: {  	(pc) =	sbr.rel $0x88, $3  }
0x1: {  	(tag) =	ssettag $0x0;
	lr =	simm.s32 $0x1  }
0x2: {  	[smem:$0x3F92] =	sst lr;
	_ =	strace $0xD0000000  }
0x3: {  	_ = 	snop  }
0x4: {  	_ = 	snop  }
0x5: {  	_ = 	snop  }
0x6: {  	_ = 	snop  }
0x7: {  	_ = 	snop  }
__scs_overlays_trampoline_lowered:
0x8: {  	[smem:$0x3FA1] =	sst s0  }
0x9: {  	[smem:$0x3FA2] =	sst s1  }
0xa: {  	[smem:$0x3FA3] =	sst s2  }
0xb: {  	[smem:$0x3FA4] =	sst s3  }
0xc: {  	[smem:$0x3FA5] =	sst s4  }
0xd: {  	[smem:$0x3FA6] =	sst s5  }
0xe: {  	[smem:$0x3FA7] =	sst s6  }
0xf: {  	[smem:$0x3FA8] =	sst s7  }
0x10: {  	[smem:$0x3FA9] =	sst s8  }
0x11: {  	[smem:$0x3FAA] =	sst s9;
	s0 =	simm.s32 @!p0 $0x0  }
0x12: {  	s1 =	sld [smem:$0x3F90];
	s0 =	simm.s32 @p0 $0x1  }
0x13: {  	[smem:$0x3FAB] =	sst s0;
	s0 =	simm.s32 @!p1 $0x0  }
0x14: {  	s2 =	sld [smem:$0x3F8F];
	s0 =	simm.s32 @p1 $0x1  }
0x15: {  	[smem:$0x3FAC] =	sst s0;
	s0 =	simm.s32 @!p2 $0x0  }
0x16: {  	s3 =	sld [smem:$0x3FDB];
	s0 =	simm.s32 @p2 $0x1  }
0x17: {  	s4 =	simm.s32 $0x1BF5;
	[smem:$0x3FAE] =	sst s0  }
0x18: {  	s0 =	sld [smem:$0x3F91];
	_ =	swait.ge [sflag:s4], $0x0  }
0x19: {  	s7 =	sld [smem:$0x3F92]  }
0x1a: {  	s8 =	sadd.s32 $0xFFFFE003, lr  }
0x1b: {  	s9 =	sadd.s32 $0xFFFFFEF7, lr;
	s5 =	simm.s32 $0xFFFFFFFF;
	p2 =	slt.u32 s8, $0xFFFFF086  }
0x1c: {  	p1 =	slt.u32 s9, $0xF7A;
	s5 =	simm.s32 @!p2 $0x0  }
0x1d: {  	s5 =	simm.s32 @p1 $0x1;
	p0 =	seq.s32 s7, s2  }
0x1e: {  	s7 =	smul.u32 @!p0 $0xF7A, s2;
	p2 =	seq.s32 @!p0 s5, $0x0  }
0x1f: {  	s9 =	smul.u32 $0xF7A, s1;
	s8 =	simm.s32 @!p0 $0x1BF5;
	p2 =	por !p2, p0  }
0x20: {  	[sflag:s8] =	ssyncset.s32 @!p0 $0xFFFFF086;
	s6 =	sadd.s32 @!p0 s3, s7;
	s7 =	simm.s32 @!p0 $0x108  }
0x21: {  	s3 =	sadd.s32 s3, s9;
	s6 =	sadd.s32 @!p0 $0x88, s6;
	s7 =	simm.s32 @p2 $0x1082  }
0x22: {  	[simem:s7], [sflag:s8] =	dma.local @!p0 [hbm:s6], $0xF7A  }
0x23: {  	s9 =	sor.u32 $0xD0000000, s2;
	s6 =	simm.s32 $0x108;
	_ =	swait.ge @!p0 [sflag:s8], $0x0  }
0x24: {  	s3 =	sadd.s32 $0x88, s3;
	s6 =	simm.s32 @!p1 $0x1082;
	[sflag:s4] =	ssyncset.s32 $0xFFFFF086  }
0x25: {  	[simem:s6], [sflag:s4] =	dma.local [hbm:s3], $0xF7A  }
0x26: {  	[smem:$0x3F92] =	sst s1;
	(tag) =	ssettag s2;
	_ =	strace s9  }
0x27: {  	s1 =	sld [smem:$0x3FA2]  }
0x28: {  	s2 =	sld [smem:$0x3FA3]  }
0x29: {  	s4 =	sld [smem:$0x3FA5]  }
0x2a: {  	p0 =	seq.s32 s5, $0x0;
	s5 =	sld [smem:$0x3FA6]  }
0x2b: {  	s6 =	sld [smem:$0x3FA7]  }
0x2c: {  	s7 =	sld [smem:$0x3FA8]  }
0x2d: {  	s3 =	simm.s32 $0x108;
	s8 =	sld [smem:$0x3FA9]  }
0x2e: {  	s3 =	simm.s32 @!p0 $0x1082;
	s9 =	sld [smem:$0x3FAA]  }
0x2f: {  	lr =	sadd.s32 s0, s3;
	s0 =	sld [smem:$0x3FA1]  }
0x30: {  	s3 =	sld [smem:$0x3FA4]  }
0x31: {  	[smem:$0x3FAD] =	sst s10  }
0x32: {  	s10 =	sld [smem:$0x3FAB];
	_ =	sdelay $0x3  }
0x33: {  	p0 =	seq.s32 s10, $0x1;
	s10 =	sld [smem:$0x3FAD];
	_ =	sdelay $0x3  }
0x34: {  	[smem:$0x3FAD] =	sst s10  }
0x35: {  	s10 =	sld [smem:$0x3FAC];
	_ =	sdelay $0x3  }
0x36: {  	p1 =	seq.s32 s10, $0x1;
	s10 =	sld [smem:$0x3FAD];
	_ =	sdelay $0x3  }
0x37: {  	[smem:$0x3FAD] =	sst s10  }
0x38: {  	s10 =	sld [smem:$0x3FAE]  }
0x39: {  	_ = 	snop;
	(pc) =	sbr.ind lr, $3  }
0x3a: {  	_ = 	snop  }
0x3b: {  	_ = 	snop  }
0x3c: {  	p2 =	seq.s32 s10, $0x1;
	s10 =	sld [smem:$0x3FAD]  }
0x3d: {  	_ =	shalt  }
0x3e: {  	_ =	shalt  }
0x3f: {  	_ =	shalt  }
0x40: {  	_ =	shalt  }
0x41: {  	_ =	shalt  }
0x42: {  	_ =	shalt  }
0x43: {  	_ =	shalt  }
0x44: {  	_ =	shalt  }
0x45: {  	_ =	shalt  }
0x46: {  	_ =	shalt  }
0x47: {  	_ =	shalt  }
0x48: {  	_ =	shalt  }
0x49: {  	_ =	shalt  }
0x4a: {  	_ =	shalt  }
0x4b: {  	_ =	shalt  }
0x4c: {  	_ =	shalt  }
0x4d: {  	_ =	shalt  }
0x4e: {  	_ =	shalt  }
0x4f: {  	_ =	shalt  }
0x50: {  	_ =	shalt  }
0x51: {  	_ =	shalt  }
0x52: {  	_ =	shalt  }
0x53: {  	_ =	shalt  }
0x54: {  	_ =	shalt  }
0x55: {  	_ =	shalt  }
0x56: {  	_ =	shalt  }
0x57: {  	_ =	shalt  }
0x58: {  	_ =	shalt  }
0x59: {  	_ =	shalt  }
0x5a: {  	_ =	shalt  }
0x5b: {  	_ =	shalt  }
0x5c: {  	_ =	shalt  }
0x5d: {  	_ =	shalt  }
0x5e: {  	_ =	shalt  }
0x5f: {  	_ =	shalt  }
0x60: {  	_ =	shalt  }
0x61: {  	_ =	shalt  }
0x62: {  	_ =	shalt  }
0x63: {  	_ =	shalt  }
0x64: {  	_ =	shalt  }
0x65: {  	_ =	shalt  }
0x66: {  	_ =	shalt  }
0x67: {  	_ =	shalt  }
0x68: {  	_ =	shalt  }
0x69: {  	_ =	shalt  }
0x6a: {  	_ =	shalt  }
0x6b: {  	_ =	shalt  }
0x6c: {  	_ =	shalt  }
0x6d: {  	_ =	shalt  }
0x6e: {  	_ =	shalt  }
0x6f: {  	_ =	shalt  }
0x70: {  	_ =	shalt  }
0x71: {  	_ =	shalt  }
0x72: {  	_ =	shalt  }
0x73: {  	_ =	shalt  }
0x74: {  	_ =	shalt  }
0x75: {  	_ =	shalt  }
0x76: {  	_ =	shalt  }
0x77: {  	_ =	shalt  }
0x78: {  	_ =	shalt  }
0x79: {  	_ =	shalt  }
0x7a: {  	_ =	shalt  }
0x7b: {  	_ =	shalt  }
0x7c: {  	_ =	shalt  }
0x7d: {  	_ =	shalt  }
0x7e: {  	_ =	shalt  }
0x7f: {  	_ =	shalt  }
0x80: {  	_ =	shalt  }
0x81: {  	_ =	shalt  }
0x82: {  	_ =	shalt  }
0x83: {  	_ =	shalt  }
0x84: {  	_ =	shalt  }
0x85: {  	_ =	shalt  }
0x86: {  	_ =	shalt  }
0x87: {  	_ =	shalt  }
.Lfunc_end0:
.L_simem_size_0:
called_computation.1_lowered:
.L_overlay_start_0:
0x88: {  	s2 =	sld [smem:$0x3FD9]  }
0x89: {  	s3 =	sld [smem:$0x3FFE];
	_ =	sdelay $0x1  }
0x8a: {  	s1 =	srdreg.scid  }
0x8b: {  	s0 =	sand.u32 $0x1, s1  }
0x8c: {  	s16 =	sshll.u32 s0, $0xA;
	s2 =	sadd.s32 s3, s2  }
0x8d: {  	s2 =	sadd.s32 s2, s16  }
0x8e: {  	[smem:$0x3FB9] =	sst s2  }
0x8f: {  	_ = 	snop  }
0x90: {  	(tm) =	ssettm $0x1  }
0x91: {  	s17 =	sld [smem:$0x3FFB];
	_ =	sdelay $0x3  }
0x92: {  	_ =	strace s17  }
0x93: {  	s2 =	sld [smem:$0x3FFC];
	_ =	sdelay $0x3  }
0x94: {  	_ =	strace s2  }
0x95: {  	s2 =	sld [smem:$0x3FFD];
	_ =	sdelay $0x3  }
0x96: {  	_ =	strace s2  }
0x97: {  	_ =	strace $0x8FFFFFFF  }
0x98: {  	s18 =	sld [smem:$0x3FDB];
	_ =	sdelay $0x1  }
0x99: {  	s19 =	simm.s32 $_scs_section_size  }
0x9a: {  	s4 =	simm.s32 $_size__tile_overlayer_lowered;
	s5 =	simm.s32 $_tile_overlayer_lowered  }
0x9b: {  	s22 =	simm.s32 $0x1BFF;
	s21 =	sshll.u32 s5, $0x1;
	s2 =	sadd.s32 s19, s18  }
0x9c: {  	s6 =	simm.s32 $0x0;
	s20 =	sshll.u32 s4, $0x1;
	s4 =	sadd.s32 s21, s2  }
0x9d: {  	[timem:s6], [sflag:s22] =	dma.local [hbm:s4], s20  }
0x9e: {  	_ =	swait.ge [sflag:s22], s20  }
0x9f: {  	s3 =	ssub.s32 $0x0, s20;
	[sflag:s22] =	ssyncset.done $0x0  }
0xa0: {  	[sflag:s22] =	ssyncadd.s32 s3;
	_ =	sdelay $0x1  }
0xa1: {  	s23 =	simm.s32 $0x1B8B  }
0xa2: {  	_ =	swait.ge [sflag:s23], $0x1  }
0xa3: {  	[sflag:s23] =	ssyncset.done $0x0  }
0xa4: {  	s25 =	simm.s32 $0x1B8E;
	s24 =	sld [smem:$0x3FFE];
	[sflag:s23] =	ssyncadd.s32 $0xFFFFFFFF  }
0xa5: {  	s26 =	simm.s32 $execute0_lowered;
	[smem:$0x3FD2] =	sst s25  }
0xa6: {  	s4 =	sshll.u32 s26, $0x1;
	_ =	strace $0x80000049;
	[dreg:$0x1] =	wrdreg $0xFFFFFFFF  }
0xa7: {  	s28 =	simm.s32 $_size_execute0_lowered;
	s2 =	sadd.s32 s2, s4;
	[dreg:$0x0] =	wrdreg $0x0  }
0xa8: {  	s4 =	sshll.u32 s28, $0x1;
	[dreg:$0x2] =	wrdreg s2  }
0xa9: {  	[dreg:$0x3] =	wrdreg s4  }
0xaa: {  	[dreg:$0x4] =	wrdreg $0xC0  }
0xab: {  	_ =	task [dreg:s6], $0x5FFFF  }
0xac: {  	[dreg:$0x1] =	wrdreg $0xFFFFFFFF  }
0xad: {  	[dreg:$0x0] =	wrdreg $0x60  }
0xae: {  	[dreg:$0x2] =	wrdreg s24  }
0xaf: {  	[dreg:$0x3] =	wrdreg $0xB5400  }
0xb0: {  	[dreg:$0x4] =	wrdreg $0x9  }
0xb1: {  	_ =	task.clear_ibuf [dreg:s6], $0x5FFFF;
	_ =	strace $0x90000049  }
0xb2: {  	s29 =	simm.s32 $0x9;
	_ =	strace $0x8000004B  }
0xb3: {  	_ =	swait.ge [sflag:s29], $0x1  }
0xb4: {  	[sflag:s29] =	ssyncadd.s32 $0xFFFFFFFF  }
0xb5: {  	_ =	strace $0x9000004B  }
0xb6: {  	_ =	sfence  }
0xb7: {  	s30 =	sld [smem:$0x0];
	_ =	sdelay $0x2  }
0xb8: {  	s31 =	sshll.u32 s1, $0xD;
	s1 =	sshrl.u32 s1, $0x2  }
0xb9: {  	s3 =	sand.u32 $0x4000, s31;
	s1 =	sadd.s32 s1, s30  }
0xba: {  	s0 =	sor.u32 s3, s0;
	s1 =	sshll.u32 s1, $0x11  }
0xbb: {  	s0 =	sor.u32 s1, s0  }
0xbc: {  	s0 =	sadd.s32 $0x8F2B, s0  }
0xbd: {  	[sflag:s0] =	ssyncadd.remote.s32 $0x1  }
0xbe: {  	_ =	sfence.sel $0xFFFF  }
0xbf: {  	[dreg:$0x0] =	wrdreg $0xFFFFFFFF;
	(pc) =	sbr.abs _section_cstart, $3  }
0xc0: {  	[dreg:$0x1] =	wrdreg $0xFFFFFFFF  }
0xc1: {  	_ =	task.clear_ibuf [dreg:s6], $0x2FFFF;
	_ =	strace $0x9FFFFFFF  }
0xc2: {  	(tm) =	ssettm $0x7FFFFFFF  }
0xc3: {  	_ =	shalt  }
tec
execute0_lowered:
.L_overlay_start_1:
0x0: {  	(tag) =	ssettag $0x1  }
0x1: {  	s0 =	rddreg [dreg:$0x0]  }
0x2: {  	s1 =	rddreg [dreg:$0x1];
	s2 =	simm.s32 $0x0;
	s3 =	srdreg.scid  }
0x3: {  	s15 =	stileid.u32;
	s17 =	simm.s32 $0xA00;
	s18 =	simm.s32 $0x50  }
0x4: {  	s19 =	simm.s32 $0x1400;
	s20 =	simm.s32 $0x1540;
	s21 =	simm.s32 $0x1450  }
0x5: {  	s22 =	simm.s32 $0x6540;
	s28 =	simm.s32 $0x3;
	s29 =	simm.s32 $0x4  }
0x6: {  	[smem:$0x7FF] =	sst s2;
	s3 =	sand.u32 $0x1, s3;
	s9 =	smul.u32 $0x138, s15  }
0x7: {  	s4 =	sadd.s32 $0x42400, s0;
	s5 =	sadd.s32 $0x2C400, s0;
	s11 =	smul.u32 $0x4E000, s15  }
0x8: {  	s6 =	sadd.s32 $0x18400, s0;
	s0 =	sadd.s32 $0x90600, s0;
	s30 =	smul.u32 $0x5000, s15  }
0x9: {  	s26 =	sshll.u32 s15, $0x6;
	s16 =	sadd.s32 $0x138000, s1;
	s7 =	smul.u32 $0x1388, s3  }
0xa: {  	p0 =	sne.s32 s15, $0xF;
	s15 =	simm.s32 $0x5;
	s24 =	smul.u32 $0x138800, s3  }
0xb: {  	_ =	strace $0x8000004A;
	s8 =	ssub.s32 $0x2, s3;
	s3 =	smul.u32 $0x50000, s3  }
0xc: {  	s16 =	sshrl.u32 @!p0 s16, $0x3;
	s10 =	sshrl.u32 s8, $0x1;
	s23 =	sshrl.u32 s11, $0x2  }
0xd: {  	s13 =	ssub.s32 s8, s10;
	s7 =	sadd.s32 s9, s7;
	s14 =	sadd.s32 s23, s1  }
0xe: {  	s9 =	sshrl.u32 s24, $0x3;
	s8 =	sor.u32 $0x1C05, s26;
	s10 =	sadd.s32 s30, s3  }
0xf: {  	s23 =	simm.s32 $0x1;
	s24 =	simm.s32 $0x14A0;
	s7 =	sshll.u32 s7, $0x5  }
0x10: {  	s26 =	simm.s32 $0x14F0;
	s12 =	sadd.s32 $0x27000, s9;
	s25 =	sadd.s32 s4, s7  }
0x11: {  	s13 =	smax.u32 s13, $0x1;
	s9 =	sadd.s32 s4, s12;
	[dreg:$0x3] =	wrdreg s25  }
0x12: {  	s14 =	sshrl.u32 s14, $0x3;
	s31 =	sadd.s32 s0, s7;
	[dreg:$0x4] =	wrdreg s9  }
0x13: {  	s12 =	sadd.s32 s0, s12;
	[dreg:$0x5] =	wrdreg s31;
	s25 =	simm.s32 $0x2  }
.LBB2_1:
0x14: {  	s0 =	rddreg [dreg:$0x3]  }
0x15: {  	[spmem:s14], [sflag:s8] =	dma.local [hbm:s0], $0x2700  }
0x16: {  	_ =	swait.ge [sflag:s15], $0x2700  }
0x17: {  	[sflag:s15] =	ssyncset.done $0x0  }
0x18: {  	s0 =	rddreg [dreg:$0x4];
	[sflag:s15] =	ssyncadd.s32 $0xFFFFD900  }
0x19: {  	[spmem:s16], [sflag:s8] =	dma.local @!p0 [hbm:s0], $0x100  }
0x1a: {  	s0 =	simm.s32 @!p0 $0x5  }
0x1b: {  	_ =	swait.ge @!p0 [sflag:s0], $0x100  }
0x1c: {  	[sflag:s0] =	ssyncset.done @!p0 $0x0  }
0x1d: {  	[sflag:s0] =	ssyncadd.s32 @!p0 $0xFFFFFF00  }
0x1e: {  	s30 =	simm.s32 $0x0;
	[bflag:$0x0] =	sbarrier.arrive $0xFFFF  }
.LBB2_2:
0x1f: {  	s0 =	smul.u32 $0xA00, s30;
	_ =	sdelay $0x1  }
0x20: {  	s0 =	sadd.s32 s0, s10  }
0x21: {  	s0 =	sshrl.u32 s0, $0x3  }
0x22: {  	s7 =	simm.s32 $0x0;
	s3 =	sadd.s32 s5, s0  }
0x23: {  	[tilespmem:s7], [sflag:$0x5] =	stream.linear.gather [hbm4b:s3+s7], $0xA00, $0x38;
	[tilespmem:$0x1EE40] =	vst v63  }
0x24: {  	_ =	swait.ge [sflag:s15], $0xA00  }
0x25: {  	[sflag:s15] =	ssyncset.done $0x0  }
0x26: {  	s0 =	sadd.s32 s6, s0;
	[sflag:s15] =	ssyncadd.s32 $0xFFFFF600  }
0x27: {  	[tilespmem:s17], [sflag:$0x5] =	stream.linear.gather [hbm4b:s0+s7], $0xA00, $0x38;
	[tilespmem:$0x1EE40] =	vst v63  }
0x28: {  	_ =	swait.ge [sflag:s15], $0xA00  }
0x29: {  	[sflag:s15] =	ssyncset.done $0x0  }
0x2a: {  	[sflag:s15] =	ssyncadd.s32 $0xFFFFF600  }
0x2b: {  	v0 =	vld [tilespmem:$0x0]  }
0x2c: {  	v1 =	vld [tilespmem:$0x10]  }
0x2d: {  	v2 =	vld [tilespmem:$0x20]  }
0x2e: {  	v3 =	vld [tilespmem:$0x30]  }
0x2f: {  	v4 =	vld [tilespmem:$0x40]  }
0x30: {  	[tilespmem:$0x1400] =	vst v0  }
0x31: {  	[tilespmem:$0x1410] =	vst v1  }
0x32: {  	[tilespmem:$0x1420] =	vst v2  }
0x33: {  	[tilespmem:$0x1430] =	vst v3  }
0x34: {  	p1 =	por $0x1, $0x1;
	[tilespmem:$0x1440] =	vst v4;
	(ifvalue) =	ssetifvalue $0xFFFFFFFF  }
0x35: {  	s0 =	simm.s32 @!p1 $0x4;
	(ifvalue) =	ssetifvalue $0xFFFFFFFF  }
0x36: {  	[tilespmem:s20], [sflag:$0x1] =	stream.indirect.gather [hbm4b:s4+s18], $0x100, s19, s18, $0x40b8;
	[tilespmem:$0x1EE40] =	vst v63  }
0x37: {  	_ =	swait.ge @!p1 [sflag:s0], $0x5000  }
0x38: {  	[sflag:s0] =	ssyncset.done @!p1 $0x0  }
0x39: {  	s11 =	simm.s32 $0x0;
	[sflag:s0] =	ssyncadd.s32 @!p1 $0xFFFFB000  }
0x3a: {  	v0 =	vld [tilespmem:s11+$0x50];
	_ =	sdelay $0x4  }
0x3b: {  	[tilespmem:$0x1450] =	vst v0  }
0x3c: {  	v0 =	vld [tilespmem:s11+$0x60];
	_ =	sdelay $0x4  }
0x3d: {  	[tilespmem:$0x1460] =	vst v0  }
0x3e: {  	v0 =	vld [tilespmem:s11+$0x70];
	_ =	sdelay $0x4  }
0x3f: {  	[tilespmem:$0x1470] =	vst v0  }
0x40: {  	v0 =	vld [tilespmem:s11+$0x80];
	_ =	sdelay $0x4  }
0x41: {  	[tilespmem:$0x1480] =	vst v0  }
0x42: {  	v0 =	vld [tilespmem:s11+$0x90];
	_ =	sdelay $0x4  }
0x43: {  	[tilespmem:$0x1490] =	vst v0;
	(ifvalue) =	ssetifvalue $0xFFFFFFFF  }
0x44: {  	(ifvalue) =	ssetifvalue $0xFFFFFFFF  }
0x45: {  	[tilespmem:s22], [sflag:$0x2] =	stream.indirect.gather [hbm4b:s4+s18], $0x100, s21, s18, $0x40b8;
	[tilespmem:$0x1EE40] =	vst v63  }
0x46: {  	_ =	swait.ge [sflag:s23], $0x5000  }
0x47: {  	[sflag:s23] =	ssyncset.done $0x0  }
0x48: {  	[sflag:s23] =	ssyncadd.s32 $0xFFFFB000  }
0x49: {  	v0 =	vld [tilespmem:s11+$0xA00];
	_ =	sdelay $0x4  }
0x4a: {  	[tilespmem:$0x14A0] =	vst v0  }
0x4b: {  	v0 =	vld [tilespmem:s11+$0xA10];
	_ =	sdelay $0x4  }
0x4c: {  	[tilespmem:$0x14B0] =	vst v0  }
0x4d: {  	v0 =	vld [tilespmem:s11+$0xA20];
	_ =	sdelay $0x4  }
0x4e: {  	[tilespmem:$0x14C0] =	vst v0  }
0x4f: {  	v0 =	vld [tilespmem:s11+$0xA30];
	_ =	sdelay $0x4  }
0x50: {  	[tilespmem:$0x14D0] =	vst v0  }
0x51: {  	v0 =	vld [tilespmem:s11+$0xA40];
	_ =	sdelay $0x3  }
0x52: {  	p1 =	por $0x0, $0x0  }
0x53: {  	s0 =	simm.s32 @!p1 $0x3;
	[tilespmem:$0x14E0] =	vst v0;
	(ifvalue) =	ssetifvalue $0xFFFFFFFF  }
0x54: {  	[spmem:s1] =	stream.indirect.scatter.add.f32 [tilespmem:s20], [sflag:$0x3], $0x100, s24, s18, $0x40b8;
	[tilespmem:$0x1EE40] =	vst v63  }
0x55: {  	_ =	swait.ge @!p1 [sflag:s0], $0x5000  }
0x56: {  	[sflag:s0] =	ssyncset.done @!p1 $0x0  }
0x57: {  	s7 =	simm.s32 @!p1 $0x0;
	[sflag:s0] =	ssyncadd.s32 @!p1 $0xFFFFB000  }
0x58: {  	v0 =	vld @!p1 [tilespmem:s7+$0xA0];
	_ =	sdelay $0x4  }
0x59: {  	[tilespmem:$0x1400] =	vst @!p1 v0  }
0x5a: {  	v0 =	vld @!p1 [tilespmem:s7+$0xB0];
	_ =	sdelay $0x4  }
0x5b: {  	[tilespmem:$0x1410] =	vst @!p1 v0  }
0x5c: {  	v0 =	vld @!p1 [tilespmem:s7+$0xC0];
	_ =	sdelay $0x4  }
0x5d: {  	[tilespmem:$0x1420] =	vst @!p1 v0  }
0x5e: {  	v0 =	vld @!p1 [tilespmem:s7+$0xD0];
	_ =	sdelay $0x4  }
0x5f: {  	[tilespmem:$0x1430] =	vst @!p1 v0  }
0x60: {  	v0 =	vld @!p1 [tilespmem:s7+$0xE0];
	_ =	sdelay $0x4  }
0x61: {  	s31 =	simm.s32 @!p1 $0x1400;
	[tilespmem:$0x1440] =	vst @!p1 v0;
	(ifvalue) =	ssetifvalue @!p1 $0xFFFFFFFF  }
0x62: {  	s0 =	simm.s32 @!p1 $0x1540;
	s7 =	simm.s32 @!p1 $0x50;
	(ifvalue) =	ssetifvalue @!p1 $0xFFFFFFFF  }
0x63: {  	[tilespmem:s0], [sflag:$0x1] =	stream.indirect.gather @!p1 [hbm4b:s4+s7], $0x100, s31, s7, $0x40b8;
	[tilespmem:$0x1EE40] =	vst v63  }
0x64: {  	_ =	swait.ge [sflag:s25], $0x5000  }
0x65: {  	[sflag:s25] =	ssyncset.done $0x0  }
0x66: {  	[sflag:s25] =	ssyncadd.s32 $0xFFFFB000  }
0x67: {  	v0 =	vld [tilespmem:s11+$0xA50];
	_ =	sdelay $0x4  }
0x68: {  	[tilespmem:$0x14F0] =	vst v0  }
0x69: {  	v0 =	vld [tilespmem:s11+$0xA60];
	_ =	sdelay $0x4  }
0x6a: {  	[tilespmem:$0x1500] =	vst v0  }
0x6b: {  	v0 =	vld [tilespmem:s11+$0xA70];
	_ =	sdelay $0x4  }
0x6c: {  	[tilespmem:$0x1510] =	vst v0  }
0x6d: {  	v0 =	vld [tilespmem:s11+$0xA80];
	_ =	sdelay $0x4  }
0x6e: {  	[tilespmem:$0x1520] =	vst v0  }
0x6f: {  	v0 =	vld [tilespmem:s11+$0xA90];
	_ =	sdelay $0x3  }
0x70: {  	p2 =	por $0x0, $0x0;
	s31 =	simm.s32 $0x280;
	s0 =	simm.s32 $0x500  }
.LBB2_3:
0x71: {  	s9 =	simm.s32 @!p2 $0x4;
	[tilespmem:$0x1530] =	vst v0;
	s7 =	smov.u32 s0;
	s0 =	sadd.s32 $0x280, s0  }
0x72: {  	p1 =	sne.s32 s0, $0x2800;
	(ifvalue) =	ssetifvalue $0xFFFFFFFF  }
0x73: {  	[spmem:s1] =	stream.indirect.scatter.add.f32 [tilespmem:s22], [sflag:$0x4], $0x100, s26, s18, $0x40b8;
	[tilespmem:$0x1EE40] =	vst v63  }
0x74: {  	_ =	swait.ge @!p2 [sflag:s9], $0x5000  }
0x75: {  	s3 =	sshra.s32 s31, $0x2;
	[sflag:s9] =	ssyncset.done @!p2 $0x0  }
0x76: {  	[sflag:s9] =	ssyncadd.s32 @!p2 $0xFFFFB000  }
0x77: {  	v0 =	vld [tilespmem:s3+$0x50];
	_ =	sdelay $0x4  }
0x78: {  	[tilespmem:$0x1450] =	vst v0  }
0x79: {  	v0 =	vld [tilespmem:s3+$0x60];
	_ =	sdelay $0x4  }
0x7a: {  	[tilespmem:$0x1460] =	vst v0  }
0x7b: {  	v0 =	vld [tilespmem:s3+$0x70];
	_ =	sdelay $0x4  }
0x7c: {  	[tilespmem:$0x1470] =	vst v0  }
0x7d: {  	v0 =	vld [tilespmem:s3+$0x80];
	_ =	sdelay $0x4  }
0x7e: {  	[tilespmem:$0x1480] =	vst v0  }
0x7f: {  	v0 =	vld [tilespmem:s3+$0x90];
	_ =	sdelay $0x4  }
0x80: {  	[tilespmem:$0x1490] =	vst v0  }
0x81: {  	(ifvalue) =	ssetifvalue $0xFFFFFFFF  }
0x82: {  	(ifvalue) =	ssetifvalue $0xFFFFFFFF  }
0x83: {  	[tilespmem:s22], [sflag:$0x2] =	stream.indirect.gather [hbm4b:s4+s18], $0x100, s21, s18, $0x40b8;
	[tilespmem:$0x1EE40] =	vst v63  }
0x84: {  	_ =	swait.ge [sflag:s23], $0x5000  }
0x85: {  	[sflag:s23] =	ssyncset.done $0x0  }
0x86: {  	[sflag:s23] =	ssyncadd.s32 $0xFFFFB000  }
0x87: {  	v0 =	vld [tilespmem:s3+$0xA00];
	_ =	sdelay $0x4  }
0x88: {  	[tilespmem:$0x14A0] =	vst v0  }
0x89: {  	v0 =	vld [tilespmem:s3+$0xA10];
	_ =	sdelay $0x4  }
0x8a: {  	[tilespmem:$0x14B0] =	vst v0  }
0x8b: {  	v0 =	vld [tilespmem:s3+$0xA20];
	_ =	sdelay $0x4  }
0x8c: {  	[tilespmem:$0x14C0] =	vst v0  }
0x8d: {  	v0 =	vld [tilespmem:s3+$0xA30];
	_ =	sdelay $0x4  }
0x8e: {  	[tilespmem:$0x14D0] =	vst v0  }
0x8f: {  	v0 =	vld [tilespmem:s3+$0xA40];
	_ =	sdelay $0x4  }
0x90: {  	p2 =	seq.s32 s31, $0x2580;
	[tilespmem:$0x14E0] =	vst v0  }
0x91: {  	s9 =	simm.s32 @!p2 $0x3;
	(ifvalue) =	ssetifvalue $0xFFFFFFFF  }
0x92: {  	[spmem:s1] =	stream.indirect.scatter.add.f32 [tilespmem:s20], [sflag:$0x3], $0x100, s24, s18, $0x40b8;
	[tilespmem:$0x1EE40] =	vst v63  }
0x93: {  	_ =	swait.ge @!p2 [sflag:s9], $0x5000  }
0x94: {  	s11 =	sshra.s32 @!p2 s31, $0x2;
	s31 =	smov.u32 s7;
	[sflag:s9] =	ssyncset.done @!p2 $0x0  }
0x95: {  	[sflag:s9] =	ssyncadd.s32 @!p2 $0xFFFFB000  }
0x96: {  	v0 =	vld @!p2 [tilespmem:s11+$0xA0];
	_ =	sdelay $0x4  }
0x97: {  	[tilespmem:$0x1400] =	vst @!p2 v0  }
0x98: {  	v0 =	vld @!p2 [tilespmem:s11+$0xB0];
	_ =	sdelay $0x4  }
0x99: {  	[tilespmem:$0x1410] =	vst @!p2 v0  }
0x9a: {  	v0 =	vld @!p2 [tilespmem:s11+$0xC0];
	_ =	sdelay $0x4  }
0x9b: {  	[tilespmem:$0x1420] =	vst @!p2 v0  }
0x9c: {  	v0 =	vld @!p2 [tilespmem:s11+$0xD0];
	_ =	sdelay $0x4  }
0x9d: {  	[tilespmem:$0x1430] =	vst @!p2 v0  }
0x9e: {  	v0 =	vld @!p2 [tilespmem:s11+$0xE0];
	_ =	sdelay $0x4  }
0x9f: {  	s7 =	simm.s32 @!p2 $0x1540;
	[tilespmem:$0x1440] =	vst @!p2 v0  }
0xa0: {  	s9 =	simm.s32 @!p2 $0x50;
	s11 =	simm.s32 @!p2 $0x1400;
	(ifvalue) =	ssetifvalue @!p2 $0xFFFFFFFF  }
0xa1: {  	(ifvalue) =	ssetifvalue @!p2 $0xFFFFFFFF  }
0xa2: {  	[tilespmem:s7], [sflag:$0x1] =	stream.indirect.gather @!p2 [hbm4b:s4+s9], $0x100, s11, s9, $0x40b8;
	[tilespmem:$0x1EE40] =	vst v63  }
0xa3: {  	_ =	swait.ge [sflag:s25], $0x5000  }
0xa4: {  	[sflag:s25] =	ssyncset.done $0x0  }
0xa5: {  	[sflag:s25] =	ssyncadd.s32 $0xFFFFB000  }
0xa6: {  	v0 =	vld [tilespmem:s3+$0xA50];
	_ =	sdelay $0x4  }
0xa7: {  	[tilespmem:$0x14F0] =	vst v0  }
0xa8: {  	v0 =	vld [tilespmem:s3+$0xA60];
	_ =	sdelay $0x4  }
0xa9: {  	[tilespmem:$0x1500] =	vst v0  }
0xaa: {  	v0 =	vld [tilespmem:s3+$0xA70];
	_ =	sdelay $0x4  }
0xab: {  	[tilespmem:$0x1510] =	vst v0  }
0xac: {  	v0 =	vld [tilespmem:s3+$0xA80];
	_ =	sdelay $0x4  }
0xad: {  	[tilespmem:$0x1520] =	vst v0  }
.Ltmp0:
0xae: {  	v0 =	vld [tilespmem:s3+$0xA90];
	(pc) =	sbr.rel @p1 .LBB2_3-.Ltmp0, $2  }
0xaf: {  	_ =	sdelay $0x2  }
0xb0: {  	p2 =	seq.s32 s31, $0x0  }
0xb1: {  	[tilespmem:$0x1530] =	vst v0;
	s3 =	simm.s32 @!p2 $0x4;
	(ifvalue) =	ssetifvalue $0xFFFFFFFF  }
0xb2: {  	[spmem:s1] =	stream.indirect.scatter.add.f32 [tilespmem:s22], [sflag:$0x4], $0x100, s26, s18, $0x40b8;
	[tilespmem:$0x1EE40] =	vst v63  }
0xb3: {  	_ =	swait.ge @!p2 [sflag:s3], $0x5000  }
0xb4: {  	[sflag:s3] =	ssyncset.done @!p2 $0x0  }
0xb5: {  	s0 =	sshra.s32 s31, $0x2;
	[sflag:s3] =	ssyncadd.s32 @!p2 $0xFFFFB000  }
0xb6: {  	v61 =	vld [tilespmem:s0+$0x50];
	_ =	sdelay $0x4  }
0xb7: {  	[tilespmem:$0x1450] =	vst v61  }
0xb8: {  	v0 =	vld [tilespmem:s0+$0x60];
	_ =	sdelay $0x4  }
0xb9: {  	[tilespmem:$0x1460] =	vst v0  }
0xba: {  	v0 =	vld [tilespmem:s0+$0x70];
	_ =	sdelay $0x4  }
0xbb: {  	[tilespmem:$0x1470] =	vst v0  }
0xbc: {  	v0 =	vld [tilespmem:s0+$0x80];
	_ =	sdelay $0x4  }
0xbd: {  	[tilespmem:$0x1480] =	vst v0  }
0xbe: {  	v0 =	vld [tilespmem:s0+$0x90];
	_ =	sdelay $0x4  }
0xbf: {  	[tilespmem:$0x1490] =	vst v0;
	(ifvalue) =	ssetifvalue $0xFFFFFFFF  }
0xc0: {  	(ifvalue) =	ssetifvalue $0xFFFFFFFF  }
0xc1: {  	[tilespmem:s22], [sflag:$0x2] =	stream.indirect.gather [hbm4b:s4+s18], $0x100, s21, s18, $0x40b8;
	[tilespmem:$0x1EE40] =	vst v63  }
0xc2: {  	_ =	swait.ge [sflag:s23], $0x5000  }
0xc3: {  	[sflag:s23] =	ssyncset.done $0x0  }
0xc4: {  	[sflag:s23] =	ssyncadd.s32 $0xFFFFB000  }
0xc5: {  	v62 =	vld [tilespmem:s0+$0xA00];
	_ =	sdelay $0x4  }
0xc6: {  	[tilespmem:$0x14A0] =	vst v62  }
0xc7: {  	v0 =	vld [tilespmem:s0+$0xA10];
	_ =	sdelay $0x4  }
0xc8: {  	[tilespmem:$0x14B0] =	vst v0  }
0xc9: {  	v0 =	vld [tilespmem:s0+$0xA20];
	_ =	sdelay $0x4  }
0xca: {  	[tilespmem:$0x14C0] =	vst v0  }
0xcb: {  	v0 =	vld [tilespmem:s0+$0xA30];
	_ =	sdelay $0x4  }
0xcc: {  	[tilespmem:$0x14D0] =	vst v0  }
0xcd: {  	v0 =	vld [tilespmem:s0+$0xA40];
	_ =	sdelay $0x3  }
0xce: {  	p1 =	seq.s32 s31, $0x2580  }
0xcf: {  	s3 =	simm.s32 @!p1 $0x3;
	[tilespmem:$0x14E0] =	vst v0;
	(ifvalue) =	ssetifvalue $0xFFFFFFFF  }
0xd0: {  	[spmem:s1] =	stream.indirect.scatter.add.f32 [tilespmem:s20], [sflag:$0x3], $0x100, s24, s18, $0x40b8;
	[tilespmem:$0x1EE40] =	vst v63  }
0xd1: {  	_ =	swait.ge @!p1 [sflag:s3], $0x5000  }
0xd2: {  	[sflag:s3] =	ssyncset.done @!p1 $0x0  }
0xd3: {  	s7 =	sshra.s32 @!p1 s31, $0x2;
	[sflag:s3] =	ssyncadd.s32 @!p1 $0xFFFFB000  }
0xd4: {  	v0 =	vld @!p1 [tilespmem:s7+$0xA0];
	_ =	sdelay $0x4  }
0xd5: {  	[tilespmem:$0x1400] =	vst @!p1 v0  }
0xd6: {  	v0 =	vld @!p1 [tilespmem:s7+$0xB0];
	_ =	sdelay $0x4  }
0xd7: {  	[tilespmem:$0x1410] =	vst @!p1 v0  }
0xd8: {  	v0 =	vld @!p1 [tilespmem:s7+$0xC0];
	_ =	sdelay $0x4  }
0xd9: {  	[tilespmem:$0x1420] =	vst @!p1 v0  }
0xda: {  	v0 =	vld @!p1 [tilespmem:s7+$0xD0];
	_ =	sdelay $0x4  }
0xdb: {  	[tilespmem:$0x1430] =	vst @!p1 v0  }
0xdc: {  	v0 =	vld @!p1 [tilespmem:s7+$0xE0];
	_ =	sdelay $0x4  }
0xdd: {  	s9 =	simm.s32 @!p1 $0x1400;
	[tilespmem:$0x1440] =	vst @!p1 v0;
	(ifvalue) =	ssetifvalue @!p1 $0xFFFFFFFF  }
0xde: {  	s3 =	simm.s32 @!p1 $0x1540;
	s7 =	simm.s32 @!p1 $0x50;
	(ifvalue) =	ssetifvalue @!p1 $0xFFFFFFFF  }
0xdf: {  	[tilespmem:s3], [sflag:$0x1] =	stream.indirect.gather @!p1 [hbm4b:s4+s7], $0x100, s9, s7, $0x40b8;
	[tilespmem:$0x1EE40] =	vst v63  }
0xe0: {  	_ =	swait.ge [sflag:s25], $0x5000  }
0xe1: {  	[sflag:s25] =	ssyncset.done $0x0  }
0xe2: {  	[sflag:s25] =	ssyncadd.s32 $0xFFFFB000  }
0xe3: {  	v63 =	vld [tilespmem:s0+$0xA50];
	_ =	sdelay $0x4  }
0xe4: {  	[tilespmem:$0x14F0] =	vst v63  }
0xe5: {  	v0 =	vld [tilespmem:s0+$0xA60];
	_ =	sdelay $0x4  }
0xe6: {  	[tilespmem:$0x1500] =	vst v0  }
0xe7: {  	v0 =	vld [tilespmem:s0+$0xA70];
	_ =	sdelay $0x4  }
0xe8: {  	[tilespmem:$0x1510] =	vst v0  }
0xe9: {  	v0 =	vld [tilespmem:s0+$0xA80];
	_ =	sdelay $0x4  }
0xea: {  	[tilespmem:$0x1520] =	vst v0  }
0xeb: {  	v0 =	vld [tilespmem:s0+$0xA90];
	_ =	sdelay $0x4  }
0xec: {  	s30 =	sadd.s32 $0x1, s30;
	[tilespmem:$0x1530] =	vst v0;
	(ifvalue) =	ssetifvalue $0xFFFFFFFF  }
0xed: {  	[spmem:s1] =	stream.indirect.scatter.add.f32 [tilespmem:s22], [sflag:$0x4], $0x100, s26, s18, $0x40b8;
	[tilespmem:$0x1EE40] =	vst v63  }
0xee: {  	p1 =	sne.s32 s30, $0x8;
	_ =	swait.ge [sflag:s28], $0x5000  }
.Ltmp1:
0xef: {  	[sflag:s28] =	ssyncset.done $0x0;
	(pc) =	sbr.rel @p1 .LBB2_2-.Ltmp1, $4  }
0xf0: {  	[sflag:s28] =	ssyncadd.s32 $0xFFFFB000  }
0xf1: {  	_ =	swait.ge [sflag:s29], $0x5000  }
0xf2: {  	[sflag:s29] =	ssyncset.done $0x0  }
0xf3: {  	[sflag:s29] =	ssyncadd.s32 $0xFFFFB000  }
0xf4: {  	[bflag:$0x0] =	sbarrier.arrive $0xFFFF  }
0xf5: {  	s0 =	rddreg [dreg:$0x5]  }
0xf6: {  	[hbm:s0], [sflag:s8] =	dma.local [spmem:s14], $0x2700  }
0xf7: {  	s2 =	sadd.s32 $0x1, s2;
	_ =	swait.ge [sflag:s15], $0x2700  }
0xf8: {  	p1 =	sne.s32 s2, s13;
	[sflag:s15] =	ssyncset.done $0x0  }
.Ltmp2:
0xf9: {  	s0 =	simm.s32 @!p0 $0x5;
	[sflag:s15] =	ssyncadd.s32 $0xFFFFD900;
	(pc) =	sbr.rel @p1 .LBB2_1-.Ltmp2, $4  }
0xfa: {  	[hbm:s12], [sflag:s8] =	dma.local @!p0 [spmem:s16], $0x100  }
0xfb: {  	_ =	swait.ge @!p0 [sflag:s0], $0x100  }
0xfc: {  	[sflag:s0] =	ssyncset.done @!p0 $0x0  }
0xfd: {  	[sflag:s0] =	ssyncadd.s32 @!p0 $0xFFFFFF00  }
0xfe: {  	_ =	sfence.sel $0x180000  }
0xff: {  	[bflag:$0x0] =	sbarrier.arrive $0xFFFF  }
0x100: {  	_ =	strace $0x9000004A  }
0x101: {  	s0 =	stileid.u32;
	[bflag:$0x2] =	sbarrier.arrive $0xFFFF  }
0x102: {  	p0 =	sne.s32 s0, $0x0;
	s0 =	rddreg [dreg:$0x2]  }
0x103: {  	s0 =	sadd.s32 @!p0 $0x100000, s0  }
0x104: {  	[sflag:s0] =	ssyncadd.tile.s32 @!p0 $0x1;
	_ =	shalt  }
.Lfunc_end2:
_tile_overlayer_lowered:
.L_overlay_start_2:
0x105: {  	(tag) =	ssettag $0x2  }
0x106: {  	s0 =	rddreg [dreg:$0x0];
	s2 =	stileid.u32  }
0x107: {  	s1 =	rddreg [dreg:$0x1];
	p0 =	sne.s32 s2, $0x0  }
0x108: {  	s3 =	rddreg [dreg:$0x2];
	[bflag:$0x3] =	sbarrier.arrive $0xFFFF;
	s2 =	simm.s32 @!p0 $0x1C05  }
0x109: {  	[timem:s3], [sflag:s2] =	dma.local @!p0 [hbm:s0], s1  }
0x10a: {  	s0 =	simm.s32 @!p0 $0x5  }
0x10b: {  	_ =	swait.ge @!p0 [sflag:s0], s1  }
0x10c: {  	s1 =	ssub.s32 @!p0 $0x0, s1;
	[sflag:s0] =	ssyncset.done @!p0 $0x0  }
0x10d: {  	[sflag:s0] =	ssyncadd.s32 @!p0 s1  }
0x10e: {  	[bflag:$0x3] =	sbarrier.arrive $0xFFFF  }
0x10f: {  	_ =	shalt  }

// kernel: kernel.20.cloned.1.call-start
scs
__scs_entry_jumppad:
0x0: {  	(pc) =	sbr.rel $0x88, $3  }
0x1: {  	(tag) =	ssettag $0x0;
	lr =	simm.s32 $0x1  }
0x2: {  	[smem:$0x3F92] =	sst lr;
	_ =	strace $0xD0000000  }
0x3: {  	_ = 	snop  }
0x4: {  	_ = 	snop  }
0x5: {  	_ = 	snop  }
0x6: {  	_ = 	snop  }
0x7: {  	_ = 	snop  }
__scs_overlays_trampoline_lowered:
0x8: {  	[smem:$0x3FA1] =	sst s0  }
0x9: {  	[smem:$0x3FA2] =	sst s1  }
0xa: {  	[smem:$0x3FA3] =	sst s2  }
0xb: {  	[smem:$0x3FA4] =	sst s3  }
0xc: {  	[smem:$0x3FA5] =	sst s4  }
0xd: {  	[smem:$0x3FA6] =	sst s5  }
0xe: {  	[smem:$0x3FA7] =	sst s6  }
0xf: {  	[smem:$0x3FA8] =	sst s7  }
0x10: {  	[smem:$0x3FA9] =	sst s8  }
0x11: {  	[smem:$0x3FAA] =	sst s9;
	s0 =	simm.s32 @!p0 $0x0  }
0x12: {  	s1 =	sld [smem:$0x3F90];
	s0 =	simm.s32 @p0 $0x1  }
0x13: {  	[smem:$0x3FAB] =	sst s0;
	s0 =	simm.s32 @!p1 $0x0  }
0x14: {  	s2 =	sld [smem:$0x3F8F];
	s0 =	simm.s32 @p1 $0x1  }
0x15: {  	[smem:$0x3FAC] =	sst s0;
	s0 =	simm.s32 @!p2 $0x0  }
0x16: {  	s3 =	sld [smem:$0x3FDB];
	s0 =	simm.s32 @p2 $0x1  }
0x17: {  	s4 =	simm.s32 $0x1BF5;
	[smem:$0x3FAE] =	sst s0  }
0x18: {  	s0 =	sld [smem:$0x3F91];
	_ =	swait.ge [sflag:s4], $0x0  }
0x19: {  	s7 =	sld [smem:$0x3F92]  }
0x1a: {  	s8 =	sadd.s32 $0xFFFFE003, lr  }
0x1b: {  	s9 =	sadd.s32 $0xFFFFFEF7, lr;
	s5 =	simm.s32 $0xFFFFFFFF;
	p2 =	slt.u32 s8, $0xFFFFF086  }
0x1c: {  	p1 =	slt.u32 s9, $0xF7A;
	s5 =	simm.s32 @!p2 $0x0  }
0x1d: {  	s5 =	simm.s32 @p1 $0x1;
	p0 =	seq.s32 s7, s2  }
0x1e: {  	s7 =	smul.u32 @!p0 $0xF7A, s2;
	p2 =	seq.s32 @!p0 s5, $0x0  }
0x1f: {  	s9 =	smul.u32 $0xF7A, s1;
	s8 =	simm.s32 @!p0 $0x1BF5;
	p2 =	por !p2, p0  }
0x20: {  	[sflag:s8] =	ssyncset.s32 @!p0 $0xFFFFF086;
	s6 =	sadd.s32 @!p0 s3, s7;
	s7 =	simm.s32 @!p0 $0x108  }
0x21: {  	s3 =	sadd.s32 s3, s9;
	s6 =	sadd.s32 @!p0 $0x88, s6;
	s7 =	simm.s32 @p2 $0x1082  }
0x22: {  	[simem:s7], [sflag:s8] =	dma.local @!p0 [hbm:s6], $0xF7A  }
0x23: {  	s9 =	sor.u32 $0xD0000000, s2;
	s6 =	simm.s32 $0x108;
	_ =	swait.ge @!p0 [sflag:s8], $0x0  }
0x24: {  	s3 =	sadd.s32 $0x88, s3;
	s6 =	simm.s32 @!p1 $0x1082;
	[sflag:s4] =	ssyncset.s32 $0xFFFFF086  }
0x25: {  	[simem:s6], [sflag:s4] =	dma.local [hbm:s3], $0xF7A  }
0x26: {  	[smem:$0x3F92] =	sst s1;
	(tag) =	ssettag s2;
	_ =	strace s9  }
0x27: {  	s1 =	sld [smem:$0x3FA2]  }
0x28: {  	s2 =	sld [smem:$0x3FA3]  }
0x29: {  	s4 =	sld [smem:$0x3FA5]  }
0x2a: {  	p0 =	seq.s32 s5, $0x0;
	s5 =	sld [smem:$0x3FA6]  }
0x2b: {  	s6 =	sld [smem:$0x3FA7]  }
0x2c: {  	s7 =	sld [smem:$0x3FA8]  }
0x2d: {  	s3 =	simm.s32 $0x108;
	s8 =	sld [smem:$0x3FA9]  }
0x2e: {  	s3 =	simm.s32 @!p0 $0x1082;
	s9 =	sld [smem:$0x3FAA]  }
0x2f: {  	lr =	sadd.s32 s0, s3;
	s0 =	sld [smem:$0x3FA1]  }
0x30: {  	s3 =	sld [smem:$0x3FA4]  }
0x31: {  	[smem:$0x3FAD] =	sst s10  }
0x32: {  	s10 =	sld [smem:$0x3FAB];
	_ =	sdelay $0x3  }
0x33: {  	p0 =	seq.s32 s10, $0x1;
	s10 =	sld [smem:$0x3FAD];
	_ =	sdelay $0x3  }
0x34: {  	[smem:$0x3FAD] =	sst s10  }
0x35: {  	s10 =	sld [smem:$0x3FAC];
	_ =	sdelay $0x3  }
0x36: {  	p1 =	seq.s32 s10, $0x1;
	s10 =	sld [smem:$0x3FAD];
	_ =	sdelay $0x3  }
0x37: {  	[smem:$0x3FAD] =	sst s10  }
0x38: {  	s10 =	sld [smem:$0x3FAE]  }
0x39: {  	_ = 	snop;
	(pc) =	sbr.ind lr, $3  }
0x3a: {  	_ = 	snop  }
0x3b: {  	_ = 	snop  }
0x3c: {  	p2 =	seq.s32 s10, $0x1;
	s10 =	sld [smem:$0x3FAD]  }
0x3d: {  	_ =	shalt  }
0x3e: {  	_ =	shalt  }
0x3f: {  	_ =	shalt  }
0x40: {  	_ =	shalt  }
0x41: {  	_ =	shalt  }
0x42: {  	_ =	shalt  }
0x43: {  	_ =	shalt  }
0x44: {  	_ =	shalt  }
0x45: {  	_ =	shalt  }
0x46: {  	_ =	shalt  }
0x47: {  	_ =	shalt  }
0x48: {  	_ =	shalt  }
0x49: {  	_ =	shalt  }
0x4a: {  	_ =	shalt  }
0x4b: {  	_ =	shalt  }
0x4c: {  	_ =	shalt  }
0x4d: {  	_ =	shalt  }
0x4e: {  	_ =	shalt  }
0x4f: {  	_ =	shalt  }
0x50: {  	_ =	shalt  }
0x51: {  	_ =	shalt  }
0x52: {  	_ =	shalt  }
0x53: {  	_ =	shalt  }
0x54: {  	_ =	shalt  }
0x55: {  	_ =	shalt  }
0x56: {  	_ =	shalt  }
0x57: {  	_ =	shalt  }
0x58: {  	_ =	shalt  }
0x59: {  	_ =	shalt  }
0x5a: {  	_ =	shalt  }
0x5b: {  	_ =	shalt  }
0x5c: {  	_ =	shalt  }
0x5d: {  	_ =	shalt  }
0x5e: {  	_ =	shalt  }
0x5f: {  	_ =	shalt  }
0x60: {  	_ =	shalt  }
0x61: {  	_ =	shalt  }
0x62: {  	_ =	shalt  }
0x63: {  	_ =	shalt  }
0x64: {  	_ =	shalt  }
0x65: {  	_ =	shalt  }
0x66: {  	_ =	shalt  }
0x67: {  	_ =	shalt  }
0x68: {  	_ =	shalt  }
0x69: {  	_ =	shalt  }
0x6a: {  	_ =	shalt  }
0x6b: {  	_ =	shalt  }
0x6c: {  	_ =	shalt  }
0x6d: {  	_ =	shalt  }
0x6e: {  	_ =	shalt  }
0x6f: {  	_ =	shalt  }
0x70: {  	_ =	shalt  }
0x71: {  	_ =	shalt  }
0x72: {  	_ =	shalt  }
0x73: {  	_ =	shalt  }
0x74: {  	_ =	shalt  }
0x75: {  	_ =	shalt  }
0x76: {  	_ =	shalt  }
0x77: {  	_ =	shalt  }
0x78: {  	_ =	shalt  }
0x79: {  	_ =	shalt  }
0x7a: {  	_ =	shalt  }
0x7b: {  	_ =	shalt  }
0x7c: {  	_ =	shalt  }
0x7d: {  	_ =	shalt  }
0x7e: {  	_ =	shalt  }
0x7f: {  	_ =	shalt  }
0x80: {  	_ =	shalt  }
0x81: {  	_ =	shalt  }
0x82: {  	_ =	shalt  }
0x83: {  	_ =	shalt  }
0x84: {  	_ =	shalt  }
0x85: {  	_ =	shalt  }
0x86: {  	_ =	shalt  }
0x87: {  	_ =	shalt  }
.Lfunc_end0:
.L_simem_size_0:
called_computation.2_lowered:
.L_overlay_start_0:
0x88: {  	s2 =	sld [smem:$0x3FD9]  }
0x89: {  	s3 =	sld [smem:$0x3FFE];
	_ =	sdelay $0x1  }
0x8a: {  	s1 =	srdreg.scid  }
0x8b: {  	s0 =	sand.u32 $0x1, s1  }
0x8c: {  	s16 =	sshll.u32 s0, $0xA;
	s2 =	sadd.s32 s3, s2  }
0x8d: {  	s2 =	sadd.s32 s2, s16  }
0x8e: {  	[smem:$0x3FB9] =	sst s2  }
0x8f: {  	_ = 	snop  }
0x90: {  	(tm) =	ssettm $0x1  }
0x91: {  	s17 =	sld [smem:$0x3FFB];
	_ =	sdelay $0x3  }
0x92: {  	_ =	strace s17  }
0x93: {  	s2 =	sld [smem:$0x3FFC];
	_ =	sdelay $0x3  }
0x94: {  	_ =	strace s2  }
0x95: {  	s2 =	sld [smem:$0x3FFD];
	_ =	sdelay $0x3  }
0x96: {  	_ =	strace s2  }
0x97: {  	_ =	strace $0x8FFFFFFF  }
0x98: {  	s18 =	sld [smem:$0x3FDB];
	_ =	sdelay $0x1  }
0x99: {  	s19 =	simm.s32 $_scs_section_size  }
0x9a: {  	s4 =	simm.s32 $_size__tile_overlayer_lowered;
	s5 =	simm.s32 $_tile_overlayer_lowered  }
0x9b: {  	s22 =	simm.s32 $0x1BFF;
	s21 =	sshll.u32 s5, $0x1;
	s2 =	sadd.s32 s19, s18  }
0x9c: {  	s6 =	simm.s32 $0x0;
	s20 =	sshll.u32 s4, $0x1;
	s4 =	sadd.s32 s21, s2  }
0x9d: {  	[timem:s6], [sflag:s22] =	dma.local [hbm:s4], s20  }
0x9e: {  	_ =	swait.ge [sflag:s22], s20  }
0x9f: {  	s3 =	ssub.s32 $0x0, s20;
	[sflag:s22] =	ssyncset.done $0x0  }
0xa0: {  	[sflag:s22] =	ssyncadd.s32 s3;
	_ =	sdelay $0x1  }
0xa1: {  	s23 =	simm.s32 $0x1B8B  }
0xa2: {  	_ =	swait.ge [sflag:s23], $0x1  }
0xa3: {  	[sflag:s23] =	ssyncset.done $0x0  }
0xa4: {  	s25 =	simm.s32 $0x1B8E;
	s24 =	sld [smem:$0x3FFE];
	[sflag:s23] =	ssyncadd.s32 $0xFFFFFFFF  }
0xa5: {  	s26 =	simm.s32 $execute0_lowered;
	[smem:$0x3FD2] =	sst s25  }
0xa6: {  	s4 =	sshll.u32 s26, $0x1;
	_ =	strace $0x8000004C;
	[dreg:$0x1] =	wrdreg $0xFFFFFFFF  }
0xa7: {  	s28 =	simm.s32 $_size_execute0_lowered;
	s2 =	sadd.s32 s2, s4;
	[dreg:$0x0] =	wrdreg $0x0  }
0xa8: {  	s4 =	sshll.u32 s28, $0x1;
	[dreg:$0x2] =	wrdreg s2  }
0xa9: {  	[dreg:$0x3] =	wrdreg s4  }
0xaa: {  	[dreg:$0x4] =	wrdreg $0xC0  }
0xab: {  	_ =	task [dreg:s6], $0x5FFFF  }
0xac: {  	[dreg:$0x1] =	wrdreg $0xFFFFFFFF  }
0xad: {  	[dreg:$0x0] =	wrdreg $0x60  }
0xae: {  	[dreg:$0x2] =	wrdreg s24  }
0xaf: {  	[dreg:$0x3] =	wrdreg $0xB5400  }
0xb0: {  	[dreg:$0x4] =	wrdreg $0x9  }
0xb1: {  	_ =	task.clear_ibuf [dreg:s6], $0x5FFFF;
	_ =	strace $0x9000004C  }
0xb2: {  	s29 =	simm.s32 $0x9;
	_ =	strace $0x8000004E  }
0xb3: {  	_ =	swait.ge [sflag:s29], $0x1  }
0xb4: {  	[sflag:s29] =	ssyncadd.s32 $0xFFFFFFFF  }
0xb5: {  	_ =	strace $0x9000004E  }
0xb6: {  	_ =	sfence  }
0xb7: {  	s30 =	sld [smem:$0x0];
	_ =	sdelay $0x2  }
0xb8: {  	s31 =	sshll.u32 s1, $0xD;
	s1 =	sshrl.u32 s1, $0x2  }
0xb9: {  	s3 =	sand.u32 $0x4000, s31;
	s1 =	sadd.s32 s1, s30  }
0xba: {  	s0 =	sor.u32 s3, s0;
	s1 =	sshll.u32 s1, $0x11  }
0xbb: {  	s0 =	sor.u32 s1, s0  }
0xbc: {  	s0 =	sadd.s32 $0x8F2B, s0  }
0xbd: {  	[sflag:s0] =	ssyncadd.remote.s32 $0x1  }
0xbe: {  	_ =	sfence.sel $0xFFFF  }
0xbf: {  	[dreg:$0x0] =	wrdreg $0xFFFFFFFF;
	(pc) =	sbr.abs _section_cstart, $3  }
0xc0: {  	[dreg:$0x1] =	wrdreg $0xFFFFFFFF  }
0xc1: {  	_ =	task.clear_ibuf [dreg:s6], $0x2FFFF;
	_ =	strace $0x9FFFFFFF  }
0xc2: {  	(tm) =	ssettm $0x7FFFFFFF  }
0xc3: {  	_ =	shalt  }
tec
execute0_lowered:
.L_overlay_start_1:
0x0: {  	(tag) =	ssettag $0x1  }
0x1: {  	s0 =	rddreg [dreg:$0x0]  }
0x2: {  	s1 =	rddreg [dreg:$0x1];
	s2 =	simm.s32 $0x0;
	s3 =	srdreg.scid  }
0x3: {  	s15 =	stileid.u32;
	s17 =	simm.s32 $0xA00;
	s18 =	simm.s32 $0x50  }
0x4: {  	s19 =	simm.s32 $0x1400;
	s20 =	simm.s32 $0x1540;
	s21 =	simm.s32 $0x1450  }
0x5: {  	s22 =	simm.s32 $0x6540;
	s28 =	simm.s32 $0x3;
	s29 =	simm.s32 $0x4  }
0x6: {  	[smem:$0x7FF] =	sst s2;
	s3 =	sand.u32 $0x1, s3;
	s9 =	smul.u32 $0x138, s15  }
0x7: {  	s4 =	sadd.s32 $0x42400, s0;
	s5 =	sadd.s32 $0x2C400, s0;
	s11 =	smul.u32 $0x4E000, s15  }
0x8: {  	s6 =	sadd.s32 $0x18400, s0;
	s0 =	sadd.s32 $0x90600, s0;
	s30 =	smul.u32 $0x5000, s15  }
0x9: {  	s26 =	sshll.u32 s15, $0x6;
	s16 =	sadd.s32 $0x138000, s1;
	s7 =	smul.u32 $0x1388, s3  }
0xa: {  	p0 =	sne.s32 s15, $0xF;
	s15 =	simm.s32 $0x5;
	s24 =	smul.u32 $0x138800, s3  }
0xb: {  	_ =	strace $0x8000004D;
	s8 =	ssub.s32 $0x2, s3;
	s3 =	smul.u32 $0x50000, s3  }
0xc: {  	s16 =	sshrl.u32 @!p0 s16, $0x3;
	s10 =	sshrl.u32 s8, $0x1;
	s23 =	sshrl.u32 s11, $0x2  }
0xd: {  	s13 =	ssub.s32 s8, s10;
	s7 =	sadd.s32 s9, s7;
	s14 =	sadd.s32 s23, s1  }
0xe: {  	s9 =	sshrl.u32 s24, $0x3;
	s8 =	sor.u32 $0x1C05, s26;
	s10 =	sadd.s32 s30, s3  }
0xf: {  	s23 =	simm.s32 $0x1;
	s24 =	simm.s32 $0x14A0;
	s7 =	sshll.u32 s7, $0x5  }
0x10: {  	s26 =	simm.s32 $0x14F0;
	s12 =	sadd.s32 $0x27000, s9;
	s25 =	sadd.s32 s4, s7  }
0x11: {  	s13 =	smax.u32 s13, $0x1;
	s9 =	sadd.s32 s4, s12;
	[dreg:$0x3] =	wrdreg s25  }
0x12: {  	s14 =	sshrl.u32 s14, $0x3;
	s31 =	sadd.s32 s0, s7;
	[dreg:$0x4] =	wrdreg s9  }
0x13: {  	s12 =	sadd.s32 s0, s12;
	[dreg:$0x5] =	wrdreg s31;
	s25 =	simm.s32 $0x2  }
.LBB2_1:
0x14: {  	s0 =	rddreg [dreg:$0x3]  }
0x15: {  	[spmem:s14], [sflag:s8] =	dma.local [hbm:s0], $0x2700  }
0x16: {  	_ =	swait.ge [sflag:s15], $0x2700  }
0x17: {  	[sflag:s15] =	ssyncset.done $0x0  }
0x18: {  	s0 =	rddreg [dreg:$0x4];
	[sflag:s15] =	ssyncadd.s32 $0xFFFFD900  }
0x19: {  	[spmem:s16], [sflag:s8] =	dma.local @!p0 [hbm:s0], $0x100  }
0x1a: {  	s0 =	simm.s32 @!p0 $0x5  }
0x1b: {  	_ =	swait.ge @!p0 [sflag:s0], $0x100  }
0x1c: {  	[sflag:s0] =	ssyncset.done @!p0 $0x0  }
0x1d: {  	[sflag:s0] =	ssyncadd.s32 @!p0 $0xFFFFFF00  }
0x1e: {  	s30 =	simm.s32 $0x0;
	[bflag:$0x0] =	sbarrier.arrive $0xFFFF  }
.LBB2_2:
0x1f: {  	s0 =	smul.u32 $0xA00, s30;
	_ =	sdelay $0x1  }
0x20: {  	s0 =	sadd.s32 s0, s10  }
0x21: {  	s0 =	sshrl.u32 s0, $0x3  }
0x22: {  	s7 =	simm.s32 $0x0;
	s3 =	sadd.s32 s5, s0  }
0x23: {  	[tilespmem:s7], [sflag:$0x5] =	stream.linear.gather [hbm4b:s3+s7], $0xA00, $0x38;
	[tilespmem:$0x1EE40] =	vst v63  }
0x24: {  	_ =	swait.ge [sflag:s15], $0xA00  }
0x25: {  	[sflag:s15] =	ssyncset.done $0x0  }
0x26: {  	s0 =	sadd.s32 s6, s0;
	[sflag:s15] =	ssyncadd.s32 $0xFFFFF600  }
0x27: {  	[tilespmem:s17], [sflag:$0x5] =	stream.linear.gather [hbm4b:s0+s7], $0xA00, $0x38;
	[tilespmem:$0x1EE40] =	vst v63  }
0x28: {  	_ =	swait.ge [sflag:s15], $0xA00  }
0x29: {  	[sflag:s15] =	ssyncset.done $0x0  }
0x2a: {  	[sflag:s15] =	ssyncadd.s32 $0xFFFFF600  }
0x2b: {  	v0 =	vld [tilespmem:$0x0]  }
0x2c: {  	v1 =	vld [tilespmem:$0x10]  }
0x2d: {  	v2 =	vld [tilespmem:$0x20]  }
0x2e: {  	v3 =	vld [tilespmem:$0x30]  }
0x2f: {  	v4 =	vld [tilespmem:$0x40]  }
0x30: {  	[tilespmem:$0x1400] =	vst v0  }
0x31: {  	[tilespmem:$0x1410] =	vst v1  }
0x32: {  	[tilespmem:$0x1420] =	vst v2  }
0x33: {  	[tilespmem:$0x1430] =	vst v3  }
0x34: {  	p1 =	por $0x1, $0x1;
	[tilespmem:$0x1440] =	vst v4;
	(ifvalue) =	ssetifvalue $0xFFFFFFFF  }
0x35: {  	s0 =	simm.s32 @!p1 $0x4;
	(ifvalue) =	ssetifvalue $0xFFFFFFFF  }
0x36: {  	[tilespmem:s20], [sflag:$0x1] =	stream.indirect.gather [hbm4b:s4+s18], $0x100, s19, s18, $0x40b8;
	[tilespmem:$0x1EE40] =	vst v63  }
0x37: {  	_ =	swait.ge @!p1 [sflag:s0], $0x5000  }
0x38: {  	[sflag:s0] =	ssyncset.done @!p1 $0x0  }
0x39: {  	s11 =	simm.s32 $0x0;
	[sflag:s0] =	ssyncadd.s32 @!p1 $0xFFFFB000  }
0x3a: {  	v0 =	vld [tilespmem:s11+$0x50];
	_ =	sdelay $0x4  }
0x3b: {  	[tilespmem:$0x1450] =	vst v0  }
0x3c: {  	v0 =	vld [tilespmem:s11+$0x60];
	_ =	sdelay $0x4  }
0x3d: {  	[tilespmem:$0x1460] =	vst v0  }
0x3e: {  	v0 =	vld [tilespmem:s11+$0x70];
	_ =	sdelay $0x4  }
0x3f: {  	[tilespmem:$0x1470] =	vst v0  }
0x40: {  	v0 =	vld [tilespmem:s11+$0x80];
	_ =	sdelay $0x4  }
0x41: {  	[tilespmem:$0x1480] =	vst v0  }
0x42: {  	v0 =	vld [tilespmem:s11+$0x90];
	_ =	sdelay $0x4  }
0x43: {  	[tilespmem:$0x1490] =	vst v0;
	(ifvalue) =	ssetifvalue $0xFFFFFFFF  }
0x44: {  	(ifvalue) =	ssetifvalue $0xFFFFFFFF  }
0x45: {  	[tilespmem:s22], [sflag:$0x2] =	stream.indirect.gather [hbm4b:s4+s18], $0x100, s21, s18, $0x40b8;
	[tilespmem:$0x1EE40] =	vst v63  }
0x46: {  	_ =	swait.ge [sflag:s23], $0x5000  }
0x47: {  	[sflag:s23] =	ssyncset.done $0x0  }
0x48: {  	[sflag:s23] =	ssyncadd.s32 $0xFFFFB000  }
0x49: {  	v0 =	vld [tilespmem:s11+$0xA00];
	_ =	sdelay $0x4  }
0x4a: {  	[tilespmem:$0x14A0] =	vst v0  }
0x4b: {  	v0 =	vld [tilespmem:s11+$0xA10];
	_ =	sdelay $0x4  }
0x4c: {  	[tilespmem:$0x14B0] =	vst v0  }
0x4d: {  	v0 =	vld [tilespmem:s11+$0xA20];
	_ =	sdelay $0x4  }
0x4e: {  	[tilespmem:$0x14C0] =	vst v0  }
0x4f: {  	v0 =	vld [tilespmem:s11+$0xA30];
	_ =	sdelay $0x4  }
0x50: {  	[tilespmem:$0x14D0] =	vst v0  }
0x51: {  	v0 =	vld [tilespmem:s11+$0xA40];
	_ =	sdelay $0x3  }
0x52: {  	p1 =	por $0x0, $0x0  }
0x53: {  	s0 =	simm.s32 @!p1 $0x3;
	[tilespmem:$0x14E0] =	vst v0;
	(ifvalue) =	ssetifvalue $0xFFFFFFFF  }
0x54: {  	[spmem:s1] =	stream.indirect.scatter.add.f32 [tilespmem:s20], [sflag:$0x3], $0x100, s24, s18, $0x40b8;
	[tilespmem:$0x1EE40] =	vst v63  }
0x55: {  	_ =	swait.ge @!p1 [sflag:s0], $0x5000  }
0x56: {  	[sflag:s0] =	ssyncset.done @!p1 $0x0  }
0x57: {  	s7 =	simm.s32 @!p1 $0x0;
	[sflag:s0] =	ssyncadd.s32 @!p1 $0xFFFFB000  }
0x58: {  	v0 =	vld @!p1 [tilespmem:s7+$0xA0];
	_ =	sdelay $0x4  }
0x59: {  	[tilespmem:$0x1400] =	vst @!p1 v0  }
0x5a: {  	v0 =	vld @!p1 [tilespmem:s7+$0xB0];
	_ =	sdelay $0x4  }
0x5b: {  	[tilespmem:$0x1410] =	vst @!p1 v0  }
0x5c: {  	v0 =	vld @!p1 [tilespmem:s7+$0xC0];
	_ =	sdelay $0x4  }
0x5d: {  	[tilespmem:$0x1420] =	vst @!p1 v0  }
0x5e: {  	v0 =	vld @!p1 [tilespmem:s7+$0xD0];
	_ =	sdelay $0x4  }
0x5f: {  	[tilespmem:$0x1430] =	vst @!p1 v0  }
0x60: {  	v0 =	vld @!p1 [tilespmem:s7+$0xE0];
	_ =	sdelay $0x4  }
0x61: {  	s31 =	simm.s32 @!p1 $0x1400;
	[tilespmem:$0x1440] =	vst @!p1 v0;
	(ifvalue) =	ssetifvalue @!p1 $0xFFFFFFFF  }
0x62: {  	s0 =	simm.s32 @!p1 $0x1540;
	s7 =	simm.s32 @!p1 $0x50;
	(ifvalue) =	ssetifvalue @!p1 $0xFFFFFFFF  }
0x63: {  	[tilespmem:s0], [sflag:$0x1] =	stream.indirect.gather @!p1 [hbm4b:s4+s7], $0x100, s31, s7, $0x40b8;
	[tilespmem:$0x1EE40] =	vst v63  }
0x64: {  	_ =	swait.ge [sflag:s25], $0x5000  }
0x65: {  	[sflag:s25] =	ssyncset.done $0x0  }
0x66: {  	[sflag:s25] =	ssyncadd.s32 $0xFFFFB000  }
0x67: {  	v0 =	vld [tilespmem:s11+$0xA50];
	_ =	sdelay $0x4  }
0x68: {  	[tilespmem:$0x14F0] =	vst v0  }
0x69: {  	v0 =	vld [tilespmem:s11+$0xA60];
	_ =	sdelay $0x4  }
0x6a: {  	[tilespmem:$0x1500] =	vst v0  }
0x6b: {  	v0 =	vld [tilespmem:s11+$0xA70];
	_ =	sdelay $0x4  }
0x6c: {  	[tilespmem:$0x1510] =	vst v0  }
0x6d: {  	v0 =	vld [tilespmem:s11+$0xA80];
	_ =	sdelay $0x4  }
0x6e: {  	[tilespmem:$0x1520] =	vst v0  }
0x6f: {  	v0 =	vld [tilespmem:s11+$0xA90];
	_ =	sdelay $0x3  }
0x70: {  	p2 =	por $0x0, $0x0;
	s31 =	simm.s32 $0x280;
	s0 =	simm.s32 $0x500  }
.LBB2_3:
0x71: {  	s9 =	simm.s32 @!p2 $0x4;
	[tilespmem:$0x1530] =	vst v0;
	s7 =	smov.u32 s0;
	s0 =	sadd.s32 $0x280, s0  }
0x72: {  	p1 =	sne.s32 s0, $0x2800;
	(ifvalue) =	ssetifvalue $0xFFFFFFFF  }
0x73: {  	[spmem:s1] =	stream.indirect.scatter.add.f32 [tilespmem:s22], [sflag:$0x4], $0x100, s26, s18, $0x40b8;
	[tilespmem:$0x1EE40] =	vst v63  }
0x74: {  	_ =	swait.ge @!p2 [sflag:s9], $0x5000  }
0x75: {  	s3 =	sshra.s32 s31, $0x2;
	[sflag:s9] =	ssyncset.done @!p2 $0x0  }
0x76: {  	[sflag:s9] =	ssyncadd.s32 @!p2 $0xFFFFB000  }
0x77: {  	v0 =	vld [tilespmem:s3+$0x50];
	_ =	sdelay $0x4  }
0x78: {  	[tilespmem:$0x1450] =	vst v0  }
0x79: {  	v0 =	vld [tilespmem:s3+$0x60];
	_ =	sdelay $0x4  }
0x7a: {  	[tilespmem:$0x1460] =	vst v0  }
0x7b: {  	v0 =	vld [tilespmem:s3+$0x70];
	_ =	sdelay $0x4  }
0x7c: {  	[tilespmem:$0x1470] =	vst v0  }
0x7d: {  	v0 =	vld [tilespmem:s3+$0x80];
	_ =	sdelay $0x4  }
0x7e: {  	[tilespmem:$0x1480] =	vst v0  }
0x7f: {  	v0 =	vld [tilespmem:s3+$0x90];
	_ =	sdelay $0x4  }
0x80: {  	[tilespmem:$0x1490] =	vst v0  }
0x81: {  	(ifvalue) =	ssetifvalue $0xFFFFFFFF  }
0x82: {  	(ifvalue) =	ssetifvalue $0xFFFFFFFF  }
0x83: {  	[tilespmem:s22], [sflag:$0x2] =	stream.indirect.gather [hbm4b:s4+s18], $0x100, s21, s18, $0x40b8;
	[tilespmem:$0x1EE40] =	vst v63  }
0x84: {  	_ =	swait.ge [sflag:s23], $0x5000  }
0x85: {  	[sflag:s23] =	ssyncset.done $0x0  }
0x86: {  	[sflag:s23] =	ssyncadd.s32 $0xFFFFB000  }
0x87: {  	v0 =	vld [tilespmem:s3+$0xA00];
	_ =	sdelay $0x4  }
0x88: {  	[tilespmem:$0x14A0] =	vst v0  }
0x89: {  	v0 =	vld [tilespmem:s3+$0xA10];
	_ =	sdelay $0x4  }
0x8a: {  	[tilespmem:$0x14B0] =	vst v0  }
0x8b: {  	v0 =	vld [tilespmem:s3+$0xA20];
	_ =	sdelay $0x4  }
0x8c: {  	[tilespmem:$0x14C0] =	vst v0  }
0x8d: {  	v0 =	vld [tilespmem:s3+$0xA30];
	_ =	sdelay $0x4  }
0x8e: {  	[tilespmem:$0x14D0] =	vst v0  }
0x8f: {  	v0 =	vld [tilespmem:s3+$0xA40];
	_ =	sdelay $0x4  }
0x90: {  	p2 =	seq.s32 s31, $0x2580;
	[tilespmem:$0x14E0] =	vst v0  }
0x91: {  	s9 =	simm.s32 @!p2 $0x3;
	(ifvalue) =	ssetifvalue $0xFFFFFFFF  }
0x92: {  	[spmem:s1] =	stream.indirect.scatter.add.f32 [tilespmem:s20], [sflag:$0x3], $0x100, s24, s18, $0x40b8;
	[tilespmem:$0x1EE40] =	vst v63  }
0x93: {  	_ =	swait.ge @!p2 [sflag:s9], $0x5000  }
0x94: {  	s11 =	sshra.s32 @!p2 s31, $0x2;
	s31 =	smov.u32 s7;
	[sflag:s9] =	ssyncset.done @!p2 $0x0  }
0x95: {  	[sflag:s9] =	ssyncadd.s32 @!p2 $0xFFFFB000  }
0x96: {  	v0 =	vld @!p2 [tilespmem:s11+$0xA0];
	_ =	sdelay $0x4  }
0x97: {  	[tilespmem:$0x1400] =	vst @!p2 v0  }
0x98: {  	v0 =	vld @!p2 [tilespmem:s11+$0xB0];
	_ =	sdelay $0x4  }
0x99: {  	[tilespmem:$0x1410] =	vst @!p2 v0  }
0x9a: {  	v0 =	vld @!p2 [tilespmem:s11+$0xC0];
	_ =	sdelay $0x4  }
0x9b: {  	[tilespmem:$0x1420] =	vst @!p2 v0  }
0x9c: {  	v0 =	vld @!p2 [tilespmem:s11+$0xD0];
	_ =	sdelay $0x4  }
0x9d: {  	[tilespmem:$0x1430] =	vst @!p2 v0  }
0x9e: {  	v0 =	vld @!p2 [tilespmem:s11+$0xE0];
	_ =	sdelay $0x4  }
0x9f: {  	s7 =	simm.s32 @!p2 $0x1540;
	[tilespmem:$0x1440] =	vst @!p2 v0  }
0xa0: {  	s9 =	simm.s32 @!p2 $0x50;
	s11 =	simm.s32 @!p2 $0x1400;
	(ifvalue) =	ssetifvalue @!p2 $0xFFFFFFFF  }
0xa1: {  	(ifvalue) =	ssetifvalue @!p2 $0xFFFFFFFF  }
0xa2: {  	[tilespmem:s7], [sflag:$0x1] =	stream.indirect.gather @!p2 [hbm4b:s4+s9], $0x100, s11, s9, $0x40b8;
	[tilespmem:$0x1EE40] =	vst v63  }
0xa3: {  	_ =	swait.ge [sflag:s25], $0x5000  }
0xa4: {  	[sflag:s25] =	ssyncset.done $0x0  }
0xa5: {  	[sflag:s25] =	ssyncadd.s32 $0xFFFFB000  }
0xa6: {  	v0 =	vld [tilespmem:s3+$0xA50];
	_ =	sdelay $0x4  }
0xa7: {  	[tilespmem:$0x14F0] =	vst v0  }
0xa8: {  	v0 =	vld [tilespmem:s3+$0xA60];
	_ =	sdelay $0x4  }
0xa9: {  	[tilespmem:$0x1500] =	vst v0  }
0xaa: {  	v0 =	vld [tilespmem:s3+$0xA70];
	_ =	sdelay $0x4  }
0xab: {  	[tilespmem:$0x1510] =	vst v0  }
0xac: {  	v0 =	vld [tilespmem:s3+$0xA80];
	_ =	sdelay $0x4  }
0xad: {  	[tilespmem:$0x1520] =	vst v0  }
.Ltmp0:
0xae: {  	v0 =	vld [tilespmem:s3+$0xA90];
	(pc) =	sbr.rel @p1 .LBB2_3-.Ltmp0, $2  }
0xaf: {  	_ =	sdelay $0x2  }
0xb0: {  	p2 =	seq.s32 s31, $0x0  }
0xb1: {  	[tilespmem:$0x1530] =	vst v0;
	s3 =	simm.s32 @!p2 $0x4;
	(ifvalue) =	ssetifvalue $0xFFFFFFFF  }
0xb2: {  	[spmem:s1] =	stream.indirect.scatter.add.f32 [tilespmem:s22], [sflag:$0x4], $0x100, s26, s18, $0x40b8;
	[tilespmem:$0x1EE40] =	vst v63  }
0xb3: {  	_ =	swait.ge @!p2 [sflag:s3], $0x5000  }
0xb4: {  	[sflag:s3] =	ssyncset.done @!p2 $0x0  }
0xb5: {  	s0 =	sshra.s32 s31, $0x2;
	[sflag:s3] =	ssyncadd.s32 @!p2 $0xFFFFB000  }
0xb6: {  	v61 =	vld [tilespmem:s0+$0x50];
	_ =	sdelay $0x4  }
0xb7: {  	[tilespmem:$0x1450] =	vst v61  }
0xb8: {  	v0 =	vld [tilespmem:s0+$0x60];
	_ =	sdelay $0x4  }
0xb9: {  	[tilespmem:$0x1460] =	vst v0  }
0xba: {  	v0 =	vld [tilespmem:s0+$0x70];
	_ =	sdelay $0x4  }
0xbb: {  	[tilespmem:$0x1470] =	vst v0  }
0xbc: {  	v0 =	vld [tilespmem:s0+$0x80];
	_ =	sdelay $0x4  }
0xbd: {  	[tilespmem:$0x1480] =	vst v0  }
0xbe: {  	v0 =	vld [tilespmem:s0+$0x90];
	_ =	sdelay $0x4  }
0xbf: {  	[tilespmem:$0x1490] =	vst v0;
	(ifvalue) =	ssetifvalue $0xFFFFFFFF  }
0xc0: {  	(ifvalue) =	ssetifvalue $0xFFFFFFFF  }
0xc1: {  	[tilespmem:s22], [sflag:$0x2] =	stream.indirect.gather [hbm4b:s4+s18], $0x100, s21, s18, $0x40b8;
	[tilespmem:$0x1EE40] =	vst v63  }
0xc2: {  	_ =	swait.ge [sflag:s23], $0x5000  }
0xc3: {  	[sflag:s23] =	ssyncset.done $0x0  }
0xc4: {  	[sflag:s23] =	ssyncadd.s32 $0xFFFFB000  }
0xc5: {  	v62 =	vld [tilespmem:s0+$0xA00];
	_ =	sdelay $0x4  }
0xc6: {  	[tilespmem:$0x14A0] =	vst v62  }
0xc7: {  	v0 =	vld [tilespmem:s0+$0xA10];
	_ =	sdelay $0x4  }
0xc8: {  	[tilespmem:$0x14B0] =	vst v0  }
0xc9: {  	v0 =	vld [tilespmem:s0+$0xA20];
	_ =	sdelay $0x4  }
0xca: {  	[tilespmem:$0x14C0] =	vst v0  }
0xcb: {  	v0 =	vld [tilespmem:s0+$0xA30];
	_ =	sdelay $0x4  }
0xcc: {  	[tilespmem:$0x14D0] =	vst v0  }
0xcd: {  	v0 =	vld [tilespmem:s0+$0xA40];
	_ =	sdelay $0x3  }
0xce: {  	p1 =	seq.s32 s31, $0x2580  }
0xcf: {  	s3 =	simm.s32 @!p1 $0x3;
	[tilespmem:$0x14E0] =	vst v0;
	(ifvalue) =	ssetifvalue $0xFFFFFFFF  }
0xd0: {  	[spmem:s1] =	stream.indirect.scatter.add.f32 [tilespmem:s20], [sflag:$0x3], $0x100, s24, s18, $0x40b8;
	[tilespmem:$0x1EE40] =	vst v63  }
0xd1: {  	_ =	swait.ge @!p1 [sflag:s3], $0x5000  }
0xd2: {  	[sflag:s3] =	ssyncset.done @!p1 $0x0  }
0xd3: {  	s7 =	sshra.s32 @!p1 s31, $0x2;
	[sflag:s3] =	ssyncadd.s32 @!p1 $0xFFFFB000  }
0xd4: {  	v0 =	vld @!p1 [tilespmem:s7+$0xA0];
	_ =	sdelay $0x4  }
0xd5: {  	[tilespmem:$0x1400] =	vst @!p1 v0  }
0xd6: {  	v0 =	vld @!p1 [tilespmem:s7+$0xB0];
	_ =	sdelay $0x4  }
0xd7: {  	[tilespmem:$0x1410] =	vst @!p1 v0  }
0xd8: {  	v0 =	vld @!p1 [tilespmem:s7+$0xC0];
	_ =	sdelay $0x4  }
0xd9: {  	[tilespmem:$0x1420] =	vst @!p1 v0  }
0xda: {  	v0 =	vld @!p1 [tilespmem:s7+$0xD0];
	_ =	sdelay $0x4  }
0xdb: {  	[tilespmem:$0x1430] =	vst @!p1 v0  }
0xdc: {  	v0 =	vld @!p1 [tilespmem:s7+$0xE0];
	_ =	sdelay $0x4  }
0xdd: {  	s9 =	simm.s32 @!p1 $0x1400;
	[tilespmem:$0x1440] =	vst @!p1 v0;
	(ifvalue) =	ssetifvalue @!p1 $0xFFFFFFFF  }
0xde: {  	s3 =	simm.s32 @!p1 $0x1540;
	s7 =	simm.s32 @!p1 $0x50;
	(ifvalue) =	ssetifvalue @!p1 $0xFFFFFFFF  }
0xdf: {  	[tilespmem:s3], [sflag:$0x1] =	stream.indirect.gather @!p1 [hbm4b:s4+s7], $0x100, s9, s7, $0x40b8;
	[tilespmem:$0x1EE40] =	vst v63  }
0xe0: {  	_ =	swait.ge [sflag:s25], $0x5000  }
0xe1: {  	[sflag:s25] =	ssyncset.done $0x0  }
0xe2: {  	[sflag:s25] =	ssyncadd.s32 $0xFFFFB000  }
0xe3: {  	v63 =	vld [tilespmem:s0+$0xA50];
	_ =	sdelay $0x4  }
0xe4: {  	[tilespmem:$0x14F0] =	vst v63  }
0xe5: {  	v0 =	vld [tilespmem:s0+$0xA60];
	_ =	sdelay $0x4  }
0xe6: {  	[tilespmem:$0x1500] =	vst v0  }
0xe7: {  	v0 =	vld [tilespmem:s0+$0xA70];
	_ =	sdelay $0x4  }
0xe8: {  	[tilespmem:$0x1510] =	vst v0  }
0xe9: {  	v0 =	vld [tilespmem:s0+$0xA80];
	_ =	sdelay $0x4  }
0xea: {  	[tilespmem:$0x1520] =	vst v0  }
0xeb: {  	v0 =	vld [tilespmem:s0+$0xA90];
	_ =	sdelay $0x4  }
0xec: {  	s30 =	sadd.s32 $0x1, s30;
	[tilespmem:$0x1530] =	vst v0;
	(ifvalue) =	ssetifvalue $0xFFFFFFFF  }
0xed: {  	[spmem:s1] =	stream.indirect.scatter.add.f32 [tilespmem:s22], [sflag:$0x4], $0x100, s26, s18, $0x40b8;
	[tilespmem:$0x1EE40] =	vst v63  }
0xee: {  	p1 =	sne.s32 s30, $0x8;
	_ =	swait.ge [sflag:s28], $0x5000  }
.Ltmp1:
0xef: {  	[sflag:s28] =	ssyncset.done $0x0;
	(pc) =	sbr.rel @p1 .LBB2_2-.Ltmp1, $4  }
0xf0: {  	[sflag:s28] =	ssyncadd.s32 $0xFFFFB000  }
0xf1: {  	_ =	swait.ge [sflag:s29], $0x5000  }
0xf2: {  	[sflag:s29] =	ssyncset.done $0x0  }
0xf3: {  	[sflag:s29] =	ssyncadd.s32 $0xFFFFB000  }
0xf4: {  	[bflag:$0x0] =	sbarrier.arrive $0xFFFF  }
0xf5: {  	s0 =	rddreg [dreg:$0x5]  }
0xf6: {  	[hbm:s0], [sflag:s8] =	dma.local [spmem:s14], $0x2700  }
0xf7: {  	s2 =	sadd.s32 $0x1, s2;
	_ =	swait.ge [sflag:s15], $0x2700  }
0xf8: {  	p1 =	sne.s32 s2, s13;
	[sflag:s15] =	ssyncset.done $0x0  }
.Ltmp2:
0xf9: {  	s0 =	simm.s32 @!p0 $0x5;
	[sflag:s15] =	ssyncadd.s32 $0xFFFFD900;
	(pc) =	sbr.rel @p1 .LBB2_1-.Ltmp2, $4  }
0xfa: {  	[hbm:s12], [sflag:s8] =	dma.local @!p0 [spmem:s16], $0x100  }
0xfb: {  	_ =	swait.ge @!p0 [sflag:s0], $0x100  }
0xfc: {  	[sflag:s0] =	ssyncset.done @!p0 $0x0  }
0xfd: {  	[sflag:s0] =	ssyncadd.s32 @!p0 $0xFFFFFF00  }
0xfe: {  	_ =	sfence.sel $0x180000  }
0xff: {  	[bflag:$0x0] =	sbarrier.arrive $0xFFFF  }
0x100: {  	_ =	strace $0x9000004D  }
0x101: {  	s0 =	stileid.u32;
	[bflag:$0x2] =	sbarrier.arrive $0xFFFF  }
0x102: {  	p0 =	sne.s32 s0, $0x0;
	s0 =	rddreg [dreg:$0x2]  }
0x103: {  	s0 =	sadd.s32 @!p0 $0x100000, s0  }
0x104: {  	[sflag:s0] =	ssyncadd.tile.s32 @!p0 $0x1;
	_ =	shalt  }
.Lfunc_end2:
_tile_overlayer_lowered:
.L_overlay_start_2:
0x105: {  	(tag) =	ssettag $0x2  }
0x106: {  	s0 =	rddreg [dreg:$0x0];
	s2 =	stileid.u32  }
0x107: {  	s1 =	rddreg [dreg:$0x1];
	p0 =	sne.s32 s2, $0x0  }
0x108: {  	s3 =	rddreg [dreg:$0x2];
	[bflag:$0x3] =	sbarrier.arrive $0xFFFF;
	s2 =	simm.s32 @!p0 $0x1C05  }
0x109: {  	[timem:s3], [sflag:s2] =	dma.local @!p0 [hbm:s0], s1  }
0x10a: {  	s0 =	simm.s32 @!p0 $0x5  }
0x10b: {  	_ =	swait.ge @!p0 [sflag:s0], s1  }
0x10c: {  	s1 =	ssub.s32 @!p0 $0x0, s1;
	[sflag:s0] =	ssyncset.done @!p0 $0x0  }
0x10d: {  	[sflag:s0] =	ssyncadd.s32 @!p0 s1  }
0x10e: {  	[bflag:$0x3] =	sbarrier.arrive $0xFFFF  }
0x10f: {  	_ =	shalt  }

// kernel: kernel.23.cloned.1.call-start
scs
__scs_entry_jumppad:
0x0: {  	(pc) =	sbr.rel $0x88, $3  }
0x1: {  	(tag) =	ssettag $0x0;
	lr =	simm.s32 $0x1  }
0x2: {  	[smem:$0x3F92] =	sst lr;
	_ =	strace $0xD0000000  }
0x3: {  	_ = 	snop  }
0x4: {  	_ = 	snop  }
0x5: {  	_ = 	snop  }
0x6: {  	_ = 	snop  }
0x7: {  	_ = 	snop  }
__scs_overlays_trampoline_lowered:
0x8: {  	[smem:$0x3FA1] =	sst s0  }
0x9: {  	[smem:$0x3FA2] =	sst s1  }
0xa: {  	[smem:$0x3FA3] =	sst s2  }
0xb: {  	[smem:$0x3FA4] =	sst s3  }
0xc: {  	[smem:$0x3FA5] =	sst s4  }
0xd: {  	[smem:$0x3FA6] =	sst s5  }
0xe: {  	[smem:$0x3FA7] =	sst s6  }
0xf: {  	[smem:$0x3FA8] =	sst s7  }
0x10: {  	[smem:$0x3FA9] =	sst s8  }
0x11: {  	[smem:$0x3FAA] =	sst s9;
	s0 =	simm.s32 @!p0 $0x0  }
0x12: {  	s1 =	sld [smem:$0x3F90];
	s0 =	simm.s32 @p0 $0x1  }
0x13: {  	[smem:$0x3FAB] =	sst s0;
	s0 =	simm.s32 @!p1 $0x0  }
0x14: {  	s2 =	sld [smem:$0x3F8F];
	s0 =	simm.s32 @p1 $0x1  }
0x15: {  	[smem:$0x3FAC] =	sst s0;
	s0 =	simm.s32 @!p2 $0x0  }
0x16: {  	s3 =	sld [smem:$0x3FDB];
	s0 =	simm.s32 @p2 $0x1  }
0x17: {  	s4 =	simm.s32 $0x1BF5;
	[smem:$0x3FAE] =	sst s0  }
0x18: {  	s0 =	sld [smem:$0x3F91];
	_ =	swait.ge [sflag:s4], $0x0  }
0x19: {  	s7 =	sld [smem:$0x3F92]  }
0x1a: {  	s8 =	sadd.s32 $0xFFFFE003, lr  }
0x1b: {  	s9 =	sadd.s32 $0xFFFFFEF7, lr;
	s5 =	simm.s32 $0xFFFFFFFF;
	p2 =	slt.u32 s8, $0xFFFFF086  }
0x1c: {  	p1 =	slt.u32 s9, $0xF7A;
	s5 =	simm.s32 @!p2 $0x0  }
0x1d: {  	s5 =	simm.s32 @p1 $0x1;
	p0 =	seq.s32 s7, s2  }
0x1e: {  	s7 =	smul.u32 @!p0 $0xF7A, s2;
	p2 =	seq.s32 @!p0 s5, $0x0  }
0x1f: {  	s9 =	smul.u32 $0xF7A, s1;
	s8 =	simm.s32 @!p0 $0x1BF5;
	p2 =	por !p2, p0  }
0x20: {  	[sflag:s8] =	ssyncset.s32 @!p0 $0xFFFFF086;
	s6 =	sadd.s32 @!p0 s3, s7;
	s7 =	simm.s32 @!p0 $0x108  }
0x21: {  	s3 =	sadd.s32 s3, s9;
	s6 =	sadd.s32 @!p0 $0x88, s6;
	s7 =	simm.s32 @p2 $0x1082  }
0x22: {  	[simem:s7], [sflag:s8] =	dma.local @!p0 [hbm:s6], $0xF7A  }
0x23: {  	s9 =	sor.u32 $0xD0000000, s2;
	s6 =	simm.s32 $0x108;
	_ =	swait.ge @!p0 [sflag:s8], $0x0  }
0x24: {  	s3 =	sadd.s32 $0x88, s3;
	s6 =	simm.s32 @!p1 $0x1082;
	[sflag:s4] =	ssyncset.s32 $0xFFFFF086  }
0x25: {  	[simem:s6], [sflag:s4] =	dma.local [hbm:s3], $0xF7A  }
0x26: {  	[smem:$0x3F92] =	sst s1;
	(tag) =	ssettag s2;
	_ =	strace s9  }
0x27: {  	s1 =	sld [smem:$0x3FA2]  }
0x28: {  	s2 =	sld [smem:$0x3FA3]  }
0x29: {  	s4 =	sld [smem:$0x3FA5]  }
0x2a: {  	p0 =	seq.s32 s5, $0x0;
	s5 =	sld [smem:$0x3FA6]  }
0x2b: {  	s6 =	sld [smem:$0x3FA7]  }
0x2c: {  	s7 =	sld [smem:$0x3FA8]  }
0x2d: {  	s3 =	simm.s32 $0x108;
	s8 =	sld [smem:$0x3FA9]  }
0x2e: {  	s3 =	simm.s32 @!p0 $0x1082;
	s9 =	sld [smem:$0x3FAA]  }
0x2f: {  	lr =	sadd.s32 s0, s3;
	s0 =	sld [smem:$0x3FA1]  }
0x30: {  	s3 =	sld [smem:$0x3FA4]  }
0x31: {  	[smem:$0x3FAD] =	sst s10  }
0x32: {  	s10 =	sld [smem:$0x3FAB];
	_ =	sdelay $0x3  }
0x33: {  	p0 =	seq.s32 s10, $0x1;
	s10 =	sld [smem:$0x3FAD];
	_ =	sdelay $0x3  }
0x34: {  	[smem:$0x3FAD] =	sst s10  }
0x35: {  	s10 =	sld [smem:$0x3FAC];
	_ =	sdelay $0x3  }
0x36: {  	p1 =	seq.s32 s10, $0x1;
	s10 =	sld [smem:$0x3FAD];
	_ =	sdelay $0x3  }
0x37: {  	[smem:$0x3FAD] =	sst s10  }
0x38: {  	s10 =	sld [smem:$0x3FAE]  }
0x39: {  	_ = 	snop;
	(pc) =	sbr.ind lr, $3  }
0x3a: {  	_ = 	snop  }
0x3b: {  	_ = 	snop  }
0x3c: {  	p2 =	seq.s32 s10, $0x1;
	s10 =	sld [smem:$0x3FAD]  }
0x3d: {  	_ =	shalt  }
0x3e: {  	_ =	shalt  }
0x3f: {  	_ =	shalt  }
0x40: {  	_ =	shalt  }
0x41: {  	_ =	shalt  }
0x42: {  	_ =	shalt  }
0x43: {  	_ =	shalt  }
0x44: {  	_ =	shalt  }
0x45: {  	_ =	shalt  }
0x46: {  	_ =	shalt  }
0x47: {  	_ =	shalt  }
0x48: {  	_ =	shalt  }
0x49: {  	_ =	shalt  }
0x4a: {  	_ =	shalt  }
0x4b: {  	_ =	shalt  }
0x4c: {  	_ =	shalt  }
0x4d: {  	_ =	shalt  }
0x4e: {  	_ =	shalt  }
0x4f: {  	_ =	shalt  }
0x50: {  	_ =	shalt  }
0x51: {  	_ =	shalt  }
0x52: {  	_ =	shalt  }
0x53: {  	_ =	shalt  }
0x54: {  	_ =	shalt  }
0x55: {  	_ =	shalt  }
0x56: {  	_ =	shalt  }
0x57: {  	_ =	shalt  }
0x58: {  	_ =	shalt  }
0x59: {  	_ =	shalt  }
0x5a: {  	_ =	shalt  }
0x5b: {  	_ =	shalt  }
0x5c: {  	_ =	shalt  }
0x5d: {  	_ =	shalt  }
0x5e: {  	_ =	shalt  }
0x5f: {  	_ =	shalt  }
0x60: {  	_ =	shalt  }
0x61: {  	_ =	shalt  }
0x62: {  	_ =	shalt  }
0x63: {  	_ =	shalt  }
0x64: {  	_ =	shalt  }
0x65: {  	_ =	shalt  }
0x66: {  	_ =	shalt  }
0x67: {  	_ =	shalt  }
0x68: {  	_ =	shalt  }
0x69: {  	_ =	shalt  }
0x6a: {  	_ =	shalt  }
0x6b: {  	_ =	shalt  }
0x6c: {  	_ =	shalt  }
0x6d: {  	_ =	shalt  }
0x6e: {  	_ =	shalt  }
0x6f: {  	_ =	shalt  }
0x70: {  	_ =	shalt  }
0x71: {  	_ =	shalt  }
0x72: {  	_ =	shalt  }
0x73: {  	_ =	shalt  }
0x74: {  	_ =	shalt  }
0x75: {  	_ =	shalt  }
0x76: {  	_ =	shalt  }
0x77: {  	_ =	shalt  }
0x78: {  	_ =	shalt  }
0x79: {  	_ =	shalt  }
0x7a: {  	_ =	shalt  }
0x7b: {  	_ =	shalt  }
0x7c: {  	_ =	shalt  }
0x7d: {  	_ =	shalt  }
0x7e: {  	_ =	shalt  }
0x7f: {  	_ =	shalt  }
0x80: {  	_ =	shalt  }
0x81: {  	_ =	shalt  }
0x82: {  	_ =	shalt  }
0x83: {  	_ =	shalt  }
0x84: {  	_ =	shalt  }
0x85: {  	_ =	shalt  }
0x86: {  	_ =	shalt  }
0x87: {  	_ =	shalt  }
.Lfunc_end0:
.L_simem_size_0:
called_computation.3_lowered:
.L_overlay_start_0:
0x88: {  	s2 =	sld [smem:$0x3FD9]  }
0x89: {  	s3 =	sld [smem:$0x3FFE];
	_ =	sdelay $0x1  }
0x8a: {  	s1 =	srdreg.scid  }
0x8b: {  	s0 =	sand.u32 $0x1, s1  }
0x8c: {  	s16 =	sshll.u32 s0, $0xA;
	s2 =	sadd.s32 s3, s2  }
0x8d: {  	s2 =	sadd.s32 s2, s16  }
0x8e: {  	[smem:$0x3FB9] =	sst s2  }
0x8f: {  	_ = 	snop  }
0x90: {  	(tm) =	ssettm $0x1  }
0x91: {  	s17 =	sld [smem:$0x3FFB];
	_ =	sdelay $0x3  }
0x92: {  	_ =	strace s17  }
0x93: {  	s2 =	sld [smem:$0x3FFC];
	_ =	sdelay $0x3  }
0x94: {  	_ =	strace s2  }
0x95: {  	s2 =	sld [smem:$0x3FFD];
	_ =	sdelay $0x3  }
0x96: {  	_ =	strace s2  }
0x97: {  	_ =	strace $0x8FFFFFFF  }
0x98: {  	s18 =	sld [smem:$0x3FDB];
	_ =	sdelay $0x1  }
0x99: {  	s19 =	simm.s32 $_scs_section_size  }
0x9a: {  	s4 =	simm.s32 $_size__tile_overlayer_lowered;
	s5 =	simm.s32 $_tile_overlayer_lowered  }
0x9b: {  	s22 =	simm.s32 $0x1BFF;
	s21 =	sshll.u32 s5, $0x1;
	s2 =	sadd.s32 s19, s18  }
0x9c: {  	s6 =	simm.s32 $0x0;
	s20 =	sshll.u32 s4, $0x1;
	s4 =	sadd.s32 s21, s2  }
0x9d: {  	[timem:s6], [sflag:s22] =	dma.local [hbm:s4], s20  }
0x9e: {  	_ =	swait.ge [sflag:s22], s20  }
0x9f: {  	s3 =	ssub.s32 $0x0, s20;
	[sflag:s22] =	ssyncset.done $0x0  }
0xa0: {  	[sflag:s22] =	ssyncadd.s32 s3;
	_ =	sdelay $0x1  }
0xa1: {  	s23 =	simm.s32 $0x1B8B  }
0xa2: {  	_ =	swait.ge [sflag:s23], $0x1  }
0xa3: {  	[sflag:s23] =	ssyncset.done $0x0  }
0xa4: {  	s25 =	simm.s32 $0x1B8E;
	s24 =	sld [smem:$0x3FFE];
	[sflag:s23] =	ssyncadd.s32 $0xFFFFFFFF  }
0xa5: {  	s26 =	simm.s32 $execute0_lowered;
	[smem:$0x3FD2] =	sst s25  }
0xa6: {  	s4 =	sshll.u32 s26, $0x1;
	_ =	strace $0x8000004F;
	[dreg:$0x1] =	wrdreg $0xFFFFFFFF  }
0xa7: {  	s28 =	simm.s32 $_size_execute0_lowered;
	s2 =	sadd.s32 s2, s4;
	[dreg:$0x0] =	wrdreg $0x0  }
0xa8: {  	s4 =	sshll.u32 s28, $0x1;
	[dreg:$0x2] =	wrdreg s2  }
0xa9: {  	[dreg:$0x3] =	wrdreg s4  }
0xaa: {  	[dreg:$0x4] =	wrdreg $0xC0  }
0xab: {  	_ =	task [dreg:s6], $0x5FFFF  }
0xac: {  	[dreg:$0x1] =	wrdreg $0xFFFFFFFF  }
0xad: {  	[dreg:$0x0] =	wrdreg $0x60  }
0xae: {  	[dreg:$0x2] =	wrdreg s24  }
0xaf: {  	[dreg:$0x3] =	wrdreg $0xB5400  }
0xb0: {  	[dreg:$0x4] =	wrdreg $0x9  }
0xb1: {  	_ =	task.clear_ibuf [dreg:s6], $0x5FFFF;
	_ =	strace $0x9000004F  }
0xb2: {  	s29 =	simm.s32 $0x9;
	_ =	strace $0x80000051  }
0xb3: {  	_ =	swait.ge [sflag:s29], $0x1  }
0xb4: {  	[sflag:s29] =	ssyncadd.s32 $0xFFFFFFFF  }
0xb5: {  	_ =	strace $0x90000051  }
0xb6: {  	_ =	sfence  }
0xb7: {  	s30 =	sld [smem:$0x0];
	_ =	sdelay $0x2  }
0xb8: {  	s31 =	sshll.u32 s1, $0xD;
	s1 =	sshrl.u32 s1, $0x2  }
0xb9: {  	s3 =	sand.u32 $0x4000, s31;
	s1 =	sadd.s32 s1, s30  }
0xba: {  	s0 =	sor.u32 s3, s0;
	s1 =	sshll.u32 s1, $0x11  }
0xbb: {  	s0 =	sor.u32 s1, s0  }
0xbc: {  	s0 =	sadd.s32 $0x8F2B, s0  }
0xbd: {  	[sflag:s0] =	ssyncadd.remote.s32 $0x1  }
0xbe: {  	_ =	sfence.sel $0xFFFF  }
0xbf: {  	[dreg:$0x0] =	wrdreg $0xFFFFFFFF;
	(pc) =	sbr.abs _section_cstart, $3  }
0xc0: {  	[dreg:$0x1] =	wrdreg $0xFFFFFFFF  }
0xc1: {  	_ =	task.clear_ibuf [dreg:s6], $0x2FFFF;
	_ =	strace $0x9FFFFFFF  }
0xc2: {  	(tm) =	ssettm $0x7FFFFFFF  }
0xc3: {  	_ =	shalt  }
tec
execute0_lowered:
.L_overlay_start_1:
0x0: {  	(tag) =	ssettag $0x1  }
0x1: {  	s0 =	rddreg [dreg:$0x0]  }
0x2: {  	s1 =	rddreg [dreg:$0x1];
	s2 =	simm.s32 $0x0;
	s3 =	srdreg.scid  }
0x3: {  	s15 =	stileid.u32;
	s17 =	simm.s32 $0xA00;
	s18 =	simm.s32 $0x50  }
0x4: {  	s19 =	simm.s32 $0x1400;
	s20 =	simm.s32 $0x1540;
	s21 =	simm.s32 $0x1450  }
0x5: {  	s22 =	simm.s32 $0x6540;
	s28 =	simm.s32 $0x3;
	s29 =	simm.s32 $0x4  }
0x6: {  	[smem:$0x7FF] =	sst s2;
	s3 =	sand.u32 $0x1, s3;
	s9 =	smul.u32 $0x138, s15  }
0x7: {  	s4 =	sadd.s32 $0x42400, s0;
	s5 =	sadd.s32 $0x2C400, s0;
	s11 =	smul.u32 $0x4E000, s15  }
0x8: {  	s6 =	sadd.s32 $0x18400, s0;
	s0 =	sadd.s32 $0x90600, s0;
	s30 =	smul.u32 $0x5000, s15  }
0x9: {  	s26 =	sshll.u32 s15, $0x6;
	s16 =	sadd.s32 $0x138000, s1;
	s7 =	smul.u32 $0x1388, s3  }
0xa: {  	p0 =	sne.s32 s15, $0xF;
	s15 =	simm.s32 $0x5;
	s24 =	smul.u32 $0x138800, s3  }
0xb: {  	_ =	strace $0x80000050;
	s8 =	ssub.s32 $0x2, s3;
	s3 =	smul.u32 $0x50000, s3  }
0xc: {  	s16 =	sshrl.u32 @!p0 s16, $0x3;
	s10 =	sshrl.u32 s8, $0x1;
	s23 =	sshrl.u32 s11, $0x2  }
0xd: {  	s13 =	ssub.s32 s8, s10;
	s7 =	sadd.s32 s9, s7;
	s14 =	sadd.s32 s23, s1  }
0xe: {  	s9 =	sshrl.u32 s24, $0x3;
	s8 =	sor.u32 $0x1C05, s26;
	s10 =	sadd.s32 s30, s3  }
0xf: {  	s23 =	simm.s32 $0x1;
	s24 =	simm.s32 $0x14A0;
	s7 =	sshll.u32 s7, $0x5  }
0x10: {  	s26 =	simm.s32 $0x14F0;
	s12 =	sadd.s32 $0x27000, s9;
	s25 =	sadd.s32 s4, s7  }
0x11: {  	s13 =	smax.u32 s13, $0x1;
	s9 =	sadd.s32 s4, s12;
	[dreg:$0x3] =	wrdreg s25  }
0x12: {  	s14 =	sshrl.u32 s14, $0x3;
	s31 =	sadd.s32 s0, s7;
	[dreg:$0x4] =	wrdreg s9  }
0x13: {  	s12 =	sadd.s32 s0, s12;
	[dreg:$0x5] =	wrdreg s31;
	s25 =	simm.s32 $0x2  }
.LBB2_1:
0x14: {  	s0 =	rddreg [dreg:$0x3]  }
0x15: {  	[spmem:s14], [sflag:s8] =	dma.local [hbm:s0], $0x2700  }
0x16: {  	_ =	swait.ge [sflag:s15], $0x2700  }
0x17: {  	[sflag:s15] =	ssyncset.done $0x0  }
0x18: {  	s0 =	rddreg [dreg:$0x4];
	[sflag:s15] =	ssyncadd.s32 $0xFFFFD900  }
0x19: {  	[spmem:s16], [sflag:s8] =	dma.local @!p0 [hbm:s0], $0x100  }
0x1a: {  	s0 =	simm.s32 @!p0 $0x5  }
0x1b: {  	_ =	swait.ge @!p0 [sflag:s0], $0x100  }
0x1c: {  	[sflag:s0] =	ssyncset.done @!p0 $0x0  }
0x1d: {  	[sflag:s0] =	ssyncadd.s32 @!p0 $0xFFFFFF00  }
0x1e: {  	s30 =	simm.s32 $0x0;
	[bflag:$0x0] =	sbarrier.arrive $0xFFFF  }
.LBB2_2:
0x1f: {  	s0 =	smul.u32 $0xA00, s30;
	_ =	sdelay $0x1  }
0x20: {  	s0 =	sadd.s32 s0, s10  }
0x21: {  	s0 =	sshrl.u32 s0, $0x3  }
0x22: {  	s7 =	simm.s32 $0x0;
	s3 =	sadd.s32 s5, s0  }
0x23: {  	[tilespmem:s7], [sflag:$0x5] =	stream.linear.gather [hbm4b:s3+s7], $0xA00, $0x38;
	[tilespmem:$0x1EE40] =	vst v63  }
0x24: {  	_ =	swait.ge [sflag:s15], $0xA00  }
0x25: {  	[sflag:s15] =	ssyncset.done $0x0  }
0x26: {  	s0 =	sadd.s32 s6, s0;
	[sflag:s15] =	ssyncadd.s32 $0xFFFFF600  }
0x27: {  	[tilespmem:s17], [sflag:$0x5] =	stream.linear.gather [hbm4b:s0+s7], $0xA00, $0x38;
	[tilespmem:$0x1EE40] =	vst v63  }
0x28: {  	_ =	swait.ge [sflag:s15], $0xA00  }
0x29: {  	[sflag:s15] =	ssyncset.done $0x0  }
0x2a: {  	[sflag:s15] =	ssyncadd.s32 $0xFFFFF600  }
0x2b: {  	v0 =	vld [tilespmem:$0x0]  }
0x2c: {  	v1 =	vld [tilespmem:$0x10]  }
0x2d: {  	v2 =	vld [tilespmem:$0x20]  }
0x2e: {  	v3 =	vld [tilespmem:$0x30]  }
0x2f: {  	v4 =	vld [tilespmem:$0x40]  }
0x30: {  	[tilespmem:$0x1400] =	vst v0  }
0x31: {  	[tilespmem:$0x1410] =	vst v1  }
0x32: {  	[tilespmem:$0x1420] =	vst v2  }
0x33: {  	[tilespmem:$0x1430] =	vst v3  }
0x34: {  	p1 =	por $0x1, $0x1;
	[tilespmem:$0x1440] =	vst v4;
	(ifvalue) =	ssetifvalue $0xFFFFFFFF  }
0x35: {  	s0 =	simm.s32 @!p1 $0x4;
	(ifvalue) =	ssetifvalue $0xFFFFFFFF  }
0x36: {  	[tilespmem:s20], [sflag:$0x1] =	stream.indirect.gather [hbm4b:s4+s18], $0x100, s19, s18, $0x40b8;
	[tilespmem:$0x1EE40] =	vst v63  }
0x37: {  	_ =	swait.ge @!p1 [sflag:s0], $0x5000  }
0x38: {  	[sflag:s0] =	ssyncset.done @!p1 $0x0  }
0x39: {  	s11 =	simm.s32 $0x0;
	[sflag:s0] =	ssyncadd.s32 @!p1 $0xFFFFB000  }
0x3a: {  	v0 =	vld [tilespmem:s11+$0x50];
	_ =	sdelay $0x4  }
0x3b: {  	[tilespmem:$0x1450] =	vst v0  }
0x3c: {  	v0 =	vld [tilespmem:s11+$0x60];
	_ =	sdelay $0x4  }
0x3d: {  	[tilespmem:$0x1460] =	vst v0  }
0x3e: {  	v0 =	vld [tilespmem:s11+$0x70];
	_ =	sdelay $0x4  }
0x3f: {  	[tilespmem:$0x1470] =	vst v0  }
0x40: {  	v0 =	vld [tilespmem:s11+$0x80];
	_ =	sdelay $0x4  }
0x41: {  	[tilespmem:$0x1480] =	vst v0  }
0x42: {  	v0 =	vld [tilespmem:s11+$0x90];
	_ =	sdelay $0x4  }
0x43: {  	[tilespmem:$0x1490] =	vst v0;
	(ifvalue) =	ssetifvalue $0xFFFFFFFF  }
0x44: {  	(ifvalue) =	ssetifvalue $0xFFFFFFFF  }
0x45: {  	[tilespmem:s22], [sflag:$0x2] =	stream.indirect.gather [hbm4b:s4+s18], $0x100, s21, s18, $0x40b8;
	[tilespmem:$0x1EE40] =	vst v63  }
0x46: {  	_ =	swait.ge [sflag:s23], $0x5000  }
0x47: {  	[sflag:s23] =	ssyncset.done $0x0  }
0x48: {  	[sflag:s23] =	ssyncadd.s32 $0xFFFFB000  }
0x49: {  	v0 =	vld [tilespmem:s11+$0xA00];
	_ =	sdelay $0x4  }
0x4a: {  	[tilespmem:$0x14A0] =	vst v0  }
0x4b: {  	v0 =	vld [tilespmem:s11+$0xA10];
	_ =	sdelay $0x4  }
0x4c: {  	[tilespmem:$0x14B0] =	vst v0  }
0x4d: {  	v0 =	vld [tilespmem:s11+$0xA20];
	_ =	sdelay $0x4  }
0x4e: {  	[tilespmem:$0x14C0] =	vst v0  }
0x4f: {  	v0 =	vld [tilespmem:s11+$0xA30];
	_ =	sdelay $0x4  }
0x50: {  	[tilespmem:$0x14D0] =	vst v0  }
0x51: {  	v0 =	vld [tilespmem:s11+$0xA40];
	_ =	sdelay $0x3  }
0x52: {  	p1 =	por $0x0, $0x0  }
0x53: {  	s0 =	simm.s32 @!p1 $0x3;
	[tilespmem:$0x14E0] =	vst v0;
	(ifvalue) =	ssetifvalue $0xFFFFFFFF  }
0x54: {  	[spmem:s1] =	stream.indirect.scatter.add.f32 [tilespmem:s20], [sflag:$0x3], $0x100, s24, s18, $0x40b8;
	[tilespmem:$0x1EE40] =	vst v63  }
0x55: {  	_ =	swait.ge @!p1 [sflag:s0], $0x5000  }
0x56: {  	[sflag:s0] =	ssyncset.done @!p1 $0x0  }
0x57: {  	s7 =	simm.s32 @!p1 $0x0;
	[sflag:s0] =	ssyncadd.s32 @!p1 $0xFFFFB000  }
0x58: {  	v0 =	vld @!p1 [tilespmem:s7+$0xA0];
	_ =	sdelay $0x4  }
0x59: {  	[tilespmem:$0x1400] =	vst @!p1 v0  }
0x5a: {  	v0 =	vld @!p1 [tilespmem:s7+$0xB0];
	_ =	sdelay $0x4  }
0x5b: {  	[tilespmem:$0x1410] =	vst @!p1 v0  }
0x5c: {  	v0 =	vld @!p1 [tilespmem:s7+$0xC0];
	_ =	sdelay $0x4  }
0x5d: {  	[tilespmem:$0x1420] =	vst @!p1 v0  }
0x5e: {  	v0 =	vld @!p1 [tilespmem:s7+$0xD0];
	_ =	sdelay $0x4  }
0x5f: {  	[tilespmem:$0x1430] =	vst @!p1 v0  }
0x60: {  	v0 =	vld @!p1 [tilespmem:s7+$0xE0];
	_ =	sdelay $0x4  }
0x61: {  	s31 =	simm.s32 @!p1 $0x1400;
	[tilespmem:$0x1440] =	vst @!p1 v0;
	(ifvalue) =	ssetifvalue @!p1 $0xFFFFFFFF  }
0x62: {  	s0 =	simm.s32 @!p1 $0x1540;
	s7 =	simm.s32 @!p1 $0x50;
	(ifvalue) =	ssetifvalue @!p1 $0xFFFFFFFF  }
0x63: {  	[tilespmem:s0], [sflag:$0x1] =	stream.indirect.gather @!p1 [hbm4b:s4+s7], $0x100, s31, s7, $0x40b8;
	[tilespmem:$0x1EE40] =	vst v63  }
0x64: {  	_ =	swait.ge [sflag:s25], $0x5000  }
0x65: {  	[sflag:s25] =	ssyncset.done $0x0  }
0x66: {  	[sflag:s25] =	ssyncadd.s32 $0xFFFFB000  }
0x67: {  	v0 =	vld [tilespmem:s11+$0xA50];
	_ =	sdelay $0x4  }
0x68: {  	[tilespmem:$0x14F0] =	vst v0  }
0x69: {  	v0 =	vld [tilespmem:s11+$0xA60];
	_ =	sdelay $0x4  }
0x6a: {  	[tilespmem:$0x1500] =	vst v0  }
0x6b: {  	v0 =	vld [tilespmem:s11+$0xA70];
	_ =	sdelay $0x4  }
0x6c: {  	[tilespmem:$0x1510] =	vst v0  }
0x6d: {  	v0 =	vld [tilespmem:s11+$0xA80];
	_ =	sdelay $0x4  }
0x6e: {  	[tilespmem:$0x1520] =	vst v0  }
0x6f: {  	v0 =	vld [tilespmem:s11+$0xA90];
	_ =	sdelay $0x3  }
0x70: {  	p2 =	por $0x0, $0x0;
	s31 =	simm.s32 $0x280;
	s0 =	simm.s32 $0x500  }
.LBB2_3:
0x71: {  	s9 =	simm.s32 @!p2 $0x4;
	[tilespmem:$0x1530] =	vst v0;
	s7 =	smov.u32 s0;
	s0 =	sadd.s32 $0x280, s0  }
0x72: {  	p1 =	sne.s32 s0, $0x2800;
	(ifvalue) =	ssetifvalue $0xFFFFFFFF  }
0x73: {  	[spmem:s1] =	stream.indirect.scatter.add.f32 [tilespmem:s22], [sflag:$0x4], $0x100, s26, s18, $0x40b8;
	[tilespmem:$0x1EE40] =	vst v63  }
0x74: {  	_ =	swait.ge @!p2 [sflag:s9], $0x5000  }
0x75: {  	s3 =	sshra.s32 s31, $0x2;
	[sflag:s9] =	ssyncset.done @!p2 $0x0  }
0x76: {  	[sflag:s9] =	ssyncadd.s32 @!p2 $0xFFFFB000  }
0x77: {  	v0 =	vld [tilespmem:s3+$0x50];
	_ =	sdelay $0x4  }
0x78: {  	[tilespmem:$0x1450] =	vst v0  }
0x79: {  	v0 =	vld [tilespmem:s3+$0x60];
	_ =	sdelay $0x4  }
0x7a: {  	[tilespmem:$0x1460] =	vst v0  }
0x7b: {  	v0 =	vld [tilespmem:s3+$0x70];
	_ =	sdelay $0x4  }
0x7c: {  	[tilespmem:$0x1470] =	vst v0  }
0x7d: {  	v0 =	vld [tilespmem:s3+$0x80];
	_ =	sdelay $0x4  }
0x7e: {  	[tilespmem:$0x1480] =	vst v0  }
0x7f: {  	v0 =	vld [tilespmem:s3+$0x90];
	_ =	sdelay $0x4  }
0x80: {  	[tilespmem:$0x1490] =	vst v0  }
0x81: {  	(ifvalue) =	ssetifvalue $0xFFFFFFFF  }
0x82: {  	(ifvalue) =	ssetifvalue $0xFFFFFFFF  }
0x83: {  	[tilespmem:s22], [sflag:$0x2] =	stream.indirect.gather [hbm4b:s4+s18], $0x100, s21, s18, $0x40b8;
	[tilespmem:$0x1EE40] =	vst v63  }
0x84: {  	_ =	swait.ge [sflag:s23], $0x5000  }
0x85: {  	[sflag:s23] =	ssyncset.done $0x0  }
0x86: {  	[sflag:s23] =	ssyncadd.s32 $0xFFFFB000  }
0x87: {  	v0 =	vld [tilespmem:s3+$0xA00];
	_ =	sdelay $0x4  }
0x88: {  	[tilespmem:$0x14A0] =	vst v0  }
0x89: {  	v0 =	vld [tilespmem:s3+$0xA10];
	_ =	sdelay $0x4  }
0x8a: {  	[tilespmem:$0x14B0] =	vst v0  }
0x8b: {  	v0 =	vld [tilespmem:s3+$0xA20];
	_ =	sdelay $0x4  }
0x8c: {  	[tilespmem:$0x14C0] =	vst v0  }
0x8d: {  	v0 =	vld [tilespmem:s3+$0xA30];
	_ =	sdelay $0x4  }
0x8e: {  	[tilespmem:$0x14D0] =	vst v0  }
0x8f: {  	v0 =	vld [tilespmem:s3+$0xA40];
	_ =	sdelay $0x4  }
0x90: {  	p2 =	seq.s32 s31, $0x2580;
	[tilespmem:$0x14E0] =	vst v0  }
0x91: {  	s9 =	simm.s32 @!p2 $0x3;
	(ifvalue) =	ssetifvalue $0xFFFFFFFF  }
0x92: {  	[spmem:s1] =	stream.indirect.scatter.add.f32 [tilespmem:s20], [sflag:$0x3], $0x100, s24, s18, $0x40b8;
	[tilespmem:$0x1EE40] =	vst v63  }
0x93: {  	_ =	swait.ge @!p2 [sflag:s9], $0x5000  }
0x94: {  	s11 =	sshra.s32 @!p2 s31, $0x2;
	s31 =	smov.u32 s7;
	[sflag:s9] =	ssyncset.done @!p2 $0x0  }
0x95: {  	[sflag:s9] =	ssyncadd.s32 @!p2 $0xFFFFB000  }
0x96: {  	v0 =	vld @!p2 [tilespmem:s11+$0xA0];
	_ =	sdelay $0x4  }
0x97: {  	[tilespmem:$0x1400] =	vst @!p2 v0  }
0x98: {  	v0 =	vld @!p2 [tilespmem:s11+$0xB0];
	_ =	sdelay $0x4  }
0x99: {  	[tilespmem:$0x1410] =	vst @!p2 v0  }
0x9a: {  	v0 =	vld @!p2 [tilespmem:s11+$0xC0];
	_ =	sdelay $0x4  }
0x9b: {  	[tilespmem:$0x1420] =	vst @!p2 v0  }
0x9c: {  	v0 =	vld @!p2 [tilespmem:s11+$0xD0];
	_ =	sdelay $0x4  }
0x9d: {  	[tilespmem:$0x1430] =	vst @!p2 v0  }
0x9e: {  	v0 =	vld @!p2 [tilespmem:s11+$0xE0];
	_ =	sdelay $0x4  }
0x9f: {  	s7 =	simm.s32 @!p2 $0x1540;
	[tilespmem:$0x1440] =	vst @!p2 v0  }
0xa0: {  	s9 =	simm.s32 @!p2 $0x50;
	s11 =	simm.s32 @!p2 $0x1400;
	(ifvalue) =	ssetifvalue @!p2 $0xFFFFFFFF  }
0xa1: {  	(ifvalue) =	ssetifvalue @!p2 $0xFFFFFFFF  }
0xa2: {  	[tilespmem:s7], [sflag:$0x1] =	stream.indirect.gather @!p2 [hbm4b:s4+s9], $0x100, s11, s9, $0x40b8;
	[tilespmem:$0x1EE40] =	vst v63  }
0xa3: {  	_ =	swait.ge [sflag:s25], $0x5000  }
0xa4: {  	[sflag:s25] =	ssyncset.done $0x0  }
0xa5: {  	[sflag:s25] =	ssyncadd.s32 $0xFFFFB000  }
0xa6: {  	v0 =	vld [tilespmem:s3+$0xA50];
	_ =	sdelay $0x4  }
0xa7: {  	[tilespmem:$0x14F0] =	vst v0  }
0xa8: {  	v0 =	vld [tilespmem:s3+$0xA60];
	_ =	sdelay $0x4  }
0xa9: {  	[tilespmem:$0x1500] =	vst v0  }
0xaa: {  	v0 =	vld [tilespmem:s3+$0xA70];
	_ =	sdelay $0x4  }
0xab: {  	[tilespmem:$0x1510] =	vst v0  }
0xac: {  	v0 =	vld [tilespmem:s3+$0xA80];
	_ =	sdelay $0x4  }
0xad: {  	[tilespmem:$0x1520] =	vst v0  }
.Ltmp0:
0xae: {  	v0 =	vld [tilespmem:s3+$0xA90];
	(pc) =	sbr.rel @p1 .LBB2_3-.Ltmp0, $2  }
0xaf: {  	_ =	sdelay $0x2  }
0xb0: {  	p2 =	seq.s32 s31, $0x0  }
0xb1: {  	[tilespmem:$0x1530] =	vst v0;
	s3 =	simm.s32 @!p2 $0x4;
	(ifvalue) =	ssetifvalue $0xFFFFFFFF  }
0xb2: {  	[spmem:s1] =	stream.indirect.scatter.add.f32 [tilespmem:s22], [sflag:$0x4], $0x100, s26, s18, $0x40b8;
	[tilespmem:$0x1EE40] =	vst v63  }
0xb3: {  	_ =	swait.ge @!p2 [sflag:s3], $0x5000  }
0xb4: {  	[sflag:s3] =	ssyncset.done @!p2 $0x0  }
0xb5: {  	s0 =	sshra.s32 s31, $0x2;
	[sflag:s3] =	ssyncadd.s32 @!p2 $0xFFFFB000  }
0xb6: {  	v61 =	vld [tilespmem:s0+$0x50];
	_ =	sdelay $0x4  }
0xb7: {  	[tilespmem:$0x1450] =	vst v61  }
0xb8: {  	v0 =	vld [tilespmem:s0+$0x60];
	_ =	sdelay $0x4  }
0xb9: {  	[tilespmem:$0x1460] =	vst v0  }
0xba: {  	v0 =	vld [tilespmem:s0+$0x70];
	_ =	sdelay $0x4  }
0xbb: {  	[tilespmem:$0x1470] =	vst v0  }
0xbc: {  	v0 =	vld [tilespmem:s0+$0x80];
	_ =	sdelay $0x4  }
0xbd: {  	[tilespmem:$0x1480] =	vst v0  }
0xbe: {  	v0 =	vld [tilespmem:s0+$0x90];
	_ =	sdelay $0x4  }
0xbf: {  	[tilespmem:$0x1490] =	vst v0;
	(ifvalue) =	ssetifvalue $0xFFFFFFFF  }
0xc0: {  	(ifvalue) =	ssetifvalue $0xFFFFFFFF  }
0xc1: {  	[tilespmem:s22], [sflag:$0x2] =	stream.indirect.gather [hbm4b:s4+s18], $0x100, s21, s18, $0x40b8;
	[tilespmem:$0x1EE40] =	vst v63  }
0xc2: {  	_ =	swait.ge [sflag:s23], $0x5000  }
0xc3: {  	[sflag:s23] =	ssyncset.done $0x0  }
0xc4: {  	[sflag:s23] =	ssyncadd.s32 $0xFFFFB000  }
0xc5: {  	v62 =	vld [tilespmem:s0+$0xA00];
	_ =	sdelay $0x4  }
0xc6: {  	[tilespmem:$0x14A0] =	vst v62  }
0xc7: {  	v0 =	vld [tilespmem:s0+$0xA10];
	_ =	sdelay $0x4  }
0xc8: {  	[tilespmem:$0x14B0] =	vst v0  }
0xc9: {  	v0 =	vld [tilespmem:s0+$0xA20];
	_ =	sdelay $0x4  }
0xca: {  	[tilespmem:$0x14C0] =	vst v0  }
0xcb: {  	v0 =	vld [tilespmem:s0+$0xA30];
	_ =	sdelay $0x4  }
0xcc: {  	[tilespmem:$0x14D0] =	vst v0  }
0xcd: {  	v0 =	vld [tilespmem:s0+$0xA40];
	_ =	sdelay $0x3  }
0xce: {  	p1 =	seq.s32 s31, $0x2580  }
0xcf: {  	s3 =	simm.s32 @!p1 $0x3;
	[tilespmem:$0x14E0] =	vst v0;
	(ifvalue) =	ssetifvalue $0xFFFFFFFF  }
0xd0: {  	[spmem:s1] =	stream.indirect.scatter.add.f32 [tilespmem:s20], [sflag:$0x3], $0x100, s24, s18, $0x40b8;
	[tilespmem:$0x1EE40] =	vst v63  }
0xd1: {  	_ =	swait.ge @!p1 [sflag:s3], $0x5000  }
0xd2: {  	[sflag:s3] =	ssyncset.done @!p1 $0x0  }
0xd3: {  	s7 =	sshra.s32 @!p1 s31, $0x2;
	[sflag:s3] =	ssyncadd.s32 @!p1 $0xFFFFB000  }
0xd4: {  	v0 =	vld @!p1 [tilespmem:s7+$0xA0];
	_ =	sdelay $0x4  }
0xd5: {  	[tilespmem:$0x1400] =	vst @!p1 v0  }
0xd6: {  	v0 =	vld @!p1 [tilespmem:s7+$0xB0];
	_ =	sdelay $0x4  }
0xd7: {  	[tilespmem:$0x1410] =	vst @!p1 v0  }
0xd8: {  	v0 =	vld @!p1 [tilespmem:s7+$0xC0];
	_ =	sdelay $0x4  }
0xd9: {  	[tilespmem:$0x1420] =	vst @!p1 v0  }
0xda: {  	v0 =	vld @!p1 [tilespmem:s7+$0xD0];
	_ =	sdelay $0x4  }
0xdb: {  	[tilespmem:$0x1430] =	vst @!p1 v0  }
0xdc: {  	v0 =	vld @!p1 [tilespmem:s7+$0xE0];
	_ =	sdelay $0x4  }
0xdd: {  	s9 =	simm.s32 @!p1 $0x1400;
	[tilespmem:$0x1440] =	vst @!p1 v0;
	(ifvalue) =	ssetifvalue @!p1 $0xFFFFFFFF  }
0xde: {  	s3 =	simm.s32 @!p1 $0x1540;
	s7 =	simm.s32 @!p1 $0x50;
	(ifvalue) =	ssetifvalue @!p1 $0xFFFFFFFF  }
0xdf: {  	[tilespmem:s3], [sflag:$0x1] =	stream.indirect.gather @!p1 [hbm4b:s4+s7], $0x100, s9, s7, $0x40b8;
	[tilespmem:$0x1EE40] =	vst v63  }
0xe0: {  	_ =	swait.ge [sflag:s25], $0x5000  }
0xe1: {  	[sflag:s25] =	ssyncset.done $0x0  }
0xe2: {  	[sflag:s25] =	ssyncadd.s32 $0xFFFFB000  }
0xe3: {  	v63 =	vld [tilespmem:s0+$0xA50];
	_ =	sdelay $0x4  }
0xe4: {  	[tilespmem:$0x14F0] =	vst v63  }
0xe5: {  	v0 =	vld [tilespmem:s0+$0xA60];
	_ =	sdelay $0x4  }
0xe6: {  	[tilespmem:$0x1500] =	vst v0  }
0xe7: {  	v0 =	vld [tilespmem:s0+$0xA70];
	_ =	sdelay $0x4  }
0xe8: {  	[tilespmem:$0x1510] =	vst v0  }
0xe9: {  	v0 =	vld [tilespmem:s0+$0xA80];
	_ =	sdelay $0x4  }
0xea: {  	[tilespmem:$0x1520] =	vst v0  }
0xeb: {  	v0 =	vld [tilespmem:s0+$0xA90];
	_ =	sdelay $0x4  }
0xec: {  	s30 =	sadd.s32 $0x1, s30;
	[tilespmem:$0x1530] =	vst v0;
	(ifvalue) =	ssetifvalue $0xFFFFFFFF  }
0xed: {  	[spmem:s1] =	stream.indirect.scatter.add.f32 [tilespmem:s22], [sflag:$0x4], $0x100, s26, s18, $0x40b8;
	[tilespmem:$0x1EE40] =	vst v63  }
0xee: {  	p1 =	sne.s32 s30, $0x8;
	_ =	swait.ge [sflag:s28], $0x5000  }
.Ltmp1:
0xef: {  	[sflag:s28] =	ssyncset.done $0x0;
	(pc) =	sbr.rel @p1 .LBB2_2-.Ltmp1, $4  }
0xf0: {  	[sflag:s28] =	ssyncadd.s32 $0xFFFFB000  }
0xf1: {  	_ =	swait.ge [sflag:s29], $0x5000  }
0xf2: {  	[sflag:s29] =	ssyncset.done $0x0  }
0xf3: {  	[sflag:s29] =	ssyncadd.s32 $0xFFFFB000  }
0xf4: {  	[bflag:$0x0] =	sbarrier.arrive $0xFFFF  }
0xf5: {  	s0 =	rddreg [dreg:$0x5]  }
0xf6: {  	[hbm:s0], [sflag:s8] =	dma.local [spmem:s14], $0x2700  }
0xf7: {  	s2 =	sadd.s32 $0x1, s2;
	_ =	swait.ge [sflag:s15], $0x2700  }
0xf8: {  	p1 =	sne.s32 s2, s13;
	[sflag:s15] =	ssyncset.done $0x0  }
.Ltmp2:
0xf9: {  	s0 =	simm.s32 @!p0 $0x5;
	[sflag:s15] =	ssyncadd.s32 $0xFFFFD900;
	(pc) =	sbr.rel @p1 .LBB2_1-.Ltmp2, $4  }
0xfa: {  	[hbm:s12], [sflag:s8] =	dma.local @!p0 [spmem:s16], $0x100  }
0xfb: {  	_ =	swait.ge @!p0 [sflag:s0], $0x100  }
0xfc: {  	[sflag:s0] =	ssyncset.done @!p0 $0x0  }
0xfd: {  	[sflag:s0] =	ssyncadd.s32 @!p0 $0xFFFFFF00  }
0xfe: {  	_ =	sfence.sel $0x180000  }
0xff: {  	[bflag:$0x0] =	sbarrier.arrive $0xFFFF  }
0x100: {  	_ =	strace $0x90000050  }
0x101: {  	s0 =	stileid.u32;
	[bflag:$0x2] =	sbarrier.arrive $0xFFFF  }
0x102: {  	p0 =	sne.s32 s0, $0x0;
	s0 =	rddreg [dreg:$0x2]  }
0x103: {  	s0 =	sadd.s32 @!p0 $0x100000, s0  }
0x104: {  	[sflag:s0] =	ssyncadd.tile.s32 @!p0 $0x1;
	_ =	shalt  }
.Lfunc_end2:
_tile_overlayer_lowered:
.L_overlay_start_2:
0x105: {  	(tag) =	ssettag $0x2  }
0x106: {  	s0 =	rddreg [dreg:$0x0];
	s2 =	stileid.u32  }
0x107: {  	s1 =	rddreg [dreg:$0x1];
	p0 =	sne.s32 s2, $0x0  }
0x108: {  	s3 =	rddreg [dreg:$0x2];
	[bflag:$0x3] =	sbarrier.arrive $0xFFFF;
	s2 =	simm.s32 @!p0 $0x1C05  }
0x109: {  	[timem:s3], [sflag:s2] =	dma.local @!p0 [hbm:s0], s1  }
0x10a: {  	s0 =	simm.s32 @!p0 $0x5  }
0x10b: {  	_ =	swait.ge @!p0 [sflag:s0], s1  }
0x10c: {  	s1 =	ssub.s32 @!p0 $0x0, s1;
	[sflag:s0] =	ssyncset.done @!p0 $0x0  }
0x10d: {  	[sflag:s0] =	ssyncadd.s32 @!p0 s1  }
0x10e: {  	[bflag:$0x3] =	sbarrier.arrive $0xFFFF  }
0x10f: {  	_ =	shalt  }

// kernel: kernel.26.cloned.1.call-start
scs
__scs_entry_jumppad:
0x0: {  	(pc) =	sbr.rel $0x88, $3  }
0x1: {  	(tag) =	ssettag $0x0;
	lr =	simm.s32 $0x1  }
0x2: {  	[smem:$0x3F92] =	sst lr;
	_ =	strace $0xD0000000  }
0x3: {  	_ = 	snop  }
0x4: {  	_ = 	snop  }
0x5: {  	_ = 	snop  }
0x6: {  	_ = 	snop  }
0x7: {  	_ = 	snop  }
__scs_overlays_trampoline_lowered:
0x8: {  	[smem:$0x3FA1] =	sst s0  }
0x9: {  	[smem:$0x3FA2] =	sst s1  }
0xa: {  	[smem:$0x3FA3] =	sst s2  }
0xb: {  	[smem:$0x3FA4] =	sst s3  }
0xc: {  	[smem:$0x3FA5] =	sst s4  }
0xd: {  	[smem:$0x3FA6] =	sst s5  }
0xe: {  	[smem:$0x3FA7] =	sst s6  }
0xf: {  	[smem:$0x3FA8] =	sst s7  }
0x10: {  	[smem:$0x3FA9] =	sst s8  }
0x11: {  	[smem:$0x3FAA] =	sst s9;
	s0 =	simm.s32 @!p0 $0x0  }
0x12: {  	s1 =	sld [smem:$0x3F90];
	s0 =	simm.s32 @p0 $0x1  }
0x13: {  	[smem:$0x3FAB] =	sst s0;
	s0 =	simm.s32 @!p1 $0x0  }
0x14: {  	s2 =	sld [smem:$0x3F8F];
	s0 =	simm.s32 @p1 $0x1  }
0x15: {  	[smem:$0x3FAC] =	sst s0;
	s0 =	simm.s32 @!p2 $0x0  }
0x16: {  	s3 =	sld [smem:$0x3FDB];
	s0 =	simm.s32 @p2 $0x1  }
0x17: {  	s4 =	simm.s32 $0x1BF5;
	[smem:$0x3FAE] =	sst s0  }
0x18: {  	s0 =	sld [smem:$0x3F91];
	_ =	swait.ge [sflag:s4], $0x0  }
0x19: {  	s7 =	sld [smem:$0x3F92]  }
0x1a: {  	s8 =	sadd.s32 $0xFFFFE003, lr  }
0x1b: {  	s9 =	sadd.s32 $0xFFFFFEF7, lr;
	s5 =	simm.s32 $0xFFFFFFFF;
	p2 =	slt.u32 s8, $0xFFFFF086  }
0x1c: {  	p1 =	slt.u32 s9, $0xF7A;
	s5 =	simm.s32 @!p2 $0x0  }
0x1d: {  	s5 =	simm.s32 @p1 $0x1;
	p0 =	seq.s32 s7, s2  }
0x1e: {  	s7 =	smul.u32 @!p0 $0xF7A, s2;
	p2 =	seq.s32 @!p0 s5, $0x0  }
0x1f: {  	s9 =	smul.u32 $0xF7A, s1;
	s8 =	simm.s32 @!p0 $0x1BF5;
	p2 =	por !p2, p0  }
0x20: {  	[sflag:s8] =	ssyncset.s32 @!p0 $0xFFFFF086;
	s6 =	sadd.s32 @!p0 s3, s7;
	s7 =	simm.s32 @!p0 $0x108  }
0x21: {  	s3 =	sadd.s32 s3, s9;
	s6 =	sadd.s32 @!p0 $0x88, s6;
	s7 =	simm.s32 @p2 $0x1082  }
0x22: {  	[simem:s7], [sflag:s8] =	dma.local @!p0 [hbm:s6], $0xF7A  }
0x23: {  	s9 =	sor.u32 $0xD0000000, s2;
	s6 =	simm.s32 $0x108;
	_ =	swait.ge @!p0 [sflag:s8], $0x0  }
0x24: {  	s3 =	sadd.s32 $0x88, s3;
	s6 =	simm.s32 @!p1 $0x1082;
	[sflag:s4] =	ssyncset.s32 $0xFFFFF086  }
0x25: {  	[simem:s6], [sflag:s4] =	dma.local [hbm:s3], $0xF7A  }
0x26: {  	[smem:$0x3F92] =	sst s1;
	(tag) =	ssettag s2;
	_ =	strace s9  }
0x27: {  	s1 =	sld [smem:$0x3FA2]  }
0x28: {  	s2 =	sld [smem:$0x3FA3]  }
0x29: {  	s4 =	sld [smem:$0x3FA5]  }
0x2a: {  	p0 =	seq.s32 s5, $0x0;
	s5 =	sld [smem:$0x3FA6]  }
0x2b: {  	s6 =	sld [smem:$0x3FA7]  }
0x2c: {  	s7 =	sld [smem:$0x3FA8]  }
0x2d: {  	s3 =	simm.s32 $0x108;
	s8 =	sld [smem:$0x3FA9]  }
0x2e: {  	s3 =	simm.s32 @!p0 $0x1082;
	s9 =	sld [smem:$0x3FAA]  }
0x2f: {  	lr =	sadd.s32 s0, s3;
	s0 =	sld [smem:$0x3FA1]  }
0x30: {  	s3 =	sld [smem:$0x3FA4]  }
0x31: {  	[smem:$0x3FAD] =	sst s10  }
0x32: {  	s10 =	sld [smem:$0x3FAB];
	_ =	sdelay $0x3  }
0x33: {  	p0 =	seq.s32 s10, $0x1;
	s10 =	sld [smem:$0x3FAD];
	_ =	sdelay $0x3  }
0x34: {  	[smem:$0x3FAD] =	sst s10  }
0x35: {  	s10 =	sld [smem:$0x3FAC];
	_ =	sdelay $0x3  }
0x36: {  	p1 =	seq.s32 s10, $0x1;
	s10 =	sld [smem:$0x3FAD];
	_ =	sdelay $0x3  }
0x37: {  	[smem:$0x3FAD] =	sst s10  }
0x38: {  	s10 =	sld [smem:$0x3FAE]  }
0x39: {  	_ = 	snop;
	(pc) =	sbr.ind lr, $3  }
0x3a: {  	_ = 	snop  }
0x3b: {  	_ = 	snop  }
0x3c: {  	p2 =	seq.s32 s10, $0x1;
	s10 =	sld [smem:$0x3FAD]  }
0x3d: {  	_ =	shalt  }
0x3e: {  	_ =	shalt  }
0x3f: {  	_ =	shalt  }
0x40: {  	_ =	shalt  }
0x41: {  	_ =	shalt  }
0x42: {  	_ =	shalt  }
0x43: {  	_ =	shalt  }
0x44: {  	_ =	shalt  }
0x45: {  	_ =	shalt  }
0x46: {  	_ =	shalt  }
0x47: {  	_ =	shalt  }
0x48: {  	_ =	shalt  }
0x49: {  	_ =	shalt  }
0x4a: {  	_ =	shalt  }
0x4b: {  	_ =	shalt  }
0x4c: {  	_ =	shalt  }
0x4d: {  	_ =	shalt  }
0x4e: {  	_ =	shalt  }
0x4f: {  	_ =	shalt  }
0x50: {  	_ =	shalt  }
0x51: {  	_ =	shalt  }
0x52: {  	_ =	shalt  }
0x53: {  	_ =	shalt  }
0x54: {  	_ =	shalt  }
0x55: {  	_ =	shalt  }
0x56: {  	_ =	shalt  }
0x57: {  	_ =	shalt  }
0x58: {  	_ =	shalt  }
0x59: {  	_ =	shalt  }
0x5a: {  	_ =	shalt  }
0x5b: {  	_ =	shalt  }
0x5c: {  	_ =	shalt  }
0x5d: {  	_ =	shalt  }
0x5e: {  	_ =	shalt  }
0x5f: {  	_ =	shalt  }
0x60: {  	_ =	shalt  }
0x61: {  	_ =	shalt  }
0x62: {  	_ =	shalt  }
0x63: {  	_ =	shalt  }
0x64: {  	_ =	shalt  }
0x65: {  	_ =	shalt  }
0x66: {  	_ =	shalt  }
0x67: {  	_ =	shalt  }
0x68: {  	_ =	shalt  }
0x69: {  	_ =	shalt  }
0x6a: {  	_ =	shalt  }
0x6b: {  	_ =	shalt  }
0x6c: {  	_ =	shalt  }
0x6d: {  	_ =	shalt  }
0x6e: {  	_ =	shalt  }
0x6f: {  	_ =	shalt  }
0x70: {  	_ =	shalt  }
0x71: {  	_ =	shalt  }
0x72: {  	_ =	shalt  }
0x73: {  	_ =	shalt  }
0x74: {  	_ =	shalt  }
0x75: {  	_ =	shalt  }
0x76: {  	_ =	shalt  }
0x77: {  	_ =	shalt  }
0x78: {  	_ =	shalt  }
0x79: {  	_ =	shalt  }
0x7a: {  	_ =	shalt  }
0x7b: {  	_ =	shalt  }
0x7c: {  	_ =	shalt  }
0x7d: {  	_ =	shalt  }
0x7e: {  	_ =	shalt  }
0x7f: {  	_ =	shalt  }
0x80: {  	_ =	shalt  }
0x81: {  	_ =	shalt  }
0x82: {  	_ =	shalt  }
0x83: {  	_ =	shalt  }
0x84: {  	_ =	shalt  }
0x85: {  	_ =	shalt  }
0x86: {  	_ =	shalt  }
0x87: {  	_ =	shalt  }
.Lfunc_end0:
.L_simem_size_0:
called_computation.4_lowered:
.L_overlay_start_0:
0x88: {  	s2 =	sld [smem:$0x3FD9]  }
0x89: {  	s3 =	sld [smem:$0x3FFE];
	_ =	sdelay $0x1  }
0x8a: {  	s1 =	srdreg.scid  }
0x8b: {  	s0 =	sand.u32 $0x1, s1  }
0x8c: {  	s16 =	sshll.u32 s0, $0xA;
	s2 =	sadd.s32 s3, s2  }
0x8d: {  	s2 =	sadd.s32 s2, s16  }
0x8e: {  	[smem:$0x3FB9] =	sst s2  }
0x8f: {  	_ = 	snop  }
0x90: {  	(tm) =	ssettm $0x1  }
0x91: {  	s17 =	sld [smem:$0x3FFB];
	_ =	sdelay $0x3  }
0x92: {  	_ =	strace s17  }
0x93: {  	s2 =	sld [smem:$0x3FFC];
	_ =	sdelay $0x3  }
0x94: {  	_ =	strace s2  }
0x95: {  	s2 =	sld [smem:$0x3FFD];
	_ =	sdelay $0x3  }
0x96: {  	_ =	strace s2  }
0x97: {  	_ =	strace $0x8FFFFFFF  }
0x98: {  	s18 =	sld [smem:$0x3FDB];
	_ =	sdelay $0x1  }
0x99: {  	s19 =	simm.s32 $_scs_section_size  }
0x9a: {  	s4 =	simm.s32 $_size__tile_overlayer_lowered;
	s5 =	simm.s32 $_tile_overlayer_lowered  }
0x9b: {  	s22 =	simm.s32 $0x1BFF;
	s21 =	sshll.u32 s5, $0x1;
	s2 =	sadd.s32 s19, s18  }
0x9c: {  	s6 =	simm.s32 $0x0;
	s20 =	sshll.u32 s4, $0x1;
	s4 =	sadd.s32 s21, s2  }
0x9d: {  	[timem:s6], [sflag:s22] =	dma.local [hbm:s4], s20  }
0x9e: {  	_ =	swait.ge [sflag:s22], s20  }
0x9f: {  	s3 =	ssub.s32 $0x0, s20;
	[sflag:s22] =	ssyncset.done $0x0  }
0xa0: {  	[sflag:s22] =	ssyncadd.s32 s3;
	_ =	sdelay $0x1  }
0xa1: {  	s23 =	simm.s32 $0x1B8B  }
0xa2: {  	_ =	swait.ge [sflag:s23], $0x1  }
0xa3: {  	[sflag:s23] =	ssyncset.done $0x0  }
0xa4: {  	s25 =	simm.s32 $0x1B8E;
	s24 =	sld [smem:$0x3FFE];
	[sflag:s23] =	ssyncadd.s32 $0xFFFFFFFF  }
0xa5: {  	s26 =	simm.s32 $execute0_lowered;
	[smem:$0x3FD2] =	sst s25  }
0xa6: {  	s4 =	sshll.u32 s26, $0x1;
	_ =	strace $0x80000052;
	[dreg:$0x1] =	wrdreg $0xFFFFFFFF  }
0xa7: {  	s28 =	simm.s32 $_size_execute0_lowered;
	s2 =	sadd.s32 s2, s4;
	[dreg:$0x0] =	wrdreg $0x0  }
0xa8: {  	s4 =	sshll.u32 s28, $0x1;
	[dreg:$0x2] =	wrdreg s2  }
0xa9: {  	[dreg:$0x3] =	wrdreg s4  }
0xaa: {  	[dreg:$0x4] =	wrdreg $0xC0  }
0xab: {  	_ =	task [dreg:s6], $0x5FFFF  }
0xac: {  	[dreg:$0x1] =	wrdreg $0xFFFFFFFF  }
0xad: {  	[dreg:$0x0] =	wrdreg $0x60  }
0xae: {  	[dreg:$0x2] =	wrdreg s24  }
0xaf: {  	[dreg:$0x3] =	wrdreg $0xB5400  }
0xb0: {  	[dreg:$0x4] =	wrdreg $0x9  }
0xb1: {  	_ =	task.clear_ibuf [dreg:s6], $0x5FFFF;
	_ =	strace $0x90000052  }
0xb2: {  	s29 =	simm.s32 $0x9;
	_ =	strace $0x80000054  }
0xb3: {  	_ =	swait.ge [sflag:s29], $0x1  }
0xb4: {  	[sflag:s29] =	ssyncadd.s32 $0xFFFFFFFF  }
0xb5: {  	_ =	strace $0x90000054  }
0xb6: {  	_ =	sfence  }
0xb7: {  	s30 =	sld [smem:$0x0];
	_ =	sdelay $0x2  }
0xb8: {  	s31 =	sshll.u32 s1, $0xD;
	s1 =	sshrl.u32 s1, $0x2  }
0xb9: {  	s3 =	sand.u32 $0x4000, s31;
	s1 =	sadd.s32 s1, s30  }
0xba: {  	s0 =	sor.u32 s3, s0;
	s1 =	sshll.u32 s1, $0x11  }
0xbb: {  	s0 =	sor.u32 s1, s0  }
0xbc: {  	s0 =	sadd.s32 $0x8F2B, s0  }
0xbd: {  	[sflag:s0] =	ssyncadd.remote.s32 $0x1  }
0xbe: {  	_ =	sfence.sel $0xFFFF  }
0xbf: {  	[dreg:$0x0] =	wrdreg $0xFFFFFFFF;
	(pc) =	sbr.abs _section_cstart, $3  }
0xc0: {  	[dreg:$0x1] =	wrdreg $0xFFFFFFFF  }
0xc1: {  	_ =	task.clear_ibuf [dreg:s6], $0x2FFFF;
	_ =	strace $0x9FFFFFFF  }
0xc2: {  	(tm) =	ssettm $0x7FFFFFFF  }
0xc3: {  	_ =	shalt  }
tec
execute0_lowered:
.L_overlay_start_1:
0x0: {  	(tag) =	ssettag $0x1  }
0x1: {  	s0 =	rddreg [dreg:$0x0]  }
0x2: {  	s1 =	rddreg [dreg:$0x1];
	s2 =	simm.s32 $0x0;
	s3 =	srdreg.scid  }
0x3: {  	s15 =	stileid.u32;
	s17 =	simm.s32 $0xA00;
	s18 =	simm.s32 $0x50  }
0x4: {  	s19 =	simm.s32 $0x1400;
	s20 =	simm.s32 $0x1540;
	s21 =	simm.s32 $0x1450  }
0x5: {  	s22 =	simm.s32 $0x6540;
	s28 =	simm.s32 $0x3;
	s29 =	simm.s32 $0x4  }
0x6: {  	[smem:$0x7FF] =	sst s2;
	s3 =	sand.u32 $0x1, s3;
	s9 =	smul.u32 $0x138, s15  }
0x7: {  	s4 =	sadd.s32 $0x42400, s0;
	s5 =	sadd.s32 $0x2C400, s0;
	s11 =	smul.u32 $0x4E000, s15  }
0x8: {  	s6 =	sadd.s32 $0x18400, s0;
	s0 =	sadd.s32 $0x90600, s0;
	s30 =	smul.u32 $0x5000, s15  }
0x9: {  	s26 =	sshll.u32 s15, $0x6;
	s16 =	sadd.s32 $0x138000, s1;
	s7 =	smul.u32 $0x1388, s3  }
0xa: {  	p0 =	sne.s32 s15, $0xF;
	s15 =	simm.s32 $0x5;
	s24 =	smul.u32 $0x138800, s3  }
0xb: {  	_ =	strace $0x80000053;
	s8 =	ssub.s32 $0x2, s3;
	s3 =	smul.u32 $0x50000, s3  }
0xc: {  	s16 =	sshrl.u32 @!p0 s16, $0x3;
	s10 =	sshrl.u32 s8, $0x1;
	s23 =	sshrl.u32 s11, $0x2  }
0xd: {  	s13 =	ssub.s32 s8, s10;
	s7 =	sadd.s32 s9, s7;
	s14 =	sadd.s32 s23, s1  }
0xe: {  	s9 =	sshrl.u32 s24, $0x3;
	s8 =	sor.u32 $0x1C05, s26;
	s10 =	sadd.s32 s30, s3  }
0xf: {  	s23 =	simm.s32 $0x1;
	s24 =	simm.s32 $0x14A0;
	s7 =	sshll.u32 s7, $0x5  }
0x10: {  	s26 =	simm.s32 $0x14F0;
	s12 =	sadd.s32 $0x27000, s9;
	s25 =	sadd.s32 s4, s7  }
0x11: {  	s13 =	smax.u32 s13, $0x1;
	s9 =	sadd.s32 s4, s12;
	[dreg:$0x3] =	wrdreg s25  }
0x12: {  	s14 =	sshrl.u32 s14, $0x3;
	s31 =	sadd.s32 s0, s7;
	[dreg:$0x4] =	wrdreg s9  }
0x13: {  	s12 =	sadd.s32 s0, s12;
	[dreg:$0x5] =	wrdreg s31;
	s25 =	simm.s32 $0x2  }
.LBB2_1:
0x14: {  	s0 =	rddreg [dreg:$0x3]  }
0x15: {  	[spmem:s14], [sflag:s8] =	dma.local [hbm:s0], $0x2700  }
0x16: {  	_ =	swait.ge [sflag:s15], $0x2700  }
0x17: {  	[sflag:s15] =	ssyncset.done $0x0  }
0x18: {  	s0 =	rddreg [dreg:$0x4];
	[sflag:s15] =	ssyncadd.s32 $0xFFFFD900  }
0x19: {  	[spmem:s16], [sflag:s8] =	dma.local @!p0 [hbm:s0], $0x100  }
0x1a: {  	s0 =	simm.s32 @!p0 $0x5  }
0x1b: {  	_ =	swait.ge @!p0 [sflag:s0], $0x100  }
0x1c: {  	[sflag:s0] =	ssyncset.done @!p0 $0x0  }
0x1d: {  	[sflag:s0] =	ssyncadd.s32 @!p0 $0xFFFFFF00  }
0x1e: {  	s30 =	simm.s32 $0x0;
	[bflag:$0x0] =	sbarrier.arrive $0xFFFF  }
.LBB2_2:
0x1f: {  	s0 =	smul.u32 $0xA00, s30;
	_ =	sdelay $0x1  }
0x20: {  	s0 =	sadd.s32 s0, s10  }
0x21: {  	s0 =	sshrl.u32 s0, $0x3  }
0x22: {  	s7 =	simm.s32 $0x0;
	s3 =	sadd.s32 s5, s0  }
0x23: {  	[tilespmem:s7], [sflag:$0x5] =	stream.linear.gather [hbm4b:s3+s7], $0xA00, $0x38;
	[tilespmem:$0x1EE40] =	vst v63  }
0x24: {  	_ =	swait.ge [sflag:s15], $0xA00  }
0x25: {  	[sflag:s15] =	ssyncset.done $0x0  }
0x26: {  	s0 =	sadd.s32 s6, s0;
	[sflag:s15] =	ssyncadd.s32 $0xFFFFF600  }
0x27: {  	[tilespmem:s17], [sflag:$0x5] =	stream.linear.gather [hbm4b:s0+s7], $0xA00, $0x38;
	[tilespmem:$0x1EE40] =	vst v63  }
0x28: {  	_ =	swait.ge [sflag:s15], $0xA00  }
0x29: {  	[sflag:s15] =	ssyncset.done $0x0  }
0x2a: {  	[sflag:s15] =	ssyncadd.s32 $0xFFFFF600  }
0x2b: {  	v0 =	vld [tilespmem:$0x0]  }
0x2c: {  	v1 =	vld [tilespmem:$0x10]  }
0x2d: {  	v2 =	vld [tilespmem:$0x20]  }
0x2e: {  	v3 =	vld [tilespmem:$0x30]  }
0x2f: {  	v4 =	vld [tilespmem:$0x40]  }
0x30: {  	[tilespmem:$0x1400] =	vst v0  }
0x31: {  	[tilespmem:$0x1410] =	vst v1  }
0x32: {  	[tilespmem:$0x1420] =	vst v2  }
0x33: {  	[tilespmem:$0x1430] =	vst v3  }
0x34: {  	p1 =	por $0x1, $0x1;
	[tilespmem:$0x1440] =	vst v4;
	(ifvalue) =	ssetifvalue $0xFFFFFFFF  }
0x35: {  	s0 =	simm.s32 @!p1 $0x4;
	(ifvalue) =	ssetifvalue $0xFFFFFFFF  }
0x36: {  	[tilespmem:s20], [sflag:$0x1] =	stream.indirect.gather [hbm4b:s4+s18], $0x100, s19, s18, $0x40b8;
	[tilespmem:$0x1EE40] =	vst v63  }
0x37: {  	_ =	swait.ge @!p1 [sflag:s0], $0x5000  }
0x38: {  	[sflag:s0] =	ssyncset.done @!p1 $0x0  }
0x39: {  	s11 =	simm.s32 $0x0;
	[sflag:s0] =	ssyncadd.s32 @!p1 $0xFFFFB000  }
0x3a: {  	v0 =	vld [tilespmem:s11+$0x50];
	_ =	sdelay $0x4  }
0x3b: {  	[tilespmem:$0x1450] =	vst v0  }
0x3c: {  	v0 =	vld [tilespmem:s11+$0x60];
	_ =	sdelay $0x4  }
0x3d: {  	[tilespmem:$0x1460] =	vst v0  }
0x3e: {  	v0 =	vld [tilespmem:s11+$0x70];
	_ =	sdelay $0x4  }
0x3f: {  	[tilespmem:$0x1470] =	vst v0  }
0x40: {  	v0 =	vld [tilespmem:s11+$0x80];
	_ =	sdelay $0x4  }
0x41: {  	[tilespmem:$0x1480] =	vst v0  }
0x42: {  	v0 =	vld [tilespmem:s11+$0x90];
	_ =	sdelay $0x4  }
0x43: {  	[tilespmem:$0x1490] =	vst v0;
	(ifvalue) =	ssetifvalue $0xFFFFFFFF  }
0x44: {  	(ifvalue) =	ssetifvalue $0xFFFFFFFF  }
0x45: {  	[tilespmem:s22], [sflag:$0x2] =	stream.indirect.gather [hbm4b:s4+s18], $0x100, s21, s18, $0x40b8;
	[tilespmem:$0x1EE40] =	vst v63  }
0x46: {  	_ =	swait.ge [sflag:s23], $0x5000  }
0x47: {  	[sflag:s23] =	ssyncset.done $0x0  }
0x48: {  	[sflag:s23] =	ssyncadd.s32 $0xFFFFB000  }
0x49: {  	v0 =	vld [tilespmem:s11+$0xA00];
	_ =	sdelay $0x4  }
0x4a: {  	[tilespmem:$0x14A0] =	vst v0  }
0x4b: {  	v0 =	vld [tilespmem:s11+$0xA10];
	_ =	sdelay $0x4  }
0x4c: {  	[tilespmem:$0x14B0] =	vst v0  }
0x4d: {  	v0 =	vld [tilespmem:s11+$0xA20];
	_ =	sdelay $0x4  }
0x4e: {  	[tilespmem:$0x14C0] =	vst v0  }
0x4f: {  	v0 =	vld [tilespmem:s11+$0xA30];
	_ =	sdelay $0x4  }
0x50: {  	[tilespmem:$0x14D0] =	vst v0  }
0x51: {  	v0 =	vld [tilespmem:s11+$0xA40];
	_ =	sdelay $0x3  }
0x52: {  	p1 =	por $0x0, $0x0  }
0x53: {  	s0 =	simm.s32 @!p1 $0x3;
	[tilespmem:$0x14E0] =	vst v0;
	(ifvalue) =	ssetifvalue $0xFFFFFFFF  }
0x54: {  	[spmem:s1] =	stream.indirect.scatter.add.f32 [tilespmem:s20], [sflag:$0x3], $0x100, s24, s18, $0x40b8;
	[tilespmem:$0x1EE40] =	vst v63  }
0x55: {  	_ =	swait.ge @!p1 [sflag:s0], $0x5000  }
0x56: {  	[sflag:s0] =	ssyncset.done @!p1 $0x0  }
0x57: {  	s7 =	simm.s32 @!p1 $0x0;
	[sflag:s0] =	ssyncadd.s32 @!p1 $0xFFFFB000  }
0x58: {  	v0 =	vld @!p1 [tilespmem:s7+$0xA0];
	_ =	sdelay $0x4  }
0x59: {  	[tilespmem:$0x1400] =	vst @!p1 v0  }
0x5a: {  	v0 =	vld @!p1 [tilespmem:s7+$0xB0];
	_ =	sdelay $0x4  }
0x5b: {  	[tilespmem:$0x1410] =	vst @!p1 v0  }
0x5c: {  	v0 =	vld @!p1 [tilespmem:s7+$0xC0];
	_ =	sdelay $0x4  }
0x5d: {  	[tilespmem:$0x1420] =	vst @!p1 v0  }
0x5e: {  	v0 =	vld @!p1 [tilespmem:s7+$0xD0];
	_ =	sdelay $0x4  }
0x5f: {  	[tilespmem:$0x1430] =	vst @!p1 v0  }
0x60: {  	v0 =	vld @!p1 [tilespmem:s7+$0xE0];
	_ =	sdelay $0x4  }
0x61: {  	s31 =	simm.s32 @!p1 $0x1400;
	[tilespmem:$0x1440] =	vst @!p1 v0;
	(ifvalue) =	ssetifvalue @!p1 $0xFFFFFFFF  }
0x62: {  	s0 =	simm.s32 @!p1 $0x1540;
	s7 =	simm.s32 @!p1 $0x50;
	(ifvalue) =	ssetifvalue @!p1 $0xFFFFFFFF  }
0x63: {  	[tilespmem:s0], [sflag:$0x1] =	stream.indirect.gather @!p1 [hbm4b:s4+s7], $0x100, s31, s7, $0x40b8;
	[tilespmem:$0x1EE40] =	vst v63  }
0x64: {  	_ =	swait.ge [sflag:s25], $0x5000  }
0x65: {  	[sflag:s25] =	ssyncset.done $0x0  }
0x66: {  	[sflag:s25] =	ssyncadd.s32 $0xFFFFB000  }
0x67: {  	v0 =	vld [tilespmem:s11+$0xA50];
	_ =	sdelay $0x4  }
0x68: {  	[tilespmem:$0x14F0] =	vst v0  }
0x69: {  	v0 =	vld [tilespmem:s11+$0xA60];
	_ =	sdelay $0x4  }
0x6a: {  	[tilespmem:$0x1500] =	vst v0  }
0x6b: {  	v0 =	vld [tilespmem:s11+$0xA70];
	_ =	sdelay $0x4  }
0x6c: {  	[tilespmem:$0x1510] =	vst v0  }
0x6d: {  	v0 =	vld [tilespmem:s11+$0xA80];
	_ =	sdelay $0x4  }
0x6e: {  	[tilespmem:$0x1520] =	vst v0  }
0x6f: {  	v0 =	vld [tilespmem:s11+$0xA90];
	_ =	sdelay $0x3  }
0x70: {  	p2 =	por $0x0, $0x0;
	s31 =	simm.s32 $0x280;
	s0 =	simm.s32 $0x500  }
.LBB2_3:
0x71: {  	s9 =	simm.s32 @!p2 $0x4;
	[tilespmem:$0x1530] =	vst v0;
	s7 =	smov.u32 s0;
	s0 =	sadd.s32 $0x280, s0  }
0x72: {  	p1 =	sne.s32 s0, $0x2800;
	(ifvalue) =	ssetifvalue $0xFFFFFFFF  }
0x73: {  	[spmem:s1] =	stream.indirect.scatter.add.f32 [tilespmem:s22], [sflag:$0x4], $0x100, s26, s18, $0x40b8;
	[tilespmem:$0x1EE40] =	vst v63  }
0x74: {  	_ =	swait.ge @!p2 [sflag:s9], $0x5000  }
0x75: {  	s3 =	sshra.s32 s31, $0x2;
	[sflag:s9] =	ssyncset.done @!p2 $0x0  }
0x76: {  	[sflag:s9] =	ssyncadd.s32 @!p2 $0xFFFFB000  }
0x77: {  	v0 =	vld [tilespmem:s3+$0x50];
	_ =	sdelay $0x4  }
0x78: {  	[tilespmem:$0x1450] =	vst v0  }
0x79: {  	v0 =	vld [tilespmem:s3+$0x60];
	_ =	sdelay $0x4  }
0x7a: {  	[tilespmem:$0x1460] =	vst v0  }
0x7b: {  	v0 =	vld [tilespmem:s3+$0x70];
	_ =	sdelay $0x4  }
0x7c: {  	[tilespmem:$0x1470] =	vst v0  }
0x7d: {  	v0 =	vld [tilespmem:s3+$0x80];
	_ =	sdelay $0x4  }
0x7e: {  	[tilespmem:$0x1480] =	vst v0  }
0x7f: {  	v0 =	vld [tilespmem:s3+$0x90];
	_ =	sdelay $0x4  }
0x80: {  	[tilespmem:$0x1490] =	vst v0  }
0x81: {  	(ifvalue) =	ssetifvalue $0xFFFFFFFF  }
0x82: {  	(ifvalue) =	ssetifvalue $0xFFFFFFFF  }
0x83: {  	[tilespmem:s22], [sflag:$0x2] =	stream.indirect.gather [hbm4b:s4+s18], $0x100, s21, s18, $0x40b8;
	[tilespmem:$0x1EE40] =	vst v63  }
0x84: {  	_ =	swait.ge [sflag:s23], $0x5000  }
0x85: {  	[sflag:s23] =	ssyncset.done $0x0  }
0x86: {  	[sflag:s23] =	ssyncadd.s32 $0xFFFFB000  }
0x87: {  	v0 =	vld [tilespmem:s3+$0xA00];
	_ =	sdelay $0x4  }
0x88: {  	[tilespmem:$0x14A0] =	vst v0  }
0x89: {  	v0 =	vld [tilespmem:s3+$0xA10];
	_ =	sdelay $0x4  }
0x8a: {  	[tilespmem:$0x14B0] =	vst v0  }
0x8b: {  	v0 =	vld [tilespmem:s3+$0xA20];
	_ =	sdelay $0x4  }
0x8c: {  	[tilespmem:$0x14C0] =	vst v0  }
0x8d: {  	v0 =	vld [tilespmem:s3+$0xA30];
	_ =	sdelay $0x4  }
0x8e: {  	[tilespmem:$0x14D0] =	vst v0  }
0x8f: {  	v0 =	vld [tilespmem:s3+$0xA40];
	_ =	sdelay $0x4  }
0x90: {  	p2 =	seq.s32 s31, $0x2580;
	[tilespmem:$0x14E0] =	vst v0  }
0x91: {  	s9 =	simm.s32 @!p2 $0x3;
	(ifvalue) =	ssetifvalue $0xFFFFFFFF  }
0x92: {  	[spmem:s1] =	stream.indirect.scatter.add.f32 [tilespmem:s20], [sflag:$0x3], $0x100, s24, s18, $0x40b8;
	[tilespmem:$0x1EE40] =	vst v63  }
0x93: {  	_ =	swait.ge @!p2 [sflag:s9], $0x5000  }
0x94: {  	s11 =	sshra.s32 @!p2 s31, $0x2;
	s31 =	smov.u32 s7;
	[sflag:s9] =	ssyncset.done @!p2 $0x0  }
0x95: {  	[sflag:s9] =	ssyncadd.s32 @!p2 $0xFFFFB000  }
0x96: {  	v0 =	vld @!p2 [tilespmem:s11+$0xA0];
	_ =	sdelay $0x4  }
0x97: {  	[tilespmem:$0x1400] =	vst @!p2 v0  }
0x98: {  	v0 =	vld @!p2 [tilespmem:s11+$0xB0];
	_ =	sdelay $0x4  }
0x99: {  	[tilespmem:$0x1410] =	vst @!p2 v0  }
0x9a: {  	v0 =	vld @!p2 [tilespmem:s11+$0xC0];
	_ =	sdelay $0x4  }
0x9b: {  	[tilespmem:$0x1420] =	vst @!p2 v0  }
0x9c: {  	v0 =	vld @!p2 [tilespmem:s11+$0xD0];
	_ =	sdelay $0x4  }
0x9d: {  	[tilespmem:$0x1430] =	vst @!p2 v0  }
0x9e: {  	v0 =	vld @!p2 [tilespmem:s11+$0xE0];
	_ =	sdelay $0x4  }
0x9f: {  	s7 =	simm.s32 @!p2 $0x1540;
	[tilespmem:$0x1440] =	vst @!p2 v0  }
0xa0: {  	s9 =	simm.s32 @!p2 $0x50;
	s11 =	simm.s32 @!p2 $0x1400;
	(ifvalue) =	ssetifvalue @!p2 $0xFFFFFFFF  }
0xa1: {  	(ifvalue) =	ssetifvalue @!p2 $0xFFFFFFFF  }
0xa2: {  	[tilespmem:s7], [sflag:$0x1] =	stream.indirect.gather @!p2 [hbm4b:s4+s9], $0x100, s11, s9, $0x40b8;
	[tilespmem:$0x1EE40] =	vst v63  }
0xa3: {  	_ =	swait.ge [sflag:s25], $0x5000  }
0xa4: {  	[sflag:s25] =	ssyncset.done $0x0  }
0xa5: {  	[sflag:s25] =	ssyncadd.s32 $0xFFFFB000  }
0xa6: {  	v0 =	vld [tilespmem:s3+$0xA50];
	_ =	sdelay $0x4  }
0xa7: {  	[tilespmem:$0x14F0] =	vst v0  }
0xa8: {  	v0 =	vld [tilespmem:s3+$0xA60];
	_ =	sdelay $0x4  }
0xa9: {  	[tilespmem:$0x1500] =	vst v0  }
0xaa: {  	v0 =	vld [tilespmem:s3+$0xA70];
	_ =	sdelay $0x4  }
0xab: {  	[tilespmem:$0x1510] =	vst v0  }
0xac: {  	v0 =	vld [tilespmem:s3+$0xA80];
	_ =	sdelay $0x4  }
0xad: {  	[tilespmem:$0x1520] =	vst v0  }
.Ltmp0:
0xae: {  	v0 =	vld [tilespmem:s3+$0xA90];
	(pc) =	sbr.rel @p1 .LBB2_3-.Ltmp0, $2  }
0xaf: {  	_ =	sdelay $0x2  }
0xb0: {  	p2 =	seq.s32 s31, $0x0  }
0xb1: {  	[tilespmem:$0x1530] =	vst v0;
	s3 =	simm.s32 @!p2 $0x4;
	(ifvalue) =	ssetifvalue $0xFFFFFFFF  }
0xb2: {  	[spmem:s1] =	stream.indirect.scatter.add.f32 [tilespmem:s22], [sflag:$0x4], $0x100, s26, s18, $0x40b8;
	[tilespmem:$0x1EE40] =	vst v63  }
0xb3: {  	_ =	swait.ge @!p2 [sflag:s3], $0x5000  }
0xb4: {  	[sflag:s3] =	ssyncset.done @!p2 $0x0  }
0xb5: {  	s0 =	sshra.s32 s31, $0x2;
	[sflag:s3] =	ssyncadd.s32 @!p2 $0xFFFFB000  }
0xb6: {  	v61 =	vld [tilespmem:s0+$0x50];
	_ =	sdelay $0x4  }
0xb7: {  	[tilespmem:$0x1450] =	vst v61  }
0xb8: {  	v0 =	vld [tilespmem:s0+$0x60];
	_ =	sdelay $0x4  }
0xb9: {  	[tilespmem:$0x1460] =	vst v0  }
0xba: {  	v0 =	vld [tilespmem:s0+$0x70];
	_ =	sdelay $0x4  }
0xbb: {  	[tilespmem:$0x1470] =	vst v0  }
0xbc: {  	v0 =	vld [tilespmem:s0+$0x80];
	_ =	sdelay $0x4  }
0xbd: {  	[tilespmem:$0x1480] =	vst v0  }
0xbe: {  	v0 =	vld [tilespmem:s0+$0x90];
	_ =	sdelay $0x4  }
0xbf: {  	[tilespmem:$0x1490] =	vst v0;
	(ifvalue) =	ssetifvalue $0xFFFFFFFF  }
0xc0: {  	(ifvalue) =	ssetifvalue $0xFFFFFFFF  }
0xc1: {  	[tilespmem:s22], [sflag:$0x2] =	stream.indirect.gather [hbm4b:s4+s18], $0x100, s21, s18, $0x40b8;
	[tilespmem:$0x1EE40] =	vst v63  }
0xc2: {  	_ =	swait.ge [sflag:s23], $0x5000  }
0xc3: {  	[sflag:s23] =	ssyncset.done $0x0  }
0xc4: {  	[sflag:s23] =	ssyncadd.s32 $0xFFFFB000  }
0xc5: {  	v62 =	vld [tilespmem:s0+$0xA00];
	_ =	sdelay $0x4  }
0xc6: {  	[tilespmem:$0x14A0] =	vst v62  }
0xc7: {  	v0 =	vld [tilespmem:s0+$0xA10];
	_ =	sdelay $0x4  }
0xc8: {  	[tilespmem:$0x14B0] =	vst v0  }
0xc9: {  	v0 =	vld [tilespmem:s0+$0xA20];
	_ =	sdelay $0x4  }
0xca: {  	[tilespmem:$0x14C0] =	vst v0  }
0xcb: {  	v0 =	vld [tilespmem:s0+$0xA30];
	_ =	sdelay $0x4  }
0xcc: {  	[tilespmem:$0x14D0] =	vst v0  }
0xcd: {  	v0 =	vld [tilespmem:s0+$0xA40];
	_ =	sdelay $0x3  }
0xce: {  	p1 =	seq.s32 s31, $0x2580  }
0xcf: {  	s3 =	simm.s32 @!p1 $0x3;
	[tilespmem:$0x14E0] =	vst v0;
	(ifvalue) =	ssetifvalue $0xFFFFFFFF  }
0xd0: {  	[spmem:s1] =	stream.indirect.scatter.add.f32 [tilespmem:s20], [sflag:$0x3], $0x100, s24, s18, $0x40b8;
	[tilespmem:$0x1EE40] =	vst v63  }
0xd1: {  	_ =	swait.ge @!p1 [sflag:s3], $0x5000  }
0xd2: {  	[sflag:s3] =	ssyncset.done @!p1 $0x0  }
0xd3: {  	s7 =	sshra.s32 @!p1 s31, $0x2;
	[sflag:s3] =	ssyncadd.s32 @!p1 $0xFFFFB000  }
0xd4: {  	v0 =	vld @!p1 [tilespmem:s7+$0xA0];
	_ =	sdelay $0x4  }
0xd5: {  	[tilespmem:$0x1400] =	vst @!p1 v0  }
0xd6: {  	v0 =	vld @!p1 [tilespmem:s7+$0xB0];
	_ =	sdelay $0x4  }
0xd7: {  	[tilespmem:$0x1410] =	vst @!p1 v0  }
0xd8: {  	v0 =	vld @!p1 [tilespmem:s7+$0xC0];
	_ =	sdelay $0x4  }
0xd9: {  	[tilespmem:$0x1420] =	vst @!p1 v0  }
0xda: {  	v0 =	vld @!p1 [tilespmem:s7+$0xD0];
	_ =	sdelay $0x4  }
0xdb: {  	[tilespmem:$0x1430] =	vst @!p1 v0  }
0xdc: {  	v0 =	vld @!p1 [tilespmem:s7+$0xE0];
	_ =	sdelay $0x4  }
0xdd: {  	s9 =	simm.s32 @!p1 $0x1400;
	[tilespmem:$0x1440] =	vst @!p1 v0;
	(ifvalue) =	ssetifvalue @!p1 $0xFFFFFFFF  }
0xde: {  	s3 =	simm.s32 @!p1 $0x1540;
	s7 =	simm.s32 @!p1 $0x50;
	(ifvalue) =	ssetifvalue @!p1 $0xFFFFFFFF  }
0xdf: {  	[tilespmem:s3], [sflag:$0x1] =	stream.indirect.gather @!p1 [hbm4b:s4+s7], $0x100, s9, s7, $0x40b8;
	[tilespmem:$0x1EE40] =	vst v63  }
0xe0: {  	_ =	swait.ge [sflag:s25], $0x5000  }
0xe1: {  	[sflag:s25] =	ssyncset.done $0x0  }
0xe2: {  	[sflag:s25] =	ssyncadd.s32 $0xFFFFB000  }
0xe3: {  	v63 =	vld [tilespmem:s0+$0xA50];
	_ =	sdelay $0x4  }
0xe4: {  	[tilespmem:$0x14F0] =	vst v63  }
0xe5: {  	v0 =	vld [tilespmem:s0+$0xA60];
	_ =	sdelay $0x4  }
0xe6: {  	[tilespmem:$0x1500] =	vst v0  }
0xe7: {  	v0 =	vld [tilespmem:s0+$0xA70];
	_ =	sdelay $0x4  }
0xe8: {  	[tilespmem:$0x1510] =	vst v0  }
0xe9: {  	v0 =	vld [tilespmem:s0+$0xA80];
	_ =	sdelay $0x4  }
0xea: {  	[tilespmem:$0x1520] =	vst v0  }
0xeb: {  	v0 =	vld [tilespmem:s0+$0xA90];
	_ =	sdelay $0x4  }
0xec: {  	s30 =	sadd.s32 $0x1, s30;
	[tilespmem:$0x1530] =	vst v0;
	(ifvalue) =	ssetifvalue $0xFFFFFFFF  }
0xed: {  	[spmem:s1] =	stream.indirect.scatter.add.f32 [tilespmem:s22], [sflag:$0x4], $0x100, s26, s18, $0x40b8;
	[tilespmem:$0x1EE40] =	vst v63  }
0xee: {  	p1 =	sne.s32 s30, $0x8;
	_ =	swait.ge [sflag:s28], $0x5000  }
.Ltmp1:
0xef: {  	[sflag:s28] =	ssyncset.done $0x0;
	(pc) =	sbr.rel @p1 .LBB2_2-.Ltmp1, $4  }
0xf0: {  	[sflag:s28] =	ssyncadd.s32 $0xFFFFB000  }
0xf1: {  	_ =	swait.ge [sflag:s29], $0x5000  }
0xf2: {  	[sflag:s29] =	ssyncset.done $0x0  }
0xf3: {  	[sflag:s29] =	ssyncadd.s32 $0xFFFFB000  }
0xf4: {  	[bflag:$0x0] =	sbarrier.arrive $0xFFFF  }
0xf5: {  	s0 =	rddreg [dreg:$0x5]  }
0xf6: {  	[hbm:s0], [sflag:s8] =	dma.local [spmem:s14], $0x2700  }
0xf7: {  	s2 =	sadd.s32 $0x1, s2;
	_ =	swait.ge [sflag:s15], $0x2700  }
0xf8: {  	p1 =	sne.s32 s2, s13;
	[sflag:s15] =	ssyncset.done $0x0  }
.Ltmp2:
0xf9: {  	s0 =	simm.s32 @!p0 $0x5;
	[sflag:s15] =	ssyncadd.s32 $0xFFFFD900;
	(pc) =	sbr.rel @p1 .LBB2_1-.Ltmp2, $4  }
0xfa: {  	[hbm:s12], [sflag:s8] =	dma.local @!p0 [spmem:s16], $0x100  }
0xfb: {  	_ =	swait.ge @!p0 [sflag:s0], $0x100  }
0xfc: {  	[sflag:s0] =	ssyncset.done @!p0 $0x0  }
0xfd: {  	[sflag:s0] =	ssyncadd.s32 @!p0 $0xFFFFFF00  }
0xfe: {  	_ =	sfence.sel $0x180000  }
0xff: {  	[bflag:$0x0] =	sbarrier.arrive $0xFFFF  }
0x100: {  	_ =	strace $0x90000053  }
0x101: {  	s0 =	stileid.u32;
	[bflag:$0x2] =	sbarrier.arrive $0xFFFF  }
0x102: {  	p0 =	sne.s32 s0, $0x0;
	s0 =	rddreg [dreg:$0x2]  }
0x103: {  	s0 =	sadd.s32 @!p0 $0x100000, s0  }
0x104: {  	[sflag:s0] =	ssyncadd.tile.s32 @!p0 $0x1;
	_ =	shalt  }
.Lfunc_end2:
_tile_overlayer_lowered:
.L_overlay_start_2:
0x105: {  	(tag) =	ssettag $0x2  }
0x106: {  	s0 =	rddreg [dreg:$0x0];
	s2 =	stileid.u32  }
0x107: {  	s1 =	rddreg [dreg:$0x1];
	p0 =	sne.s32 s2, $0x0  }
0x108: {  	s3 =	rddreg [dreg:$0x2];
	[bflag:$0x3] =	sbarrier.arrive $0xFFFF;
	s2 =	simm.s32 @!p0 $0x1C05  }
0x109: {  	[timem:s3], [sflag:s2] =	dma.local @!p0 [hbm:s0], s1  }
0x10a: {  	s0 =	simm.s32 @!p0 $0x5  }
0x10b: {  	_ =	swait.ge @!p0 [sflag:s0], s1  }
0x10c: {  	s1 =	ssub.s32 @!p0 $0x0, s1;
	[sflag:s0] =	ssyncset.done @!p0 $0x0  }
0x10d: {  	[sflag:s0] =	ssyncadd.s32 @!p0 s1  }
0x10e: {  	[bflag:$0x3] =	sbarrier.arrive $0xFFFF  }
0x10f: {  	_ =	shalt  }

</sc_bundles>
